<compile_context>
chip_gen: v7x
topology: tpu7x:2x2x1
jax: 0.10.2.dev20260603
libtpu: 0.0.44.dev20260713+nightly
codegen_flags: <defaults>
</compile_context>

<pallas_src>
import functools

import jax
import jax.numpy as jnp
from jax import lax
from jax.experimental import pallas as pl
from jax.experimental.pallas import tpu as pltpu
from jax.experimental.pallas import tpu_sc as plsc

N = 100000
E = 6400000
IN_DIM = 6
HID = 32
EMB = 32

NPAD = 96
NT = N + NPAD
NCORE = 2
NSUB = 16
NWORK = NCORE * NSUB
CH = 1024
J = CH // 128
EPW = 196 * CH
ITERS = 196
ITERS_LAST = 174
RPT = NT // NSUB

_mesh = plsc.VectorSubcoreMesh(core_axis_name="c", subcore_axis_name="s")
_sc_params = pltpu.CompilerParams(use_tc_tiling_on_sc=False,
                                  needs_layout_passes=False)


@functools.partial(
    pl.kernel,
    out_type=jax.ShapeDtypeStruct((NCORE, NT, 8), jnp.float32),
    mesh=_mesh,
    compiler_params=_sc_params,
    scratch_types=[
        pltpu.VMEM_SHARED((NT, 8), jnp.float32),
        pltpu.VMEM((2, CH), jnp.int32),
        pltpu.VMEM((2, J, 128), jnp.int32),
        pltpu.VMEM((2, CH, 8), jnp.float32),
        pltpu.SemaphoreType.DMA,
        pltpu.SemaphoreType.DMA,
        pltpu.SemaphoreType.DMA,
    ],
)
def _pass_a(src_hbm, dst2_hbm, xpad_hbm, zeros8_hbm, out_hbm,
            acc, srcb, dstb, rows, sem_i, sem_g, sem_s):
    cid = lax.axis_index("c")
    sid = lax.axis_index("s")
    r0 = sid * RPT

    @pl.when(cid == 0)
    def _():
        pltpu.sync_copy(xpad_hbm.at[pl.ds(r0, RPT)], acc.at[pl.ds(r0, RPT)])

    @pl.when(cid != 0)
    def _():
        pltpu.sync_copy(zeros8_hbm.at[pl.ds(r0, RPT)], acc.at[pl.ds(r0, RPT)])

    plsc.subcore_barrier()

    w = cid * NSUB + sid
    base = w * EPW
    nch = jnp.where(w == NWORK - 1, ITERS_LAST, ITERS)

    def fire_idx(i, b):
        off = base + i * CH
        pltpu.async_copy(src_hbm.at[pl.ds(off, CH)], srcb.at[b], sem_i)
        row0 = pl.multiple_of(off // 128, 8)
        pltpu.async_copy(dst2_hbm.at[pl.ds(row0, J)], dstb.at[b], sem_i)

    def wait_idx(b):
        pltpu.make_async_copy(src_hbm.at[pl.ds(0, CH)], srcb.at[b],
                              sem_i).wait()
        pltpu.make_async_copy(dst2_hbm.at[pl.ds(0, J)], dstb.at[b],
                              sem_i).wait()

    def fire_gather(b):
        pltpu.async_copy(xpad_hbm.at[srcb.at[b]], rows.at[b], sem_g)

    def wait_gather(b):
        pltpu.make_async_copy(xpad_hbm.at[srcb.at[b]], rows.at[b],
                              sem_g).wait()

    fire_idx(0, 0)
    wait_idx(0)
    fire_gather(0)
    fire_idx(1, 1)

    @pl.loop(0, nch // 2)
    def _(k):
        for b in range(2):
            i = 2 * k + b
            wait_gather(b)
            nb = 1 - b

            @pl.when(i + 1 < nch)
            def _():
                wait_idx(nb)
                fire_gather(nb)

            for j in range(J):
                pltpu.async_copy(rows.at[b, pl.ds(j * 128, 128)],
                                 acc.at[dstb.at[b, j]], sem_s, add=True)
            for j in range(J):
                pltpu.make_async_copy(rows.at[b, pl.ds(j * 128, 128)],
                                      acc.at[dstb.at[b, j]], sem_s).wait()

            @pl.when(i + 2 < nch)
            def _():
                fire_idx(i + 2, b)

    plsc.subcore_barrier()
    pltpu.sync_copy(acc.at[pl.ds(r0, RPT)], out_hbm.at[cid, pl.ds(r0, RPT)])


@functools.partial(
    pl.kernel,
    out_type=jax.ShapeDtypeStruct((NCORE, NT), jnp.float32),
    mesh=_mesh,
    compiler_params=_sc_params,
    scratch_types=[
        pltpu.VMEM_SHARED((NT,), jnp.float32),
        pltpu.VMEM_SHARED((NT,), jnp.float32),
        pltpu.VMEM((RPT, 8), jnp.float32),
        pltpu.VMEM((RPT,), jnp.float32),
        pltpu.VMEM((2, CH), jnp.int32),
        pltpu.VMEM((2, J, 128), jnp.int32),
        pltpu.VMEM((2, CH), jnp.float32),
        pltpu.SemaphoreType.DMA,
        pltpu.SemaphoreType.DMA,
        pltpu.SemaphoreType.DMA,
    ],
)
def _pass_b(dst_hbm, src2_hbm, spart_hbm, zeros1_hbm, out_hbm,
            cacc, invt, spst, invb, dstb, srcb, vals, sem_i, sem_g, sem_s):
    cid = lax.axis_index("c")
    sid = lax.axis_index("s")
    r0 = sid * RPT
    pltpu.sync_copy(zeros1_hbm.at[pl.ds(r0, RPT)], cacc.at[pl.ds(r0, RPT)])

    six = jnp.full((16,), 6, jnp.int32)
    lane = lax.iota(jnp.int32, 16)
    pltpu.sync_copy(spart_hbm.at[0, pl.ds(r0, RPT)], spst)

    @pl.loop(0, RPT // 16)
    def _(k):
        o = k * 16
        invb[pl.ds(o, 16)] = plsc.load_gather(spst, [o + lane, six])

    pltpu.sync_copy(spart_hbm.at[1, pl.ds(r0, RPT)], spst)

    @pl.loop(0, RPT // 16)
    def _(k):
        o = k * 16
        g1 = plsc.load_gather(spst, [o + lane, six])
        invb[pl.ds(o, 16)] = 1.0 / (invb[pl.ds(o, 16)] + g1)

    pltpu.sync_copy(invb, invt.at[pl.ds(r0, RPT)])
    plsc.subcore_barrier()

    w = cid * NSUB + sid
    base = w * EPW
    nch = jnp.where(w == NWORK - 1, ITERS_LAST, ITERS)

    def fire_idx(i, b):
        off = base + i * CH
        pltpu.async_copy(dst_hbm.at[pl.ds(off, CH)], dstb.at[b], sem_i)
        row0 = pl.multiple_of(off // 128, 8)
        pltpu.async_copy(src2_hbm.at[pl.ds(row0, J)], srcb.at[b], sem_i)

    def wait_idx(b):
        pltpu.make_async_copy(dst_hbm.at[pl.ds(0, CH)], dstb.at[b],
                              sem_i).wait()
        pltpu.make_async_copy(src2_hbm.at[pl.ds(0, J)], srcb.at[b],
                              sem_i).wait()

    def fire_gather(b):
        pltpu.async_copy(invt.at[dstb.at[b]], vals.at[b], sem_g)

    def wait_gather(b):
        pltpu.make_async_copy(invt.at[dstb.at[b]], vals.at[b],
                              sem_g).wait()

    fire_idx(0, 0)
    wait_idx(0)
    fire_gather(0)
    fire_idx(1, 1)

    @pl.loop(0, nch // 2)
    def _(k):
        for b in range(2):
            i = 2 * k + b
            wait_gather(b)
            nb = 1 - b

            @pl.when(i + 1 < nch)
            def _():
                wait_idx(nb)
                fire_gather(nb)

            for j in range(J):
                pltpu.async_copy(vals.at[b, pl.ds(j * 128, 128)],
                                 cacc.at[srcb.at[b, j]], sem_s, add=True)
            for j in range(J):
                pltpu.make_async_copy(vals.at[b, pl.ds(j * 128, 128)],
                                      cacc.at[srcb.at[b, j]], sem_s).wait()

            @pl.when(i + 2 < nch)
            def _():
                fire_idx(i + 2, b)

    plsc.subcore_barrier()
    pltpu.sync_copy(cacc.at[pl.ds(r0, RPT)], out_hbm.at[cid, pl.ds(r0, RPT)])


BLK = 800


def _final_body(spart_ref, cpart_ref, w1_ref, b1_ref, w2_ref,
                b2_ref, out_ref, acc):
    i = pl.program_id(0)
    s = spart_ref[0] + spart_ref[1]
    inv = 1.0 / s[:, 6:7]
    c = cpart_ref[0, :, 0] + cpart_ref[1, :, 0]
    g = (c + inv[:, 0]) * (1.0 / N)
    rst = s * inv
    z = jnp.dot(rst, w1_ref[...], preferred_element_type=jnp.float32)
    h1 = jnp.maximum(z + b1_ref[...], 0.0)
    part = jnp.sum(h1 * g[:, None], axis=0, keepdims=True)

    @pl.when(i == 0)
    def _():
        acc[...] = jnp.zeros_like(acc)

    acc[...] += part

    @pl.when(i == pl.num_programs(0) - 1)
    def _():
        out_ref[...] = (
            jnp.dot(acc[...], w2_ref[...], preferred_element_type=jnp.float32)
            + b2_ref[...]
        )


def kernel(x, edge_index, W1, b1, W2, b2):
    src = edge_index[0].astype(jnp.int32)
    dst = edge_index[1].astype(jnp.int32)
    src2d = src.reshape(-1, 128)
    dst2d = dst.reshape(-1, 128)

    xpad = jnp.concatenate(
        [x.astype(jnp.float32),
         jnp.ones((N, 1), jnp.float32),
         jnp.zeros((N, 1), jnp.float32)], axis=1)
    xpad = jnp.pad(xpad, ((0, NPAD), (0, 0)))
    zeros8 = jnp.zeros((NT, 8), jnp.float32)
    zeros1 = jnp.zeros((NT,), jnp.float32)

    spart = _pass_a(src, dst2d, xpad, zeros8)
    cpart = _pass_b(dst, src2d, spart, zeros1)

    w1p = jnp.pad(W1.astype(jnp.float32), ((0, 2), (0, 0)))

    out = pl.pallas_call(
        _final_body,
        grid=(N // BLK,),
        in_specs=[
            pl.BlockSpec((NCORE, BLK, 8), lambda i: (0, i, 0)),
            pl.BlockSpec((NCORE, BLK, 1), lambda i: (0, i, 0)),
            pl.BlockSpec((8, HID), lambda i: (0, 0)),
            pl.BlockSpec((1, HID), lambda i: (0, 0)),
            pl.BlockSpec((HID, EMB), lambda i: (0, 0)),
            pl.BlockSpec((1, EMB), lambda i: (0, 0)),
        ],
        out_specs=pl.BlockSpec((1, EMB), lambda i: (0, 0)),
        out_shape=jax.ShapeDtypeStruct((1, EMB), jnp.float32),
        scratch_shapes=[pltpu.VMEM((1, EMB), jnp.float32)],
    )(spart, cpart[:, :, None], w1p, b1.reshape(1, HID),
      W2.astype(jnp.float32), b2.reshape(1, EMB))

    return out

# --- scband reference (transcript-rebuilt; emitter-appended) ---
"""Pipeline reference for scband-gnn-979252543708 (READ-ONLY COPY).

The authoritative reference and input builder live on the scoring server;
editing this copy changes nothing except your own understanding.
"""

import jax, jax.numpy as jnp
import numpy as np

N_NODES = 100000
N_EDGES = 6400000
IN_DIM = 6
HID_DIM = 32
EMB_DIM = 32


def setup_inputs(seed: int = 0) -> dict:
    key = jax.random.key(seed)
    k1, k2, k3, k4, k5, k6 = jax.random.split(key, 6)
    x = jax.random.normal(k1, (N_NODES, IN_DIM), dtype=jnp.float32)
    edge_index = jax.random.randint(k2, (2, N_EDGES), 0, N_NODES, dtype=jnp.int64)
    W1 = jax.random.normal(k3, (IN_DIM, HID_DIM), dtype=jnp.float32) * (1.0 / np.sqrt(IN_DIM))
    b1 = jnp.zeros((HID_DIM,), dtype=jnp.float32)
    W2 = jax.random.normal(k4, (HID_DIM, EMB_DIM), dtype=jnp.float32) * (1.0 / np.sqrt(HID_DIM))
    b2 = jnp.zeros((EMB_DIM,), dtype=jnp.float32)
    return {"x": x, "edge_index": edge_index, "W1": W1, "b1": b1, "W2": W2, "b2": b2}


def _sage_gcn(h, edge_index, W, b):
    # DGL SAGEConv with aggregator_type='gcn':
    # neigh = sum of source features scattered to dst; rst = (neigh + h_self) / (in_deg + 1); then fc_neigh
    src = edge_index[0]
    dst = edge_index[1]
    msg = jnp.take(h, src, axis=0)
    agg = jax.ops.segment_sum(msg, dst, num_segments=h.shape[0])
    deg = jax.ops.segment_sum(jnp.ones((edge_index.shape[1],), dtype=h.dtype), dst, num_segments=h.shape[0])
    rst = (agg + h) / (deg[:, None] + 1.0)
    return rst @ W + b


def reference(x, edge_index, W1, b1, W2, b2):
    h = _sage_gcn(x, edge_index, W1, b1)
    h = jax.nn.relu(h)
    h = _sage_gcn(h, edge_index, W2, b2)
    # dgl.mean_nodes over a single graph: mean over all nodes -> [1, emb_dim]
    return jnp.mean(h, axis=0, keepdims=True)

if __name__ == "__main__":
    import jax
    _d = setup_inputs()
    print(jax.jit(kernel)(*tuple(_d.values())))

</pallas_src>

<mosaic_0001>
#map = affine_map<(d0, d1) -> (0)>
#map1 = affine_map<(d0, d1) -> (0, 0)>
#map2 = affine_map<(d0, d1) -> (0, 0, 0)>
module attributes {stable_mosaic.version = 14 : i64} {
  func.func @_pass_a(%arg0: i32, %arg1: i32, %arg2: memref<6400000xi32, #tpu.memory_space<hbm>>, %arg3: memref<50000x128xi32, #tpu.memory_space<hbm>>, %arg4: memref<100096x8xf32, #tpu.memory_space<hbm>>, %arg5: memref<100096x8xf32, #tpu.memory_space<hbm>>, %arg6: memref<2x100096x8xf32, #tpu.memory_space<hbm>>, %arg7: memref<100096x8xf32, #tpu.memory_space<vmem_shared>>, %arg8: memref<2x1024xi32, #tpu.memory_space<vmem>>, %arg9: memref<2x8x128xi32, #tpu.memory_space<vmem>>, %arg10: memref<2x1024x8xf32, #tpu.memory_space<vmem>>, %arg11: memref<!tpu.dma_semaphore, #tpu.memory_space<semaphore_mem>>, %arg12: memref<!tpu.dma_semaphore, #tpu.memory_space<semaphore_mem>>, %arg13: memref<!tpu.dma_semaphore, #tpu.memory_space<semaphore_mem>>) attributes {dimension_semantics = [#tpu.dimension_semantics<core_parallel>, #tpu.dimension_semantics<subcore_parallel>], iteration_bounds = array<i64: 2, 16>, scalar_prefetch = 0 : i64, scratch_operands = 7 : i64, tpu.core_type = #tpu.core_type<sc_vector_subcore>, window_params = [{transform_indices = #map}, {transform_indices = #map1}, {transform_indices = #map1}, {transform_indices = #map1}, {transform_indices = #map2}]} {
    %mul3A = arith.constant 6256 : i32
    %mul3A_0 = arith.muli %arg1, %mul3A : i32
    %eq3A = arith.constant 0 : i32
    %eq3A_1 = arith.cmpi eq, %arg0, %eq3A : i32
    %convert_element_type3A = arith.extui %eq3A_1 : i1 to i32
    %cond3A = arith.constant 0 : i32
    %cond3A_2 = arith.cmpi ne, %convert_element_type3A, %cond3A : i32
    scf.if %cond3A_2 {
      "tpu.region"() ({
        %run_scoped3A = tpu.sem_alloc : memref<!tpu.dma_semaphore, #tpu.memory_space<semaphore_mem>>
        %dma_start3A_185 = arith.constant 0 : i32
        %dma_start3A_186 = tpu.memref_slice %arg7[%mul3A_0, %dma_start3A_185] : memref<100096x8xf32, #tpu.memory_space<vmem_shared>> -> memref<6256x8xf32, #tpu.memory_space<vmem_shared>>
        %dma_start3A_187 = arith.constant 0 : i32
        %dma_start3A_188 = tpu.memref_slice %arg4[%mul3A_0, %dma_start3A_187] : memref<100096x8xf32, #tpu.memory_space<hbm>> -> memref<6256x8xf32, #tpu.memory_space<hbm>>
        tpu.enqueue_dma source(%dma_start3A_188 : memref<6256x8xf32, #tpu.memory_space<hbm>>) target(%dma_start3A_186 : memref<6256x8xf32, #tpu.memory_space<vmem_shared>>) target_semaphore(%run_scoped3A : memref<!tpu.dma_semaphore, #tpu.memory_space<semaphore_mem>>)
        %dma_wait3A_189 = arith.constant 0 : i32
        %dma_wait3A_190 = tpu.memref_slice %arg7[%mul3A_0, %dma_wait3A_189] : memref<100096x8xf32, #tpu.memory_space<vmem_shared>> -> memref<6256x8xf32, #tpu.memory_space<vmem_shared>>
        %dma_wait3A_191 = arith.constant 0 : i32
        %dma_wait3A_192 = tpu.memref_slice %arg4[%mul3A_0, %dma_wait3A_191] : memref<100096x8xf32, #tpu.memory_space<hbm>> -> memref<6256x8xf32, #tpu.memory_space<hbm>>
        tpu.wait_dma2 semaphore(%run_scoped3A : memref<!tpu.dma_semaphore, #tpu.memory_space<semaphore_mem>>) src(%dma_wait3A_192 : memref<6256x8xf32, #tpu.memory_space<hbm>>) dst(%dma_wait3A_190 : memref<6256x8xf32, #tpu.memory_space<vmem_shared>>)
        tpu.yield
      }) : () -> ()
    } else {
    }
    %ne3A = arith.constant 0 : i32
    %ne3A_3 = arith.cmpi ne, %arg0, %ne3A : i32
    %convert_element_type3A_4 = arith.extui %ne3A_3 : i1 to i32
    %cond3A_5 = arith.constant 0 : i32
    %cond3A_6 = arith.cmpi ne, %convert_element_type3A_4, %cond3A_5 : i32
    scf.if %cond3A_6 {
      "tpu.region"() ({
        %run_scoped3A = tpu.sem_alloc : memref<!tpu.dma_semaphore, #tpu.memory_space<semaphore_mem>>
        %dma_start3A_185 = arith.constant 0 : i32
        %dma_start3A_186 = tpu.memref_slice %arg7[%mul3A_0, %dma_start3A_185] : memref<100096x8xf32, #tpu.memory_space<vmem_shared>> -> memref<6256x8xf32, #tpu.memory_space<vmem_shared>>
        %dma_start3A_187 = arith.constant 0 : i32
        %dma_start3A_188 = tpu.memref_slice %arg5[%mul3A_0, %dma_start3A_187] : memref<100096x8xf32, #tpu.memory_space<hbm>> -> memref<6256x8xf32, #tpu.memory_space<hbm>>
        tpu.enqueue_dma source(%dma_start3A_188 : memref<6256x8xf32, #tpu.memory_space<hbm>>) target(%dma_start3A_186 : memref<6256x8xf32, #tpu.memory_space<vmem_shared>>) target_semaphore(%run_scoped3A : memref<!tpu.dma_semaphore, #tpu.memory_space<semaphore_mem>>)
        %dma_wait3A_189 = arith.constant 0 : i32
        %dma_wait3A_190 = tpu.memref_slice %arg7[%mul3A_0, %dma_wait3A_189] : memref<100096x8xf32, #tpu.memory_space<vmem_shared>> -> memref<6256x8xf32, #tpu.memory_space<vmem_shared>>
        %dma_wait3A_191 = arith.constant 0 : i32
        %dma_wait3A_192 = tpu.memref_slice %arg5[%mul3A_0, %dma_wait3A_191] : memref<100096x8xf32, #tpu.memory_space<hbm>> -> memref<6256x8xf32, #tpu.memory_space<hbm>>
        tpu.wait_dma2 semaphore(%run_scoped3A : memref<!tpu.dma_semaphore, #tpu.memory_space<semaphore_mem>>) src(%dma_wait3A_192 : memref<6256x8xf32, #tpu.memory_space<hbm>>) dst(%dma_wait3A_190 : memref<6256x8xf32, #tpu.memory_space<vmem_shared>>)
        tpu.yield
      }) : () -> ()
    } else {
    }
    %barrier3A = arith.constant 0 : index
    tpu.barrier barrier_id(%barrier3A)
    %mul3A_7 = arith.constant 16 : i32
    %mul3A_8 = arith.muli %arg0, %mul3A_7 : i32
    %add3A = arith.addi %mul3A_8, %arg1 : i32
    %mul3A_9 = arith.constant 200704 : i32
    %mul3A_10 = arith.muli %add3A, %mul3A_9 : i32
    %eq3A_11 = arith.constant 31 : i32
    %eq3A_12 = arith.cmpi eq, %add3A, %eq3A_11 : i32
    %jit3A = arith.constant 174 : i32
    %jit3A_13 = arith.constant 196 : i32
    %select_n3A = arith.select %eq3A_12, %jit3A, %jit3A_13 : i32
    %add3A_14 = arith.constant 0 : i32
    %add3A_15 = arith.addi %mul3A_10, %add3A_14 : i32
    %dma_start3A = arith.constant 0 : i32
    %dma_start3A_16 = arith.constant 0 : i32
    %dma_start3A_17 = tpu.memref_slice %arg8[%dma_start3A, %dma_start3A_16] : memref<2x1024xi32, #tpu.memory_space<vmem>> -> memref<1x1024xi32, #tpu.memory_space<vmem>>
    %dma_start3A_18 = tpu.memref_squeeze %dma_start3A_17 : memref<1x1024xi32, #tpu.memory_space<vmem>> -> memref<1024xi32, #tpu.memory_space<vmem>>
    %dma_start3A_19 = tpu.memref_slice %arg2[%add3A_15] : memref<6400000xi32, #tpu.memory_space<hbm>> -> memref<1024xi32, #tpu.memory_space<hbm>>
    %dma_start3A_20 = arith.constant 0 : i32
    %dma_start3A_21 = tpu.memref_slice %arg8[%dma_start3A, %dma_start3A_20] : memref<2x1024xi32, #tpu.memory_space<vmem>> -> memref<1x1024xi32, #tpu.memory_space<vmem>>
    %dma_start3A_22 = tpu.memref_squeeze %dma_start3A_21 : memref<1x1024xi32, #tpu.memory_space<vmem>> -> memref<1024xi32, #tpu.memory_space<vmem>>
    %dma_start3A_23 = tpu.memref_slice %arg2[%add3A_15] : memref<6400000xi32, #tpu.memory_space<hbm>> -> memref<1024xi32, #tpu.memory_space<hbm>>
    tpu.enqueue_dma source(%dma_start3A_23 : memref<1024xi32, #tpu.memory_space<hbm>>) target(%dma_start3A_22 : memref<1024xi32, #tpu.memory_space<vmem>>) target_semaphore(%arg11 : memref<!tpu.dma_semaphore, #tpu.memory_space<semaphore_mem>>)
    %jit3A_24 = arith.constant 128 : i32
    %div3A = arith.divsi %add3A_15, %jit3A_24 : i32
    %sign3A = arith.constant 0 : i32
    %sign3A_25 = arith.cmpi sgt, %add3A_15, %sign3A : i32
    %sign3A_26 = arith.extui %sign3A_25 : i1 to i32
    %sign3A_27 = arith.constant 0 : i32
    %sign3A_28 = arith.cmpi slt, %add3A_15, %sign3A_27 : i32
    %sign3A_29 = arith.extui %sign3A_28 : i1 to i32
    %sign3A_30 = arith.subi %sign3A_26, %sign3A_29 : i32
    %sign3A_31 = arith.constant 0 : i32
    %sign3A_32 = arith.cmpi sgt, %jit3A_24, %sign3A_31 : i32
    %sign3A_33 = arith.extui %sign3A_32 : i1 to i32
    %sign3A_34 = arith.constant 0 : i32
    %sign3A_35 = arith.cmpi slt, %jit3A_24, %sign3A_34 : i32
    %sign3A_36 = arith.extui %sign3A_35 : i1 to i32
    %sign3A_37 = arith.subi %sign3A_33, %sign3A_36 : i32
    %ne3A_38 = arith.cmpi ne, %sign3A_30, %sign3A_37 : i32
    %rem3A = arith.remsi %add3A_15, %jit3A_24 : i32
    %ne3A_39 = arith.constant 0 : i32
    %ne3A_40 = arith.cmpi ne, %rem3A, %ne3A_39 : i32
    %and3A = arith.andi %ne3A_38, %ne3A_40 : i1
    %sub3A = arith.constant 1 : i32
    %sub3A_41 = arith.subi %div3A, %sub3A : i32
    %select_n3A_42 = arith.select %and3A, %sub3A_41, %div3A : i32
    %multiple_of3A = tpu.assume_multiple %select_n3A_42, 8 : i32
    %dma_start3A_43 = arith.constant 0 : i32
    %dma_start3A_44 = arith.constant 0 : i32
    %dma_start3A_45 = arith.constant 0 : i32
    %dma_start3A_46 = tpu.memref_slice %arg9[%dma_start3A_43, %dma_start3A_44, %dma_start3A_45] : memref<2x8x128xi32, #tpu.memory_space<vmem>> -> memref<1x8x128xi32, #tpu.memory_space<vmem>>
    %dma_start3A_47 = tpu.memref_squeeze %dma_start3A_46 : memref<1x8x128xi32, #tpu.memory_space<vmem>> -> memref<8x128xi32, #tpu.memory_space<vmem>>
    %dma_start3A_48 = arith.constant 0 : i32
    %dma_start3A_49 = tpu.memref_slice %arg3[%multiple_of3A, %dma_start3A_48] : memref<50000x128xi32, #tpu.memory_space<hbm>> -> memref<8x128xi32, #tpu.memory_space<hbm>>
    %dma_start3A_50 = arith.constant 0 : i32
    %dma_start3A_51 = arith.constant 0 : i32
    %dma_start3A_52 = tpu.memref_slice %arg9[%dma_start3A_43, %dma_start3A_50, %dma_start3A_51] : memref<2x8x128xi32, #tpu.memory_space<vmem>> -> memref<1x8x128xi32, #tpu.memory_space<vmem>>
    %dma_start3A_53 = tpu.memref_squeeze %dma_start3A_52 : memref<1x8x128xi32, #tpu.memory_space<vmem>> -> memref<8x128xi32, #tpu.memory_space<vmem>>
    %dma_start3A_54 = arith.constant 0 : i32
    %dma_start3A_55 = tpu.memref_slice %arg3[%multiple_of3A, %dma_start3A_54] : memref<50000x128xi32, #tpu.memory_space<hbm>> -> memref<8x128xi32, #tpu.memory_space<hbm>>
    tpu.enqueue_dma source(%dma_start3A_55 : memref<8x128xi32, #tpu.memory_space<hbm>>) target(%dma_start3A_53 : memref<8x128xi32, #tpu.memory_space<vmem>>) target_semaphore(%arg11 : memref<!tpu.dma_semaphore, #tpu.memory_space<semaphore_mem>>)
    %dma_wait3A = arith.constant 0 : i32
    %dma_wait3A_56 = arith.constant 0 : i32
    %dma_wait3A_57 = tpu.memref_slice %arg8[%dma_wait3A, %dma_wait3A_56] : memref<2x1024xi32, #tpu.memory_space<vmem>> -> memref<1x1024xi32, #tpu.memory_space<vmem>>
    %dma_wait3A_58 = tpu.memref_squeeze %dma_wait3A_57 : memref<1x1024xi32, #tpu.memory_space<vmem>> -> memref<1024xi32, #tpu.memory_space<vmem>>
    %dma_wait3A_59 = arith.constant 0 : i32
    %dma_wait3A_60 = tpu.memref_slice %arg2[%dma_wait3A_59] : memref<6400000xi32, #tpu.memory_space<hbm>> -> memref<1024xi32, #tpu.memory_space<hbm>>
    %dma_wait3A_61 = arith.constant 0 : i32
    %dma_wait3A_62 = tpu.memref_slice %arg8[%dma_wait3A, %dma_wait3A_61] : memref<2x1024xi32, #tpu.memory_space<vmem>> -> memref<1x1024xi32, #tpu.memory_space<vmem>>
    %dma_wait3A_63 = tpu.memref_squeeze %dma_wait3A_62 : memref<1x1024xi32, #tpu.memory_space<vmem>> -> memref<1024xi32, #tpu.memory_space<vmem>>
    %dma_wait3A_64 = arith.constant 0 : i32
    %dma_wait3A_65 = tpu.memref_slice %arg2[%dma_wait3A_64] : memref<6400000xi32, #tpu.memory_space<hbm>> -> memref<1024xi32, #tpu.memory_space<hbm>>
    tpu.wait_dma2 semaphore(%arg11 : memref<!tpu.dma_semaphore, #tpu.memory_space<semaphore_mem>>) src(%dma_wait3A_65 : memref<1024xi32, #tpu.memory_space<hbm>>) dst(%dma_wait3A_63 : memref<1024xi32, #tpu.memory_space<vmem>>)
    %dma_wait3A_66 = arith.constant 0 : i32
    %dma_wait3A_67 = arith.constant 0 : i32
    %dma_wait3A_68 = arith.constant 0 : i32
    %dma_wait3A_69 = tpu.memref_slice %arg9[%dma_wait3A_66, %dma_wait3A_67, %dma_wait3A_68] : memref<2x8x128xi32, #tpu.memory_space<vmem>> -> memref<1x8x128xi32, #tpu.memory_space<vmem>>
    %dma_wait3A_70 = tpu.memref_squeeze %dma_wait3A_69 : memref<1x8x128xi32, #tpu.memory_space<vmem>> -> memref<8x128xi32, #tpu.memory_space<vmem>>
    %dma_wait3A_71 = arith.constant 0 : i32
    %dma_wait3A_72 = arith.constant 0 : i32
    %dma_wait3A_73 = tpu.memref_slice %arg3[%dma_wait3A_71, %dma_wait3A_72] : memref<50000x128xi32, #tpu.memory_space<hbm>> -> memref<8x128xi32, #tpu.memory_space<hbm>>
    %dma_wait3A_74 = arith.constant 0 : i32
    %dma_wait3A_75 = arith.constant 0 : i32
    %dma_wait3A_76 = tpu.memref_slice %arg9[%dma_wait3A_66, %dma_wait3A_74, %dma_wait3A_75] : memref<2x8x128xi32, #tpu.memory_space<vmem>> -> memref<1x8x128xi32, #tpu.memory_space<vmem>>
    %dma_wait3A_77 = tpu.memref_squeeze %dma_wait3A_76 : memref<1x8x128xi32, #tpu.memory_space<vmem>> -> memref<8x128xi32, #tpu.memory_space<vmem>>
    %dma_wait3A_78 = arith.constant 0 : i32
    %dma_wait3A_79 = arith.constant 0 : i32
    %dma_wait3A_80 = tpu.memref_slice %arg3[%dma_wait3A_78, %dma_wait3A_79] : memref<50000x128xi32, #tpu.memory_space<hbm>> -> memref<8x128xi32, #tpu.memory_space<hbm>>
    tpu.wait_dma2 semaphore(%arg11 : memref<!tpu.dma_semaphore, #tpu.memory_space<semaphore_mem>>) src(%dma_wait3A_80 : memref<8x128xi32, #tpu.memory_space<hbm>>) dst(%dma_wait3A_77 : memref<8x128xi32, #tpu.memory_space<vmem>>)
    %dma_start3A_81 = arith.constant 0 : i32
    %dma_start3A_82 = arith.constant 0 : i32
    %dma_start3A_83 = arith.constant 0 : i32
    %dma_start3A_84 = arith.constant 0 : i32
    %dma_start3A_85 = tpu.memref_slice %arg10[%dma_start3A_82, %dma_start3A_83, %dma_start3A_84] : memref<2x1024x8xf32, #tpu.memory_space<vmem>> -> memref<1x1024x8xf32, #tpu.memory_space<vmem>>
    %dma_start3A_86 = tpu.memref_squeeze %dma_start3A_85 : memref<1x1024x8xf32, #tpu.memory_space<vmem>> -> memref<1024x8xf32, #tpu.memory_space<vmem>>
    %dma_start3A_87 = arith.constant 0 : i32
    %dma_start3A_88 = tpu.memref_slice %arg8[%dma_start3A_81, %dma_start3A_87] : memref<2x1024xi32, #tpu.memory_space<vmem>> -> memref<1x1024xi32, #tpu.memory_space<vmem>>
    %dma_start3A_89 = tpu.memref_squeeze %dma_start3A_88 : memref<1x1024xi32, #tpu.memory_space<vmem>> -> memref<1024xi32, #tpu.memory_space<vmem>>
    %dma_start3A_90 = arith.constant 0 : i32
    %dma_start3A_91 = arith.constant 0 : i32
    %dma_start3A_92 = tpu.memref_slice %arg4[%dma_start3A_90, %dma_start3A_91] : memref<100096x8xf32, #tpu.memory_space<hbm>> -> memref<100096x8xf32, #tpu.memory_space<hbm>>
    tpu.enqueue_indirect_dma source(%dma_start3A_92 : memref<100096x8xf32, #tpu.memory_space<hbm>>) target(%dma_start3A_86 : memref<1024x8xf32, #tpu.memory_space<vmem>>) offsets(%dma_start3A_89 : memref<1024xi32, #tpu.memory_space<vmem>>) semaphore(%arg12 : memref<!tpu.dma_semaphore, #tpu.memory_space<semaphore_mem>>)
    %add3A_93 = arith.constant 1024 : i32
    %add3A_94 = arith.addi %mul3A_10, %add3A_93 : i32
    %dma_start3A_95 = arith.constant 1 : i32
    %dma_start3A_96 = arith.constant 0 : i32
    %dma_start3A_97 = tpu.memref_slice %arg8[%dma_start3A_95, %dma_start3A_96] : memref<2x1024xi32, #tpu.memory_space<vmem>> -> memref<1x1024xi32, #tpu.memory_space<vmem>>
    %dma_start3A_98 = tpu.memref_squeeze %dma_start3A_97 : memref<1x1024xi32, #tpu.memory_space<vmem>> -> memref<1024xi32, #tpu.memory_space<vmem>>
    %dma_start3A_99 = tpu.memref_slice %arg2[%add3A_94] : memref<6400000xi32, #tpu.memory_space<hbm>> -> memref<1024xi32, #tpu.memory_space<hbm>>
    %dma_start3A_100 = arith.constant 0 : i32
    %dma_start3A_101 = tpu.memref_slice %arg8[%dma_start3A_95, %dma_start3A_100] : memref<2x1024xi32, #tpu.memory_space<vmem>> -> memref<1x1024xi32, #tpu.memory_space<vmem>>
    %dma_start3A_102 = tpu.memref_squeeze %dma_start3A_101 : memref<1x1024xi32, #tpu.memory_space<vmem>> -> memref<1024xi32, #tpu.memory_space<vmem>>
    %dma_start3A_103 = tpu.memref_slice %arg2[%add3A_94] : memref<6400000xi32, #tpu.memory_space<hbm>> -> memref<1024xi32, #tpu.memory_space<hbm>>
    tpu.enqueue_dma source(%dma_start3A_103 : memref<1024xi32, #tpu.memory_space<hbm>>) target(%dma_start3A_102 : memref<1024xi32, #tpu.memory_space<vmem>>) target_semaphore(%arg11 : memref<!tpu.dma_semaphore, #tpu.memory_space<semaphore_mem>>)
    %jit3A_104 = arith.constant 128 : i32
    %div3A_105 = arith.divsi %add3A_94, %jit3A_104 : i32
    %sign3A_106 = arith.constant 0 : i32
    %sign3A_107 = arith.cmpi sgt, %add3A_94, %sign3A_106 : i32
    %sign3A_108 = arith.extui %sign3A_107 : i1 to i32
    %sign3A_109 = arith.constant 0 : i32
    %sign3A_110 = arith.cmpi slt, %add3A_94, %sign3A_109 : i32
    %sign3A_111 = arith.extui %sign3A_110 : i1 to i32
    %sign3A_112 = arith.subi %sign3A_108, %sign3A_111 : i32
    %sign3A_113 = arith.constant 0 : i32
    %sign3A_114 = arith.cmpi sgt, %jit3A_104, %sign3A_113 : i32
    %sign3A_115 = arith.extui %sign3A_114 : i1 to i32
    %sign3A_116 = arith.constant 0 : i32
    %sign3A_117 = arith.cmpi slt, %jit3A_104, %sign3A_116 : i32
    %sign3A_118 = arith.extui %sign3A_117 : i1 to i32
    %sign3A_119 = arith.subi %sign3A_115, %sign3A_118 : i32
    %ne3A_120 = arith.cmpi ne, %sign3A_112, %sign3A_119 : i32
    %rem3A_121 = arith.remsi %add3A_94, %jit3A_104 : i32
    %ne3A_122 = arith.constant 0 : i32
    %ne3A_123 = arith.cmpi ne, %rem3A_121, %ne3A_122 : i32
    %and3A_124 = arith.andi %ne3A_120, %ne3A_123 : i1
    %sub3A_125 = arith.constant 1 : i32
    %sub3A_126 = arith.subi %div3A_105, %sub3A_125 : i32
    %select_n3A_127 = arith.select %and3A_124, %sub3A_126, %div3A_105 : i32
    %multiple_of3A_128 = tpu.assume_multiple %select_n3A_127, 8 : i32
    %dma_start3A_129 = arith.constant 1 : i32
    %dma_start3A_130 = arith.constant 0 : i32
    %dma_start3A_131 = arith.constant 0 : i32
    %dma_start3A_132 = tpu.memref_slice %arg9[%dma_start3A_129, %dma_start3A_130, %dma_start3A_131] : memref<2x8x128xi32, #tpu.memory_space<vmem>> -> memref<1x8x128xi32, #tpu.memory_space<vmem>>
    %dma_start3A_133 = tpu.memref_squeeze %dma_start3A_132 : memref<1x8x128xi32, #tpu.memory_space<vmem>> -> memref<8x128xi32, #tpu.memory_space<vmem>>
    %dma_start3A_134 = arith.constant 0 : i32
    %dma_start3A_135 = tpu.memref_slice %arg3[%multiple_of3A_128, %dma_start3A_134] : memref<50000x128xi32, #tpu.memory_space<hbm>> -> memref<8x128xi32, #tpu.memory_space<hbm>>
    %dma_start3A_136 = arith.constant 0 : i32
    %dma_start3A_137 = arith.constant 0 : i32
    %dma_start3A_138 = tpu.memref_slice %arg9[%dma_start3A_129, %dma_start3A_136, %dma_start3A_137] : memref<2x8x128xi32, #tpu.memory_space<vmem>> -> memref<1x8x128xi32, #tpu.memory_space<vmem>>
    %dma_start3A_139 = tpu.memref_squeeze %dma_start3A_138 : memref<1x8x128xi32, #tpu.memory_space<vmem>> -> memref<8x128xi32, #tpu.memory_space<vmem>>
    %dma_start3A_140 = arith.constant 0 : i32
    %dma_start3A_141 = tpu.memref_slice %arg3[%multiple_of3A_128, %dma_start3A_140] : memref<50000x128xi32, #tpu.memory_space<hbm>> -> memref<8x128xi32, #tpu.memory_space<hbm>>
    tpu.enqueue_dma source(%dma_start3A_141 : memref<8x128xi32, #tpu.memory_space<hbm>>) target(%dma_start3A_139 : memref<8x128xi32, #tpu.memory_space<vmem>>) target_semaphore(%arg11 : memref<!tpu.dma_semaphore, #tpu.memory_space<semaphore_mem>>)
    %jit3A_142 = arith.constant 2 : i32
    %div3A_143 = arith.divsi %select_n3A, %jit3A_142 : i32
    %sign3A_144 = arith.constant 0 : i32
    %sign3A_145 = arith.cmpi sgt, %select_n3A, %sign3A_144 : i32
    %sign3A_146 = arith.extui %sign3A_145 : i1 to i32
    %sign3A_147 = arith.constant 0 : i32
    %sign3A_148 = arith.cmpi slt, %select_n3A, %sign3A_147 : i32
    %sign3A_149 = arith.extui %sign3A_148 : i1 to i32
    %sign3A_150 = arith.subi %sign3A_146, %sign3A_149 : i32
    %sign3A_151 = arith.constant 0 : i32
    %sign3A_152 = arith.cmpi sgt, %jit3A_142, %sign3A_151 : i32
    %sign3A_153 = arith.extui %sign3A_152 : i1 to i32
    %sign3A_154 = arith.constant 0 : i32
    %sign3A_155 = arith.cmpi slt, %jit3A_142, %sign3A_154 : i32
    %sign3A_156 = arith.extui %sign3A_155 : i1 to i32
    %sign3A_157 = arith.subi %sign3A_153, %sign3A_156 : i32
    %ne3A_158 = arith.cmpi ne, %sign3A_150, %sign3A_157 : i32
    %rem3A_159 = arith.remsi %select_n3A, %jit3A_142 : i32
    %ne3A_160 = arith.constant 0 : i32
    %ne3A_161 = arith.cmpi ne, %rem3A_159, %ne3A_160 : i32
    %and3A_162 = arith.andi %ne3A_158, %ne3A_161 : i1
    %sub3A_163 = arith.constant 1 : i32
    %sub3A_164 = arith.subi %div3A_143, %sub3A_163 : i32
    %select_n3A_165 = arith.select %and3A_162, %sub3A_164, %div3A_143 : i32
    %sub3A_166 = arith.constant 0 : i32
    %sub3A_167 = arith.subi %select_n3A_165, %sub3A_166 : i32
    %sub3A_168 = arith.constant 1 : i32
    %sub3A_169 = arith.constant 1 : i32
    %sub3A_170 = arith.subi %sub3A_168, %sub3A_169 : i32
    %add3A_171 = arith.addi %sub3A_167, %sub3A_170 : i32
    %div3A_172 = arith.constant 1 : i32
    %div3A_173 = arith.divsi %add3A_171, %div3A_172 : i32
    %while3A = arith.constant 1 : i32
    %while3A_174 = arith.constant 0 : i32
    %while3A_175 = arith.constant 0 : i32
    %while3A_176 = arith.subi %div3A_173, %while3A_175 : i32
    %while3A_177 = arith.addi %while3A_175, %while3A_176 : i32
    %while3A_178 = arith.constant 1 : i32
    %while3A_179 = arith.divsi %while3A_176, %while3A_178 : i32
    %while3A_180 = arith.muli %while3A_179, %while3A_178 : i32
    %while3A_181 = arith.addi %while3A_175, %while3A_180 : i32
    %while3A_182 = arith.constant 1 : i32
    scf.for %while3A_185 = %while3A_175 to %while3A_181 step %while3A_182  : i32 {
      %mul3A_186 = arith.muli %while3A_185, %while3A : i32
      %add3A_187 = arith.addi %while3A_174, %mul3A_186 : i32
      %mul3A_188 = arith.constant 2 : i32
      %mul3A_189 = arith.muli %mul3A_188, %add3A_187 : i32
      %add3A_190 = arith.constant 0 : i32
      %add3A_191 = arith.addi %mul3A_189, %add3A_190 : i32
      %dma_wait3A_192 = arith.constant 0 : i32
      %dma_wait3A_193 = arith.constant 0 : i32
      %dma_wait3A_194 = arith.constant 0 : i32
      %dma_wait3A_195 = arith.constant 0 : i32
      %dma_wait3A_196 = tpu.memref_slice %arg10[%dma_wait3A_193, %dma_wait3A_194, %dma_wait3A_195] : memref<2x1024x8xf32, #tpu.memory_space<vmem>> -> memref<1x1024x8xf32, #tpu.memory_space<vmem>>
      %dma_wait3A_197 = tpu.memref_squeeze %dma_wait3A_196 : memref<1x1024x8xf32, #tpu.memory_space<vmem>> -> memref<1024x8xf32, #tpu.memory_space<vmem>>
      %dma_wait3A_198 = arith.constant 0 : i32
      %dma_wait3A_199 = tpu.memref_slice %arg8[%dma_wait3A_192, %dma_wait3A_198] : memref<2x1024xi32, #tpu.memory_space<vmem>> -> memref<1x1024xi32, #tpu.memory_space<vmem>>
      %dma_wait3A_200 = tpu.memref_squeeze %dma_wait3A_199 : memref<1x1024xi32, #tpu.memory_space<vmem>> -> memref<1024xi32, #tpu.memory_space<vmem>>
      %dma_wait3A_201 = arith.constant 0 : i32
      %dma_wait3A_202 = arith.constant 0 : i32
      %dma_wait3A_203 = tpu.memref_slice %arg4[%dma_wait3A_201, %dma_wait3A_202] : memref<100096x8xf32, #tpu.memory_space<hbm>> -> memref<100096x8xf32, #tpu.memory_space<hbm>>
      tpu.wait_indirect_dma semaphore(%arg12 : memref<!tpu.dma_semaphore, #tpu.memory_space<semaphore_mem>>) src(%dma_wait3A_203 : memref<100096x8xf32, #tpu.memory_space<hbm>>) dst(%dma_wait3A_197 : memref<1024x8xf32, #tpu.memory_space<vmem>>)
      %add3A_204 = arith.constant 1 : i32
      %add3A_205 = arith.addi %add3A_191, %add3A_204 : i32
      %lt3A = arith.cmpi slt, %add3A_205, %select_n3A : i32
      %convert_element_type3A_206 = arith.extui %lt3A : i1 to i32
      %cond3A_207 = arith.constant 0 : i32
      %cond3A_208 = arith.cmpi ne, %convert_element_type3A_206, %cond3A_207 : i32
      scf.if %cond3A_208 {
        %dma_wait3A_659 = arith.constant 1 : i32
        %dma_wait3A_660 = arith.constant 0 : i32
        %dma_wait3A_661 = tpu.memref_slice %arg8[%dma_wait3A_659, %dma_wait3A_660] : memref<2x1024xi32, #tpu.memory_space<vmem>> -> memref<1x1024xi32, #tpu.memory_space<vmem>>
        %dma_wait3A_662 = tpu.memref_squeeze %dma_wait3A_661 : memref<1x1024xi32, #tpu.memory_space<vmem>> -> memref<1024xi32, #tpu.memory_space<vmem>>
        %dma_wait3A_663 = arith.constant 0 : i32
        %dma_wait3A_664 = tpu.memref_slice %arg2[%dma_wait3A_663] : memref<6400000xi32, #tpu.memory_space<hbm>> -> memref<1024xi32, #tpu.memory_space<hbm>>
        %dma_wait3A_665 = arith.constant 0 : i32
        %dma_wait3A_666 = tpu.memref_slice %arg8[%dma_wait3A_659, %dma_wait3A_665] : memref<2x1024xi32, #tpu.memory_space<vmem>> -> memref<1x1024xi32, #tpu.memory_space<vmem>>
        %dma_wait3A_667 = tpu.memref_squeeze %dma_wait3A_666 : memref<1x1024xi32, #tpu.memory_space<vmem>> -> memref<1024xi32, #tpu.memory_space<vmem>>
        %dma_wait3A_668 = arith.constant 0 : i32
        %dma_wait3A_669 = tpu.memref_slice %arg2[%dma_wait3A_668] : memref<6400000xi32, #tpu.memory_space<hbm>> -> memref<1024xi32, #tpu.memory_space<hbm>>
        tpu.wait_dma2 semaphore(%arg11 : memref<!tpu.dma_semaphore, #tpu.memory_space<semaphore_mem>>) src(%dma_wait3A_669 : memref<1024xi32, #tpu.memory_space<hbm>>) dst(%dma_wait3A_667 : memref<1024xi32, #tpu.memory_space<vmem>>)
        %dma_wait3A_670 = arith.constant 1 : i32
        %dma_wait3A_671 = arith.constant 0 : i32
        %dma_wait3A_672 = arith.constant 0 : i32
        %dma_wait3A_673 = tpu.memref_slice %arg9[%dma_wait3A_670, %dma_wait3A_671, %dma_wait3A_672] : memref<2x8x128xi32, #tpu.memory_space<vmem>> -> memref<1x8x128xi32, #tpu.memory_space<vmem>>
        %dma_wait3A_674 = tpu.memref_squeeze %dma_wait3A_673 : memref<1x8x128xi32, #tpu.memory_space<vmem>> -> memref<8x128xi32, #tpu.memory_space<vmem>>
        %dma_wait3A_675 = arith.constant 0 : i32
        %dma_wait3A_676 = arith.constant 0 : i32
        %dma_wait3A_677 = tpu.memref_slice %arg3[%dma_wait3A_675, %dma_wait3A_676] : memref<50000x128xi32, #tpu.memory_space<hbm>> -> memref<8x128xi32, #tpu.memory_space<hbm>>
        %dma_wait3A_678 = arith.constant 0 : i32
        %dma_wait3A_679 = arith.constant 0 : i32
        %dma_wait3A_680 = tpu.memref_slice %arg9[%dma_wait3A_670, %dma_wait3A_678, %dma_wait3A_679] : memref<2x8x128xi32, #tpu.memory_space<vmem>> -> memref<1x8x128xi32, #tpu.memory_space<vmem>>
        %dma_wait3A_681 = tpu.memref_squeeze %dma_wait3A_680 : memref<1x8x128xi32, #tpu.memory_space<vmem>> -> memref<8x128xi32, #tpu.memory_space<vmem>>
        %dma_wait3A_682 = arith.constant 0 : i32
        %dma_wait3A_683 = arith.constant 0 : i32
        %dma_wait3A_684 = tpu.memref_slice %arg3[%dma_wait3A_682, %dma_wait3A_683] : memref<50000x128xi32, #tpu.memory_space<hbm>> -> memref<8x128xi32, #tpu.memory_space<hbm>>
        tpu.wait_dma2 semaphore(%arg11 : memref<!tpu.dma_semaphore, #tpu.memory_space<semaphore_mem>>) src(%dma_wait3A_684 : memref<8x128xi32, #tpu.memory_space<hbm>>) dst(%dma_wait3A_681 : memref<8x128xi32, #tpu.memory_space<vmem>>)
        %dma_start3A_685 = arith.constant 1 : i32
        %dma_start3A_686 = arith.constant 1 : i32
        %dma_start3A_687 = arith.constant 0 : i32
        %dma_start3A_688 = arith.constant 0 : i32
        %dma_start3A_689 = tpu.memref_slice %arg10[%dma_start3A_686, %dma_start3A_687, %dma_start3A_688] : memref<2x1024x8xf32, #tpu.memory_space<vmem>> -> memref<1x1024x8xf32, #tpu.memory_space<vmem>>
        %dma_start3A_690 = tpu.memref_squeeze %dma_start3A_689 : memref<1x1024x8xf32, #tpu.memory_space<vmem>> -> memref<1024x8xf32, #tpu.memory_space<vmem>>
        %dma_start3A_691 = arith.constant 0 : i32
        %dma_start3A_692 = tpu.memref_slice %arg8[%dma_start3A_685, %dma_start3A_691] : memref<2x1024xi32, #tpu.memory_space<vmem>> -> memref<1x1024xi32, #tpu.memory_space<vmem>>
        %dma_start3A_693 = tpu.memref_squeeze %dma_start3A_692 : memref<1x1024xi32, #tpu.memory_space<vmem>> -> memref<1024xi32, #tpu.memory_space<vmem>>
        %dma_start3A_694 = arith.constant 0 : i32
        %dma_start3A_695 = arith.constant 0 : i32
        %dma_start3A_696 = tpu.memref_slice %arg4[%dma_start3A_694, %dma_start3A_695] : memref<100096x8xf32, #tpu.memory_space<hbm>> -> memref<100096x8xf32, #tpu.memory_space<hbm>>
        tpu.enqueue_indirect_dma source(%dma_start3A_696 : memref<100096x8xf32, #tpu.memory_space<hbm>>) target(%dma_start3A_690 : memref<1024x8xf32, #tpu.memory_space<vmem>>) offsets(%dma_start3A_693 : memref<1024xi32, #tpu.memory_space<vmem>>) semaphore(%arg12 : memref<!tpu.dma_semaphore, #tpu.memory_space<semaphore_mem>>)
      } else {
      }
      %dma_start3A_209 = arith.constant 0 : i32
      %dma_start3A_210 = arith.constant 0 : i32
      %dma_start3A_211 = arith.constant 0 : i32
      %dma_start3A_212 = arith.constant 0 : i32
      %dma_start3A_213 = arith.constant 0 : i32
      %dma_start3A_214 = tpu.memref_slice %arg10[%dma_start3A_209, %dma_start3A_212, %dma_start3A_213] : memref<2x1024x8xf32, #tpu.memory_space<vmem>> -> memref<1x128x8xf32, #tpu.memory_space<vmem>>
      %dma_start3A_215 = tpu.memref_squeeze %dma_start3A_214 : memref<1x128x8xf32, #tpu.memory_space<vmem>> -> memref<128x8xf32, #tpu.memory_space<vmem>>
      %dma_start3A_216 = arith.constant 0 : i32
      %dma_start3A_217 = tpu.memref_slice %arg9[%dma_start3A_210, %dma_start3A_211, %dma_start3A_216] : memref<2x8x128xi32, #tpu.memory_space<vmem>> -> memref<1x1x128xi32, #tpu.memory_space<vmem>>
      %dma_start3A_218 = tpu.memref_squeeze %dma_start3A_217 : memref<1x1x128xi32, #tpu.memory_space<vmem>> -> memref<128xi32, #tpu.memory_space<vmem>>
      %dma_start3A_219 = arith.constant 0 : i32
      %dma_start3A_220 = arith.constant 0 : i32
      %dma_start3A_221 = tpu.memref_slice %arg7[%dma_start3A_219, %dma_start3A_220] : memref<100096x8xf32, #tpu.memory_space<vmem_shared>> -> memref<100096x8xf32, #tpu.memory_space<vmem_shared>>
      tpu.enqueue_indirect_dma source(%dma_start3A_215 : memref<128x8xf32, #tpu.memory_space<vmem>>) target(%dma_start3A_221 : memref<100096x8xf32, #tpu.memory_space<vmem_shared>>) offsets(%dma_start3A_218 : memref<128xi32, #tpu.memory_space<vmem>>) semaphore(%arg13 : memref<!tpu.dma_semaphore, #tpu.memory_space<semaphore_mem>>) {add = true}
      %dma_start3A_222 = arith.constant 0 : i32
      %dma_start3A_223 = arith.constant 0 : i32
      %dma_start3A_224 = arith.constant 1 : i32
      %dma_start3A_225 = arith.constant 128 : i32
      %dma_start3A_226 = arith.constant 0 : i32
      %dma_start3A_227 = tpu.memref_slice %arg10[%dma_start3A_222, %dma_start3A_225, %dma_start3A_226] : memref<2x1024x8xf32, #tpu.memory_space<vmem>> -> memref<1x128x8xf32, #tpu.memory_space<vmem>>
      %dma_start3A_228 = tpu.memref_squeeze %dma_start3A_227 : memref<1x128x8xf32, #tpu.memory_space<vmem>> -> memref<128x8xf32, #tpu.memory_space<vmem>>
      %dma_start3A_229 = arith.constant 0 : i32
      %dma_start3A_230 = tpu.memref_slice %arg9[%dma_start3A_223, %dma_start3A_224, %dma_start3A_229] : memref<2x8x128xi32, #tpu.memory_space<vmem>> -> memref<1x1x128xi32, #tpu.memory_space<vmem>>
      %dma_start3A_231 = tpu.memref_squeeze %dma_start3A_230 : memref<1x1x128xi32, #tpu.memory_space<vmem>> -> memref<128xi32, #tpu.memory_space<vmem>>
      %dma_start3A_232 = arith.constant 0 : i32
      %dma_start3A_233 = arith.constant 0 : i32
      %dma_start3A_234 = tpu.memref_slice %arg7[%dma_start3A_232, %dma_start3A_233] : memref<100096x8xf32, #tpu.memory_space<vmem_shared>> -> memref<100096x8xf32, #tpu.memory_space<vmem_shared>>
      tpu.enqueue_indirect_dma source(%dma_start3A_228 : memref<128x8xf32, #tpu.memory_space<vmem>>) target(%dma_start3A_234 : memref<100096x8xf32, #tpu.memory_space<vmem_shared>>) offsets(%dma_start3A_231 : memref<128xi32, #tpu.memory_space<vmem>>) semaphore(%arg13 : memref<!tpu.dma_semaphore, #tpu.memory_space<semaphore_mem>>) {add = true}
      %dma_start3A_235 = arith.constant 0 : i32
      %dma_start3A_236 = arith.constant 0 : i32
      %dma_start3A_237 = arith.constant 2 : i32
      %dma_start3A_238 = arith.constant 256 : i32
      %dma_start3A_239 = arith.constant 0 : i32
      %dma_start3A_240 = tpu.memref_slice %arg10[%dma_start3A_235, %dma_start3A_238, %dma_start3A_239] : memref<2x1024x8xf32, #tpu.memory_space<vmem>> -> memref<1x128x8xf32, #tpu.memory_space<vmem>>
      %dma_start3A_241 = tpu.memref_squeeze %dma_start3A_240 : memref<1x128x8xf32, #tpu.memory_space<vmem>> -> memref<128x8xf32, #tpu.memory_space<vmem>>
      %dma_start3A_242 = arith.constant 0 : i32
      %dma_start3A_243 = tpu.memref_slice %arg9[%dma_start3A_236, %dma_start3A_237, %dma_start3A_242] : memref<2x8x128xi32, #tpu.memory_space<vmem>> -> memref<1x1x128xi32, #tpu.memory_space<vmem>>
      %dma_start3A_244 = tpu.memref_squeeze %dma_start3A_243 : memref<1x1x128xi32, #tpu.memory_space<vmem>> -> memref<128xi32, #tpu.memory_space<vmem>>
      %dma_start3A_245 = arith.constant 0 : i32
      %dma_start3A_246 = arith.constant 0 : i32
      %dma_start3A_247 = tpu.memref_slice %arg7[%dma_start3A_245, %dma_start3A_246] : memref<100096x8xf32, #tpu.memory_space<vmem_shared>> -> memref<100096x8xf32, #tpu.memory_space<vmem_shared>>
      tpu.enqueue_indirect_dma source(%dma_start3A_241 : memref<128x8xf32, #tpu.memory_space<vmem>>) target(%dma_start3A_247 : memref<100096x8xf32, #tpu.memory_space<vmem_shared>>) offsets(%dma_start3A_244 : memref<128xi32, #tpu.memory_space<vmem>>) semaphore(%arg13 : memref<!tpu.dma_semaphore, #tpu.memory_space<semaphore_mem>>) {add = true}
      %dma_start3A_248 = arith.constant 0 : i32
      %dma_start3A_249 = arith.constant 0 : i32
      %dma_start3A_250 = arith.constant 3 : i32
      %dma_start3A_251 = arith.constant 384 : i32
      %dma_start3A_252 = arith.constant 0 : i32
      %dma_start3A_253 = tpu.memref_slice %arg10[%dma_start3A_248, %dma_start3A_251, %dma_start3A_252] : memref<2x1024x8xf32, #tpu.memory_space<vmem>> -> memref<1x128x8xf32, #tpu.memory_space<vmem>>
      %dma_start3A_254 = tpu.memref_squeeze %dma_start3A_253 : memref<1x128x8xf32, #tpu.memory_space<vmem>> -> memref<128x8xf32, #tpu.memory_space<vmem>>
      %dma_start3A_255 = arith.constant 0 : i32
      %dma_start3A_256 = tpu.memref_slice %arg9[%dma_start3A_249, %dma_start3A_250, %dma_start3A_255] : memref<2x8x128xi32, #tpu.memory_space<vmem>> -> memref<1x1x128xi32, #tpu.memory_space<vmem>>
      %dma_start3A_257 = tpu.memref_squeeze %dma_start3A_256 : memref<1x1x128xi32, #tpu.memory_space<vmem>> -> memref<128xi32, #tpu.memory_space<vmem>>
      %dma_start3A_258 = arith.constant 0 : i32
      %dma_start3A_259 = arith.constant 0 : i32
      %dma_start3A_260 = tpu.memref_slice %arg7[%dma_start3A_258, %dma_start3A_259] : memref<100096x8xf32, #tpu.memory_space<vmem_shared>> -> memref<100096x8xf32, #tpu.memory_space<vmem_shared>>
      tpu.enqueue_indirect_dma source(%dma_start3A_254 : memref<128x8xf32, #tpu.memory_space<vmem>>) target(%dma_start3A_260 : memref<100096x8xf32, #tpu.memory_space<vmem_shared>>) offsets(%dma_start3A_257 : memref<128xi32, #tpu.memory_space<vmem>>) semaphore(%arg13 : memref<!tpu.dma_semaphore, #tpu.memory_space<semaphore_mem>>) {add = true}
      %dma_start3A_261 = arith.constant 0 : i32
      %dma_start3A_262 = arith.constant 0 : i32
      %dma_start3A_263 = arith.constant 4 : i32
      %dma_start3A_264 = arith.constant 512 : i32
      %dma_start3A_265 = arith.constant 0 : i32
      %dma_start3A_266 = tpu.memref_slice %arg10[%dma_start3A_261, %dma_start3A_264, %dma_start3A_265] : memref<2x1024x8xf32, #tpu.memory_space<vmem>> -> memref<1x128x8xf32, #tpu.memory_space<vmem>>
      %dma_start3A_267 = tpu.memref_squeeze %dma_start3A_266 : memref<1x128x8xf32, #tpu.memory_space<vmem>> -> memref<128x8xf32, #tpu.memory_space<vmem>>
      %dma_start3A_268 = arith.constant 0 : i32
      %dma_start3A_269 = tpu.memref_slice %arg9[%dma_start3A_262, %dma_start3A_263, %dma_start3A_268] : memref<2x8x128xi32, #tpu.memory_space<vmem>> -> memref<1x1x128xi32, #tpu.memory_space<vmem>>
      %dma_start3A_270 = tpu.memref_squeeze %dma_start3A_269 : memref<1x1x128xi32, #tpu.memory_space<vmem>> -> memref<128xi32, #tpu.memory_space<vmem>>
      %dma_start3A_271 = arith.constant 0 : i32
      %dma_start3A_272 = arith.constant 0 : i32
      %dma_start3A_273 = tpu.memref_slice %arg7[%dma_start3A_271, %dma_start3A_272] : memref<100096x8xf32, #tpu.memory_space<vmem_shared>> -> memref<100096x8xf32, #tpu.memory_space<vmem_shared>>
      tpu.enqueue_indirect_dma source(%dma_start3A_267 : memref<128x8xf32, #tpu.memory_space<vmem>>) target(%dma_start3A_273 : memref<100096x8xf32, #tpu.memory_space<vmem_shared>>) offsets(%dma_start3A_270 : memref<128xi32, #tpu.memory_space<vmem>>) semaphore(%arg13 : memref<!tpu.dma_semaphore, #tpu.memory_space<semaphore_mem>>) {add = true}
      %dma_start3A_274 = arith.constant 0 : i32
      %dma_start3A_275 = arith.constant 0 : i32
      %dma_start3A_276 = arith.constant 5 : i32
      %dma_start3A_277 = arith.constant 640 : i32
      %dma_start3A_278 = arith.constant 0 : i32
      %dma_start3A_279 = tpu.memref_slice %arg10[%dma_start3A_274, %dma_start3A_277, %dma_start3A_278] : memref<2x1024x8xf32, #tpu.memory_space<vmem>> -> memref<1x128x8xf32, #tpu.memory_space<vmem>>
      %dma_start3A_280 = tpu.memref_squeeze %dma_start3A_279 : memref<1x128x8xf32, #tpu.memory_space<vmem>> -> memref<128x8xf32, #tpu.memory_space<vmem>>
      %dma_start3A_281 = arith.constant 0 : i32
      %dma_start3A_282 = tpu.memref_slice %arg9[%dma_start3A_275, %dma_start3A_276, %dma_start3A_281] : memref<2x8x128xi32, #tpu.memory_space<vmem>> -> memref<1x1x128xi32, #tpu.memory_space<vmem>>
      %dma_start3A_283 = tpu.memref_squeeze %dma_start3A_282 : memref<1x1x128xi32, #tpu.memory_space<vmem>> -> memref<128xi32, #tpu.memory_space<vmem>>
      %dma_start3A_284 = arith.constant 0 : i32
      %dma_start3A_285 = arith.constant 0 : i32
      %dma_start3A_286 = tpu.memref_slice %arg7[%dma_start3A_284, %dma_start3A_285] : memref<100096x8xf32, #tpu.memory_space<vmem_shared>> -> memref<100096x8xf32, #tpu.memory_space<vmem_shared>>
      tpu.enqueue_indirect_dma source(%dma_start3A_280 : memref<128x8xf32, #tpu.memory_space<vmem>>) target(%dma_start3A_286 : memref<100096x8xf32, #tpu.memory_space<vmem_shared>>) offsets(%dma_start3A_283 : memref<128xi32, #tpu.memory_space<vmem>>) semaphore(%arg13 : memref<!tpu.dma_semaphore, #tpu.memory_space<semaphore_mem>>) {add = true}
      %dma_start3A_287 = arith.constant 0 : i32
      %dma_start3A_288 = arith.constant 0 : i32
      %dma_start3A_289 = arith.constant 6 : i32
      %dma_start3A_290 = arith.constant 768 : i32
      %dma_start3A_291 = arith.constant 0 : i32
      %dma_start3A_292 = tpu.memref_slice %arg10[%dma_start3A_287, %dma_start3A_290, %dma_start3A_291] : memref<2x1024x8xf32, #tpu.memory_space<vmem>> -> memref<1x128x8xf32, #tpu.memory_space<vmem>>
      %dma_start3A_293 = tpu.memref_squeeze %dma_start3A_292 : memref<1x128x8xf32, #tpu.memory_space<vmem>> -> memref<128x8xf32, #tpu.memory_space<vmem>>
      %dma_start3A_294 = arith.constant 0 : i32
      %dma_start3A_295 = tpu.memref_slice %arg9[%dma_start3A_288, %dma_start3A_289, %dma_start3A_294] : memref<2x8x128xi32, #tpu.memory_space<vmem>> -> memref<1x1x128xi32, #tpu.memory_space<vmem>>
      %dma_start3A_296 = tpu.memref_squeeze %dma_start3A_295 : memref<1x1x128xi32, #tpu.memory_space<vmem>> -> memref<128xi32, #tpu.memory_space<vmem>>
      %dma_start3A_297 = arith.constant 0 : i32
      %dma_start3A_298 = arith.constant 0 : i32
      %dma_start3A_299 = tpu.memref_slice %arg7[%dma_start3A_297, %dma_start3A_298] : memref<100096x8xf32, #tpu.memory_space<vmem_shared>> -> memref<100096x8xf32, #tpu.memory_space<vmem_shared>>
      tpu.enqueue_indirect_dma source(%dma_start3A_293 : memref<128x8xf32, #tpu.memory_space<vmem>>) target(%dma_start3A_299 : memref<100096x8xf32, #tpu.memory_space<vmem_shared>>) offsets(%dma_start3A_296 : memref<128xi32, #tpu.memory_space<vmem>>) semaphore(%arg13 : memref<!tpu.dma_semaphore, #tpu.memory_space<semaphore_mem>>) {add = true}
      %dma_start3A_300 = arith.constant 0 : i32
      %dma_start3A_301 = arith.constant 0 : i32
      %dma_start3A_302 = arith.constant 7 : i32
      %dma_start3A_303 = arith.constant 896 : i32
      %dma_start3A_304 = arith.constant 0 : i32
      %dma_start3A_305 = tpu.memref_slice %arg10[%dma_start3A_300, %dma_start3A_303, %dma_start3A_304] : memref<2x1024x8xf32, #tpu.memory_space<vmem>> -> memref<1x128x8xf32, #tpu.memory_space<vmem>>
      %dma_start3A_306 = tpu.memref_squeeze %dma_start3A_305 : memref<1x128x8xf32, #tpu.memory_space<vmem>> -> memref<128x8xf32, #tpu.memory_space<vmem>>
      %dma_start3A_307 = arith.constant 0 : i32
      %dma_start3A_308 = tpu.memref_slice %arg9[%dma_start3A_301, %dma_start3A_302, %dma_start3A_307] : memref<2x8x128xi32, #tpu.memory_space<vmem>> -> memref<1x1x128xi32, #tpu.memory_space<vmem>>
      %dma_start3A_309 = tpu.memref_squeeze %dma_start3A_308 : memref<1x1x128xi32, #tpu.memory_space<vmem>> -> memref<128xi32, #tpu.memory_space<vmem>>
      %dma_start3A_310 = arith.constant 0 : i32
      %dma_start3A_311 = arith.constant 0 : i32
      %dma_start3A_312 = tpu.memref_slice %arg7[%dma_start3A_310, %dma_start3A_311] : memref<100096x8xf32, #tpu.memory_space<vmem_shared>> -> memref<100096x8xf32, #tpu.memory_space<vmem_shared>>
      tpu.enqueue_indirect_dma source(%dma_start3A_306 : memref<128x8xf32, #tpu.memory_space<vmem>>) target(%dma_start3A_312 : memref<100096x8xf32, #tpu.memory_space<vmem_shared>>) offsets(%dma_start3A_309 : memref<128xi32, #tpu.memory_space<vmem>>) semaphore(%arg13 : memref<!tpu.dma_semaphore, #tpu.memory_space<semaphore_mem>>) {add = true}
      %dma_wait3A_313 = arith.constant 0 : i32
      %dma_wait3A_314 = arith.constant 0 : i32
      %dma_wait3A_315 = arith.constant 0 : i32
      %dma_wait3A_316 = arith.constant 0 : i32
      %dma_wait3A_317 = arith.constant 0 : i32
      %dma_wait3A_318 = tpu.memref_slice %arg10[%dma_wait3A_313, %dma_wait3A_316, %dma_wait3A_317] : memref<2x1024x8xf32, #tpu.memory_space<vmem>> -> memref<1x128x8xf32, #tpu.memory_space<vmem>>
      %dma_wait3A_319 = tpu.memref_squeeze %dma_wait3A_318 : memref<1x128x8xf32, #tpu.memory_space<vmem>> -> memref<128x8xf32, #tpu.memory_space<vmem>>
      %dma_wait3A_320 = arith.constant 0 : i32
      %dma_wait3A_321 = tpu.memref_slice %arg9[%dma_wait3A_314, %dma_wait3A_315, %dma_wait3A_320] : memref<2x8x128xi32, #tpu.memory_space<vmem>> -> memref<1x1x128xi32, #tpu.memory_space<vmem>>
      %dma_wait3A_322 = tpu.memref_squeeze %dma_wait3A_321 : memref<1x1x128xi32, #tpu.memory_space<vmem>> -> memref<128xi32, #tpu.memory_space<vmem>>
      %dma_wait3A_323 = arith.constant 0 : i32
      %dma_wait3A_324 = arith.constant 0 : i32
      %dma_wait3A_325 = tpu.memref_slice %arg7[%dma_wait3A_323, %dma_wait3A_324] : memref<100096x8xf32, #tpu.memory_space<vmem_shared>> -> memref<100096x8xf32, #tpu.memory_space<vmem_shared>>
      tpu.wait_indirect_dma semaphore(%arg13 : memref<!tpu.dma_semaphore, #tpu.memory_space<semaphore_mem>>) src(%dma_wait3A_319 : memref<128x8xf32, #tpu.memory_space<vmem>>) dst(%dma_wait3A_325 : memref<100096x8xf32, #tpu.memory_space<vmem_shared>>)
      %dma_wait3A_326 = arith.constant 0 : i32
      %dma_wait3A_327 = arith.constant 0 : i32
      %dma_wait3A_328 = arith.constant 1 : i32
      %dma_wait3A_329 = arith.constant 128 : i32
      %dma_wait3A_330 = arith.constant 0 : i32
      %dma_wait3A_331 = tpu.memref_slice %arg10[%dma_wait3A_326, %dma_wait3A_329, %dma_wait3A_330] : memref<2x1024x8xf32, #tpu.memory_space<vmem>> -> memref<1x128x8xf32, #tpu.memory_space<vmem>>
      %dma_wait3A_332 = tpu.memref_squeeze %dma_wait3A_331 : memref<1x128x8xf32, #tpu.memory_space<vmem>> -> memref<128x8xf32, #tpu.memory_space<vmem>>
      %dma_wait3A_333 = arith.constant 0 : i32
      %dma_wait3A_334 = tpu.memref_slice %arg9[%dma_wait3A_327, %dma_wait3A_328, %dma_wait3A_333] : memref<2x8x128xi32, #tpu.memory_space<vmem>> -> memref<1x1x128xi32, #tpu.memory_space<vmem>>
      %dma_wait3A_335 = tpu.memref_squeeze %dma_wait3A_334 : memref<1x1x128xi32, #tpu.memory_space<vmem>> -> memref<128xi32, #tpu.memory_space<vmem>>
      %dma_wait3A_336 = arith.constant 0 : i32
      %dma_wait3A_337 = arith.constant 0 : i32
      %dma_wait3A_338 = tpu.memref_slice %arg7[%dma_wait3A_336, %dma_wait3A_337] : memref<100096x8xf32, #tpu.memory_space<vmem_shared>> -> memref<100096x8xf32, #tpu.memory_space<vmem_shared>>
      tpu.wait_indirect_dma semaphore(%arg13 : memref<!tpu.dma_semaphore, #tpu.memory_space<semaphore_mem>>) src(%dma_wait3A_332 : memref<128x8xf32, #tpu.memory_space<vmem>>) dst(%dma_wait3A_338 : memref<100096x8xf32, #tpu.memory_space<vmem_shared>>)
      %dma_wait3A_339 = arith.constant 0 : i32
      %dma_wait3A_340 = arith.constant 0 : i32
      %dma_wait3A_341 = arith.constant 2 : i32
      %dma_wait3A_342 = arith.constant 256 : i32
      %dma_wait3A_343 = arith.constant 0 : i32
      %dma_wait3A_344 = tpu.memref_slice %arg10[%dma_wait3A_339, %dma_wait3A_342, %dma_wait3A_343] : memref<2x1024x8xf32, #tpu.memory_space<vmem>> -> memref<1x128x8xf32, #tpu.memory_space<vmem>>
      %dma_wait3A_345 = tpu.memref_squeeze %dma_wait3A_344 : memref<1x128x8xf32, #tpu.memory_space<vmem>> -> memref<128x8xf32, #tpu.memory_space<vmem>>
      %dma_wait3A_346 = arith.constant 0 : i32
      %dma_wait3A_347 = tpu.memref_slice %arg9[%dma_wait3A_340, %dma_wait3A_341, %dma_wait3A_346] : memref<2x8x128xi32, #tpu.memory_space<vmem>> -> memref<1x1x128xi32, #tpu.memory_space<vmem>>
      %dma_wait3A_348 = tpu.memref_squeeze %dma_wait3A_347 : memref<1x1x128xi32, #tpu.memory_space<vmem>> -> memref<128xi32, #tpu.memory_space<vmem>>
      %dma_wait3A_349 = arith.constant 0 : i32
      %dma_wait3A_350 = arith.constant 0 : i32
      %dma_wait3A_351 = tpu.memref_slice %arg7[%dma_wait3A_349, %dma_wait3A_350] : memref<100096x8xf32, #tpu.memory_space<vmem_shared>> -> memref<100096x8xf32, #tpu.memory_space<vmem_shared>>
      tpu.wait_indirect_dma semaphore(%arg13 : memref<!tpu.dma_semaphore, #tpu.memory_space<semaphore_mem>>) src(%dma_wait3A_345 : memref<128x8xf32, #tpu.memory_space<vmem>>) dst(%dma_wait3A_351 : memref<100096x8xf32, #tpu.memory_space<vmem_shared>>)
      %dma_wait3A_352 = arith.constant 0 : i32
      %dma_wait3A_353 = arith.constant 0 : i32
      %dma_wait3A_354 = arith.constant 3 : i32
      %dma_wait3A_355 = arith.constant 384 : i32
      %dma_wait3A_356 = arith.constant 0 : i32
      %dma_wait3A_357 = tpu.memref_slice %arg10[%dma_wait3A_352, %dma_wait3A_355, %dma_wait3A_356] : memref<2x1024x8xf32, #tpu.memory_space<vmem>> -> memref<1x128x8xf32, #tpu.memory_space<vmem>>
      %dma_wait3A_358 = tpu.memref_squeeze %dma_wait3A_357 : memref<1x128x8xf32, #tpu.memory_space<vmem>> -> memref<128x8xf32, #tpu.memory_space<vmem>>
      %dma_wait3A_359 = arith.constant 0 : i32
      %dma_wait3A_360 = tpu.memref_slice %arg9[%dma_wait3A_353, %dma_wait3A_354, %dma_wait3A_359] : memref<2x8x128xi32, #tpu.memory_space<vmem>> -> memref<1x1x128xi32, #tpu.memory_space<vmem>>
      %dma_wait3A_361 = tpu.memref_squeeze %dma_wait3A_360 : memref<1x1x128xi32, #tpu.memory_space<vmem>> -> memref<128xi32, #tpu.memory_space<vmem>>
      %dma_wait3A_362 = arith.constant 0 : i32
      %dma_wait3A_363 = arith.constant 0 : i32
      %dma_wait3A_364 = tpu.memref_slice %arg7[%dma_wait3A_362, %dma_wait3A_363] : memref<100096x8xf32, #tpu.memory_space<vmem_shared>> -> memref<100096x8xf32, #tpu.memory_space<vmem_shared>>
      tpu.wait_indirect_dma semaphore(%arg13 : memref<!tpu.dma_semaphore, #tpu.memory_space<semaphore_mem>>) src(%dma_wait3A_358 : memref<128x8xf32, #tpu.memory_space<vmem>>) dst(%dma_wait3A_364 : memref<100096x8xf32, #tpu.memory_space<vmem_shared>>)
      %dma_wait3A_365 = arith.constant 0 : i32
      %dma_wait3A_366 = arith.constant 0 : i32
      %dma_wait3A_367 = arith.constant 4 : i32
      %dma_wait3A_368 = arith.constant 512 : i32
      %dma_wait3A_369 = arith.constant 0 : i32
      %dma_wait3A_370 = tpu.memref_slice %arg10[%dma_wait3A_365, %dma_wait3A_368, %dma_wait3A_369] : memref<2x1024x8xf32, #tpu.memory_space<vmem>> -> memref<1x128x8xf32, #tpu.memory_space<vmem>>
      %dma_wait3A_371 = tpu.memref_squeeze %dma_wait3A_370 : memref<1x128x8xf32, #tpu.memory_space<vmem>> -> memref<128x8xf32, #tpu.memory_space<vmem>>
      %dma_wait3A_372 = arith.constant 0 : i32
      %dma_wait3A_373 = tpu.memref_slice %arg9[%dma_wait3A_366, %dma_wait3A_367, %dma_wait3A_372] : memref<2x8x128xi32, #tpu.memory_space<vmem>> -> memref<1x1x128xi32, #tpu.memory_space<vmem>>
      %dma_wait3A_374 = tpu.memref_squeeze %dma_wait3A_373 : memref<1x1x128xi32, #tpu.memory_space<vmem>> -> memref<128xi32, #tpu.memory_space<vmem>>
      %dma_wait3A_375 = arith.constant 0 : i32
      %dma_wait3A_376 = arith.constant 0 : i32
      %dma_wait3A_377 = tpu.memref_slice %arg7[%dma_wait3A_375, %dma_wait3A_376] : memref<100096x8xf32, #tpu.memory_space<vmem_shared>> -> memref<100096x8xf32, #tpu.memory_space<vmem_shared>>
      tpu.wait_indirect_dma semaphore(%arg13 : memref<!tpu.dma_semaphore, #tpu.memory_space<semaphore_mem>>) src(%dma_wait3A_371 : memref<128x8xf32, #tpu.memory_space<vmem>>) dst(%dma_wait3A_377 : memref<100096x8xf32, #tpu.memory_space<vmem_shared>>)
      %dma_wait3A_378 = arith.constant 0 : i32
      %dma_wait3A_379 = arith.constant 0 : i32
      %dma_wait3A_380 = arith.constant 5 : i32
      %dma_wait3A_381 = arith.constant 640 : i32
      %dma_wait3A_382 = arith.constant 0 : i32
      %dma_wait3A_383 = tpu.memref_slice %arg10[%dma_wait3A_378, %dma_wait3A_381, %dma_wait3A_382] : memref<2x1024x8xf32, #tpu.memory_space<vmem>> -> memref<1x128x8xf32, #tpu.memory_space<vmem>>
      %dma_wait3A_384 = tpu.memref_squeeze %dma_wait3A_383 : memref<1x128x8xf32, #tpu.memory_space<vmem>> -> memref<128x8xf32, #tpu.memory_space<vmem>>
      %dma_wait3A_385 = arith.constant 0 : i32
      %dma_wait3A_386 = tpu.memref_slice %arg9[%dma_wait3A_379, %dma_wait3A_380, %dma_wait3A_385] : memref<2x8x128xi32, #tpu.memory_space<vmem>> -> memref<1x1x128xi32, #tpu.memory_space<vmem>>
      %dma_wait3A_387 = tpu.memref_squeeze %dma_wait3A_386 : memref<1x1x128xi32, #tpu.memory_space<vmem>> -> memref<128xi32, #tpu.memory_space<vmem>>
      %dma_wait3A_388 = arith.constant 0 : i32
      %dma_wait3A_389 = arith.constant 0 : i32
      %dma_wait3A_390 = tpu.memref_slice %arg7[%dma_wait3A_388, %dma_wait3A_389] : memref<100096x8xf32, #tpu.memory_space<vmem_shared>> -> memref<100096x8xf32, #tpu.memory_space<vmem_shared>>
      tpu.wait_indirect_dma semaphore(%arg13 : memref<!tpu.dma_semaphore, #tpu.memory_space<semaphore_mem>>) src(%dma_wait3A_384 : memref<128x8xf32, #tpu.memory_space<vmem>>) dst(%dma_wait3A_390 : memref<100096x8xf32, #tpu.memory_space<vmem_shared>>)
      %dma_wait3A_391 = arith.constant 0 : i32
      %dma_wait3A_392 = arith.constant 0 : i32
      %dma_wait3A_393 = arith.constant 6 : i32
      %dma_wait3A_394 = arith.constant 768 : i32
      %dma_wait3A_395 = arith.constant 0 : i32
      %dma_wait3A_396 = tpu.memref_slice %arg10[%dma_wait3A_391, %dma_wait3A_394, %dma_wait3A_395] : memref<2x1024x8xf32, #tpu.memory_space<vmem>> -> memref<1x128x8xf32, #tpu.memory_space<vmem>>
      %dma_wait3A_397 = tpu.memref_squeeze %dma_wait3A_396 : memref<1x128x8xf32, #tpu.memory_space<vmem>> -> memref<128x8xf32, #tpu.memory_space<vmem>>
      %dma_wait3A_398 = arith.constant 0 : i32
      %dma_wait3A_399 = tpu.memref_slice %arg9[%dma_wait3A_392, %dma_wait3A_393, %dma_wait3A_398] : memref<2x8x128xi32, #tpu.memory_space<vmem>> -> memref<1x1x128xi32, #tpu.memory_space<vmem>>
      %dma_wait3A_400 = tpu.memref_squeeze %dma_wait3A_399 : memref<1x1x128xi32, #tpu.memory_space<vmem>> -> memref<128xi32, #tpu.memory_space<vmem>>
      %dma_wait3A_401 = arith.constant 0 : i32
      %dma_wait3A_402 = arith.constant 0 : i32
      %dma_wait3A_403 = tpu.memref_slice %arg7[%dma_wait3A_401, %dma_wait3A_402] : memref<100096x8xf32, #tpu.memory_space<vmem_shared>> -> memref<100096x8xf32, #tpu.memory_space<vmem_shared>>
      tpu.wait_indirect_dma semaphore(%arg13 : memref<!tpu.dma_semaphore, #tpu.memory_space<semaphore_mem>>) src(%dma_wait3A_397 : memref<128x8xf32, #tpu.memory_space<vmem>>) dst(%dma_wait3A_403 : memref<100096x8xf32, #tpu.memory_space<vmem_shared>>)
      %dma_wait3A_404 = arith.constant 0 : i32
      %dma_wait3A_405 = arith.constant 0 : i32
      %dma_wait3A_406 = arith.constant 7 : i32
      %dma_wait3A_407 = arith.constant 896 : i32
      %dma_wait3A_408 = arith.constant 0 : i32
      %dma_wait3A_409 = tpu.memref_slice %arg10[%dma_wait3A_404, %dma_wait3A_407, %dma_wait3A_408] : memref<2x1024x8xf32, #tpu.memory_space<vmem>> -> memref<1x128x8xf32, #tpu.memory_space<vmem>>
      %dma_wait3A_410 = tpu.memref_squeeze %dma_wait3A_409 : memref<1x128x8xf32, #tpu.memory_space<vmem>> -> memref<128x8xf32, #tpu.memory_space<vmem>>
      %dma_wait3A_411 = arith.constant 0 : i32
      %dma_wait3A_412 = tpu.memref_slice %arg9[%dma_wait3A_405, %dma_wait3A_406, %dma_wait3A_411] : memref<2x8x128xi32, #tpu.memory_space<vmem>> -> memref<1x1x128xi32, #tpu.memory_space<vmem>>
      %dma_wait3A_413 = tpu.memref_squeeze %dma_wait3A_412 : memref<1x1x128xi32, #tpu.memory_space<vmem>> -> memref<128xi32, #tpu.memory_space<vmem>>
      %dma_wait3A_414 = arith.constant 0 : i32
      %dma_wait3A_415 = arith.constant 0 : i32
      %dma_wait3A_416 = tpu.memref_slice %arg7[%dma_wait3A_414, %dma_wait3A_415] : memref<100096x8xf32, #tpu.memory_space<vmem_shared>> -> memref<100096x8xf32, #tpu.memory_space<vmem_shared>>
      tpu.wait_indirect_dma semaphore(%arg13 : memref<!tpu.dma_semaphore, #tpu.memory_space<semaphore_mem>>) src(%dma_wait3A_410 : memref<128x8xf32, #tpu.memory_space<vmem>>) dst(%dma_wait3A_416 : memref<100096x8xf32, #tpu.memory_space<vmem_shared>>)
      %add3A_417 = arith.constant 2 : i32
      %add3A_418 = arith.addi %add3A_191, %add3A_417 : i32
      %lt3A_419 = arith.cmpi slt, %add3A_418, %select_n3A : i32
      %convert_element_type3A_420 = arith.extui %lt3A_419 : i1 to i32
      %cond3A_421 = arith.constant 0 : i32
      %cond3A_422 = arith.cmpi ne, %convert_element_type3A_420, %cond3A_421 : i32
      scf.if %cond3A_422 {
        %add3A_659 = arith.constant 2 : i32
        %add3A_660 = arith.addi %add3A_191, %add3A_659 : i32
        %mul3A_661 = arith.constant 1024 : i32
        %mul3A_662 = arith.muli %add3A_660, %mul3A_661 : i32
        %add3A_663 = arith.addi %mul3A_10, %mul3A_662 : i32
        %dma_start3A_664 = arith.constant 0 : i32
        %dma_start3A_665 = arith.constant 0 : i32
        %dma_start3A_666 = tpu.memref_slice %arg8[%dma_start3A_664, %dma_start3A_665] : memref<2x1024xi32, #tpu.memory_space<vmem>> -> memref<1x1024xi32, #tpu.memory_space<vmem>>
        %dma_start3A_667 = tpu.memref_squeeze %dma_start3A_666 : memref<1x1024xi32, #tpu.memory_space<vmem>> -> memref<1024xi32, #tpu.memory_space<vmem>>
        %dma_start3A_668 = tpu.memref_slice %arg2[%add3A_663] : memref<6400000xi32, #tpu.memory_space<hbm>> -> memref<1024xi32, #tpu.memory_space<hbm>>
        %dma_start3A_669 = arith.constant 0 : i32
        %dma_start3A_670 = tpu.memref_slice %arg8[%dma_start3A_664, %dma_start3A_669] : memref<2x1024xi32, #tpu.memory_space<vmem>> -> memref<1x1024xi32, #tpu.memory_space<vmem>>
        %dma_start3A_671 = tpu.memref_squeeze %dma_start3A_670 : memref<1x1024xi32, #tpu.memory_space<vmem>> -> memref<1024xi32, #tpu.memory_space<vmem>>
        %dma_start3A_672 = tpu.memref_slice %arg2[%add3A_663] : memref<6400000xi32, #tpu.memory_space<hbm>> -> memref<1024xi32, #tpu.memory_space<hbm>>
        tpu.enqueue_dma source(%dma_start3A_672 : memref<1024xi32, #tpu.memory_space<hbm>>) target(%dma_start3A_671 : memref<1024xi32, #tpu.memory_space<vmem>>) target_semaphore(%arg11 : memref<!tpu.dma_semaphore, #tpu.memory_space<semaphore_mem>>)
        %jit3A_673 = arith.constant 128 : i32
        %div3A_674 = arith.divsi %add3A_663, %jit3A_673 : i32
        %sign3A_675 = arith.constant 0 : i32
        %sign3A_676 = arith.cmpi sgt, %add3A_663, %sign3A_675 : i32
        %sign3A_677 = arith.extui %sign3A_676 : i1 to i32
        %sign3A_678 = arith.constant 0 : i32
        %sign3A_679 = arith.cmpi slt, %add3A_663, %sign3A_678 : i32
        %sign3A_680 = arith.extui %sign3A_679 : i1 to i32
        %sign3A_681 = arith.subi %sign3A_677, %sign3A_680 : i32
        %sign3A_682 = arith.constant 0 : i32
        %sign3A_683 = arith.cmpi sgt, %jit3A_673, %sign3A_682 : i32
        %sign3A_684 = arith.extui %sign3A_683 : i1 to i32
        %sign3A_685 = arith.constant 0 : i32
        %sign3A_686 = arith.cmpi slt, %jit3A_673, %sign3A_685 : i32
        %sign3A_687 = arith.extui %sign3A_686 : i1 to i32
        %sign3A_688 = arith.subi %sign3A_684, %sign3A_687 : i32
        %ne3A_689 = arith.cmpi ne, %sign3A_681, %sign3A_688 : i32
        %rem3A_690 = arith.remsi %add3A_663, %jit3A_673 : i32
        %ne3A_691 = arith.constant 0 : i32
        %ne3A_692 = arith.cmpi ne, %rem3A_690, %ne3A_691 : i32
        %and3A_693 = arith.andi %ne3A_689, %ne3A_692 : i1
        %sub3A_694 = arith.constant 1 : i32
        %sub3A_695 = arith.subi %div3A_674, %sub3A_694 : i32
        %select_n3A_696 = arith.select %and3A_693, %sub3A_695, %div3A_674 : i32
        %multiple_of3A_697 = tpu.assume_multiple %select_n3A_696, 8 : i32
        %dma_start3A_698 = arith.constant 0 : i32
        %dma_start3A_699 = arith.constant 0 : i32
        %dma_start3A_700 = arith.constant 0 : i32
        %dma_start3A_701 = tpu.memref_slice %arg9[%dma_start3A_698, %dma_start3A_699, %dma_start3A_700] : memref<2x8x128xi32, #tpu.memory_space<vmem>> -> memref<1x8x128xi32, #tpu.memory_space<vmem>>
        %dma_start3A_702 = tpu.memref_squeeze %dma_start3A_701 : memref<1x8x128xi32, #tpu.memory_space<vmem>> -> memref<8x128xi32, #tpu.memory_space<vmem>>
        %dma_start3A_703 = arith.constant 0 : i32
        %dma_start3A_704 = tpu.memref_slice %arg3[%multiple_of3A_697, %dma_start3A_703] : memref<50000x128xi32, #tpu.memory_space<hbm>> -> memref<8x128xi32, #tpu.memory_space<hbm>>
        %dma_start3A_705 = arith.constant 0 : i32
        %dma_start3A_706 = arith.constant 0 : i32
        %dma_start3A_707 = tpu.memref_slice %arg9[%dma_start3A_698, %dma_start3A_705, %dma_start3A_706] : memref<2x8x128xi32, #tpu.memory_space<vmem>> -> memref<1x8x128xi32, #tpu.memory_space<vmem>>
        %dma_start3A_708 = tpu.memref_squeeze %dma_start3A_707 : memref<1x8x128xi32, #tpu.memory_space<vmem>> -> memref<8x128xi32, #tpu.memory_space<vmem>>
        %dma_start3A_709 = arith.constant 0 : i32
        %dma_start3A_710 = tpu.memref_slice %arg3[%multiple_of3A_697, %dma_start3A_709] : memref<50000x128xi32, #tpu.memory_space<hbm>> -> memref<8x128xi32, #tpu.memory_space<hbm>>
        tpu.enqueue_dma source(%dma_start3A_710 : memref<8x128xi32, #tpu.memory_space<hbm>>) target(%dma_start3A_708 : memref<8x128xi32, #tpu.memory_space<vmem>>) target_semaphore(%arg11 : memref<!tpu.dma_semaphore, #tpu.memory_space<semaphore_mem>>)
      } else {
      }
      %mul3A_423 = arith.constant 2 : i32
      %mul3A_424 = arith.muli %mul3A_423, %add3A_187 : i32
      %add3A_425 = arith.constant 1 : i32
      %add3A_426 = arith.addi %mul3A_424, %add3A_425 : i32
      %dma_wait3A_427 = arith.constant 1 : i32
      %dma_wait3A_428 = arith.constant 1 : i32
      %dma_wait3A_429 = arith.constant 0 : i32
      %dma_wait3A_430 = arith.constant 0 : i32
      %dma_wait3A_431 = tpu.memref_slice %arg10[%dma_wait3A_428, %dma_wait3A_429, %dma_wait3A_430] : memref<2x1024x8xf32, #tpu.memory_space<vmem>> -> memref<1x1024x8xf32, #tpu.memory_space<vmem>>
      %dma_wait3A_432 = tpu.memref_squeeze %dma_wait3A_431 : memref<1x1024x8xf32, #tpu.memory_space<vmem>> -> memref<1024x8xf32, #tpu.memory_space<vmem>>
      %dma_wait3A_433 = arith.constant 0 : i32
      %dma_wait3A_434 = tpu.memref_slice %arg8[%dma_wait3A_427, %dma_wait3A_433] : memref<2x1024xi32, #tpu.memory_space<vmem>> -> memref<1x1024xi32, #tpu.memory_space<vmem>>
      %dma_wait3A_435 = tpu.memref_squeeze %dma_wait3A_434 : memref<1x1024xi32, #tpu.memory_space<vmem>> -> memref<1024xi32, #tpu.memory_space<vmem>>
      %dma_wait3A_436 = arith.constant 0 : i32
      %dma_wait3A_437 = arith.constant 0 : i32
      %dma_wait3A_438 = tpu.memref_slice %arg4[%dma_wait3A_436, %dma_wait3A_437] : memref<100096x8xf32, #tpu.memory_space<hbm>> -> memref<100096x8xf32, #tpu.memory_space<hbm>>
      tpu.wait_indirect_dma semaphore(%arg12 : memref<!tpu.dma_semaphore, #tpu.memory_space<semaphore_mem>>) src(%dma_wait3A_438 : memref<100096x8xf32, #tpu.memory_space<hbm>>) dst(%dma_wait3A_432 : memref<1024x8xf32, #tpu.memory_space<vmem>>)
      %add3A_439 = arith.constant 1 : i32
      %add3A_440 = arith.addi %add3A_426, %add3A_439 : i32
      %lt3A_441 = arith.cmpi slt, %add3A_440, %select_n3A : i32
      %convert_element_type3A_442 = arith.extui %lt3A_441 : i1 to i32
      %cond3A_443 = arith.constant 0 : i32
      %cond3A_444 = arith.cmpi ne, %convert_element_type3A_442, %cond3A_443 : i32
      scf.if %cond3A_444 {
        %dma_wait3A_659 = arith.constant 0 : i32
        %dma_wait3A_660 = arith.constant 0 : i32
        %dma_wait3A_661 = tpu.memref_slice %arg8[%dma_wait3A_659, %dma_wait3A_660] : memref<2x1024xi32, #tpu.memory_space<vmem>> -> memref<1x1024xi32, #tpu.memory_space<vmem>>
        %dma_wait3A_662 = tpu.memref_squeeze %dma_wait3A_661 : memref<1x1024xi32, #tpu.memory_space<vmem>> -> memref<1024xi32, #tpu.memory_space<vmem>>
        %dma_wait3A_663 = arith.constant 0 : i32
        %dma_wait3A_664 = tpu.memref_slice %arg2[%dma_wait3A_663] : memref<6400000xi32, #tpu.memory_space<hbm>> -> memref<1024xi32, #tpu.memory_space<hbm>>
        %dma_wait3A_665 = arith.constant 0 : i32
        %dma_wait3A_666 = tpu.memref_slice %arg8[%dma_wait3A_659, %dma_wait3A_665] : memref<2x1024xi32, #tpu.memory_space<vmem>> -> memref<1x1024xi32, #tpu.memory_space<vmem>>
        %dma_wait3A_667 = tpu.memref_squeeze %dma_wait3A_666 : memref<1x1024xi32, #tpu.memory_space<vmem>> -> memref<1024xi32, #tpu.memory_space<vmem>>
        %dma_wait3A_668 = arith.constant 0 : i32
        %dma_wait3A_669 = tpu.memref_slice %arg2[%dma_wait3A_668] : memref<6400000xi32, #tpu.memory_space<hbm>> -> memref<1024xi32, #tpu.memory_space<hbm>>
        tpu.wait_dma2 semaphore(%arg11 : memref<!tpu.dma_semaphore, #tpu.memory_space<semaphore_mem>>) src(%dma_wait3A_669 : memref<1024xi32, #tpu.memory_space<hbm>>) dst(%dma_wait3A_667 : memref<1024xi32, #tpu.memory_space<vmem>>)
        %dma_wait3A_670 = arith.constant 0 : i32
        %dma_wait3A_671 = arith.constant 0 : i32
        %dma_wait3A_672 = arith.constant 0 : i32
        %dma_wait3A_673 = tpu.memref_slice %arg9[%dma_wait3A_670, %dma_wait3A_671, %dma_wait3A_672] : memref<2x8x128xi32, #tpu.memory_space<vmem>> -> memref<1x8x128xi32, #tpu.memory_space<vmem>>
        %dma_wait3A_674 = tpu.memref_squeeze %dma_wait3A_673 : memref<1x8x128xi32, #tpu.memory_space<vmem>> -> memref<8x128xi32, #tpu.memory_space<vmem>>
        %dma_wait3A_675 = arith.constant 0 : i32
        %dma_wait3A_676 = arith.constant 0 : i32
        %dma_wait3A_677 = tpu.memref_slice %arg3[%dma_wait3A_675, %dma_wait3A_676] : memref<50000x128xi32, #tpu.memory_space<hbm>> -> memref<8x128xi32, #tpu.memory_space<hbm>>
        %dma_wait3A_678 = arith.constant 0 : i32
        %dma_wait3A_679 = arith.constant 0 : i32
        %dma_wait3A_680 = tpu.memref_slice %arg9[%dma_wait3A_670, %dma_wait3A_678, %dma_wait3A_679] : memref<2x8x128xi32, #tpu.memory_space<vmem>> -> memref<1x8x128xi32, #tpu.memory_space<vmem>>
        %dma_wait3A_681 = tpu.memref_squeeze %dma_wait3A_680 : memref<1x8x128xi32, #tpu.memory_space<vmem>> -> memref<8x128xi32, #tpu.memory_space<vmem>>
        %dma_wait3A_682 = arith.constant 0 : i32
        %dma_wait3A_683 = arith.constant 0 : i32
        %dma_wait3A_684 = tpu.memref_slice %arg3[%dma_wait3A_682, %dma_wait3A_683] : memref<50000x128xi32, #tpu.memory_space<hbm>> -> memref<8x128xi32, #tpu.memory_space<hbm>>
        tpu.wait_dma2 semaphore(%arg11 : memref<!tpu.dma_semaphore, #tpu.memory_space<semaphore_mem>>) src(%dma_wait3A_684 : memref<8x128xi32, #tpu.memory_space<hbm>>) dst(%dma_wait3A_681 : memref<8x128xi32, #tpu.memory_space<vmem>>)
        %dma_start3A_685 = arith.constant 0 : i32
        %dma_start3A_686 = arith.constant 0 : i32
        %dma_start3A_687 = arith.constant 0 : i32
        %dma_start3A_688 = arith.constant 0 : i32
        %dma_start3A_689 = tpu.memref_slice %arg10[%dma_start3A_686, %dma_start3A_687, %dma_start3A_688] : memref<2x1024x8xf32, #tpu.memory_space<vmem>> -> memref<1x1024x8xf32, #tpu.memory_space<vmem>>
        %dma_start3A_690 = tpu.memref_squeeze %dma_start3A_689 : memref<1x1024x8xf32, #tpu.memory_space<vmem>> -> memref<1024x8xf32, #tpu.memory_space<vmem>>
        %dma_start3A_691 = arith.constant 0 : i32
        %dma_start3A_692 = tpu.memref_slice %arg8[%dma_start3A_685, %dma_start3A_691] : memref<2x1024xi32, #tpu.memory_space<vmem>> -> memref<1x1024xi32, #tpu.memory_space<vmem>>
        %dma_start3A_693 = tpu.memref_squeeze %dma_start3A_692 : memref<1x1024xi32, #tpu.memory_space<vmem>> -> memref<1024xi32, #tpu.memory_space<vmem>>
        %dma_start3A_694 = arith.constant 0 : i32
        %dma_start3A_695 = arith.constant 0 : i32
        %dma_start3A_696 = tpu.memref_slice %arg4[%dma_start3A_694, %dma_start3A_695] : memref<100096x8xf32, #tpu.memory_space<hbm>> -> memref<100096x8xf32, #tpu.memory_space<hbm>>
        tpu.enqueue_indirect_dma source(%dma_start3A_696 : memref<100096x8xf32, #tpu.memory_space<hbm>>) target(%dma_start3A_690 : memref<1024x8xf32, #tpu.memory_space<vmem>>) offsets(%dma_start3A_693 : memref<1024xi32, #tpu.memory_space<vmem>>) semaphore(%arg12 : memref<!tpu.dma_semaphore, #tpu.memory_space<semaphore_mem>>)
      } else {
      }
      %dma_start3A_445 = arith.constant 1 : i32
      %dma_start3A_446 = arith.constant 1 : i32
      %dma_start3A_447 = arith.constant 0 : i32
      %dma_start3A_448 = arith.constant 0 : i32
      %dma_start3A_449 = arith.constant 0 : i32
      %dma_start3A_450 = tpu.memref_slice %arg10[%dma_start3A_445, %dma_start3A_448, %dma_start3A_449] : memref<2x1024x8xf32, #tpu.memory_space<vmem>> -> memref<1x128x8xf32, #tpu.memory_space<vmem>>
      %dma_start3A_451 = tpu.memref_squeeze %dma_start3A_450 : memref<1x128x8xf32, #tpu.memory_space<vmem>> -> memref<128x8xf32, #tpu.memory_space<vmem>>
      %dma_start3A_452 = arith.constant 0 : i32
      %dma_start3A_453 = tpu.memref_slice %arg9[%dma_start3A_446, %dma_start3A_447, %dma_start3A_452] : memref<2x8x128xi32, #tpu.memory_space<vmem>> -> memref<1x1x128xi32, #tpu.memory_space<vmem>>
      %dma_start3A_454 = tpu.memref_squeeze %dma_start3A_453 : memref<1x1x128xi32, #tpu.memory_space<vmem>> -> memref<128xi32, #tpu.memory_space<vmem>>
      %dma_start3A_455 = arith.constant 0 : i32
      %dma_start3A_456 = arith.constant 0 : i32
      %dma_start3A_457 = tpu.memref_slice %arg7[%dma_start3A_455, %dma_start3A_456] : memref<100096x8xf32, #tpu.memory_space<vmem_shared>> -> memref<100096x8xf32, #tpu.memory_space<vmem_shared>>
      tpu.enqueue_indirect_dma source(%dma_start3A_451 : memref<128x8xf32, #tpu.memory_space<vmem>>) target(%dma_start3A_457 : memref<100096x8xf32, #tpu.memory_space<vmem_shared>>) offsets(%dma_start3A_454 : memref<128xi32, #tpu.memory_space<vmem>>) semaphore(%arg13 : memref<!tpu.dma_semaphore, #tpu.memory_space<semaphore_mem>>) {add = true}
      %dma_start3A_458 = arith.constant 1 : i32
      %dma_start3A_459 = arith.constant 1 : i32
      %dma_start3A_460 = arith.constant 1 : i32
      %dma_start3A_461 = arith.constant 128 : i32
      %dma_start3A_462 = arith.constant 0 : i32
      %dma_start3A_463 = tpu.memref_slice %arg10[%dma_start3A_458, %dma_start3A_461, %dma_start3A_462] : memref<2x1024x8xf32, #tpu.memory_space<vmem>> -> memref<1x128x8xf32, #tpu.memory_space<vmem>>
      %dma_start3A_464 = tpu.memref_squeeze %dma_start3A_463 : memref<1x128x8xf32, #tpu.memory_space<vmem>> -> memref<128x8xf32, #tpu.memory_space<vmem>>
      %dma_start3A_465 = arith.constant 0 : i32
      %dma_start3A_466 = tpu.memref_slice %arg9[%dma_start3A_459, %dma_start3A_460, %dma_start3A_465] : memref<2x8x128xi32, #tpu.memory_space<vmem>> -> memref<1x1x128xi32, #tpu.memory_space<vmem>>
      %dma_start3A_467 = tpu.memref_squeeze %dma_start3A_466 : memref<1x1x128xi32, #tpu.memory_space<vmem>> -> memref<128xi32, #tpu.memory_space<vmem>>
      %dma_start3A_468 = arith.constant 0 : i32
      %dma_start3A_469 = arith.constant 0 : i32
      %dma_start3A_470 = tpu.memref_slice %arg7[%dma_start3A_468, %dma_start3A_469] : memref<100096x8xf32, #tpu.memory_space<vmem_shared>> -> memref<100096x8xf32, #tpu.memory_space<vmem_shared>>
      tpu.enqueue_indirect_dma source(%dma_start3A_464 : memref<128x8xf32, #tpu.memory_space<vmem>>) target(%dma_start3A_470 : memref<100096x8xf32, #tpu.memory_space<vmem_shared>>) offsets(%dma_start3A_467 : memref<128xi32, #tpu.memory_space<vmem>>) semaphore(%arg13 : memref<!tpu.dma_semaphore, #tpu.memory_space<semaphore_mem>>) {add = true}
      %dma_start3A_471 = arith.constant 1 : i32
      %dma_start3A_472 = arith.constant 1 : i32
      %dma_start3A_473 = arith.constant 2 : i32
      %dma_start3A_474 = arith.constant 256 : i32
      %dma_start3A_475 = arith.constant 0 : i32
      %dma_start3A_476 = tpu.memref_slice %arg10[%dma_start3A_471, %dma_start3A_474, %dma_start3A_475] : memref<2x1024x8xf32, #tpu.memory_space<vmem>> -> memref<1x128x8xf32, #tpu.memory_space<vmem>>
      %dma_start3A_477 = tpu.memref_squeeze %dma_start3A_476 : memref<1x128x8xf32, #tpu.memory_space<vmem>> -> memref<128x8xf32, #tpu.memory_space<vmem>>
      %dma_start3A_478 = arith.constant 0 : i32
      %dma_start3A_479 = tpu.memref_slice %arg9[%dma_start3A_472, %dma_start3A_473, %dma_start3A_478] : memref<2x8x128xi32, #tpu.memory_space<vmem>> -> memref<1x1x128xi32, #tpu.memory_space<vmem>>
      %dma_start3A_480 = tpu.memref_squeeze %dma_start3A_479 : memref<1x1x128xi32, #tpu.memory_space<vmem>> -> memref<128xi32, #tpu.memory_space<vmem>>
      %dma_start3A_481 = arith.constant 0 : i32
      %dma_start3A_482 = arith.constant 0 : i32
      %dma_start3A_483 = tpu.memref_slice %arg7[%dma_start3A_481, %dma_start3A_482] : memref<100096x8xf32, #tpu.memory_space<vmem_shared>> -> memref<100096x8xf32, #tpu.memory_space<vmem_shared>>
      tpu.enqueue_indirect_dma source(%dma_start3A_477 : memref<128x8xf32, #tpu.memory_space<vmem>>) target(%dma_start3A_483 : memref<100096x8xf32, #tpu.memory_space<vmem_shared>>) offsets(%dma_start3A_480 : memref<128xi32, #tpu.memory_space<vmem>>) semaphore(%arg13 : memref<!tpu.dma_semaphore, #tpu.memory_space<semaphore_mem>>) {add = true}
      %dma_start3A_484 = arith.constant 1 : i32
      %dma_start3A_485 = arith.constant 1 : i32
      %dma_start3A_486 = arith.constant 3 : i32
      %dma_start3A_487 = arith.constant 384 : i32
      %dma_start3A_488 = arith.constant 0 : i32
      %dma_start3A_489 = tpu.memref_slice %arg10[%dma_start3A_484, %dma_start3A_487, %dma_start3A_488] : memref<2x1024x8xf32, #tpu.memory_space<vmem>> -> memref<1x128x8xf32, #tpu.memory_space<vmem>>
      %dma_start3A_490 = tpu.memref_squeeze %dma_start3A_489 : memref<1x128x8xf32, #tpu.memory_space<vmem>> -> memref<128x8xf32, #tpu.memory_space<vmem>>
      %dma_start3A_491 = arith.constant 0 : i32
      %dma_start3A_492 = tpu.memref_slice %arg9[%dma_start3A_485, %dma_start3A_486, %dma_start3A_491] : memref<2x8x128xi32, #tpu.memory_space<vmem>> -> memref<1x1x128xi32, #tpu.memory_space<vmem>>
      %dma_start3A_493 = tpu.memref_squeeze %dma_start3A_492 : memref<1x1x128xi32, #tpu.memory_space<vmem>> -> memref<128xi32, #tpu.memory_space<vmem>>
      %dma_start3A_494 = arith.constant 0 : i32
      %dma_start3A_495 = arith.constant 0 : i32
      %dma_start3A_496 = tpu.memref_slice %arg7[%dma_start3A_494, %dma_start3A_495] : memref<100096x8xf32, #tpu.memory_space<vmem_shared>> -> memref<100096x8xf32, #tpu.memory_space<vmem_shared>>
      tpu.enqueue_indirect_dma source(%dma_start3A_490 : memref<128x8xf32, #tpu.memory_space<vmem>>) target(%dma_start3A_496 : memref<100096x8xf32, #tpu.memory_space<vmem_shared>>) offsets(%dma_start3A_493 : memref<128xi32, #tpu.memory_space<vmem>>) semaphore(%arg13 : memref<!tpu.dma_semaphore, #tpu.memory_space<semaphore_mem>>) {add = true}
      %dma_start3A_497 = arith.constant 1 : i32
      %dma_start3A_498 = arith.constant 1 : i32
      %dma_start3A_499 = arith.constant 4 : i32
      %dma_start3A_500 = arith.constant 512 : i32
      %dma_start3A_501 = arith.constant 0 : i32
      %dma_start3A_502 = tpu.memref_slice %arg10[%dma_start3A_497, %dma_start3A_500, %dma_start3A_501] : memref<2x1024x8xf32, #tpu.memory_space<vmem>> -> memref<1x128x8xf32, #tpu.memory_space<vmem>>
      %dma_start3A_503 = tpu.memref_squeeze %dma_start3A_502 : memref<1x128x8xf32, #tpu.memory_space<vmem>> -> memref<128x8xf32, #tpu.memory_space<vmem>>
      %dma_start3A_504 = arith.constant 0 : i32
      %dma_start3A_505 = tpu.memref_slice %arg9[%dma_start3A_498, %dma_start3A_499, %dma_start3A_504] : memref<2x8x128xi32, #tpu.memory_space<vmem>> -> memref<1x1x128xi32, #tpu.memory_space<vmem>>
      %dma_start3A_506 = tpu.memref_squeeze %dma_start3A_505 : memref<1x1x128xi32, #tpu.memory_space<vmem>> -> memref<128xi32, #tpu.memory_space<vmem>>
      %dma_start3A_507 = arith.constant 0 : i32
      %dma_start3A_508 = arith.constant 0 : i32
      %dma_start3A_509 = tpu.memref_slice %arg7[%dma_start3A_507, %dma_start3A_508] : memref<100096x8xf32, #tpu.memory_space<vmem_shared>> -> memref<100096x8xf32, #tpu.memory_space<vmem_shared>>
      tpu.enqueue_indirect_dma source(%dma_start3A_503 : memref<128x8xf32, #tpu.memory_space<vmem>>) target(%dma_start3A_509 : memref<100096x8xf32, #tpu.memory_space<vmem_shared>>) offsets(%dma_start3A_506 : memref<128xi32, #tpu.memory_space<vmem>>) semaphore(%arg13 : memref<!tpu.dma_semaphore, #tpu.memory_space<semaphore_mem>>) {add = true}
      %dma_start3A_510 = arith.constant 1 : i32
      %dma_start3A_511 = arith.constant 1 : i32
      %dma_start3A_512 = arith.constant 5 : i32
      %dma_start3A_513 = arith.constant 640 : i32
      %dma_start3A_514 = arith.constant 0 : i32
      %dma_start3A_515 = tpu.memref_slice %arg10[%dma_start3A_510, %dma_start3A_513, %dma_start3A_514] : memref<2x1024x8xf32, #tpu.memory_space<vmem>> -> memref<1x128x8xf32, #tpu.memory_space<vmem>>
      %dma_start3A_516 = tpu.memref_squeeze %dma_start3A_515 : memref<1x128x8xf32, #tpu.memory_space<vmem>> -> memref<128x8xf32, #tpu.memory_space<vmem>>
      %dma_start3A_517 = arith.constant 0 : i32
      %dma_start3A_518 = tpu.memref_slice %arg9[%dma_start3A_511, %dma_start3A_512, %dma_start3A_517] : memref<2x8x128xi32, #tpu.memory_space<vmem>> -> memref<1x1x128xi32, #tpu.memory_space<vmem>>
      %dma_start3A_519 = tpu.memref_squeeze %dma_start3A_518 : memref<1x1x128xi32, #tpu.memory_space<vmem>> -> memref<128xi32, #tpu.memory_space<vmem>>
      %dma_start3A_520 = arith.constant 0 : i32
      %dma_start3A_521 = arith.constant 0 : i32
      %dma_start3A_522 = tpu.memref_slice %arg7[%dma_start3A_520, %dma_start3A_521] : memref<100096x8xf32, #tpu.memory_space<vmem_shared>> -> memref<100096x8xf32, #tpu.memory_space<vmem_shared>>
      tpu.enqueue_indirect_dma source(%dma_start3A_516 : memref<128x8xf32, #tpu.memory_space<vmem>>) target(%dma_start3A_522 : memref<100096x8xf32, #tpu.memory_space<vmem_shared>>) offsets(%dma_start3A_519 : memref<128xi32, #tpu.memory_space<vmem>>) semaphore(%arg13 : memref<!tpu.dma_semaphore, #tpu.memory_space<semaphore_mem>>) {add = true}
      %dma_start3A_523 = arith.constant 1 : i32
      %dma_start3A_524 = arith.constant 1 : i32
      %dma_start3A_525 = arith.constant 6 : i32
      %dma_start3A_526 = arith.constant 768 : i32
      %dma_start3A_527 = arith.constant 0 : i32
      %dma_start3A_528 = tpu.memref_slice %arg10[%dma_start3A_523, %dma_start3A_526, %dma_start3A_527] : memref<2x1024x8xf32, #tpu.memory_space<vmem>> -> memref<1x128x8xf32, #tpu.memory_space<vmem>>
      %dma_start3A_529 = tpu.memref_squeeze %dma_start3A_528 : memref<1x128x8xf32, #tpu.memory_space<vmem>> -> memref<128x8xf32, #tpu.memory_space<vmem>>
      %dma_start3A_530 = arith.constant 0 : i32
      %dma_start3A_531 = tpu.memref_slice %arg9[%dma_start3A_524, %dma_start3A_525, %dma_start3A_530] : memref<2x8x128xi32, #tpu.memory_space<vmem>> -> memref<1x1x128xi32, #tpu.memory_space<vmem>>
      %dma_start3A_532 = tpu.memref_squeeze %dma_start3A_531 : memref<1x1x128xi32, #tpu.memory_space<vmem>> -> memref<128xi32, #tpu.memory_space<vmem>>
      %dma_start3A_533 = arith.constant 0 : i32
      %dma_start3A_534 = arith.constant 0 : i32
      %dma_start3A_535 = tpu.memref_slice %arg7[%dma_start3A_533, %dma_start3A_534] : memref<100096x8xf32, #tpu.memory_space<vmem_shared>> -> memref<100096x8xf32, #tpu.memory_space<vmem_shared>>
      tpu.enqueue_indirect_dma source(%dma_start3A_529 : memref<128x8xf32, #tpu.memory_space<vmem>>) target(%dma_start3A_535 : memref<100096x8xf32, #tpu.memory_space<vmem_shared>>) offsets(%dma_start3A_532 : memref<128xi32, #tpu.memory_space<vmem>>) semaphore(%arg13 : memref<!tpu.dma_semaphore, #tpu.memory_space<semaphore_mem>>) {add = true}
      %dma_start3A_536 = arith.constant 1 : i32
      %dma_start3A_537 = arith.constant 1 : i32
      %dma_start3A_538 = arith.constant 7 : i32
      %dma_start3A_539 = arith.constant 896 : i32
      %dma_start3A_540 = arith.constant 0 : i32
      %dma_start3A_541 = tpu.memref_slice %arg10[%dma_start3A_536, %dma_start3A_539, %dma_start3A_540] : memref<2x1024x8xf32, #tpu.memory_space<vmem>> -> memref<1x128x8xf32, #tpu.memory_space<vmem>>
      %dma_start3A_542 = tpu.memref_squeeze %dma_start3A_541 : memref<1x128x8xf32, #tpu.memory_space<vmem>> -> memref<128x8xf32, #tpu.memory_space<vmem>>
      %dma_start3A_543 = arith.constant 0 : i32
      %dma_start3A_544 = tpu.memref_slice %arg9[%dma_start3A_537, %dma_start3A_538, %dma_start3A_543] : memref<2x8x128xi32, #tpu.memory_space<vmem>> -> memref<1x1x128xi32, #tpu.memory_space<vmem>>
      %dma_start3A_545 = tpu.memref_squeeze %dma_start3A_544 : memref<1x1x128xi32, #tpu.memory_space<vmem>> -> memref<128xi32, #tpu.memory_space<vmem>>
      %dma_start3A_546 = arith.constant 0 : i32
      %dma_start3A_547 = arith.constant 0 : i32
      %dma_start3A_548 = tpu.memref_slice %arg7[%dma_start3A_546, %dma_start3A_547] : memref<100096x8xf32, #tpu.memory_space<vmem_shared>> -> memref<100096x8xf32, #tpu.memory_space<vmem_shared>>
      tpu.enqueue_indirect_dma source(%dma_start3A_542 : memref<128x8xf32, #tpu.memory_space<vmem>>) target(%dma_start3A_548 : memref<100096x8xf32, #tpu.memory_space<vmem_shared>>) offsets(%dma_start3A_545 : memref<128xi32, #tpu.memory_space<vmem>>) semaphore(%arg13 : memref<!tpu.dma_semaphore, #tpu.memory_space<semaphore_mem>>) {add = true}
      %dma_wait3A_549 = arith.constant 1 : i32
      %dma_wait3A_550 = arith.constant 1 : i32
      %dma_wait3A_551 = arith.constant 0 : i32
      %dma_wait3A_552 = arith.constant 0 : i32
      %dma_wait3A_553 = arith.constant 0 : i32
      %dma_wait3A_554 = tpu.memref_slice %arg10[%dma_wait3A_549, %dma_wait3A_552, %dma_wait3A_553] : memref<2x1024x8xf32, #tpu.memory_space<vmem>> -> memref<1x128x8xf32, #tpu.memory_space<vmem>>
      %dma_wait3A_555 = tpu.memref_squeeze %dma_wait3A_554 : memref<1x128x8xf32, #tpu.memory_space<vmem>> -> memref<128x8xf32, #tpu.memory_space<vmem>>
      %dma_wait3A_556 = arith.constant 0 : i32
      %dma_wait3A_557 = tpu.memref_slice %arg9[%dma_wait3A_550, %dma_wait3A_551, %dma_wait3A_556] : memref<2x8x128xi32, #tpu.memory_space<vmem>> -> memref<1x1x128xi32, #tpu.memory_space<vmem>>
      %dma_wait3A_558 = tpu.memref_squeeze %dma_wait3A_557 : memref<1x1x128xi32, #tpu.memory_space<vmem>> -> memref<128xi32, #tpu.memory_space<vmem>>
      %dma_wait3A_559 = arith.constant 0 : i32
      %dma_wait3A_560 = arith.constant 0 : i32
      %dma_wait3A_561 = tpu.memref_slice %arg7[%dma_wait3A_559, %dma_wait3A_560] : memref<100096x8xf32, #tpu.memory_space<vmem_shared>> -> memref<100096x8xf32, #tpu.memory_space<vmem_shared>>
      tpu.wait_indirect_dma semaphore(%arg13 : memref<!tpu.dma_semaphore, #tpu.memory_space<semaphore_mem>>) src(%dma_wait3A_555 : memref<128x8xf32, #tpu.memory_space<vmem>>) dst(%dma_wait3A_561 : memref<100096x8xf32, #tpu.memory_space<vmem_shared>>)
      %dma_wait3A_562 = arith.constant 1 : i32
      %dma_wait3A_563 = arith.constant 1 : i32
      %dma_wait3A_564 = arith.constant 1 : i32
      %dma_wait3A_565 = arith.constant 128 : i32
      %dma_wait3A_566 = arith.constant 0 : i32
      %dma_wait3A_567 = tpu.memref_slice %arg10[%dma_wait3A_562, %dma_wait3A_565, %dma_wait3A_566] : memref<2x1024x8xf32, #tpu.memory_space<vmem>> -> memref<1x128x8xf32, #tpu.memory_space<vmem>>
      %dma_wait3A_568 = tpu.memref_squeeze %dma_wait3A_567 : memref<1x128x8xf32, #tpu.memory_space<vmem>> -> memref<128x8xf32, #tpu.memory_space<vmem>>
      %dma_wait3A_569 = arith.constant 0 : i32
      %dma_wait3A_570 = tpu.memref_slice %arg9[%dma_wait3A_563, %dma_wait3A_564, %dma_wait3A_569] : memref<2x8x128xi32, #tpu.memory_space<vmem>> -> memref<1x1x128xi32, #tpu.memory_space<vmem>>
      %dma_wait3A_571 = tpu.memref_squeeze %dma_wait3A_570 : memref<1x1x128xi32, #tpu.memory_space<vmem>> -> memref<128xi32, #tpu.memory_space<vmem>>
      %dma_wait3A_572 = arith.constant 0 : i32
      %dma_wait3A_573 = arith.constant 0 : i32
      %dma_wait3A_574 = tpu.memref_slice %arg7[%dma_wait3A_572, %dma_wait3A_573] : memref<100096x8xf32, #tpu.memory_space<vmem_shared>> -> memref<100096x8xf32, #tpu.memory_space<vmem_shared>>
      tpu.wait_indirect_dma semaphore(%arg13 : memref<!tpu.dma_semaphore, #tpu.memory_space<semaphore_mem>>) src(%dma_wait3A_568 : memref<128x8xf32, #tpu.memory_space<vmem>>) dst(%dma_wait3A_574 : memref<100096x8xf32, #tpu.memory_space<vmem_shared>>)
      %dma_wait3A_575 = arith.constant 1 : i32
      %dma_wait3A_576 = arith.constant 1 : i32
      %dma_wait3A_577 = arith.constant 2 : i32
      %dma_wait3A_578 = arith.constant 256 : i32
      %dma_wait3A_579 = arith.constant 0 : i32
      %dma_wait3A_580 = tpu.memref_slice %arg10[%dma_wait3A_575, %dma_wait3A_578, %dma_wait3A_579] : memref<2x1024x8xf32, #tpu.memory_space<vmem>> -> memref<1x128x8xf32, #tpu.memory_space<vmem>>
      %dma_wait3A_581 = tpu.memref_squeeze %dma_wait3A_580 : memref<1x128x8xf32, #tpu.memory_space<vmem>> -> memref<128x8xf32, #tpu.memory_space<vmem>>
      %dma_wait3A_582 = arith.constant 0 : i32
      %dma_wait3A_583 = tpu.memref_slice %arg9[%dma_wait3A_576, %dma_wait3A_577, %dma_wait3A_582] : memref<2x8x128xi32, #tpu.memory_space<vmem>> -> memref<1x1x128xi32, #tpu.memory_space<vmem>>
      %dma_wait3A_584 = tpu.memref_squeeze %dma_wait3A_583 : memref<1x1x128xi32, #tpu.memory_space<vmem>> -> memref<128xi32, #tpu.memory_space<vmem>>
      %dma_wait3A_585 = arith.constant 0 : i32
      %dma_wait3A_586 = arith.constant 0 : i32
      %dma_wait3A_587 = tpu.memref_slice %arg7[%dma_wait3A_585, %dma_wait3A_586] : memref<100096x8xf32, #tpu.memory_space<vmem_shared>> -> memref<100096x8xf32, #tpu.memory_space<vmem_shared>>
      tpu.wait_indirect_dma semaphore(%arg13 : memref<!tpu.dma_semaphore, #tpu.memory_space<semaphore_mem>>) src(%dma_wait3A_581 : memref<128x8xf32, #tpu.memory_space<vmem>>) dst(%dma_wait3A_587 : memref<100096x8xf32, #tpu.memory_space<vmem_shared>>)
      %dma_wait3A_588 = arith.constant 1 : i32
      %dma_wait3A_589 = arith.constant 1 : i32
      %dma_wait3A_590 = arith.constant 3 : i32
      %dma_wait3A_591 = arith.constant 384 : i32
      %dma_wait3A_592 = arith.constant 0 : i32
      %dma_wait3A_593 = tpu.memref_slice %arg10[%dma_wait3A_588, %dma_wait3A_591, %dma_wait3A_592] : memref<2x1024x8xf32, #tpu.memory_space<vmem>> -> memref<1x128x8xf32, #tpu.memory_space<vmem>>
      %dma_wait3A_594 = tpu.memref_squeeze %dma_wait3A_593 : memref<1x128x8xf32, #tpu.memory_space<vmem>> -> memref<128x8xf32, #tpu.memory_space<vmem>>
      %dma_wait3A_595 = arith.constant 0 : i32
      %dma_wait3A_596 = tpu.memref_slice %arg9[%dma_wait3A_589, %dma_wait3A_590, %dma_wait3A_595] : memref<2x8x128xi32, #tpu.memory_space<vmem>> -> memref<1x1x128xi32, #tpu.memory_space<vmem>>
      %dma_wait3A_597 = tpu.memref_squeeze %dma_wait3A_596 : memref<1x1x128xi32, #tpu.memory_space<vmem>> -> memref<128xi32, #tpu.memory_space<vmem>>
      %dma_wait3A_598 = arith.constant 0 : i32
      %dma_wait3A_599 = arith.constant 0 : i32
      %dma_wait3A_600 = tpu.memref_slice %arg7[%dma_wait3A_598, %dma_wait3A_599] : memref<100096x8xf32, #tpu.memory_space<vmem_shared>> -> memref<100096x8xf32, #tpu.memory_space<vmem_shared>>
      tpu.wait_indirect_dma semaphore(%arg13 : memref<!tpu.dma_semaphore, #tpu.memory_space<semaphore_mem>>) src(%dma_wait3A_594 : memref<128x8xf32, #tpu.memory_space<vmem>>) dst(%dma_wait3A_600 : memref<100096x8xf32, #tpu.memory_space<vmem_shared>>)
      %dma_wait3A_601 = arith.constant 1 : i32
      %dma_wait3A_602 = arith.constant 1 : i32
      %dma_wait3A_603 = arith.constant 4 : i32
      %dma_wait3A_604 = arith.constant 512 : i32
      %dma_wait3A_605 = arith.constant 0 : i32
      %dma_wait3A_606 = tpu.memref_slice %arg10[%dma_wait3A_601, %dma_wait3A_604, %dma_wait3A_605] : memref<2x1024x8xf32, #tpu.memory_space<vmem>> -> memref<1x128x8xf32, #tpu.memory_space<vmem>>
      %dma_wait3A_607 = tpu.memref_squeeze %dma_wait3A_606 : memref<1x128x8xf32, #tpu.memory_space<vmem>> -> memref<128x8xf32, #tpu.memory_space<vmem>>
      %dma_wait3A_608 = arith.constant 0 : i32
      %dma_wait3A_609 = tpu.memref_slice %arg9[%dma_wait3A_602, %dma_wait3A_603, %dma_wait3A_608] : memref<2x8x128xi32, #tpu.memory_space<vmem>> -> memref<1x1x128xi32, #tpu.memory_space<vmem>>
      %dma_wait3A_610 = tpu.memref_squeeze %dma_wait3A_609 : memref<1x1x128xi32, #tpu.memory_space<vmem>> -> memref<128xi32, #tpu.memory_space<vmem>>
      %dma_wait3A_611 = arith.constant 0 : i32
      %dma_wait3A_612 = arith.constant 0 : i32
      %dma_wait3A_613 = tpu.memref_slice %arg7[%dma_wait3A_611, %dma_wait3A_612] : memref<100096x8xf32, #tpu.memory_space<vmem_shared>> -> memref<100096x8xf32, #tpu.memory_space<vmem_shared>>
      tpu.wait_indirect_dma semaphore(%arg13 : memref<!tpu.dma_semaphore, #tpu.memory_space<semaphore_mem>>) src(%dma_wait3A_607 : memref<128x8xf32, #tpu.memory_space<vmem>>) dst(%dma_wait3A_613 : memref<100096x8xf32, #tpu.memory_space<vmem_shared>>)
      %dma_wait3A_614 = arith.constant 1 : i32
      %dma_wait3A_615 = arith.constant 1 : i32
      %dma_wait3A_616 = arith.constant 5 : i32
      %dma_wait3A_617 = arith.constant 640 : i32
      %dma_wait3A_618 = arith.constant 0 : i32
      %dma_wait3A_619 = tpu.memref_slice %arg10[%dma_wait3A_614, %dma_wait3A_617, %dma_wait3A_618] : memref<2x1024x8xf32, #tpu.memory_space<vmem>> -> memref<1x128x8xf32, #tpu.memory_space<vmem>>
      %dma_wait3A_620 = tpu.memref_squeeze %dma_wait3A_619 : memref<1x128x8xf32, #tpu.memory_space<vmem>> -> memref<128x8xf32, #tpu.memory_space<vmem>>
      %dma_wait3A_621 = arith.constant 0 : i32
      %dma_wait3A_622 = tpu.memref_slice %arg9[%dma_wait3A_615, %dma_wait3A_616, %dma_wait3A_621] : memref<2x8x128xi32, #tpu.memory_space<vmem>> -> memref<1x1x128xi32, #tpu.memory_space<vmem>>
      %dma_wait3A_623 = tpu.memref_squeeze %dma_wait3A_622 : memref<1x1x128xi32, #tpu.memory_space<vmem>> -> memref<128xi32, #tpu.memory_space<vmem>>
      %dma_wait3A_624 = arith.constant 0 : i32
      %dma_wait3A_625 = arith.constant 0 : i32
      %dma_wait3A_626 = tpu.memref_slice %arg7[%dma_wait3A_624, %dma_wait3A_625] : memref<100096x8xf32, #tpu.memory_space<vmem_shared>> -> memref<100096x8xf32, #tpu.memory_space<vmem_shared>>
      tpu.wait_indirect_dma semaphore(%arg13 : memref<!tpu.dma_semaphore, #tpu.memory_space<semaphore_mem>>) src(%dma_wait3A_620 : memref<128x8xf32, #tpu.memory_space<vmem>>) dst(%dma_wait3A_626 : memref<100096x8xf32, #tpu.memory_space<vmem_shared>>)
      %dma_wait3A_627 = arith.constant 1 : i32
      %dma_wait3A_628 = arith.constant 1 : i32
      %dma_wait3A_629 = arith.constant 6 : i32
      %dma_wait3A_630 = arith.constant 768 : i32
      %dma_wait3A_631 = arith.constant 0 : i32
      %dma_wait3A_632 = tpu.memref_slice %arg10[%dma_wait3A_627, %dma_wait3A_630, %dma_wait3A_631] : memref<2x1024x8xf32, #tpu.memory_space<vmem>> -> memref<1x128x8xf32, #tpu.memory_space<vmem>>
      %dma_wait3A_633 = tpu.memref_squeeze %dma_wait3A_632 : memref<1x128x8xf32, #tpu.memory_space<vmem>> -> memref<128x8xf32, #tpu.memory_space<vmem>>
      %dma_wait3A_634 = arith.constant 0 : i32
      %dma_wait3A_635 = tpu.memref_slice %arg9[%dma_wait3A_628, %dma_wait3A_629, %dma_wait3A_634] : memref<2x8x128xi32, #tpu.memory_space<vmem>> -> memref<1x1x128xi32, #tpu.memory_space<vmem>>
      %dma_wait3A_636 = tpu.memref_squeeze %dma_wait3A_635 : memref<1x1x128xi32, #tpu.memory_space<vmem>> -> memref<128xi32, #tpu.memory_space<vmem>>
      %dma_wait3A_637 = arith.constant 0 : i32
      %dma_wait3A_638 = arith.constant 0 : i32
      %dma_wait3A_639 = tpu.memref_slice %arg7[%dma_wait3A_637, %dma_wait3A_638] : memref<100096x8xf32, #tpu.memory_space<vmem_shared>> -> memref<100096x8xf32, #tpu.memory_space<vmem_shared>>
      tpu.wait_indirect_dma semaphore(%arg13 : memref<!tpu.dma_semaphore, #tpu.memory_space<semaphore_mem>>) src(%dma_wait3A_633 : memref<128x8xf32, #tpu.memory_space<vmem>>) dst(%dma_wait3A_639 : memref<100096x8xf32, #tpu.memory_space<vmem_shared>>)
      %dma_wait3A_640 = arith.constant 1 : i32
      %dma_wait3A_641 = arith.constant 1 : i32
      %dma_wait3A_642 = arith.constant 7 : i32
      %dma_wait3A_643 = arith.constant 896 : i32
      %dma_wait3A_644 = arith.constant 0 : i32
      %dma_wait3A_645 = tpu.memref_slice %arg10[%dma_wait3A_640, %dma_wait3A_643, %dma_wait3A_644] : memref<2x1024x8xf32, #tpu.memory_space<vmem>> -> memref<1x128x8xf32, #tpu.memory_space<vmem>>
      %dma_wait3A_646 = tpu.memref_squeeze %dma_wait3A_645 : memref<1x128x8xf32, #tpu.memory_space<vmem>> -> memref<128x8xf32, #tpu.memory_space<vmem>>
      %dma_wait3A_647 = arith.constant 0 : i32
      %dma_wait3A_648 = tpu.memref_slice %arg9[%dma_wait3A_641, %dma_wait3A_642, %dma_wait3A_647] : memref<2x8x128xi32, #tpu.memory_space<vmem>> -> memref<1x1x128xi32, #tpu.memory_space<vmem>>
      %dma_wait3A_649 = tpu.memref_squeeze %dma_wait3A_648 : memref<1x1x128xi32, #tpu.memory_space<vmem>> -> memref<128xi32, #tpu.memory_space<vmem>>
      %dma_wait3A_650 = arith.constant 0 : i32
      %dma_wait3A_651 = arith.constant 0 : i32
      %dma_wait3A_652 = tpu.memref_slice %arg7[%dma_wait3A_650, %dma_wait3A_651] : memref<100096x8xf32, #tpu.memory_space<vmem_shared>> -> memref<100096x8xf32, #tpu.memory_space<vmem_shared>>
      tpu.wait_indirect_dma semaphore(%arg13 : memref<!tpu.dma_semaphore, #tpu.memory_space<semaphore_mem>>) src(%dma_wait3A_646 : memref<128x8xf32, #tpu.memory_space<vmem>>) dst(%dma_wait3A_652 : memref<100096x8xf32, #tpu.memory_space<vmem_shared>>)
      %add3A_653 = arith.constant 2 : i32
      %add3A_654 = arith.addi %add3A_426, %add3A_653 : i32
      %lt3A_655 = arith.cmpi slt, %add3A_654, %select_n3A : i32
      %convert_element_type3A_656 = arith.extui %lt3A_655 : i1 to i32
      %cond3A_657 = arith.constant 0 : i32
      %cond3A_658 = arith.cmpi ne, %convert_element_type3A_656, %cond3A_657 : i32
      scf.if %cond3A_658 {
        %add3A_659 = arith.constant 2 : i32
        %add3A_660 = arith.addi %add3A_426, %add3A_659 : i32
        %mul3A_661 = arith.constant 1024 : i32
        %mul3A_662 = arith.muli %add3A_660, %mul3A_661 : i32
        %add3A_663 = arith.addi %mul3A_10, %mul3A_662 : i32
        %dma_start3A_664 = arith.constant 1 : i32
        %dma_start3A_665 = arith.constant 0 : i32
        %dma_start3A_666 = tpu.memref_slice %arg8[%dma_start3A_664, %dma_start3A_665] : memref<2x1024xi32, #tpu.memory_space<vmem>> -> memref<1x1024xi32, #tpu.memory_space<vmem>>
        %dma_start3A_667 = tpu.memref_squeeze %dma_start3A_666 : memref<1x1024xi32, #tpu.memory_space<vmem>> -> memref<1024xi32, #tpu.memory_space<vmem>>
        %dma_start3A_668 = tpu.memref_slice %arg2[%add3A_663] : memref<6400000xi32, #tpu.memory_space<hbm>> -> memref<1024xi32, #tpu.memory_space<hbm>>
        %dma_start3A_669 = arith.constant 0 : i32
        %dma_start3A_670 = tpu.memref_slice %arg8[%dma_start3A_664, %dma_start3A_669] : memref<2x1024xi32, #tpu.memory_space<vmem>> -> memref<1x1024xi32, #tpu.memory_space<vmem>>
        %dma_start3A_671 = tpu.memref_squeeze %dma_start3A_670 : memref<1x1024xi32, #tpu.memory_space<vmem>> -> memref<1024xi32, #tpu.memory_space<vmem>>
        %dma_start3A_672 = tpu.memref_slice %arg2[%add3A_663] : memref<6400000xi32, #tpu.memory_space<hbm>> -> memref<1024xi32, #tpu.memory_space<hbm>>
        tpu.enqueue_dma source(%dma_start3A_672 : memref<1024xi32, #tpu.memory_space<hbm>>) target(%dma_start3A_671 : memref<1024xi32, #tpu.memory_space<vmem>>) target_semaphore(%arg11 : memref<!tpu.dma_semaphore, #tpu.memory_space<semaphore_mem>>)
        %jit3A_673 = arith.constant 128 : i32
        %div3A_674 = arith.divsi %add3A_663, %jit3A_673 : i32
        %sign3A_675 = arith.constant 0 : i32
        %sign3A_676 = arith.cmpi sgt, %add3A_663, %sign3A_675 : i32
        %sign3A_677 = arith.extui %sign3A_676 : i1 to i32
        %sign3A_678 = arith.constant 0 : i32
        %sign3A_679 = arith.cmpi slt, %add3A_663, %sign3A_678 : i32
        %sign3A_680 = arith.extui %sign3A_679 : i1 to i32
        %sign3A_681 = arith.subi %sign3A_677, %sign3A_680 : i32
        %sign3A_682 = arith.constant 0 : i32
        %sign3A_683 = arith.cmpi sgt, %jit3A_673, %sign3A_682 : i32
        %sign3A_684 = arith.extui %sign3A_683 : i1 to i32
        %sign3A_685 = arith.constant 0 : i32
        %sign3A_686 = arith.cmpi slt, %jit3A_673, %sign3A_685 : i32
        %sign3A_687 = arith.extui %sign3A_686 : i1 to i32
        %sign3A_688 = arith.subi %sign3A_684, %sign3A_687 : i32
        %ne3A_689 = arith.cmpi ne, %sign3A_681, %sign3A_688 : i32
        %rem3A_690 = arith.remsi %add3A_663, %jit3A_673 : i32
        %ne3A_691 = arith.constant 0 : i32
        %ne3A_692 = arith.cmpi ne, %rem3A_690, %ne3A_691 : i32
        %and3A_693 = arith.andi %ne3A_689, %ne3A_692 : i1
        %sub3A_694 = arith.constant 1 : i32
        %sub3A_695 = arith.subi %div3A_674, %sub3A_694 : i32
        %select_n3A_696 = arith.select %and3A_693, %sub3A_695, %div3A_674 : i32
        %multiple_of3A_697 = tpu.assume_multiple %select_n3A_696, 8 : i32
        %dma_start3A_698 = arith.constant 1 : i32
        %dma_start3A_699 = arith.constant 0 : i32
        %dma_start3A_700 = arith.constant 0 : i32
        %dma_start3A_701 = tpu.memref_slice %arg9[%dma_start3A_698, %dma_start3A_699, %dma_start3A_700] : memref<2x8x128xi32, #tpu.memory_space<vmem>> -> memref<1x8x128xi32, #tpu.memory_space<vmem>>
        %dma_start3A_702 = tpu.memref_squeeze %dma_start3A_701 : memref<1x8x128xi32, #tpu.memory_space<vmem>> -> memref<8x128xi32, #tpu.memory_space<vmem>>
        %dma_start3A_703 = arith.constant 0 : i32
        %dma_start3A_704 = tpu.memref_slice %arg3[%multiple_of3A_697, %dma_start3A_703] : memref<50000x128xi32, #tpu.memory_space<hbm>> -> memref<8x128xi32, #tpu.memory_space<hbm>>
        %dma_start3A_705 = arith.constant 0 : i32
        %dma_start3A_706 = arith.constant 0 : i32
        %dma_start3A_707 = tpu.memref_slice %arg9[%dma_start3A_698, %dma_start3A_705, %dma_start3A_706] : memref<2x8x128xi32, #tpu.memory_space<vmem>> -> memref<1x8x128xi32, #tpu.memory_space<vmem>>
        %dma_start3A_708 = tpu.memref_squeeze %dma_start3A_707 : memref<1x8x128xi32, #tpu.memory_space<vmem>> -> memref<8x128xi32, #tpu.memory_space<vmem>>
        %dma_start3A_709 = arith.constant 0 : i32
        %dma_start3A_710 = tpu.memref_slice %arg3[%multiple_of3A_697, %dma_start3A_709] : memref<50000x128xi32, #tpu.memory_space<hbm>> -> memref<8x128xi32, #tpu.memory_space<hbm>>
        tpu.enqueue_dma source(%dma_start3A_710 : memref<8x128xi32, #tpu.memory_space<hbm>>) target(%dma_start3A_708 : memref<8x128xi32, #tpu.memory_space<vmem>>) target_semaphore(%arg11 : memref<!tpu.dma_semaphore, #tpu.memory_space<semaphore_mem>>)
      } else {
      }
    }
    %while3A_183 = arith.constant 1 : i32
    scf.for %while3A_185 = %while3A_181 to %while3A_177 step %while3A_183  : i32 {
      %mul3A_186 = arith.muli %while3A_185, %while3A : i32
      %add3A_187 = arith.addi %while3A_174, %mul3A_186 : i32
      %mul3A_188 = arith.constant 2 : i32
      %mul3A_189 = arith.muli %mul3A_188, %add3A_187 : i32
      %add3A_190 = arith.constant 0 : i32
      %add3A_191 = arith.addi %mul3A_189, %add3A_190 : i32
      %dma_wait3A_192 = arith.constant 0 : i32
      %dma_wait3A_193 = arith.constant 0 : i32
      %dma_wait3A_194 = arith.constant 0 : i32
      %dma_wait3A_195 = arith.constant 0 : i32
      %dma_wait3A_196 = tpu.memref_slice %arg10[%dma_wait3A_193, %dma_wait3A_194, %dma_wait3A_195] : memref<2x1024x8xf32, #tpu.memory_space<vmem>> -> memref<1x1024x8xf32, #tpu.memory_space<vmem>>
      %dma_wait3A_197 = tpu.memref_squeeze %dma_wait3A_196 : memref<1x1024x8xf32, #tpu.memory_space<vmem>> -> memref<1024x8xf32, #tpu.memory_space<vmem>>
      %dma_wait3A_198 = arith.constant 0 : i32
      %dma_wait3A_199 = tpu.memref_slice %arg8[%dma_wait3A_192, %dma_wait3A_198] : memref<2x1024xi32, #tpu.memory_space<vmem>> -> memref<1x1024xi32, #tpu.memory_space<vmem>>
      %dma_wait3A_200 = tpu.memref_squeeze %dma_wait3A_199 : memref<1x1024xi32, #tpu.memory_space<vmem>> -> memref<1024xi32, #tpu.memory_space<vmem>>
      %dma_wait3A_201 = arith.constant 0 : i32
      %dma_wait3A_202 = arith.constant 0 : i32
      %dma_wait3A_203 = tpu.memref_slice %arg4[%dma_wait3A_201, %dma_wait3A_202] : memref<100096x8xf32, #tpu.memory_space<hbm>> -> memref<100096x8xf32, #tpu.memory_space<hbm>>
      tpu.wait_indirect_dma semaphore(%arg12 : memref<!tpu.dma_semaphore, #tpu.memory_space<semaphore_mem>>) src(%dma_wait3A_203 : memref<100096x8xf32, #tpu.memory_space<hbm>>) dst(%dma_wait3A_197 : memref<1024x8xf32, #tpu.memory_space<vmem>>)
      %add3A_204 = arith.constant 1 : i32
      %add3A_205 = arith.addi %add3A_191, %add3A_204 : i32
      %lt3A = arith.cmpi slt, %add3A_205, %select_n3A : i32
      %convert_element_type3A_206 = arith.extui %lt3A : i1 to i32
      %cond3A_207 = arith.constant 0 : i32
      %cond3A_208 = arith.cmpi ne, %convert_element_type3A_206, %cond3A_207 : i32
      scf.if %cond3A_208 {
        %dma_wait3A_659 = arith.constant 1 : i32
        %dma_wait3A_660 = arith.constant 0 : i32
        %dma_wait3A_661 = tpu.memref_slice %arg8[%dma_wait3A_659, %dma_wait3A_660] : memref<2x1024xi32, #tpu.memory_space<vmem>> -> memref<1x1024xi32, #tpu.memory_space<vmem>>
        %dma_wait3A_662 = tpu.memref_squeeze %dma_wait3A_661 : memref<1x1024xi32, #tpu.memory_space<vmem>> -> memref<1024xi32, #tpu.memory_space<vmem>>
        %dma_wait3A_663 = arith.constant 0 : i32
        %dma_wait3A_664 = tpu.memref_slice %arg2[%dma_wait3A_663] : memref<6400000xi32, #tpu.memory_space<hbm>> -> memref<1024xi32, #tpu.memory_space<hbm>>
        %dma_wait3A_665 = arith.constant 0 : i32
        %dma_wait3A_666 = tpu.memref_slice %arg8[%dma_wait3A_659, %dma_wait3A_665] : memref<2x1024xi32, #tpu.memory_space<vmem>> -> memref<1x1024xi32, #tpu.memory_space<vmem>>
        %dma_wait3A_667 = tpu.memref_squeeze %dma_wait3A_666 : memref<1x1024xi32, #tpu.memory_space<vmem>> -> memref<1024xi32, #tpu.memory_space<vmem>>
        %dma_wait3A_668 = arith.constant 0 : i32
        %dma_wait3A_669 = tpu.memref_slice %arg2[%dma_wait3A_668] : memref<6400000xi32, #tpu.memory_space<hbm>> -> memref<1024xi32, #tpu.memory_space<hbm>>
        tpu.wait_dma2 semaphore(%arg11 : memref<!tpu.dma_semaphore, #tpu.memory_space<semaphore_mem>>) src(%dma_wait3A_669 : memref<1024xi32, #tpu.memory_space<hbm>>) dst(%dma_wait3A_667 : memref<1024xi32, #tpu.memory_space<vmem>>)
        %dma_wait3A_670 = arith.constant 1 : i32
        %dma_wait3A_671 = arith.constant 0 : i32
        %dma_wait3A_672 = arith.constant 0 : i32
        %dma_wait3A_673 = tpu.memref_slice %arg9[%dma_wait3A_670, %dma_wait3A_671, %dma_wait3A_672] : memref<2x8x128xi32, #tpu.memory_space<vmem>> -> memref<1x8x128xi32, #tpu.memory_space<vmem>>
        %dma_wait3A_674 = tpu.memref_squeeze %dma_wait3A_673 : memref<1x8x128xi32, #tpu.memory_space<vmem>> -> memref<8x128xi32, #tpu.memory_space<vmem>>
        %dma_wait3A_675 = arith.constant 0 : i32
        %dma_wait3A_676 = arith.constant 0 : i32
        %dma_wait3A_677 = tpu.memref_slice %arg3[%dma_wait3A_675, %dma_wait3A_676] : memref<50000x128xi32, #tpu.memory_space<hbm>> -> memref<8x128xi32, #tpu.memory_space<hbm>>
        %dma_wait3A_678 = arith.constant 0 : i32
        %dma_wait3A_679 = arith.constant 0 : i32
        %dma_wait3A_680 = tpu.memref_slice %arg9[%dma_wait3A_670, %dma_wait3A_678, %dma_wait3A_679] : memref<2x8x128xi32, #tpu.memory_space<vmem>> -> memref<1x8x128xi32, #tpu.memory_space<vmem>>
        %dma_wait3A_681 = tpu.memref_squeeze %dma_wait3A_680 : memref<1x8x128xi32, #tpu.memory_space<vmem>> -> memref<8x128xi32, #tpu.memory_space<vmem>>
        %dma_wait3A_682 = arith.constant 0 : i32
        %dma_wait3A_683 = arith.constant 0 : i32
        %dma_wait3A_684 = tpu.memref_slice %arg3[%dma_wait3A_682, %dma_wait3A_683] : memref<50000x128xi32, #tpu.memory_space<hbm>> -> memref<8x128xi32, #tpu.memory_space<hbm>>
        tpu.wait_dma2 semaphore(%arg11 : memref<!tpu.dma_semaphore, #tpu.memory_space<semaphore_mem>>) src(%dma_wait3A_684 : memref<8x128xi32, #tpu.memory_space<hbm>>) dst(%dma_wait3A_681 : memref<8x128xi32, #tpu.memory_space<vmem>>)
        %dma_start3A_685 = arith.constant 1 : i32
        %dma_start3A_686 = arith.constant 1 : i32
        %dma_start3A_687 = arith.constant 0 : i32
        %dma_start3A_688 = arith.constant 0 : i32
        %dma_start3A_689 = tpu.memref_slice %arg10[%dma_start3A_686, %dma_start3A_687, %dma_start3A_688] : memref<2x1024x8xf32, #tpu.memory_space<vmem>> -> memref<1x1024x8xf32, #tpu.memory_space<vmem>>
        %dma_start3A_690 = tpu.memref_squeeze %dma_start3A_689 : memref<1x1024x8xf32, #tpu.memory_space<vmem>> -> memref<1024x8xf32, #tpu.memory_space<vmem>>
        %dma_start3A_691 = arith.constant 0 : i32
        %dma_start3A_692 = tpu.memref_slice %arg8[%dma_start3A_685, %dma_start3A_691] : memref<2x1024xi32, #tpu.memory_space<vmem>> -> memref<1x1024xi32, #tpu.memory_space<vmem>>
        %dma_start3A_693 = tpu.memref_squeeze %dma_start3A_692 : memref<1x1024xi32, #tpu.memory_space<vmem>> -> memref<1024xi32, #tpu.memory_space<vmem>>
        %dma_start3A_694 = arith.constant 0 : i32
        %dma_start3A_695 = arith.constant 0 : i32
        %dma_start3A_696 = tpu.memref_slice %arg4[%dma_start3A_694, %dma_start3A_695] : memref<100096x8xf32, #tpu.memory_space<hbm>> -> memref<100096x8xf32, #tpu.memory_space<hbm>>
        tpu.enqueue_indirect_dma source(%dma_start3A_696 : memref<100096x8xf32, #tpu.memory_space<hbm>>) target(%dma_start3A_690 : memref<1024x8xf32, #tpu.memory_space<vmem>>) offsets(%dma_start3A_693 : memref<1024xi32, #tpu.memory_space<vmem>>) semaphore(%arg12 : memref<!tpu.dma_semaphore, #tpu.memory_space<semaphore_mem>>)
      } else {
      }
      %dma_start3A_209 = arith.constant 0 : i32
      %dma_start3A_210 = arith.constant 0 : i32
      %dma_start3A_211 = arith.constant 0 : i32
      %dma_start3A_212 = arith.constant 0 : i32
      %dma_start3A_213 = arith.constant 0 : i32
      %dma_start3A_214 = tpu.memref_slice %arg10[%dma_start3A_209, %dma_start3A_212, %dma_start3A_213] : memref<2x1024x8xf32, #tpu.memory_space<vmem>> -> memref<1x128x8xf32, #tpu.memory_space<vmem>>
      %dma_start3A_215 = tpu.memref_squeeze %dma_start3A_214 : memref<1x128x8xf32, #tpu.memory_space<vmem>> -> memref<128x8xf32, #tpu.memory_space<vmem>>
      %dma_start3A_216 = arith.constant 0 : i32
      %dma_start3A_217 = tpu.memref_slice %arg9[%dma_start3A_210, %dma_start3A_211, %dma_start3A_216] : memref<2x8x128xi32, #tpu.memory_space<vmem>> -> memref<1x1x128xi32, #tpu.memory_space<vmem>>
      %dma_start3A_218 = tpu.memref_squeeze %dma_start3A_217 : memref<1x1x128xi32, #tpu.memory_space<vmem>> -> memref<128xi32, #tpu.memory_space<vmem>>
      %dma_start3A_219 = arith.constant 0 : i32
      %dma_start3A_220 = arith.constant 0 : i32
      %dma_start3A_221 = tpu.memref_slice %arg7[%dma_start3A_219, %dma_start3A_220] : memref<100096x8xf32, #tpu.memory_space<vmem_shared>> -> memref<100096x8xf32, #tpu.memory_space<vmem_shared>>
      tpu.enqueue_indirect_dma source(%dma_start3A_215 : memref<128x8xf32, #tpu.memory_space<vmem>>) target(%dma_start3A_221 : memref<100096x8xf32, #tpu.memory_space<vmem_shared>>) offsets(%dma_start3A_218 : memref<128xi32, #tpu.memory_space<vmem>>) semaphore(%arg13 : memref<!tpu.dma_semaphore, #tpu.memory_space<semaphore_mem>>) {add = true}
      %dma_start3A_222 = arith.constant 0 : i32
      %dma_start3A_223 = arith.constant 0 : i32
      %dma_start3A_224 = arith.constant 1 : i32
      %dma_start3A_225 = arith.constant 128 : i32
      %dma_start3A_226 = arith.constant 0 : i32
      %dma_start3A_227 = tpu.memref_slice %arg10[%dma_start3A_222, %dma_start3A_225, %dma_start3A_226] : memref<2x1024x8xf32, #tpu.memory_space<vmem>> -> memref<1x128x8xf32, #tpu.memory_space<vmem>>
      %dma_start3A_228 = tpu.memref_squeeze %dma_start3A_227 : memref<1x128x8xf32, #tpu.memory_space<vmem>> -> memref<128x8xf32, #tpu.memory_space<vmem>>
      %dma_start3A_229 = arith.constant 0 : i32
      %dma_start3A_230 = tpu.memref_slice %arg9[%dma_start3A_223, %dma_start3A_224, %dma_start3A_229] : memref<2x8x128xi32, #tpu.memory_space<vmem>> -> memref<1x1x128xi32, #tpu.memory_space<vmem>>
      %dma_start3A_231 = tpu.memref_squeeze %dma_start3A_230 : memref<1x1x128xi32, #tpu.memory_space<vmem>> -> memref<128xi32, #tpu.memory_space<vmem>>
      %dma_start3A_232 = arith.constant 0 : i32
      %dma_start3A_233 = arith.constant 0 : i32
      %dma_start3A_234 = tpu.memref_slice %arg7[%dma_start3A_232, %dma_start3A_233] : memref<100096x8xf32, #tpu.memory_space<vmem_shared>> -> memref<100096x8xf32, #tpu.memory_space<vmem_shared>>
      tpu.enqueue_indirect_dma source(%dma_start3A_228 : memref<128x8xf32, #tpu.memory_space<vmem>>) target(%dma_start3A_234 : memref<100096x8xf32, #tpu.memory_space<vmem_shared>>) offsets(%dma_start3A_231 : memref<128xi32, #tpu.memory_space<vmem>>) semaphore(%arg13 : memref<!tpu.dma_semaphore, #tpu.memory_space<semaphore_mem>>) {add = true}
      %dma_start3A_235 = arith.constant 0 : i32
      %dma_start3A_236 = arith.constant 0 : i32
      %dma_start3A_237 = arith.constant 2 : i32
      %dma_start3A_238 = arith.constant 256 : i32
      %dma_start3A_239 = arith.constant 0 : i32
      %dma_start3A_240 = tpu.memref_slice %arg10[%dma_start3A_235, %dma_start3A_238, %dma_start3A_239] : memref<2x1024x8xf32, #tpu.memory_space<vmem>> -> memref<1x128x8xf32, #tpu.memory_space<vmem>>
      %dma_start3A_241 = tpu.memref_squeeze %dma_start3A_240 : memref<1x128x8xf32, #tpu.memory_space<vmem>> -> memref<128x8xf32, #tpu.memory_space<vmem>>
      %dma_start3A_242 = arith.constant 0 : i32
      %dma_start3A_243 = tpu.memref_slice %arg9[%dma_start3A_236, %dma_start3A_237, %dma_start3A_242] : memref<2x8x128xi32, #tpu.memory_space<vmem>> -> memref<1x1x128xi32, #tpu.memory_space<vmem>>
      %dma_start3A_244 = tpu.memref_squeeze %dma_start3A_243 : memref<1x1x128xi32, #tpu.memory_space<vmem>> -> memref<128xi32, #tpu.memory_space<vmem>>
      %dma_start3A_245 = arith.constant 0 : i32
      %dma_start3A_246 = arith.constant 0 : i32
      %dma_start3A_247 = tpu.memref_slice %arg7[%dma_start3A_245, %dma_start3A_246] : memref<100096x8xf32, #tpu.memory_space<vmem_shared>> -> memref<100096x8xf32, #tpu.memory_space<vmem_shared>>
      tpu.enqueue_indirect_dma source(%dma_start3A_241 : memref<128x8xf32, #tpu.memory_space<vmem>>) target(%dma_start3A_247 : memref<100096x8xf32, #tpu.memory_space<vmem_shared>>) offsets(%dma_start3A_244 : memref<128xi32, #tpu.memory_space<vmem>>) semaphore(%arg13 : memref<!tpu.dma_semaphore, #tpu.memory_space<semaphore_mem>>) {add = true}
      %dma_start3A_248 = arith.constant 0 : i32
      %dma_start3A_249 = arith.constant 0 : i32
      %dma_start3A_250 = arith.constant 3 : i32
      %dma_start3A_251 = arith.constant 384 : i32
      %dma_start3A_252 = arith.constant 0 : i32
      %dma_start3A_253 = tpu.memref_slice %arg10[%dma_start3A_248, %dma_start3A_251, %dma_start3A_252] : memref<2x1024x8xf32, #tpu.memory_space<vmem>> -> memref<1x128x8xf32, #tpu.memory_space<vmem>>
      %dma_start3A_254 = tpu.memref_squeeze %dma_start3A_253 : memref<1x128x8xf32, #tpu.memory_space<vmem>> -> memref<128x8xf32, #tpu.memory_space<vmem>>
      %dma_start3A_255 = arith.constant 0 : i32
      %dma_start3A_256 = tpu.memref_slice %arg9[%dma_start3A_249, %dma_start3A_250, %dma_start3A_255] : memref<2x8x128xi32, #tpu.memory_space<vmem>> -> memref<1x1x128xi32, #tpu.memory_space<vmem>>
      %dma_start3A_257 = tpu.memref_squeeze %dma_start3A_256 : memref<1x1x128xi32, #tpu.memory_space<vmem>> -> memref<128xi32, #tpu.memory_space<vmem>>
      %dma_start3A_258 = arith.constant 0 : i32
      %dma_start3A_259 = arith.constant 0 : i32
      %dma_start3A_260 = tpu.memref_slice %arg7[%dma_start3A_258, %dma_start3A_259] : memref<100096x8xf32, #tpu.memory_space<vmem_shared>> -> memref<100096x8xf32, #tpu.memory_space<vmem_shared>>
      tpu.enqueue_indirect_dma source(%dma_start3A_254 : memref<128x8xf32, #tpu.memory_space<vmem>>) target(%dma_start3A_260 : memref<100096x8xf32, #tpu.memory_space<vmem_shared>>) offsets(%dma_start3A_257 : memref<128xi32, #tpu.memory_space<vmem>>) semaphore(%arg13 : memref<!tpu.dma_semaphore, #tpu.memory_space<semaphore_mem>>) {add = true}
      %dma_start3A_261 = arith.constant 0 : i32
      %dma_start3A_262 = arith.constant 0 : i32
      %dma_start3A_263 = arith.constant 4 : i32
      %dma_start3A_264 = arith.constant 512 : i32
      %dma_start3A_265 = arith.constant 0 : i32
      %dma_start3A_266 = tpu.memref_slice %arg10[%dma_start3A_261, %dma_start3A_264, %dma_start3A_265] : memref<2x1024x8xf32, #tpu.memory_space<vmem>> -> memref<1x128x8xf32, #tpu.memory_space<vmem>>
      %dma_start3A_267 = tpu.memref_squeeze %dma_start3A_266 : memref<1x128x8xf32, #tpu.memory_space<vmem>> -> memref<128x8xf32, #tpu.memory_space<vmem>>
      %dma_start3A_268 = arith.constant 0 : i32
      %dma_start3A_269 = tpu.memref_slice %arg9[%dma_start3A_262, %dma_start3A_263, %dma_start3A_268] : memref<2x8x128xi32, #tpu.memory_space<vmem>> -> memref<1x1x128xi32, #tpu.memory_space<vmem>>
      %dma_start3A_270 = tpu.memref_squeeze %dma_start3A_269 : memref<1x1x128xi32, #tpu.memory_space<vmem>> -> memref<128xi32, #tpu.memory_space<vmem>>
      %dma_start3A_271 = arith.constant 0 : i32
      %dma_start3A_272 = arith.constant 0 : i32
      %dma_start3A_273 = tpu.memref_slice %arg7[%dma_start3A_271, %dma_start3A_272] : memref<100096x8xf32, #tpu.memory_space<vmem_shared>> -> memref<100096x8xf32, #tpu.memory_space<vmem_shared>>
      tpu.enqueue_indirect_dma source(%dma_start3A_267 : memref<128x8xf32, #tpu.memory_space<vmem>>) target(%dma_start3A_273 : memref<100096x8xf32, #tpu.memory_space<vmem_shared>>) offsets(%dma_start3A_270 : memref<128xi32, #tpu.memory_space<vmem>>) semaphore(%arg13 : memref<!tpu.dma_semaphore, #tpu.memory_space<semaphore_mem>>) {add = true}
      %dma_start3A_274 = arith.constant 0 : i32
      %dma_start3A_275 = arith.constant 0 : i32
      %dma_start3A_276 = arith.constant 5 : i32
      %dma_start3A_277 = arith.constant 640 : i32
      %dma_start3A_278 = arith.constant 0 : i32
      %dma_start3A_279 = tpu.memref_slice %arg10[%dma_start3A_274, %dma_start3A_277, %dma_start3A_278] : memref<2x1024x8xf32, #tpu.memory_space<vmem>> -> memref<1x128x8xf32, #tpu.memory_space<vmem>>
      %dma_start3A_280 = tpu.memref_squeeze %dma_start3A_279 : memref<1x128x8xf32, #tpu.memory_space<vmem>> -> memref<128x8xf32, #tpu.memory_space<vmem>>
      %dma_start3A_281 = arith.constant 0 : i32
      %dma_start3A_282 = tpu.memref_slice %arg9[%dma_start3A_275, %dma_start3A_276, %dma_start3A_281] : memref<2x8x128xi32, #tpu.memory_space<vmem>> -> memref<1x1x128xi32, #tpu.memory_space<vmem>>
      %dma_start3A_283 = tpu.memref_squeeze %dma_start3A_282 : memref<1x1x128xi32, #tpu.memory_space<vmem>> -> memref<128xi32, #tpu.memory_space<vmem>>
      %dma_start3A_284 = arith.constant 0 : i32
      %dma_start3A_285 = arith.constant 0 : i32
      %dma_start3A_286 = tpu.memref_slice %arg7[%dma_start3A_284, %dma_start3A_285] : memref<100096x8xf32, #tpu.memory_space<vmem_shared>> -> memref<100096x8xf32, #tpu.memory_space<vmem_shared>>
      tpu.enqueue_indirect_dma source(%dma_start3A_280 : memref<128x8xf32, #tpu.memory_space<vmem>>) target(%dma_start3A_286 : memref<100096x8xf32, #tpu.memory_space<vmem_shared>>) offsets(%dma_start3A_283 : memref<128xi32, #tpu.memory_space<vmem>>) semaphore(%arg13 : memref<!tpu.dma_semaphore, #tpu.memory_space<semaphore_mem>>) {add = true}
      %dma_start3A_287 = arith.constant 0 : i32
      %dma_start3A_288 = arith.constant 0 : i32
      %dma_start3A_289 = arith.constant 6 : i32
      %dma_start3A_290 = arith.constant 768 : i32
      %dma_start3A_291 = arith.constant 0 : i32
      %dma_start3A_292 = tpu.memref_slice %arg10[%dma_start3A_287, %dma_start3A_290, %dma_start3A_291] : memref<2x1024x8xf32, #tpu.memory_space<vmem>> -> memref<1x128x8xf32, #tpu.memory_space<vmem>>
      %dma_start3A_293 = tpu.memref_squeeze %dma_start3A_292 : memref<1x128x8xf32, #tpu.memory_space<vmem>> -> memref<128x8xf32, #tpu.memory_space<vmem>>
      %dma_start3A_294 = arith.constant 0 : i32
      %dma_start3A_295 = tpu.memref_slice %arg9[%dma_start3A_288, %dma_start3A_289, %dma_start3A_294] : memref<2x8x128xi32, #tpu.memory_space<vmem>> -> memref<1x1x128xi32, #tpu.memory_space<vmem>>
      %dma_start3A_296 = tpu.memref_squeeze %dma_start3A_295 : memref<1x1x128xi32, #tpu.memory_space<vmem>> -> memref<128xi32, #tpu.memory_space<vmem>>
      %dma_start3A_297 = arith.constant 0 : i32
      %dma_start3A_298 = arith.constant 0 : i32
      %dma_start3A_299 = tpu.memref_slice %arg7[%dma_start3A_297, %dma_start3A_298] : memref<100096x8xf32, #tpu.memory_space<vmem_shared>> -> memref<100096x8xf32, #tpu.memory_space<vmem_shared>>
      tpu.enqueue_indirect_dma source(%dma_start3A_293 : memref<128x8xf32, #tpu.memory_space<vmem>>) target(%dma_start3A_299 : memref<100096x8xf32, #tpu.memory_space<vmem_shared>>) offsets(%dma_start3A_296 : memref<128xi32, #tpu.memory_space<vmem>>) semaphore(%arg13 : memref<!tpu.dma_semaphore, #tpu.memory_space<semaphore_mem>>) {add = true}
      %dma_start3A_300 = arith.constant 0 : i32
      %dma_start3A_301 = arith.constant 0 : i32
      %dma_start3A_302 = arith.constant 7 : i32
      %dma_start3A_303 = arith.constant 896 : i32
      %dma_start3A_304 = arith.constant 0 : i32
      %dma_start3A_305 = tpu.memref_slice %arg10[%dma_start3A_300, %dma_start3A_303, %dma_start3A_304] : memref<2x1024x8xf32, #tpu.memory_space<vmem>> -> memref<1x128x8xf32, #tpu.memory_space<vmem>>
      %dma_start3A_306 = tpu.memref_squeeze %dma_start3A_305 : memref<1x128x8xf32, #tpu.memory_space<vmem>> -> memref<128x8xf32, #tpu.memory_space<vmem>>
      %dma_start3A_307 = arith.constant 0 : i32
      %dma_start3A_308 = tpu.memref_slice %arg9[%dma_start3A_301, %dma_start3A_302, %dma_start3A_307] : memref<2x8x128xi32, #tpu.memory_space<vmem>> -> memref<1x1x128xi32, #tpu.memory_space<vmem>>
      %dma_start3A_309 = tpu.memref_squeeze %dma_start3A_308 : memref<1x1x128xi32, #tpu.memory_space<vmem>> -> memref<128xi32, #tpu.memory_space<vmem>>
      %dma_start3A_310 = arith.constant 0 : i32
      %dma_start3A_311 = arith.constant 0 : i32
      %dma_start3A_312 = tpu.memref_slice %arg7[%dma_start3A_310, %dma_start3A_311] : memref<100096x8xf32, #tpu.memory_space<vmem_shared>> -> memref<100096x8xf32, #tpu.memory_space<vmem_shared>>
      tpu.enqueue_indirect_dma source(%dma_start3A_306 : memref<128x8xf32, #tpu.memory_space<vmem>>) target(%dma_start3A_312 : memref<100096x8xf32, #tpu.memory_space<vmem_shared>>) offsets(%dma_start3A_309 : memref<128xi32, #tpu.memory_space<vmem>>) semaphore(%arg13 : memref<!tpu.dma_semaphore, #tpu.memory_space<semaphore_mem>>) {add = true}
      %dma_wait3A_313 = arith.constant 0 : i32
      %dma_wait3A_314 = arith.constant 0 : i32
      %dma_wait3A_315 = arith.constant 0 : i32
      %dma_wait3A_316 = arith.constant 0 : i32
      %dma_wait3A_317 = arith.constant 0 : i32
      %dma_wait3A_318 = tpu.memref_slice %arg10[%dma_wait3A_313, %dma_wait3A_316, %dma_wait3A_317] : memref<2x1024x8xf32, #tpu.memory_space<vmem>> -> memref<1x128x8xf32, #tpu.memory_space<vmem>>
      %dma_wait3A_319 = tpu.memref_squeeze %dma_wait3A_318 : memref<1x128x8xf32, #tpu.memory_space<vmem>> -> memref<128x8xf32, #tpu.memory_space<vmem>>
      %dma_wait3A_320 = arith.constant 0 : i32
      %dma_wait3A_321 = tpu.memref_slice %arg9[%dma_wait3A_314, %dma_wait3A_315, %dma_wait3A_320] : memref<2x8x128xi32, #tpu.memory_space<vmem>> -> memref<1x1x128xi32, #tpu.memory_space<vmem>>
      %dma_wait3A_322 = tpu.memref_squeeze %dma_wait3A_321 : memref<1x1x128xi32, #tpu.memory_space<vmem>> -> memref<128xi32, #tpu.memory_space<vmem>>
      %dma_wait3A_323 = arith.constant 0 : i32
      %dma_wait3A_324 = arith.constant 0 : i32
      %dma_wait3A_325 = tpu.memref_slice %arg7[%dma_wait3A_323, %dma_wait3A_324] : memref<100096x8xf32, #tpu.memory_space<vmem_shared>> -> memref<100096x8xf32, #tpu.memory_space<vmem_shared>>
      tpu.wait_indirect_dma semaphore(%arg13 : memref<!tpu.dma_semaphore, #tpu.memory_space<semaphore_mem>>) src(%dma_wait3A_319 : memref<128x8xf32, #tpu.memory_space<vmem>>) dst(%dma_wait3A_325 : memref<100096x8xf32, #tpu.memory_space<vmem_shared>>)
      %dma_wait3A_326 = arith.constant 0 : i32
      %dma_wait3A_327 = arith.constant 0 : i32
      %dma_wait3A_328 = arith.constant 1 : i32
      %dma_wait3A_329 = arith.constant 128 : i32
      %dma_wait3A_330 = arith.constant 0 : i32
      %dma_wait3A_331 = tpu.memref_slice %arg10[%dma_wait3A_326, %dma_wait3A_329, %dma_wait3A_330] : memref<2x1024x8xf32, #tpu.memory_space<vmem>> -> memref<1x128x8xf32, #tpu.memory_space<vmem>>
      %dma_wait3A_332 = tpu.memref_squeeze %dma_wait3A_331 : memref<1x128x8xf32, #tpu.memory_space<vmem>> -> memref<128x8xf32, #tpu.memory_space<vmem>>
      %dma_wait3A_333 = arith.constant 0 : i32
      %dma_wait3A_334 = tpu.memref_slice %arg9[%dma_wait3A_327, %dma_wait3A_328, %dma_wait3A_333] : memref<2x8x128xi32, #tpu.memory_space<vmem>> -> memref<1x1x128xi32, #tpu.memory_space<vmem>>
      %dma_wait3A_335 = tpu.memref_squeeze %dma_wait3A_334 : memref<1x1x128xi32, #tpu.memory_space<vmem>> -> memref<128xi32, #tpu.memory_space<vmem>>
      %dma_wait3A_336 = arith.constant 0 : i32
      %dma_wait3A_337 = arith.constant 0 : i32
      %dma_wait3A_338 = tpu.memref_slice %arg7[%dma_wait3A_336, %dma_wait3A_337] : memref<100096x8xf32, #tpu.memory_space<vmem_shared>> -> memref<100096x8xf32, #tpu.memory_space<vmem_shared>>
      tpu.wait_indirect_dma semaphore(%arg13 : memref<!tpu.dma_semaphore, #tpu.memory_space<semaphore_mem>>) src(%dma_wait3A_332 : memref<128x8xf32, #tpu.memory_space<vmem>>) dst(%dma_wait3A_338 : memref<100096x8xf32, #tpu.memory_space<vmem_shared>>)
      %dma_wait3A_339 = arith.constant 0 : i32
      %dma_wait3A_340 = arith.constant 0 : i32
      %dma_wait3A_341 = arith.constant 2 : i32
      %dma_wait3A_342 = arith.constant 256 : i32
      %dma_wait3A_343 = arith.constant 0 : i32
      %dma_wait3A_344 = tpu.memref_slice %arg10[%dma_wait3A_339, %dma_wait3A_342, %dma_wait3A_343] : memref<2x1024x8xf32, #tpu.memory_space<vmem>> -> memref<1x128x8xf32, #tpu.memory_space<vmem>>
      %dma_wait3A_345 = tpu.memref_squeeze %dma_wait3A_344 : memref<1x128x8xf32, #tpu.memory_space<vmem>> -> memref<128x8xf32, #tpu.memory_space<vmem>>
      %dma_wait3A_346 = arith.constant 0 : i32
      %dma_wait3A_347 = tpu.memref_slice %arg9[%dma_wait3A_340, %dma_wait3A_341, %dma_wait3A_346] : memref<2x8x128xi32, #tpu.memory_space<vmem>> -> memref<1x1x128xi32, #tpu.memory_space<vmem>>
      %dma_wait3A_348 = tpu.memref_squeeze %dma_wait3A_347 : memref<1x1x128xi32, #tpu.memory_space<vmem>> -> memref<128xi32, #tpu.memory_space<vmem>>
      %dma_wait3A_349 = arith.constant 0 : i32
      %dma_wait3A_350 = arith.constant 0 : i32
      %dma_wait3A_351 = tpu.memref_slice %arg7[%dma_wait3A_349, %dma_wait3A_350] : memref<100096x8xf32, #tpu.memory_space<vmem_shared>> -> memref<100096x8xf32, #tpu.memory_space<vmem_shared>>
      tpu.wait_indirect_dma semaphore(%arg13 : memref<!tpu.dma_semaphore, #tpu.memory_space<semaphore_mem>>) src(%dma_wait3A_345 : memref<128x8xf32, #tpu.memory_space<vmem>>) dst(%dma_wait3A_351 : memref<100096x8xf32, #tpu.memory_space<vmem_shared>>)
      %dma_wait3A_352 = arith.constant 0 : i32
      %dma_wait3A_353 = arith.constant 0 : i32
      %dma_wait3A_354 = arith.constant 3 : i32
      %dma_wait3A_355 = arith.constant 384 : i32
      %dma_wait3A_356 = arith.constant 0 : i32
      %dma_wait3A_357 = tpu.memref_slice %arg10[%dma_wait3A_352, %dma_wait3A_355, %dma_wait3A_356] : memref<2x1024x8xf32, #tpu.memory_space<vmem>> -> memref<1x128x8xf32, #tpu.memory_space<vmem>>
      %dma_wait3A_358 = tpu.memref_squeeze %dma_wait3A_357 : memref<1x128x8xf32, #tpu.memory_space<vmem>> -> memref<128x8xf32, #tpu.memory_space<vmem>>
      %dma_wait3A_359 = arith.constant 0 : i32
      %dma_wait3A_360 = tpu.memref_slice %arg9[%dma_wait3A_353, %dma_wait3A_354, %dma_wait3A_359] : memref<2x8x128xi32, #tpu.memory_space<vmem>> -> memref<1x1x128xi32, #tpu.memory_space<vmem>>
      %dma_wait3A_361 = tpu.memref_squeeze %dma_wait3A_360 : memref<1x1x128xi32, #tpu.memory_space<vmem>> -> memref<128xi32, #tpu.memory_space<vmem>>
      %dma_wait3A_362 = arith.constant 0 : i32
      %dma_wait3A_363 = arith.constant 0 : i32
      %dma_wait3A_364 = tpu.memref_slice %arg7[%dma_wait3A_362, %dma_wait3A_363] : memref<100096x8xf32, #tpu.memory_space<vmem_shared>> -> memref<100096x8xf32, #tpu.memory_space<vmem_shared>>
      tpu.wait_indirect_dma semaphore(%arg13 : memref<!tpu.dma_semaphore, #tpu.memory_space<semaphore_mem>>) src(%dma_wait3A_358 : memref<128x8xf32, #tpu.memory_space<vmem>>) dst(%dma_wait3A_364 : memref<100096x8xf32, #tpu.memory_space<vmem_shared>>)
      %dma_wait3A_365 = arith.constant 0 : i32
      %dma_wait3A_366 = arith.constant 0 : i32
      %dma_wait3A_367 = arith.constant 4 : i32
      %dma_wait3A_368 = arith.constant 512 : i32
      %dma_wait3A_369 = arith.constant 0 : i32
      %dma_wait3A_370 = tpu.memref_slice %arg10[%dma_wait3A_365, %dma_wait3A_368, %dma_wait3A_369] : memref<2x1024x8xf32, #tpu.memory_space<vmem>> -> memref<1x128x8xf32, #tpu.memory_space<vmem>>
      %dma_wait3A_371 = tpu.memref_squeeze %dma_wait3A_370 : memref<1x128x8xf32, #tpu.memory_space<vmem>> -> memref<128x8xf32, #tpu.memory_space<vmem>>
      %dma_wait3A_372 = arith.constant 0 : i32
      %dma_wait3A_373 = tpu.memref_slice %arg9[%dma_wait3A_366, %dma_wait3A_367, %dma_wait3A_372] : memref<2x8x128xi32, #tpu.memory_space<vmem>> -> memref<1x1x128xi32, #tpu.memory_space<vmem>>
      %dma_wait3A_374 = tpu.memref_squeeze %dma_wait3A_373 : memref<1x1x128xi32, #tpu.memory_space<vmem>> -> memref<128xi32, #tpu.memory_space<vmem>>
      %dma_wait3A_375 = arith.constant 0 : i32
      %dma_wait3A_376 = arith.constant 0 : i32
      %dma_wait3A_377 = tpu.memref_slice %arg7[%dma_wait3A_375, %dma_wait3A_376] : memref<100096x8xf32, #tpu.memory_space<vmem_shared>> -> memref<100096x8xf32, #tpu.memory_space<vmem_shared>>
      tpu.wait_indirect_dma semaphore(%arg13 : memref<!tpu.dma_semaphore, #tpu.memory_space<semaphore_mem>>) src(%dma_wait3A_371 : memref<128x8xf32, #tpu.memory_space<vmem>>) dst(%dma_wait3A_377 : memref<100096x8xf32, #tpu.memory_space<vmem_shared>>)
      %dma_wait3A_378 = arith.constant 0 : i32
      %dma_wait3A_379 = arith.constant 0 : i32
      %dma_wait3A_380 = arith.constant 5 : i32
      %dma_wait3A_381 = arith.constant 640 : i32
      %dma_wait3A_382 = arith.constant 0 : i32
      %dma_wait3A_383 = tpu.memref_slice %arg10[%dma_wait3A_378, %dma_wait3A_381, %dma_wait3A_382] : memref<2x1024x8xf32, #tpu.memory_space<vmem>> -> memref<1x128x8xf32, #tpu.memory_space<vmem>>
      %dma_wait3A_384 = tpu.memref_squeeze %dma_wait3A_383 : memref<1x128x8xf32, #tpu.memory_space<vmem>> -> memref<128x8xf32, #tpu.memory_space<vmem>>
      %dma_wait3A_385 = arith.constant 0 : i32
      %dma_wait3A_386 = tpu.memref_slice %arg9[%dma_wait3A_379, %dma_wait3A_380, %dma_wait3A_385] : memref<2x8x128xi32, #tpu.memory_space<vmem>> -> memref<1x1x128xi32, #tpu.memory_space<vmem>>
      %dma_wait3A_387 = tpu.memref_squeeze %dma_wait3A_386 : memref<1x1x128xi32, #tpu.memory_space<vmem>> -> memref<128xi32, #tpu.memory_space<vmem>>
      %dma_wait3A_388 = arith.constant 0 : i32
      %dma_wait3A_389 = arith.constant 0 : i32
      %dma_wait3A_390 = tpu.memref_slice %arg7[%dma_wait3A_388, %dma_wait3A_389] : memref<100096x8xf32, #tpu.memory_space<vmem_shared>> -> memref<100096x8xf32, #tpu.memory_space<vmem_shared>>
      tpu.wait_indirect_dma semaphore(%arg13 : memref<!tpu.dma_semaphore, #tpu.memory_space<semaphore_mem>>) src(%dma_wait3A_384 : memref<128x8xf32, #tpu.memory_space<vmem>>) dst(%dma_wait3A_390 : memref<100096x8xf32, #tpu.memory_space<vmem_shared>>)
      %dma_wait3A_391 = arith.constant 0 : i32
      %dma_wait3A_392 = arith.constant 0 : i32
      %dma_wait3A_393 = arith.constant 6 : i32
      %dma_wait3A_394 = arith.constant 768 : i32
      %dma_wait3A_395 = arith.constant 0 : i32
      %dma_wait3A_396 = tpu.memref_slice %arg10[%dma_wait3A_391, %dma_wait3A_394, %dma_wait3A_395] : memref<2x1024x8xf32, #tpu.memory_space<vmem>> -> memref<1x128x8xf32, #tpu.memory_space<vmem>>
      %dma_wait3A_397 = tpu.memref_squeeze %dma_wait3A_396 : memref<1x128x8xf32, #tpu.memory_space<vmem>> -> memref<128x8xf32, #tpu.memory_space<vmem>>
      %dma_wait3A_398 = arith.constant 0 : i32
      %dma_wait3A_399 = tpu.memref_slice %arg9[%dma_wait3A_392, %dma_wait3A_393, %dma_wait3A_398] : memref<2x8x128xi32, #tpu.memory_space<vmem>> -> memref<1x1x128xi32, #tpu.memory_space<vmem>>
      %dma_wait3A_400 = tpu.memref_squeeze %dma_wait3A_399 : memref<1x1x128xi32, #tpu.memory_space<vmem>> -> memref<128xi32, #tpu.memory_space<vmem>>
      %dma_wait3A_401 = arith.constant 0 : i32
      %dma_wait3A_402 = arith.constant 0 : i32
      %dma_wait3A_403 = tpu.memref_slice %arg7[%dma_wait3A_401, %dma_wait3A_402] : memref<100096x8xf32, #tpu.memory_space<vmem_shared>> -> memref<100096x8xf32, #tpu.memory_space<vmem_shared>>
      tpu.wait_indirect_dma semaphore(%arg13 : memref<!tpu.dma_semaphore, #tpu.memory_space<semaphore_mem>>) src(%dma_wait3A_397 : memref<128x8xf32, #tpu.memory_space<vmem>>) dst(%dma_wait3A_403 : memref<100096x8xf32, #tpu.memory_space<vmem_shared>>)
      %dma_wait3A_404 = arith.constant 0 : i32
      %dma_wait3A_405 = arith.constant 0 : i32
      %dma_wait3A_406 = arith.constant 7 : i32
      %dma_wait3A_407 = arith.constant 896 : i32
      %dma_wait3A_408 = arith.constant 0 : i32
      %dma_wait3A_409 = tpu.memref_slice %arg10[%dma_wait3A_404, %dma_wait3A_407, %dma_wait3A_408] : memref<2x1024x8xf32, #tpu.memory_space<vmem>> -> memref<1x128x8xf32, #tpu.memory_space<vmem>>
      %dma_wait3A_410 = tpu.memref_squeeze %dma_wait3A_409 : memref<1x128x8xf32, #tpu.memory_space<vmem>> -> memref<128x8xf32, #tpu.memory_space<vmem>>
      %dma_wait3A_411 = arith.constant 0 : i32
      %dma_wait3A_412 = tpu.memref_slice %arg9[%dma_wait3A_405, %dma_wait3A_406, %dma_wait3A_411] : memref<2x8x128xi32, #tpu.memory_space<vmem>> -> memref<1x1x128xi32, #tpu.memory_space<vmem>>
      %dma_wait3A_413 = tpu.memref_squeeze %dma_wait3A_412 : memref<1x1x128xi32, #tpu.memory_space<vmem>> -> memref<128xi32, #tpu.memory_space<vmem>>
      %dma_wait3A_414 = arith.constant 0 : i32
      %dma_wait3A_415 = arith.constant 0 : i32
      %dma_wait3A_416 = tpu.memref_slice %arg7[%dma_wait3A_414, %dma_wait3A_415] : memref<100096x8xf32, #tpu.memory_space<vmem_shared>> -> memref<100096x8xf32, #tpu.memory_space<vmem_shared>>
      tpu.wait_indirect_dma semaphore(%arg13 : memref<!tpu.dma_semaphore, #tpu.memory_space<semaphore_mem>>) src(%dma_wait3A_410 : memref<128x8xf32, #tpu.memory_space<vmem>>) dst(%dma_wait3A_416 : memref<100096x8xf32, #tpu.memory_space<vmem_shared>>)
      %add3A_417 = arith.constant 2 : i32
      %add3A_418 = arith.addi %add3A_191, %add3A_417 : i32
      %lt3A_419 = arith.cmpi slt, %add3A_418, %select_n3A : i32
      %convert_element_type3A_420 = arith.extui %lt3A_419 : i1 to i32
      %cond3A_421 = arith.constant 0 : i32
      %cond3A_422 = arith.cmpi ne, %convert_element_type3A_420, %cond3A_421 : i32
      scf.if %cond3A_422 {
        %add3A_659 = arith.constant 2 : i32
        %add3A_660 = arith.addi %add3A_191, %add3A_659 : i32
        %mul3A_661 = arith.constant 1024 : i32
        %mul3A_662 = arith.muli %add3A_660, %mul3A_661 : i32
        %add3A_663 = arith.addi %mul3A_10, %mul3A_662 : i32
        %dma_start3A_664 = arith.constant 0 : i32
        %dma_start3A_665 = arith.constant 0 : i32
        %dma_start3A_666 = tpu.memref_slice %arg8[%dma_start3A_664, %dma_start3A_665] : memref<2x1024xi32, #tpu.memory_space<vmem>> -> memref<1x1024xi32, #tpu.memory_space<vmem>>
        %dma_start3A_667 = tpu.memref_squeeze %dma_start3A_666 : memref<1x1024xi32, #tpu.memory_space<vmem>> -> memref<1024xi32, #tpu.memory_space<vmem>>
        %dma_start3A_668 = tpu.memref_slice %arg2[%add3A_663] : memref<6400000xi32, #tpu.memory_space<hbm>> -> memref<1024xi32, #tpu.memory_space<hbm>>
        %dma_start3A_669 = arith.constant 0 : i32
        %dma_start3A_670 = tpu.memref_slice %arg8[%dma_start3A_664, %dma_start3A_669] : memref<2x1024xi32, #tpu.memory_space<vmem>> -> memref<1x1024xi32, #tpu.memory_space<vmem>>
        %dma_start3A_671 = tpu.memref_squeeze %dma_start3A_670 : memref<1x1024xi32, #tpu.memory_space<vmem>> -> memref<1024xi32, #tpu.memory_space<vmem>>
        %dma_start3A_672 = tpu.memref_slice %arg2[%add3A_663] : memref<6400000xi32, #tpu.memory_space<hbm>> -> memref<1024xi32, #tpu.memory_space<hbm>>
        tpu.enqueue_dma source(%dma_start3A_672 : memref<1024xi32, #tpu.memory_space<hbm>>) target(%dma_start3A_671 : memref<1024xi32, #tpu.memory_space<vmem>>) target_semaphore(%arg11 : memref<!tpu.dma_semaphore, #tpu.memory_space<semaphore_mem>>)
        %jit3A_673 = arith.constant 128 : i32
        %div3A_674 = arith.divsi %add3A_663, %jit3A_673 : i32
        %sign3A_675 = arith.constant 0 : i32
        %sign3A_676 = arith.cmpi sgt, %add3A_663, %sign3A_675 : i32
        %sign3A_677 = arith.extui %sign3A_676 : i1 to i32
        %sign3A_678 = arith.constant 0 : i32
        %sign3A_679 = arith.cmpi slt, %add3A_663, %sign3A_678 : i32
        %sign3A_680 = arith.extui %sign3A_679 : i1 to i32
        %sign3A_681 = arith.subi %sign3A_677, %sign3A_680 : i32
        %sign3A_682 = arith.constant 0 : i32
        %sign3A_683 = arith.cmpi sgt, %jit3A_673, %sign3A_682 : i32
        %sign3A_684 = arith.extui %sign3A_683 : i1 to i32
        %sign3A_685 = arith.constant 0 : i32
        %sign3A_686 = arith.cmpi slt, %jit3A_673, %sign3A_685 : i32
        %sign3A_687 = arith.extui %sign3A_686 : i1 to i32
        %sign3A_688 = arith.subi %sign3A_684, %sign3A_687 : i32
        %ne3A_689 = arith.cmpi ne, %sign3A_681, %sign3A_688 : i32
        %rem3A_690 = arith.remsi %add3A_663, %jit3A_673 : i32
        %ne3A_691 = arith.constant 0 : i32
        %ne3A_692 = arith.cmpi ne, %rem3A_690, %ne3A_691 : i32
        %and3A_693 = arith.andi %ne3A_689, %ne3A_692 : i1
        %sub3A_694 = arith.constant 1 : i32
        %sub3A_695 = arith.subi %div3A_674, %sub3A_694 : i32
        %select_n3A_696 = arith.select %and3A_693, %sub3A_695, %div3A_674 : i32
        %multiple_of3A_697 = tpu.assume_multiple %select_n3A_696, 8 : i32
        %dma_start3A_698 = arith.constant 0 : i32
        %dma_start3A_699 = arith.constant 0 : i32
        %dma_start3A_700 = arith.constant 0 : i32
        %dma_start3A_701 = tpu.memref_slice %arg9[%dma_start3A_698, %dma_start3A_699, %dma_start3A_700] : memref<2x8x128xi32, #tpu.memory_space<vmem>> -> memref<1x8x128xi32, #tpu.memory_space<vmem>>
        %dma_start3A_702 = tpu.memref_squeeze %dma_start3A_701 : memref<1x8x128xi32, #tpu.memory_space<vmem>> -> memref<8x128xi32, #tpu.memory_space<vmem>>
        %dma_start3A_703 = arith.constant 0 : i32
        %dma_start3A_704 = tpu.memref_slice %arg3[%multiple_of3A_697, %dma_start3A_703] : memref<50000x128xi32, #tpu.memory_space<hbm>> -> memref<8x128xi32, #tpu.memory_space<hbm>>
        %dma_start3A_705 = arith.constant 0 : i32
        %dma_start3A_706 = arith.constant 0 : i32
        %dma_start3A_707 = tpu.memref_slice %arg9[%dma_start3A_698, %dma_start3A_705, %dma_start3A_706] : memref<2x8x128xi32, #tpu.memory_space<vmem>> -> memref<1x8x128xi32, #tpu.memory_space<vmem>>
        %dma_start3A_708 = tpu.memref_squeeze %dma_start3A_707 : memref<1x8x128xi32, #tpu.memory_space<vmem>> -> memref<8x128xi32, #tpu.memory_space<vmem>>
        %dma_start3A_709 = arith.constant 0 : i32
        %dma_start3A_710 = tpu.memref_slice %arg3[%multiple_of3A_697, %dma_start3A_709] : memref<50000x128xi32, #tpu.memory_space<hbm>> -> memref<8x128xi32, #tpu.memory_space<hbm>>
        tpu.enqueue_dma source(%dma_start3A_710 : memref<8x128xi32, #tpu.memory_space<hbm>>) target(%dma_start3A_708 : memref<8x128xi32, #tpu.memory_space<vmem>>) target_semaphore(%arg11 : memref<!tpu.dma_semaphore, #tpu.memory_space<semaphore_mem>>)
      } else {
      }
      %mul3A_423 = arith.constant 2 : i32
      %mul3A_424 = arith.muli %mul3A_423, %add3A_187 : i32
      %add3A_425 = arith.constant 1 : i32
      %add3A_426 = arith.addi %mul3A_424, %add3A_425 : i32
      %dma_wait3A_427 = arith.constant 1 : i32
      %dma_wait3A_428 = arith.constant 1 : i32
      %dma_wait3A_429 = arith.constant 0 : i32
      %dma_wait3A_430 = arith.constant 0 : i32
      %dma_wait3A_431 = tpu.memref_slice %arg10[%dma_wait3A_428, %dma_wait3A_429, %dma_wait3A_430] : memref<2x1024x8xf32, #tpu.memory_space<vmem>> -> memref<1x1024x8xf32, #tpu.memory_space<vmem>>
      %dma_wait3A_432 = tpu.memref_squeeze %dma_wait3A_431 : memref<1x1024x8xf32, #tpu.memory_space<vmem>> -> memref<1024x8xf32, #tpu.memory_space<vmem>>
      %dma_wait3A_433 = arith.constant 0 : i32
      %dma_wait3A_434 = tpu.memref_slice %arg8[%dma_wait3A_427, %dma_wait3A_433] : memref<2x1024xi32, #tpu.memory_space<vmem>> -> memref<1x1024xi32, #tpu.memory_space<vmem>>
      %dma_wait3A_435 = tpu.memref_squeeze %dma_wait3A_434 : memref<1x1024xi32, #tpu.memory_space<vmem>> -> memref<1024xi32, #tpu.memory_space<vmem>>
      %dma_wait3A_436 = arith.constant 0 : i32
      %dma_wait3A_437 = arith.constant 0 : i32
      %dma_wait3A_438 = tpu.memref_slice %arg4[%dma_wait3A_436, %dma_wait3A_437] : memref<100096x8xf32, #tpu.memory_space<hbm>> -> memref<100096x8xf32, #tpu.memory_space<hbm>>
      tpu.wait_indirect_dma semaphore(%arg12 : memref<!tpu.dma_semaphore, #tpu.memory_space<semaphore_mem>>) src(%dma_wait3A_438 : memref<100096x8xf32, #tpu.memory_space<hbm>>) dst(%dma_wait3A_432 : memref<1024x8xf32, #tpu.memory_space<vmem>>)
      %add3A_439 = arith.constant 1 : i32
      %add3A_440 = arith.addi %add3A_426, %add3A_439 : i32
      %lt3A_441 = arith.cmpi slt, %add3A_440, %select_n3A : i32
      %convert_element_type3A_442 = arith.extui %lt3A_441 : i1 to i32
      %cond3A_443 = arith.constant 0 : i32
      %cond3A_444 = arith.cmpi ne, %convert_element_type3A_442, %cond3A_443 : i32
      scf.if %cond3A_444 {
        %dma_wait3A_659 = arith.constant 0 : i32
        %dma_wait3A_660 = arith.constant 0 : i32
        %dma_wait3A_661 = tpu.memref_slice %arg8[%dma_wait3A_659, %dma_wait3A_660] : memref<2x1024xi32, #tpu.memory_space<vmem>> -> memref<1x1024xi32, #tpu.memory_space<vmem>>
        %dma_wait3A_662 = tpu.memref_squeeze %dma_wait3A_661 : memref<1x1024xi32, #tpu.memory_space<vmem>> -> memref<1024xi32, #tpu.memory_space<vmem>>
        %dma_wait3A_663 = arith.constant 0 : i32
        %dma_wait3A_664 = tpu.memref_slice %arg2[%dma_wait3A_663] : memref<6400000xi32, #tpu.memory_space<hbm>> -> memref<1024xi32, #tpu.memory_space<hbm>>
        %dma_wait3A_665 = arith.constant 0 : i32
        %dma_wait3A_666 = tpu.memref_slice %arg8[%dma_wait3A_659, %dma_wait3A_665] : memref<2x1024xi32, #tpu.memory_space<vmem>> -> memref<1x1024xi32, #tpu.memory_space<vmem>>
        %dma_wait3A_667 = tpu.memref_squeeze %dma_wait3A_666 : memref<1x1024xi32, #tpu.memory_space<vmem>> -> memref<1024xi32, #tpu.memory_space<vmem>>
        %dma_wait3A_668 = arith.constant 0 : i32
        %dma_wait3A_669 = tpu.memref_slice %arg2[%dma_wait3A_668] : memref<6400000xi32, #tpu.memory_space<hbm>> -> memref<1024xi32, #tpu.memory_space<hbm>>
        tpu.wait_dma2 semaphore(%arg11 : memref<!tpu.dma_semaphore, #tpu.memory_space<semaphore_mem>>) src(%dma_wait3A_669 : memref<1024xi32, #tpu.memory_space<hbm>>) dst(%dma_wait3A_667 : memref<1024xi32, #tpu.memory_space<vmem>>)
        %dma_wait3A_670 = arith.constant 0 : i32
        %dma_wait3A_671 = arith.constant 0 : i32
        %dma_wait3A_672 = arith.constant 0 : i32
        %dma_wait3A_673 = tpu.memref_slice %arg9[%dma_wait3A_670, %dma_wait3A_671, %dma_wait3A_672] : memref<2x8x128xi32, #tpu.memory_space<vmem>> -> memref<1x8x128xi32, #tpu.memory_space<vmem>>
        %dma_wait3A_674 = tpu.memref_squeeze %dma_wait3A_673 : memref<1x8x128xi32, #tpu.memory_space<vmem>> -> memref<8x128xi32, #tpu.memory_space<vmem>>
        %dma_wait3A_675 = arith.constant 0 : i32
        %dma_wait3A_676 = arith.constant 0 : i32
        %dma_wait3A_677 = tpu.memref_slice %arg3[%dma_wait3A_675, %dma_wait3A_676] : memref<50000x128xi32, #tpu.memory_space<hbm>> -> memref<8x128xi32, #tpu.memory_space<hbm>>
        %dma_wait3A_678 = arith.constant 0 : i32
        %dma_wait3A_679 = arith.constant 0 : i32
        %dma_wait3A_680 = tpu.memref_slice %arg9[%dma_wait3A_670, %dma_wait3A_678, %dma_wait3A_679] : memref<2x8x128xi32, #tpu.memory_space<vmem>> -> memref<1x8x128xi32, #tpu.memory_space<vmem>>
        %dma_wait3A_681 = tpu.memref_squeeze %dma_wait3A_680 : memref<1x8x128xi32, #tpu.memory_space<vmem>> -> memref<8x128xi32, #tpu.memory_space<vmem>>
        %dma_wait3A_682 = arith.constant 0 : i32
        %dma_wait3A_683 = arith.constant 0 : i32
        %dma_wait3A_684 = tpu.memref_slice %arg3[%dma_wait3A_682, %dma_wait3A_683] : memref<50000x128xi32, #tpu.memory_space<hbm>> -> memref<8x128xi32, #tpu.memory_space<hbm>>
        tpu.wait_dma2 semaphore(%arg11 : memref<!tpu.dma_semaphore, #tpu.memory_space<semaphore_mem>>) src(%dma_wait3A_684 : memref<8x128xi32, #tpu.memory_space<hbm>>) dst(%dma_wait3A_681 : memref<8x128xi32, #tpu.memory_space<vmem>>)
        %dma_start3A_685 = arith.constant 0 : i32
        %dma_start3A_686 = arith.constant 0 : i32
        %dma_start3A_687 = arith.constant 0 : i32
        %dma_start3A_688 = arith.constant 0 : i32
        %dma_start3A_689 = tpu.memref_slice %arg10[%dma_start3A_686, %dma_start3A_687, %dma_start3A_688] : memref<2x1024x8xf32, #tpu.memory_space<vmem>> -> memref<1x1024x8xf32, #tpu.memory_space<vmem>>
        %dma_start3A_690 = tpu.memref_squeeze %dma_start3A_689 : memref<1x1024x8xf32, #tpu.memory_space<vmem>> -> memref<1024x8xf32, #tpu.memory_space<vmem>>
        %dma_start3A_691 = arith.constant 0 : i32
        %dma_start3A_692 = tpu.memref_slice %arg8[%dma_start3A_685, %dma_start3A_691] : memref<2x1024xi32, #tpu.memory_space<vmem>> -> memref<1x1024xi32, #tpu.memory_space<vmem>>
        %dma_start3A_693 = tpu.memref_squeeze %dma_start3A_692 : memref<1x1024xi32, #tpu.memory_space<vmem>> -> memref<1024xi32, #tpu.memory_space<vmem>>
        %dma_start3A_694 = arith.constant 0 : i32
        %dma_start3A_695 = arith.constant 0 : i32
        %dma_start3A_696 = tpu.memref_slice %arg4[%dma_start3A_694, %dma_start3A_695] : memref<100096x8xf32, #tpu.memory_space<hbm>> -> memref<100096x8xf32, #tpu.memory_space<hbm>>
        tpu.enqueue_indirect_dma source(%dma_start3A_696 : memref<100096x8xf32, #tpu.memory_space<hbm>>) target(%dma_start3A_690 : memref<1024x8xf32, #tpu.memory_space<vmem>>) offsets(%dma_start3A_693 : memref<1024xi32, #tpu.memory_space<vmem>>) semaphore(%arg12 : memref<!tpu.dma_semaphore, #tpu.memory_space<semaphore_mem>>)
      } else {
      }
      %dma_start3A_445 = arith.constant 1 : i32
      %dma_start3A_446 = arith.constant 1 : i32
      %dma_start3A_447 = arith.constant 0 : i32
      %dma_start3A_448 = arith.constant 0 : i32
      %dma_start3A_449 = arith.constant 0 : i32
      %dma_start3A_450 = tpu.memref_slice %arg10[%dma_start3A_445, %dma_start3A_448, %dma_start3A_449] : memref<2x1024x8xf32, #tpu.memory_space<vmem>> -> memref<1x128x8xf32, #tpu.memory_space<vmem>>
      %dma_start3A_451 = tpu.memref_squeeze %dma_start3A_450 : memref<1x128x8xf32, #tpu.memory_space<vmem>> -> memref<128x8xf32, #tpu.memory_space<vmem>>
      %dma_start3A_452 = arith.constant 0 : i32
      %dma_start3A_453 = tpu.memref_slice %arg9[%dma_start3A_446, %dma_start3A_447, %dma_start3A_452] : memref<2x8x128xi32, #tpu.memory_space<vmem>> -> memref<1x1x128xi32, #tpu.memory_space<vmem>>
      %dma_start3A_454 = tpu.memref_squeeze %dma_start3A_453 : memref<1x1x128xi32, #tpu.memory_space<vmem>> -> memref<128xi32, #tpu.memory_space<vmem>>
      %dma_start3A_455 = arith.constant 0 : i32
      %dma_start3A_456 = arith.constant 0 : i32
      %dma_start3A_457 = tpu.memref_slice %arg7[%dma_start3A_455, %dma_start3A_456] : memref<100096x8xf32, #tpu.memory_space<vmem_shared>> -> memref<100096x8xf32, #tpu.memory_space<vmem_shared>>
      tpu.enqueue_indirect_dma source(%dma_start3A_451 : memref<128x8xf32, #tpu.memory_space<vmem>>) target(%dma_start3A_457 : memref<100096x8xf32, #tpu.memory_space<vmem_shared>>) offsets(%dma_start3A_454 : memref<128xi32, #tpu.memory_space<vmem>>) semaphore(%arg13 : memref<!tpu.dma_semaphore, #tpu.memory_space<semaphore_mem>>) {add = true}
      %dma_start3A_458 = arith.constant 1 : i32
      %dma_start3A_459 = arith.constant 1 : i32
      %dma_start3A_460 = arith.constant 1 : i32
      %dma_start3A_461 = arith.constant 128 : i32
      %dma_start3A_462 = arith.constant 0 : i32
      %dma_start3A_463 = tpu.memref_slice %arg10[%dma_start3A_458, %dma_start3A_461, %dma_start3A_462] : memref<2x1024x8xf32, #tpu.memory_space<vmem>> -> memref<1x128x8xf32, #tpu.memory_space<vmem>>
      %dma_start3A_464 = tpu.memref_squeeze %dma_start3A_463 : memref<1x128x8xf32, #tpu.memory_space<vmem>> -> memref<128x8xf32, #tpu.memory_space<vmem>>
      %dma_start3A_465 = arith.constant 0 : i32
      %dma_start3A_466 = tpu.memref_slice %arg9[%dma_start3A_459, %dma_start3A_460, %dma_start3A_465] : memref<2x8x128xi32, #tpu.memory_space<vmem>> -> memref<1x1x128xi32, #tpu.memory_space<vmem>>
      %dma_start3A_467 = tpu.memref_squeeze %dma_start3A_466 : memref<1x1x128xi32, #tpu.memory_space<vmem>> -> memref<128xi32, #tpu.memory_space<vmem>>
      %dma_start3A_468 = arith.constant 0 : i32
      %dma_start3A_469 = arith.constant 0 : i32
      %dma_start3A_470 = tpu.memref_slice %arg7[%dma_start3A_468, %dma_start3A_469] : memref<100096x8xf32, #tpu.memory_space<vmem_shared>> -> memref<100096x8xf32, #tpu.memory_space<vmem_shared>>
      tpu.enqueue_indirect_dma source(%dma_start3A_464 : memref<128x8xf32, #tpu.memory_space<vmem>>) target(%dma_start3A_470 : memref<100096x8xf32, #tpu.memory_space<vmem_shared>>) offsets(%dma_start3A_467 : memref<128xi32, #tpu.memory_space<vmem>>) semaphore(%arg13 : memref<!tpu.dma_semaphore, #tpu.memory_space<semaphore_mem>>) {add = true}
      %dma_start3A_471 = arith.constant 1 : i32
      %dma_start3A_472 = arith.constant 1 : i32
      %dma_start3A_473 = arith.constant 2 : i32
      %dma_start3A_474 = arith.constant 256 : i32
      %dma_start3A_475 = arith.constant 0 : i32
      %dma_start3A_476 = tpu.memref_slice %arg10[%dma_start3A_471, %dma_start3A_474, %dma_start3A_475] : memref<2x1024x8xf32, #tpu.memory_space<vmem>> -> memref<1x128x8xf32, #tpu.memory_space<vmem>>
      %dma_start3A_477 = tpu.memref_squeeze %dma_start3A_476 : memref<1x128x8xf32, #tpu.memory_space<vmem>> -> memref<128x8xf32, #tpu.memory_space<vmem>>
      %dma_start3A_478 = arith.constant 0 : i32
      %dma_start3A_479 = tpu.memref_slice %arg9[%dma_start3A_472, %dma_start3A_473, %dma_start3A_478] : memref<2x8x128xi32, #tpu.memory_space<vmem>> -> memref<1x1x128xi32, #tpu.memory_space<vmem>>
      %dma_start3A_480 = tpu.memref_squeeze %dma_start3A_479 : memref<1x1x128xi32, #tpu.memory_space<vmem>> -> memref<128xi32, #tpu.memory_space<vmem>>
      %dma_start3A_481 = arith.constant 0 : i32
      %dma_start3A_482 = arith.constant 0 : i32
      %dma_start3A_483 = tpu.memref_slice %arg7[%dma_start3A_481, %dma_start3A_482] : memref<100096x8xf32, #tpu.memory_space<vmem_shared>> -> memref<100096x8xf32, #tpu.memory_space<vmem_shared>>
      tpu.enqueue_indirect_dma source(%dma_start3A_477 : memref<128x8xf32, #tpu.memory_space<vmem>>) target(%dma_start3A_483 : memref<100096x8xf32, #tpu.memory_space<vmem_shared>>) offsets(%dma_start3A_480 : memref<128xi32, #tpu.memory_space<vmem>>) semaphore(%arg13 : memref<!tpu.dma_semaphore, #tpu.memory_space<semaphore_mem>>) {add = true}
      %dma_start3A_484 = arith.constant 1 : i32
      %dma_start3A_485 = arith.constant 1 : i32
      %dma_start3A_486 = arith.constant 3 : i32
      %dma_start3A_487 = arith.constant 384 : i32
      %dma_start3A_488 = arith.constant 0 : i32
      %dma_start3A_489 = tpu.memref_slice %arg10[%dma_start3A_484, %dma_start3A_487, %dma_start3A_488] : memref<2x1024x8xf32, #tpu.memory_space<vmem>> -> memref<1x128x8xf32, #tpu.memory_space<vmem>>
      %dma_start3A_490 = tpu.memref_squeeze %dma_start3A_489 : memref<1x128x8xf32, #tpu.memory_space<vmem>> -> memref<128x8xf32, #tpu.memory_space<vmem>>
      %dma_start3A_491 = arith.constant 0 : i32
      %dma_start3A_492 = tpu.memref_slice %arg9[%dma_start3A_485, %dma_start3A_486, %dma_start3A_491] : memref<2x8x128xi32, #tpu.memory_space<vmem>> -> memref<1x1x128xi32, #tpu.memory_space<vmem>>
      %dma_start3A_493 = tpu.memref_squeeze %dma_start3A_492 : memref<1x1x128xi32, #tpu.memory_space<vmem>> -> memref<128xi32, #tpu.memory_space<vmem>>
      %dma_start3A_494 = arith.constant 0 : i32
      %dma_start3A_495 = arith.constant 0 : i32
      %dma_start3A_496 = tpu.memref_slice %arg7[%dma_start3A_494, %dma_start3A_495] : memref<100096x8xf32, #tpu.memory_space<vmem_shared>> -> memref<100096x8xf32, #tpu.memory_space<vmem_shared>>
      tpu.enqueue_indirect_dma source(%dma_start3A_490 : memref<128x8xf32, #tpu.memory_space<vmem>>) target(%dma_start3A_496 : memref<100096x8xf32, #tpu.memory_space<vmem_shared>>) offsets(%dma_start3A_493 : memref<128xi32, #tpu.memory_space<vmem>>) semaphore(%arg13 : memref<!tpu.dma_semaphore, #tpu.memory_space<semaphore_mem>>) {add = true}
      %dma_start3A_497 = arith.constant 1 : i32
      %dma_start3A_498 = arith.constant 1 : i32
      %dma_start3A_499 = arith.constant 4 : i32
      %dma_start3A_500 = arith.constant 512 : i32
      %dma_start3A_501 = arith.constant 0 : i32
      %dma_start3A_502 = tpu.memref_slice %arg10[%dma_start3A_497, %dma_start3A_500, %dma_start3A_501] : memref<2x1024x8xf32, #tpu.memory_space<vmem>> -> memref<1x128x8xf32, #tpu.memory_space<vmem>>
      %dma_start3A_503 = tpu.memref_squeeze %dma_start3A_502 : memref<1x128x8xf32, #tpu.memory_space<vmem>> -> memref<128x8xf32, #tpu.memory_space<vmem>>
      %dma_start3A_504 = arith.constant 0 : i32
      %dma_start3A_505 = tpu.memref_slice %arg9[%dma_start3A_498, %dma_start3A_499, %dma_start3A_504] : memref<2x8x128xi32, #tpu.memory_space<vmem>> -> memref<1x1x128xi32, #tpu.memory_space<vmem>>
      %dma_start3A_506 = tpu.memref_squeeze %dma_start3A_505 : memref<1x1x128xi32, #tpu.memory_space<vmem>> -> memref<128xi32, #tpu.memory_space<vmem>>
      %dma_start3A_507 = arith.constant 0 : i32
      %dma_start3A_508 = arith.constant 0 : i32
      %dma_start3A_509 = tpu.memref_slice %arg7[%dma_start3A_507, %dma_start3A_508] : memref<100096x8xf32, #tpu.memory_space<vmem_shared>> -> memref<100096x8xf32, #tpu.memory_space<vmem_shared>>
      tpu.enqueue_indirect_dma source(%dma_start3A_503 : memref<128x8xf32, #tpu.memory_space<vmem>>) target(%dma_start3A_509 : memref<100096x8xf32, #tpu.memory_space<vmem_shared>>) offsets(%dma_start3A_506 : memref<128xi32, #tpu.memory_space<vmem>>) semaphore(%arg13 : memref<!tpu.dma_semaphore, #tpu.memory_space<semaphore_mem>>) {add = true}
      %dma_start3A_510 = arith.constant 1 : i32
      %dma_start3A_511 = arith.constant 1 : i32
      %dma_start3A_512 = arith.constant 5 : i32
      %dma_start3A_513 = arith.constant 640 : i32
      %dma_start3A_514 = arith.constant 0 : i32
      %dma_start3A_515 = tpu.memref_slice %arg10[%dma_start3A_510, %dma_start3A_513, %dma_start3A_514] : memref<2x1024x8xf32, #tpu.memory_space<vmem>> -> memref<1x128x8xf32, #tpu.memory_space<vmem>>
      %dma_start3A_516 = tpu.memref_squeeze %dma_start3A_515 : memref<1x128x8xf32, #tpu.memory_space<vmem>> -> memref<128x8xf32, #tpu.memory_space<vmem>>
      %dma_start3A_517 = arith.constant 0 : i32
      %dma_start3A_518 = tpu.memref_slice %arg9[%dma_start3A_511, %dma_start3A_512, %dma_start3A_517] : memref<2x8x128xi32, #tpu.memory_space<vmem>> -> memref<1x1x128xi32, #tpu.memory_space<vmem>>
      %dma_start3A_519 = tpu.memref_squeeze %dma_start3A_518 : memref<1x1x128xi32, #tpu.memory_space<vmem>> -> memref<128xi32, #tpu.memory_space<vmem>>
      %dma_start3A_520 = arith.constant 0 : i32
      %dma_start3A_521 = arith.constant 0 : i32
      %dma_start3A_522 = tpu.memref_slice %arg7[%dma_start3A_520, %dma_start3A_521] : memref<100096x8xf32, #tpu.memory_space<vmem_shared>> -> memref<100096x8xf32, #tpu.memory_space<vmem_shared>>
      tpu.enqueue_indirect_dma source(%dma_start3A_516 : memref<128x8xf32, #tpu.memory_space<vmem>>) target(%dma_start3A_522 : memref<100096x8xf32, #tpu.memory_space<vmem_shared>>) offsets(%dma_start3A_519 : memref<128xi32, #tpu.memory_space<vmem>>) semaphore(%arg13 : memref<!tpu.dma_semaphore, #tpu.memory_space<semaphore_mem>>) {add = true}
      %dma_start3A_523 = arith.constant 1 : i32
      %dma_start3A_524 = arith.constant 1 : i32
      %dma_start3A_525 = arith.constant 6 : i32
      %dma_start3A_526 = arith.constant 768 : i32
      %dma_start3A_527 = arith.constant 0 : i32
      %dma_start3A_528 = tpu.memref_slice %arg10[%dma_start3A_523, %dma_start3A_526, %dma_start3A_527] : memref<2x1024x8xf32, #tpu.memory_space<vmem>> -> memref<1x128x8xf32, #tpu.memory_space<vmem>>
      %dma_start3A_529 = tpu.memref_squeeze %dma_start3A_528 : memref<1x128x8xf32, #tpu.memory_space<vmem>> -> memref<128x8xf32, #tpu.memory_space<vmem>>
      %dma_start3A_530 = arith.constant 0 : i32
      %dma_start3A_531 = tpu.memref_slice %arg9[%dma_start3A_524, %dma_start3A_525, %dma_start3A_530] : memref<2x8x128xi32, #tpu.memory_space<vmem>> -> memref<1x1x128xi32, #tpu.memory_space<vmem>>
      %dma_start3A_532 = tpu.memref_squeeze %dma_start3A_531 : memref<1x1x128xi32, #tpu.memory_space<vmem>> -> memref<128xi32, #tpu.memory_space<vmem>>
      %dma_start3A_533 = arith.constant 0 : i32
      %dma_start3A_534 = arith.constant 0 : i32
      %dma_start3A_535 = tpu.memref_slice %arg7[%dma_start3A_533, %dma_start3A_534] : memref<100096x8xf32, #tpu.memory_space<vmem_shared>> -> memref<100096x8xf32, #tpu.memory_space<vmem_shared>>
      tpu.enqueue_indirect_dma source(%dma_start3A_529 : memref<128x8xf32, #tpu.memory_space<vmem>>) target(%dma_start3A_535 : memref<100096x8xf32, #tpu.memory_space<vmem_shared>>) offsets(%dma_start3A_532 : memref<128xi32, #tpu.memory_space<vmem>>) semaphore(%arg13 : memref<!tpu.dma_semaphore, #tpu.memory_space<semaphore_mem>>) {add = true}
      %dma_start3A_536 = arith.constant 1 : i32
      %dma_start3A_537 = arith.constant 1 : i32
      %dma_start3A_538 = arith.constant 7 : i32
      %dma_start3A_539 = arith.constant 896 : i32
      %dma_start3A_540 = arith.constant 0 : i32
      %dma_start3A_541 = tpu.memref_slice %arg10[%dma_start3A_536, %dma_start3A_539, %dma_start3A_540] : memref<2x1024x8xf32, #tpu.memory_space<vmem>> -> memref<1x128x8xf32, #tpu.memory_space<vmem>>
      %dma_start3A_542 = tpu.memref_squeeze %dma_start3A_541 : memref<1x128x8xf32, #tpu.memory_space<vmem>> -> memref<128x8xf32, #tpu.memory_space<vmem>>
      %dma_start3A_543 = arith.constant 0 : i32
      %dma_start3A_544 = tpu.memref_slice %arg9[%dma_start3A_537, %dma_start3A_538, %dma_start3A_543] : memref<2x8x128xi32, #tpu.memory_space<vmem>> -> memref<1x1x128xi32, #tpu.memory_space<vmem>>
      %dma_start3A_545 = tpu.memref_squeeze %dma_start3A_544 : memref<1x1x128xi32, #tpu.memory_space<vmem>> -> memref<128xi32, #tpu.memory_space<vmem>>
      %dma_start3A_546 = arith.constant 0 : i32
      %dma_start3A_547 = arith.constant 0 : i32
      %dma_start3A_548 = tpu.memref_slice %arg7[%dma_start3A_546, %dma_start3A_547] : memref<100096x8xf32, #tpu.memory_space<vmem_shared>> -> memref<100096x8xf32, #tpu.memory_space<vmem_shared>>
      tpu.enqueue_indirect_dma source(%dma_start3A_542 : memref<128x8xf32, #tpu.memory_space<vmem>>) target(%dma_start3A_548 : memref<100096x8xf32, #tpu.memory_space<vmem_shared>>) offsets(%dma_start3A_545 : memref<128xi32, #tpu.memory_space<vmem>>) semaphore(%arg13 : memref<!tpu.dma_semaphore, #tpu.memory_space<semaphore_mem>>) {add = true}
      %dma_wait3A_549 = arith.constant 1 : i32
      %dma_wait3A_550 = arith.constant 1 : i32
      %dma_wait3A_551 = arith.constant 0 : i32
      %dma_wait3A_552 = arith.constant 0 : i32
      %dma_wait3A_553 = arith.constant 0 : i32
      %dma_wait3A_554 = tpu.memref_slice %arg10[%dma_wait3A_549, %dma_wait3A_552, %dma_wait3A_553] : memref<2x1024x8xf32, #tpu.memory_space<vmem>> -> memref<1x128x8xf32, #tpu.memory_space<vmem>>
      %dma_wait3A_555 = tpu.memref_squeeze %dma_wait3A_554 : memref<1x128x8xf32, #tpu.memory_space<vmem>> -> memref<128x8xf32, #tpu.memory_space<vmem>>
      %dma_wait3A_556 = arith.constant 0 : i32
      %dma_wait3A_557 = tpu.memref_slice %arg9[%dma_wait3A_550, %dma_wait3A_551, %dma_wait3A_556] : memref<2x8x128xi32, #tpu.memory_space<vmem>> -> memref<1x1x128xi32, #tpu.memory_space<vmem>>
      %dma_wait3A_558 = tpu.memref_squeeze %dma_wait3A_557 : memref<1x1x128xi32, #tpu.memory_space<vmem>> -> memref<128xi32, #tpu.memory_space<vmem>>
      %dma_wait3A_559 = arith.constant 0 : i32
      %dma_wait3A_560 = arith.constant 0 : i32
      %dma_wait3A_561 = tpu.memref_slice %arg7[%dma_wait3A_559, %dma_wait3A_560] : memref<100096x8xf32, #tpu.memory_space<vmem_shared>> -> memref<100096x8xf32, #tpu.memory_space<vmem_shared>>
      tpu.wait_indirect_dma semaphore(%arg13 : memref<!tpu.dma_semaphore, #tpu.memory_space<semaphore_mem>>) src(%dma_wait3A_555 : memref<128x8xf32, #tpu.memory_space<vmem>>) dst(%dma_wait3A_561 : memref<100096x8xf32, #tpu.memory_space<vmem_shared>>)
      %dma_wait3A_562 = arith.constant 1 : i32
      %dma_wait3A_563 = arith.constant 1 : i32
      %dma_wait3A_564 = arith.constant 1 : i32
      %dma_wait3A_565 = arith.constant 128 : i32
      %dma_wait3A_566 = arith.constant 0 : i32
      %dma_wait3A_567 = tpu.memref_slice %arg10[%dma_wait3A_562, %dma_wait3A_565, %dma_wait3A_566] : memref<2x1024x8xf32, #tpu.memory_space<vmem>> -> memref<1x128x8xf32, #tpu.memory_space<vmem>>
      %dma_wait3A_568 = tpu.memref_squeeze %dma_wait3A_567 : memref<1x128x8xf32, #tpu.memory_space<vmem>> -> memref<128x8xf32, #tpu.memory_space<vmem>>
      %dma_wait3A_569 = arith.constant 0 : i32
      %dma_wait3A_570 = tpu.memref_slice %arg9[%dma_wait3A_563, %dma_wait3A_564, %dma_wait3A_569] : memref<2x8x128xi32, #tpu.memory_space<vmem>> -> memref<1x1x128xi32, #tpu.memory_space<vmem>>
      %dma_wait3A_571 = tpu.memref_squeeze %dma_wait3A_570 : memref<1x1x128xi32, #tpu.memory_space<vmem>> -> memref<128xi32, #tpu.memory_space<vmem>>
      %dma_wait3A_572 = arith.constant 0 : i32
      %dma_wait3A_573 = arith.constant 0 : i32
      %dma_wait3A_574 = tpu.memref_slice %arg7[%dma_wait3A_572, %dma_wait3A_573] : memref<100096x8xf32, #tpu.memory_space<vmem_shared>> -> memref<100096x8xf32, #tpu.memory_space<vmem_shared>>
      tpu.wait_indirect_dma semaphore(%arg13 : memref<!tpu.dma_semaphore, #tpu.memory_space<semaphore_mem>>) src(%dma_wait3A_568 : memref<128x8xf32, #tpu.memory_space<vmem>>) dst(%dma_wait3A_574 : memref<100096x8xf32, #tpu.memory_space<vmem_shared>>)
      %dma_wait3A_575 = arith.constant 1 : i32
      %dma_wait3A_576 = arith.constant 1 : i32
      %dma_wait3A_577 = arith.constant 2 : i32
      %dma_wait3A_578 = arith.constant 256 : i32
      %dma_wait3A_579 = arith.constant 0 : i32
      %dma_wait3A_580 = tpu.memref_slice %arg10[%dma_wait3A_575, %dma_wait3A_578, %dma_wait3A_579] : memref<2x1024x8xf32, #tpu.memory_space<vmem>> -> memref<1x128x8xf32, #tpu.memory_space<vmem>>
      %dma_wait3A_581 = tpu.memref_squeeze %dma_wait3A_580 : memref<1x128x8xf32, #tpu.memory_space<vmem>> -> memref<128x8xf32, #tpu.memory_space<vmem>>
      %dma_wait3A_582 = arith.constant 0 : i32
      %dma_wait3A_583 = tpu.memref_slice %arg9[%dma_wait3A_576, %dma_wait3A_577, %dma_wait3A_582] : memref<2x8x128xi32, #tpu.memory_space<vmem>> -> memref<1x1x128xi32, #tpu.memory_space<vmem>>
      %dma_wait3A_584 = tpu.memref_squeeze %dma_wait3A_583 : memref<1x1x128xi32, #tpu.memory_space<vmem>> -> memref<128xi32, #tpu.memory_space<vmem>>
      %dma_wait3A_585 = arith.constant 0 : i32
      %dma_wait3A_586 = arith.constant 0 : i32
      %dma_wait3A_587 = tpu.memref_slice %arg7[%dma_wait3A_585, %dma_wait3A_586] : memref<100096x8xf32, #tpu.memory_space<vmem_shared>> -> memref<100096x8xf32, #tpu.memory_space<vmem_shared>>
      tpu.wait_indirect_dma semaphore(%arg13 : memref<!tpu.dma_semaphore, #tpu.memory_space<semaphore_mem>>) src(%dma_wait3A_581 : memref<128x8xf32, #tpu.memory_space<vmem>>) dst(%dma_wait3A_587 : memref<100096x8xf32, #tpu.memory_space<vmem_shared>>)
      %dma_wait3A_588 = arith.constant 1 : i32
      %dma_wait3A_589 = arith.constant 1 : i32
      %dma_wait3A_590 = arith.constant 3 : i32
      %dma_wait3A_591 = arith.constant 384 : i32
      %dma_wait3A_592 = arith.constant 0 : i32
      %dma_wait3A_593 = tpu.memref_slice %arg10[%dma_wait3A_588, %dma_wait3A_591, %dma_wait3A_592] : memref<2x1024x8xf32, #tpu.memory_space<vmem>> -> memref<1x128x8xf32, #tpu.memory_space<vmem>>
      %dma_wait3A_594 = tpu.memref_squeeze %dma_wait3A_593 : memref<1x128x8xf32, #tpu.memory_space<vmem>> -> memref<128x8xf32, #tpu.memory_space<vmem>>
      %dma_wait3A_595 = arith.constant 0 : i32
      %dma_wait3A_596 = tpu.memref_slice %arg9[%dma_wait3A_589, %dma_wait3A_590, %dma_wait3A_595] : memref<2x8x128xi32, #tpu.memory_space<vmem>> -> memref<1x1x128xi32, #tpu.memory_space<vmem>>
      %dma_wait3A_597 = tpu.memref_squeeze %dma_wait3A_596 : memref<1x1x128xi32, #tpu.memory_space<vmem>> -> memref<128xi32, #tpu.memory_space<vmem>>
      %dma_wait3A_598 = arith.constant 0 : i32
      %dma_wait3A_599 = arith.constant 0 : i32
      %dma_wait3A_600 = tpu.memref_slice %arg7[%dma_wait3A_598, %dma_wait3A_599] : memref<100096x8xf32, #tpu.memory_space<vmem_shared>> -> memref<100096x8xf32, #tpu.memory_space<vmem_shared>>
      tpu.wait_indirect_dma semaphore(%arg13 : memref<!tpu.dma_semaphore, #tpu.memory_space<semaphore_mem>>) src(%dma_wait3A_594 : memref<128x8xf32, #tpu.memory_space<vmem>>) dst(%dma_wait3A_600 : memref<100096x8xf32, #tpu.memory_space<vmem_shared>>)
      %dma_wait3A_601 = arith.constant 1 : i32
      %dma_wait3A_602 = arith.constant 1 : i32
      %dma_wait3A_603 = arith.constant 4 : i32
      %dma_wait3A_604 = arith.constant 512 : i32
      %dma_wait3A_605 = arith.constant 0 : i32
      %dma_wait3A_606 = tpu.memref_slice %arg10[%dma_wait3A_601, %dma_wait3A_604, %dma_wait3A_605] : memref<2x1024x8xf32, #tpu.memory_space<vmem>> -> memref<1x128x8xf32, #tpu.memory_space<vmem>>
      %dma_wait3A_607 = tpu.memref_squeeze %dma_wait3A_606 : memref<1x128x8xf32, #tpu.memory_space<vmem>> -> memref<128x8xf32, #tpu.memory_space<vmem>>
      %dma_wait3A_608 = arith.constant 0 : i32
      %dma_wait3A_609 = tpu.memref_slice %arg9[%dma_wait3A_602, %dma_wait3A_603, %dma_wait3A_608] : memref<2x8x128xi32, #tpu.memory_space<vmem>> -> memref<1x1x128xi32, #tpu.memory_space<vmem>>
      %dma_wait3A_610 = tpu.memref_squeeze %dma_wait3A_609 : memref<1x1x128xi32, #tpu.memory_space<vmem>> -> memref<128xi32, #tpu.memory_space<vmem>>
      %dma_wait3A_611 = arith.constant 0 : i32
      %dma_wait3A_612 = arith.constant 0 : i32
      %dma_wait3A_613 = tpu.memref_slice %arg7[%dma_wait3A_611, %dma_wait3A_612] : memref<100096x8xf32, #tpu.memory_space<vmem_shared>> -> memref<100096x8xf32, #tpu.memory_space<vmem_shared>>
      tpu.wait_indirect_dma semaphore(%arg13 : memref<!tpu.dma_semaphore, #tpu.memory_space<semaphore_mem>>) src(%dma_wait3A_607 : memref<128x8xf32, #tpu.memory_space<vmem>>) dst(%dma_wait3A_613 : memref<100096x8xf32, #tpu.memory_space<vmem_shared>>)
      %dma_wait3A_614 = arith.constant 1 : i32
      %dma_wait3A_615 = arith.constant 1 : i32
      %dma_wait3A_616 = arith.constant 5 : i32
      %dma_wait3A_617 = arith.constant 640 : i32
      %dma_wait3A_618 = arith.constant 0 : i32
      %dma_wait3A_619 = tpu.memref_slice %arg10[%dma_wait3A_614, %dma_wait3A_617, %dma_wait3A_618] : memref<2x1024x8xf32, #tpu.memory_space<vmem>> -> memref<1x128x8xf32, #tpu.memory_space<vmem>>
      %dma_wait3A_620 = tpu.memref_squeeze %dma_wait3A_619 : memref<1x128x8xf32, #tpu.memory_space<vmem>> -> memref<128x8xf32, #tpu.memory_space<vmem>>
      %dma_wait3A_621 = arith.constant 0 : i32
      %dma_wait3A_622 = tpu.memref_slice %arg9[%dma_wait3A_615, %dma_wait3A_616, %dma_wait3A_621] : memref<2x8x128xi32, #tpu.memory_space<vmem>> -> memref<1x1x128xi32, #tpu.memory_space<vmem>>
      %dma_wait3A_623 = tpu.memref_squeeze %dma_wait3A_622 : memref<1x1x128xi32, #tpu.memory_space<vmem>> -> memref<128xi32, #tpu.memory_space<vmem>>
      %dma_wait3A_624 = arith.constant 0 : i32
      %dma_wait3A_625 = arith.constant 0 : i32
      %dma_wait3A_626 = tpu.memref_slice %arg7[%dma_wait3A_624, %dma_wait3A_625] : memref<100096x8xf32, #tpu.memory_space<vmem_shared>> -> memref<100096x8xf32, #tpu.memory_space<vmem_shared>>
      tpu.wait_indirect_dma semaphore(%arg13 : memref<!tpu.dma_semaphore, #tpu.memory_space<semaphore_mem>>) src(%dma_wait3A_620 : memref<128x8xf32, #tpu.memory_space<vmem>>) dst(%dma_wait3A_626 : memref<100096x8xf32, #tpu.memory_space<vmem_shared>>)
      %dma_wait3A_627 = arith.constant 1 : i32
      %dma_wait3A_628 = arith.constant 1 : i32
      %dma_wait3A_629 = arith.constant 6 : i32
      %dma_wait3A_630 = arith.constant 768 : i32
      %dma_wait3A_631 = arith.constant 0 : i32
      %dma_wait3A_632 = tpu.memref_slice %arg10[%dma_wait3A_627, %dma_wait3A_630, %dma_wait3A_631] : memref<2x1024x8xf32, #tpu.memory_space<vmem>> -> memref<1x128x8xf32, #tpu.memory_space<vmem>>
      %dma_wait3A_633 = tpu.memref_squeeze %dma_wait3A_632 : memref<1x128x8xf32, #tpu.memory_space<vmem>> -> memref<128x8xf32, #tpu.memory_space<vmem>>
      %dma_wait3A_634 = arith.constant 0 : i32
      %dma_wait3A_635 = tpu.memref_slice %arg9[%dma_wait3A_628, %dma_wait3A_629, %dma_wait3A_634] : memref<2x8x128xi32, #tpu.memory_space<vmem>> -> memref<1x1x128xi32, #tpu.memory_space<vmem>>
      %dma_wait3A_636 = tpu.memref_squeeze %dma_wait3A_635 : memref<1x1x128xi32, #tpu.memory_space<vmem>> -> memref<128xi32, #tpu.memory_space<vmem>>
      %dma_wait3A_637 = arith.constant 0 : i32
      %dma_wait3A_638 = arith.constant 0 : i32
      %dma_wait3A_639 = tpu.memref_slice %arg7[%dma_wait3A_637, %dma_wait3A_638] : memref<100096x8xf32, #tpu.memory_space<vmem_shared>> -> memref<100096x8xf32, #tpu.memory_space<vmem_shared>>
      tpu.wait_indirect_dma semaphore(%arg13 : memref<!tpu.dma_semaphore, #tpu.memory_space<semaphore_mem>>) src(%dma_wait3A_633 : memref<128x8xf32, #tpu.memory_space<vmem>>) dst(%dma_wait3A_639 : memref<100096x8xf32, #tpu.memory_space<vmem_shared>>)
      %dma_wait3A_640 = arith.constant 1 : i32
      %dma_wait3A_641 = arith.constant 1 : i32
      %dma_wait3A_642 = arith.constant 7 : i32
      %dma_wait3A_643 = arith.constant 896 : i32
      %dma_wait3A_644 = arith.constant 0 : i32
      %dma_wait3A_645 = tpu.memref_slice %arg10[%dma_wait3A_640, %dma_wait3A_643, %dma_wait3A_644] : memref<2x1024x8xf32, #tpu.memory_space<vmem>> -> memref<1x128x8xf32, #tpu.memory_space<vmem>>
      %dma_wait3A_646 = tpu.memref_squeeze %dma_wait3A_645 : memref<1x128x8xf32, #tpu.memory_space<vmem>> -> memref<128x8xf32, #tpu.memory_space<vmem>>
      %dma_wait3A_647 = arith.constant 0 : i32
      %dma_wait3A_648 = tpu.memref_slice %arg9[%dma_wait3A_641, %dma_wait3A_642, %dma_wait3A_647] : memref<2x8x128xi32, #tpu.memory_space<vmem>> -> memref<1x1x128xi32, #tpu.memory_space<vmem>>
      %dma_wait3A_649 = tpu.memref_squeeze %dma_wait3A_648 : memref<1x1x128xi32, #tpu.memory_space<vmem>> -> memref<128xi32, #tpu.memory_space<vmem>>
      %dma_wait3A_650 = arith.constant 0 : i32
      %dma_wait3A_651 = arith.constant 0 : i32
      %dma_wait3A_652 = tpu.memref_slice %arg7[%dma_wait3A_650, %dma_wait3A_651] : memref<100096x8xf32, #tpu.memory_space<vmem_shared>> -> memref<100096x8xf32, #tpu.memory_space<vmem_shared>>
      tpu.wait_indirect_dma semaphore(%arg13 : memref<!tpu.dma_semaphore, #tpu.memory_space<semaphore_mem>>) src(%dma_wait3A_646 : memref<128x8xf32, #tpu.memory_space<vmem>>) dst(%dma_wait3A_652 : memref<100096x8xf32, #tpu.memory_space<vmem_shared>>)
      %add3A_653 = arith.constant 2 : i32
      %add3A_654 = arith.addi %add3A_426, %add3A_653 : i32
      %lt3A_655 = arith.cmpi slt, %add3A_654, %select_n3A : i32
      %convert_element_type3A_656 = arith.extui %lt3A_655 : i1 to i32
      %cond3A_657 = arith.constant 0 : i32
      %cond3A_658 = arith.cmpi ne, %convert_element_type3A_656, %cond3A_657 : i32
      scf.if %cond3A_658 {
        %add3A_659 = arith.constant 2 : i32
        %add3A_660 = arith.addi %add3A_426, %add3A_659 : i32
        %mul3A_661 = arith.constant 1024 : i32
        %mul3A_662 = arith.muli %add3A_660, %mul3A_661 : i32
        %add3A_663 = arith.addi %mul3A_10, %mul3A_662 : i32
        %dma_start3A_664 = arith.constant 1 : i32
        %dma_start3A_665 = arith.constant 0 : i32
        %dma_start3A_666 = tpu.memref_slice %arg8[%dma_start3A_664, %dma_start3A_665] : memref<2x1024xi32, #tpu.memory_space<vmem>> -> memref<1x1024xi32, #tpu.memory_space<vmem>>
        %dma_start3A_667 = tpu.memref_squeeze %dma_start3A_666 : memref<1x1024xi32, #tpu.memory_space<vmem>> -> memref<1024xi32, #tpu.memory_space<vmem>>
        %dma_start3A_668 = tpu.memref_slice %arg2[%add3A_663] : memref<6400000xi32, #tpu.memory_space<hbm>> -> memref<1024xi32, #tpu.memory_space<hbm>>
        %dma_start3A_669 = arith.constant 0 : i32
        %dma_start3A_670 = tpu.memref_slice %arg8[%dma_start3A_664, %dma_start3A_669] : memref<2x1024xi32, #tpu.memory_space<vmem>> -> memref<1x1024xi32, #tpu.memory_space<vmem>>
        %dma_start3A_671 = tpu.memref_squeeze %dma_start3A_670 : memref<1x1024xi32, #tpu.memory_space<vmem>> -> memref<1024xi32, #tpu.memory_space<vmem>>
        %dma_start3A_672 = tpu.memref_slice %arg2[%add3A_663] : memref<6400000xi32, #tpu.memory_space<hbm>> -> memref<1024xi32, #tpu.memory_space<hbm>>
        tpu.enqueue_dma source(%dma_start3A_672 : memref<1024xi32, #tpu.memory_space<hbm>>) target(%dma_start3A_671 : memref<1024xi32, #tpu.memory_space<vmem>>) target_semaphore(%arg11 : memref<!tpu.dma_semaphore, #tpu.memory_space<semaphore_mem>>)
        %jit3A_673 = arith.constant 128 : i32
        %div3A_674 = arith.divsi %add3A_663, %jit3A_673 : i32
        %sign3A_675 = arith.constant 0 : i32
        %sign3A_676 = arith.cmpi sgt, %add3A_663, %sign3A_675 : i32
        %sign3A_677 = arith.extui %sign3A_676 : i1 to i32
        %sign3A_678 = arith.constant 0 : i32
        %sign3A_679 = arith.cmpi slt, %add3A_663, %sign3A_678 : i32
        %sign3A_680 = arith.extui %sign3A_679 : i1 to i32
        %sign3A_681 = arith.subi %sign3A_677, %sign3A_680 : i32
        %sign3A_682 = arith.constant 0 : i32
        %sign3A_683 = arith.cmpi sgt, %jit3A_673, %sign3A_682 : i32
        %sign3A_684 = arith.extui %sign3A_683 : i1 to i32
        %sign3A_685 = arith.constant 0 : i32
        %sign3A_686 = arith.cmpi slt, %jit3A_673, %sign3A_685 : i32
        %sign3A_687 = arith.extui %sign3A_686 : i1 to i32
        %sign3A_688 = arith.subi %sign3A_684, %sign3A_687 : i32
        %ne3A_689 = arith.cmpi ne, %sign3A_681, %sign3A_688 : i32
        %rem3A_690 = arith.remsi %add3A_663, %jit3A_673 : i32
        %ne3A_691 = arith.constant 0 : i32
        %ne3A_692 = arith.cmpi ne, %rem3A_690, %ne3A_691 : i32
        %and3A_693 = arith.andi %ne3A_689, %ne3A_692 : i1
        %sub3A_694 = arith.constant 1 : i32
        %sub3A_695 = arith.subi %div3A_674, %sub3A_694 : i32
        %select_n3A_696 = arith.select %and3A_693, %sub3A_695, %div3A_674 : i32
        %multiple_of3A_697 = tpu.assume_multiple %select_n3A_696, 8 : i32
        %dma_start3A_698 = arith.constant 1 : i32
        %dma_start3A_699 = arith.constant 0 : i32
        %dma_start3A_700 = arith.constant 0 : i32
        %dma_start3A_701 = tpu.memref_slice %arg9[%dma_start3A_698, %dma_start3A_699, %dma_start3A_700] : memref<2x8x128xi32, #tpu.memory_space<vmem>> -> memref<1x8x128xi32, #tpu.memory_space<vmem>>
        %dma_start3A_702 = tpu.memref_squeeze %dma_start3A_701 : memref<1x8x128xi32, #tpu.memory_space<vmem>> -> memref<8x128xi32, #tpu.memory_space<vmem>>
        %dma_start3A_703 = arith.constant 0 : i32
        %dma_start3A_704 = tpu.memref_slice %arg3[%multiple_of3A_697, %dma_start3A_703] : memref<50000x128xi32, #tpu.memory_space<hbm>> -> memref<8x128xi32, #tpu.memory_space<hbm>>
        %dma_start3A_705 = arith.constant 0 : i32
        %dma_start3A_706 = arith.constant 0 : i32
        %dma_start3A_707 = tpu.memref_slice %arg9[%dma_start3A_698, %dma_start3A_705, %dma_start3A_706] : memref<2x8x128xi32, #tpu.memory_space<vmem>> -> memref<1x8x128xi32, #tpu.memory_space<vmem>>
        %dma_start3A_708 = tpu.memref_squeeze %dma_start3A_707 : memref<1x8x128xi32, #tpu.memory_space<vmem>> -> memref<8x128xi32, #tpu.memory_space<vmem>>
        %dma_start3A_709 = arith.constant 0 : i32
        %dma_start3A_710 = tpu.memref_slice %arg3[%multiple_of3A_697, %dma_start3A_709] : memref<50000x128xi32, #tpu.memory_space<hbm>> -> memref<8x128xi32, #tpu.memory_space<hbm>>
        tpu.enqueue_dma source(%dma_start3A_710 : memref<8x128xi32, #tpu.memory_space<hbm>>) target(%dma_start3A_708 : memref<8x128xi32, #tpu.memory_space<vmem>>) target_semaphore(%arg11 : memref<!tpu.dma_semaphore, #tpu.memory_space<semaphore_mem>>)
      } else {
      }
    }
    %barrier3A_184 = arith.constant 0 : index
    tpu.barrier barrier_id(%barrier3A_184)
    "tpu.region"() ({
      %run_scoped3A = tpu.sem_alloc : memref<!tpu.dma_semaphore, #tpu.memory_space<semaphore_mem>>
      %dma_start3A_185 = arith.constant 0 : i32
      %dma_start3A_186 = tpu.memref_slice %arg6[%arg0, %mul3A_0, %dma_start3A_185] : memref<2x100096x8xf32, #tpu.memory_space<hbm>> -> memref<1x6256x8xf32, #tpu.memory_space<hbm>>
      %dma_start3A_187 = tpu.memref_squeeze %dma_start3A_186 : memref<1x6256x8xf32, #tpu.memory_space<hbm>> -> memref<6256x8xf32, #tpu.memory_space<hbm>>
      %dma_start3A_188 = arith.constant 0 : i32
      %dma_start3A_189 = tpu.memref_slice %arg7[%mul3A_0, %dma_start3A_188] : memref<100096x8xf32, #tpu.memory_space<vmem_shared>> -> memref<6256x8xf32, #tpu.memory_space<vmem_shared>>
      tpu.enqueue_dma source(%dma_start3A_189 : memref<6256x8xf32, #tpu.memory_space<vmem_shared>>) target(%dma_start3A_187 : memref<6256x8xf32, #tpu.memory_space<hbm>>) target_semaphore(%run_scoped3A : memref<!tpu.dma_semaphore, #tpu.memory_space<semaphore_mem>>)
      %dma_wait3A_190 = arith.constant 0 : i32
      %dma_wait3A_191 = tpu.memref_slice %arg6[%arg0, %mul3A_0, %dma_wait3A_190] : memref<2x100096x8xf32, #tpu.memory_space<hbm>> -> memref<1x6256x8xf32, #tpu.memory_space<hbm>>
      %dma_wait3A_192 = tpu.memref_squeeze %dma_wait3A_191 : memref<1x6256x8xf32, #tpu.memory_space<hbm>> -> memref<6256x8xf32, #tpu.memory_space<hbm>>
      %dma_wait3A_193 = arith.constant 0 : i32
      %dma_wait3A_194 = tpu.memref_slice %arg7[%mul3A_0, %dma_wait3A_193] : memref<100096x8xf32, #tpu.memory_space<vmem_shared>> -> memref<6256x8xf32, #tpu.memory_space<vmem_shared>>
      tpu.wait_dma2 semaphore(%run_scoped3A : memref<!tpu.dma_semaphore, #tpu.memory_space<semaphore_mem>>) src(%dma_wait3A_194 : memref<6256x8xf32, #tpu.memory_space<vmem_shared>>) dst(%dma_wait3A_192 : memref<6256x8xf32, #tpu.memory_space<hbm>>)
      tpu.yield
    }) : () -> ()
    return
  }
}

#map = affine_map<(d0, d1) -> (0)>
#map1 = affine_map<(d0, d1) -> (0, 0)>
#map2 = affine_map<(d0, d1) -> (0, 0, 0)>
module attributes {stable_mosaic.version = 14 : i64} {
  func.func @_pass_b(%arg0: i32, %arg1: i32, %arg2: memref<6400000xi32, #tpu.memory_space<hbm>>, %arg3: memref<50000x128xi32, #tpu.memory_space<hbm>>, %arg4: memref<2x100096x8xf32, #tpu.memory_space<hbm>>, %arg5: memref<100096xf32, #tpu.memory_space<hbm>>, %arg6: memref<2x100096xf32, #tpu.memory_space<hbm>>, %arg7: memref<100096xf32, #tpu.memory_space<vmem_shared>>, %arg8: memref<100096xf32, #tpu.memory_space<vmem_shared>>, %arg9: memref<6256x8xf32, #tpu.memory_space<vmem>>, %arg10: memref<6256xf32, #tpu.memory_space<vmem>>, %arg11: memref<2x1024xi32, #tpu.memory_space<vmem>>, %arg12: memref<2x8x128xi32, #tpu.memory_space<vmem>>, %arg13: memref<2x1024xf32, #tpu.memory_space<vmem>>, %arg14: memref<!tpu.dma_semaphore, #tpu.memory_space<semaphore_mem>>, %arg15: memref<!tpu.dma_semaphore, #tpu.memory_space<semaphore_mem>>, %arg16: memref<!tpu.dma_semaphore, #tpu.memory_space<semaphore_mem>>) attributes {dimension_semantics = [#tpu.dimension_semantics<core_parallel>, #tpu.dimension_semantics<subcore_parallel>], iteration_bounds = array<i64: 2, 16>, scalar_prefetch = 0 : i64, scratch_operands = 10 : i64, tpu.core_type = #tpu.core_type<sc_vector_subcore>, window_params = [{transform_indices = #map}, {transform_indices = #map1}, {transform_indices = #map2}, {transform_indices = #map}, {transform_indices = #map1}]} {
    %mul3A = arith.constant 6256 : i32
    %mul3A_0 = arith.muli %arg1, %mul3A : i32
    "tpu.region"() ({
      %run_scoped3A_186 = tpu.sem_alloc : memref<!tpu.dma_semaphore, #tpu.memory_space<semaphore_mem>>
      %dma_start3A_187 = tpu.memref_slice %arg7[%mul3A_0] : memref<100096xf32, #tpu.memory_space<vmem_shared>> -> memref<6256xf32, #tpu.memory_space<vmem_shared>>
      %dma_start3A_188 = tpu.memref_slice %arg5[%mul3A_0] : memref<100096xf32, #tpu.memory_space<hbm>> -> memref<6256xf32, #tpu.memory_space<hbm>>
      tpu.enqueue_dma source(%dma_start3A_188 : memref<6256xf32, #tpu.memory_space<hbm>>) target(%dma_start3A_187 : memref<6256xf32, #tpu.memory_space<vmem_shared>>) target_semaphore(%run_scoped3A_186 : memref<!tpu.dma_semaphore, #tpu.memory_space<semaphore_mem>>)
      %dma_wait3A_189 = tpu.memref_slice %arg7[%mul3A_0] : memref<100096xf32, #tpu.memory_space<vmem_shared>> -> memref<6256xf32, #tpu.memory_space<vmem_shared>>
      %dma_wait3A_190 = tpu.memref_slice %arg5[%mul3A_0] : memref<100096xf32, #tpu.memory_space<hbm>> -> memref<6256xf32, #tpu.memory_space<hbm>>
      tpu.wait_dma2 semaphore(%run_scoped3A_186 : memref<!tpu.dma_semaphore, #tpu.memory_space<semaphore_mem>>) src(%dma_wait3A_190 : memref<6256xf32, #tpu.memory_space<hbm>>) dst(%dma_wait3A_189 : memref<6256xf32, #tpu.memory_space<vmem_shared>>)
      tpu.yield
    }) : () -> ()
    %broadcast_in_dim3A = arith.constant 6 : i32
    %broadcast_in_dim3A_1 = vector.broadcast %broadcast_in_dim3A : i32 to vector<16xi32>
    %iota3A = tpu.iota {dimensions = array<i32: 0>} : vector<16xi32>
    %run_scoped3A = arith.constant 0 : i32
    "tpu.region"() ({
      %run_scoped3A_186 = tpu.sem_alloc : memref<!tpu.dma_semaphore, #tpu.memory_space<semaphore_mem>>
      %dma_start3A_187 = arith.constant 0 : i32
      %dma_start3A_188 = tpu.memref_slice %arg4[%run_scoped3A, %mul3A_0, %dma_start3A_187] : memref<2x100096x8xf32, #tpu.memory_space<hbm>> -> memref<1x6256x8xf32, #tpu.memory_space<hbm>>
      %dma_start3A_189 = tpu.memref_squeeze %dma_start3A_188 : memref<1x6256x8xf32, #tpu.memory_space<hbm>> -> memref<6256x8xf32, #tpu.memory_space<hbm>>
      %dma_start3A_190 = arith.constant 0 : i32
      %dma_start3A_191 = tpu.memref_slice %arg4[%run_scoped3A, %mul3A_0, %dma_start3A_190] : memref<2x100096x8xf32, #tpu.memory_space<hbm>> -> memref<1x6256x8xf32, #tpu.memory_space<hbm>>
      %dma_start3A_192 = tpu.memref_squeeze %dma_start3A_191 : memref<1x6256x8xf32, #tpu.memory_space<hbm>> -> memref<6256x8xf32, #tpu.memory_space<hbm>>
      tpu.enqueue_dma source(%dma_start3A_192 : memref<6256x8xf32, #tpu.memory_space<hbm>>) target(%arg9 : memref<6256x8xf32, #tpu.memory_space<vmem>>) target_semaphore(%run_scoped3A_186 : memref<!tpu.dma_semaphore, #tpu.memory_space<semaphore_mem>>)
      %dma_wait3A_193 = arith.constant 0 : i32
      %dma_wait3A_194 = tpu.memref_slice %arg4[%run_scoped3A, %mul3A_0, %dma_wait3A_193] : memref<2x100096x8xf32, #tpu.memory_space<hbm>> -> memref<1x6256x8xf32, #tpu.memory_space<hbm>>
      %dma_wait3A_195 = tpu.memref_squeeze %dma_wait3A_194 : memref<1x6256x8xf32, #tpu.memory_space<hbm>> -> memref<6256x8xf32, #tpu.memory_space<hbm>>
      %dma_wait3A_196 = arith.constant 0 : i32
      %dma_wait3A_197 = tpu.memref_slice %arg4[%run_scoped3A, %mul3A_0, %dma_wait3A_196] : memref<2x100096x8xf32, #tpu.memory_space<hbm>> -> memref<1x6256x8xf32, #tpu.memory_space<hbm>>
      %dma_wait3A_198 = tpu.memref_squeeze %dma_wait3A_197 : memref<1x6256x8xf32, #tpu.memory_space<hbm>> -> memref<6256x8xf32, #tpu.memory_space<hbm>>
      tpu.wait_dma2 semaphore(%run_scoped3A_186 : memref<!tpu.dma_semaphore, #tpu.memory_space<semaphore_mem>>) src(%dma_wait3A_198 : memref<6256x8xf32, #tpu.memory_space<hbm>>) dst(%arg9 : memref<6256x8xf32, #tpu.memory_space<vmem>>)
      tpu.yield
    }) : () -> ()
    %scan3A = arith.constant 0 : i32
    %scan3A_2 = arith.constant 391 : i32
    %scan3A_3 = arith.addi %scan3A, %scan3A_2 : i32
    %scan3A_4 = arith.constant 1 : i32
    scf.for %scan3A_186 = %scan3A to %scan3A_3 step %scan3A_4  : i32 {
      %mul3A_187 = arith.constant 1 : i32
      %mul3A_188 = arith.muli %scan3A_186, %mul3A_187 : i32
      %add3A_189 = arith.constant 0 : i32
      %add3A_190 = arith.addi %add3A_189, %mul3A_188 : i32
      %mul3A_191 = arith.constant 16 : i32
      %mul3A_192 = arith.muli %add3A_190, %mul3A_191 : i32
      %add3A_193 = vector.broadcast %mul3A_192 : i32 to vector<16xi32>
      %add3A_194 = arith.addi %add3A_193, %iota3A : vector<16xi32>
      %gather3A = tpu.vector_load_idx %arg9[%add3A_194, %broadcast_in_dim3A_1] : memref<6256x8xf32, #tpu.memory_space<vmem>>[vector<16xi32>, vector<16xi32>], vector<16xf32>,
      %swap3A = arith.index_cast %mul3A_192 : i32 to index
      %swap3A_195 = tpu.vector_load %arg10[%swap3A] {strides = array<i32>} : memref<6256xf32, #tpu.memory_space<vmem>>, vector<16xf32>,
      tpu.vector_store %arg10[%swap3A], %gather3A {strides = array<i32>} : memref<6256xf32, #tpu.memory_space<vmem>>, vector<16xf32>,
    }
    %scan3A_5 = arith.constant 391 : i32
    %run_scoped3A_6 = arith.constant 1 : i32
    "tpu.region"() ({
      %run_scoped3A_186 = tpu.sem_alloc : memref<!tpu.dma_semaphore, #tpu.memory_space<semaphore_mem>>
      %dma_start3A_187 = arith.constant 0 : i32
      %dma_start3A_188 = tpu.memref_slice %arg4[%run_scoped3A_6, %mul3A_0, %dma_start3A_187] : memref<2x100096x8xf32, #tpu.memory_space<hbm>> -> memref<1x6256x8xf32, #tpu.memory_space<hbm>>
      %dma_start3A_189 = tpu.memref_squeeze %dma_start3A_188 : memref<1x6256x8xf32, #tpu.memory_space<hbm>> -> memref<6256x8xf32, #tpu.memory_space<hbm>>
      %dma_start3A_190 = arith.constant 0 : i32
      %dma_start3A_191 = tpu.memref_slice %arg4[%run_scoped3A_6, %mul3A_0, %dma_start3A_190] : memref<2x100096x8xf32, #tpu.memory_space<hbm>> -> memref<1x6256x8xf32, #tpu.memory_space<hbm>>
      %dma_start3A_192 = tpu.memref_squeeze %dma_start3A_191 : memref<1x6256x8xf32, #tpu.memory_space<hbm>> -> memref<6256x8xf32, #tpu.memory_space<hbm>>
      tpu.enqueue_dma source(%dma_start3A_192 : memref<6256x8xf32, #tpu.memory_space<hbm>>) target(%arg9 : memref<6256x8xf32, #tpu.memory_space<vmem>>) target_semaphore(%run_scoped3A_186 : memref<!tpu.dma_semaphore, #tpu.memory_space<semaphore_mem>>)
      %dma_wait3A_193 = arith.constant 0 : i32
      %dma_wait3A_194 = tpu.memref_slice %arg4[%run_scoped3A_6, %mul3A_0, %dma_wait3A_193] : memref<2x100096x8xf32, #tpu.memory_space<hbm>> -> memref<1x6256x8xf32, #tpu.memory_space<hbm>>
      %dma_wait3A_195 = tpu.memref_squeeze %dma_wait3A_194 : memref<1x6256x8xf32, #tpu.memory_space<hbm>> -> memref<6256x8xf32, #tpu.memory_space<hbm>>
      %dma_wait3A_196 = arith.constant 0 : i32
      %dma_wait3A_197 = tpu.memref_slice %arg4[%run_scoped3A_6, %mul3A_0, %dma_wait3A_196] : memref<2x100096x8xf32, #tpu.memory_space<hbm>> -> memref<1x6256x8xf32, #tpu.memory_space<hbm>>
      %dma_wait3A_198 = tpu.memref_squeeze %dma_wait3A_197 : memref<1x6256x8xf32, #tpu.memory_space<hbm>> -> memref<6256x8xf32, #tpu.memory_space<hbm>>
      tpu.wait_dma2 semaphore(%run_scoped3A_186 : memref<!tpu.dma_semaphore, #tpu.memory_space<semaphore_mem>>) src(%dma_wait3A_198 : memref<6256x8xf32, #tpu.memory_space<hbm>>) dst(%arg9 : memref<6256x8xf32, #tpu.memory_space<vmem>>)
      tpu.yield
    }) : () -> ()
    %scan3A_7 = arith.constant 0 : i32
    %scan3A_8 = arith.constant 391 : i32
    %scan3A_9 = arith.addi %scan3A_7, %scan3A_8 : i32
    %scan3A_10 = arith.constant 1 : i32
    scf.for %scan3A_186 = %scan3A_7 to %scan3A_9 step %scan3A_10  : i32 {
      %mul3A_187 = arith.constant 1 : i32
      %mul3A_188 = arith.muli %scan3A_186, %mul3A_187 : i32
      %add3A_189 = arith.constant 0 : i32
      %add3A_190 = arith.addi %add3A_189, %mul3A_188 : i32
      %mul3A_191 = arith.constant 16 : i32
      %mul3A_192 = arith.muli %add3A_190, %mul3A_191 : i32
      %add3A_193 = vector.broadcast %mul3A_192 : i32 to vector<16xi32>
      %add3A_194 = arith.addi %add3A_193, %iota3A : vector<16xi32>
      %gather3A = tpu.vector_load_idx %arg9[%add3A_194, %broadcast_in_dim3A_1] : memref<6256x8xf32, #tpu.memory_space<vmem>>[vector<16xi32>, vector<16xi32>], vector<16xf32>,
      %get3A = arith.index_cast %mul3A_192 : i32 to index
      %get3A_195 = tpu.vector_load %arg10[%get3A] {strides = array<i32>} : memref<6256xf32, #tpu.memory_space<vmem>>, vector<16xf32>,
      %add3A_196 = arith.addf %get3A_195, %gather3A : vector<16xf32>
      %div3A_197 = arith.constant 1.000000e+00 : f32
      %div3A_198 = vector.broadcast %div3A_197 : f32 to vector<16xf32>
      %div3A_199 = arith.divf %div3A_198, %add3A_196 : vector<16xf32>
      %swap3A = arith.index_cast %mul3A_192 : i32 to index
      %swap3A_200 = tpu.vector_load %arg10[%swap3A] {strides = array<i32>} : memref<6256xf32, #tpu.memory_space<vmem>>, vector<16xf32>,
      tpu.vector_store %arg10[%swap3A], %div3A_199 {strides = array<i32>} : memref<6256xf32, #tpu.memory_space<vmem>>, vector<16xf32>,
    }
    %scan3A_11 = arith.constant 391 : i32
    "tpu.region"() ({
      %run_scoped3A_186 = tpu.sem_alloc : memref<!tpu.dma_semaphore, #tpu.memory_space<semaphore_mem>>
      %dma_start3A_187 = tpu.memref_slice %arg8[%mul3A_0] : memref<100096xf32, #tpu.memory_space<vmem_shared>> -> memref<6256xf32, #tpu.memory_space<vmem_shared>>
      %dma_start3A_188 = tpu.memref_slice %arg8[%mul3A_0] : memref<100096xf32, #tpu.memory_space<vmem_shared>> -> memref<6256xf32, #tpu.memory_space<vmem_shared>>
      tpu.enqueue_dma source(%arg10 : memref<6256xf32, #tpu.memory_space<vmem>>) target(%dma_start3A_188 : memref<6256xf32, #tpu.memory_space<vmem_shared>>) target_semaphore(%run_scoped3A_186 : memref<!tpu.dma_semaphore, #tpu.memory_space<semaphore_mem>>)
      %dma_wait3A_189 = tpu.memref_slice %arg8[%mul3A_0] : memref<100096xf32, #tpu.memory_space<vmem_shared>> -> memref<6256xf32, #tpu.memory_space<vmem_shared>>
      %dma_wait3A_190 = tpu.memref_slice %arg8[%mul3A_0] : memref<100096xf32, #tpu.memory_space<vmem_shared>> -> memref<6256xf32, #tpu.memory_space<vmem_shared>>
      tpu.wait_dma2 semaphore(%run_scoped3A_186 : memref<!tpu.dma_semaphore, #tpu.memory_space<semaphore_mem>>) src(%arg10 : memref<6256xf32, #tpu.memory_space<vmem>>) dst(%dma_wait3A_190 : memref<6256xf32, #tpu.memory_space<vmem_shared>>)
      tpu.yield
    }) : () -> ()
    %barrier3A = arith.constant 0 : index
    tpu.barrier barrier_id(%barrier3A)
    %mul3A_12 = arith.constant 16 : i32
    %mul3A_13 = arith.muli %arg0, %mul3A_12 : i32
    %add3A = arith.addi %mul3A_13, %arg1 : i32
    %mul3A_14 = arith.constant 200704 : i32
    %mul3A_15 = arith.muli %add3A, %mul3A_14 : i32
    %eq3A = arith.constant 31 : i32
    %eq3A_16 = arith.cmpi eq, %add3A, %eq3A : i32
    %jit3A = arith.constant 174 : i32
    %jit3A_17 = arith.constant 196 : i32
    %select_n3A = arith.select %eq3A_16, %jit3A, %jit3A_17 : i32
    %add3A_18 = arith.constant 0 : i32
    %add3A_19 = arith.addi %mul3A_15, %add3A_18 : i32
    %dma_start3A = arith.constant 0 : i32
    %dma_start3A_20 = arith.constant 0 : i32
    %dma_start3A_21 = tpu.memref_slice %arg11[%dma_start3A, %dma_start3A_20] : memref<2x1024xi32, #tpu.memory_space<vmem>> -> memref<1x1024xi32, #tpu.memory_space<vmem>>
    %dma_start3A_22 = tpu.memref_squeeze %dma_start3A_21 : memref<1x1024xi32, #tpu.memory_space<vmem>> -> memref<1024xi32, #tpu.memory_space<vmem>>
    %dma_start3A_23 = tpu.memref_slice %arg2[%add3A_19] : memref<6400000xi32, #tpu.memory_space<hbm>> -> memref<1024xi32, #tpu.memory_space<hbm>>
    %dma_start3A_24 = arith.constant 0 : i32
    %dma_start3A_25 = tpu.memref_slice %arg11[%dma_start3A, %dma_start3A_24] : memref<2x1024xi32, #tpu.memory_space<vmem>> -> memref<1x1024xi32, #tpu.memory_space<vmem>>
    %dma_start3A_26 = tpu.memref_squeeze %dma_start3A_25 : memref<1x1024xi32, #tpu.memory_space<vmem>> -> memref<1024xi32, #tpu.memory_space<vmem>>
    %dma_start3A_27 = tpu.memref_slice %arg2[%add3A_19] : memref<6400000xi32, #tpu.memory_space<hbm>> -> memref<1024xi32, #tpu.memory_space<hbm>>
    tpu.enqueue_dma source(%dma_start3A_27 : memref<1024xi32, #tpu.memory_space<hbm>>) target(%dma_start3A_26 : memref<1024xi32, #tpu.memory_space<vmem>>) target_semaphore(%arg14 : memref<!tpu.dma_semaphore, #tpu.memory_space<semaphore_mem>>)
    %jit3A_28 = arith.constant 128 : i32
    %div3A = arith.divsi %add3A_19, %jit3A_28 : i32
    %sign3A = arith.constant 0 : i32
    %sign3A_29 = arith.cmpi sgt, %add3A_19, %sign3A : i32
    %sign3A_30 = arith.extui %sign3A_29 : i1 to i32
    %sign3A_31 = arith.constant 0 : i32
    %sign3A_32 = arith.cmpi slt, %add3A_19, %sign3A_31 : i32
    %sign3A_33 = arith.extui %sign3A_32 : i1 to i32
    %sign3A_34 = arith.subi %sign3A_30, %sign3A_33 : i32
    %sign3A_35 = arith.constant 0 : i32
    %sign3A_36 = arith.cmpi sgt, %jit3A_28, %sign3A_35 : i32
    %sign3A_37 = arith.extui %sign3A_36 : i1 to i32
    %sign3A_38 = arith.constant 0 : i32
    %sign3A_39 = arith.cmpi slt, %jit3A_28, %sign3A_38 : i32
    %sign3A_40 = arith.extui %sign3A_39 : i1 to i32
    %sign3A_41 = arith.subi %sign3A_37, %sign3A_40 : i32
    %ne3A = arith.cmpi ne, %sign3A_34, %sign3A_41 : i32
    %rem3A = arith.remsi %add3A_19, %jit3A_28 : i32
    %ne3A_42 = arith.constant 0 : i32
    %ne3A_43 = arith.cmpi ne, %rem3A, %ne3A_42 : i32
    %and3A = arith.andi %ne3A, %ne3A_43 : i1
    %sub3A = arith.constant 1 : i32
    %sub3A_44 = arith.subi %div3A, %sub3A : i32
    %select_n3A_45 = arith.select %and3A, %sub3A_44, %div3A : i32
    %multiple_of3A = tpu.assume_multiple %select_n3A_45, 8 : i32
    %dma_start3A_46 = arith.constant 0 : i32
    %dma_start3A_47 = arith.constant 0 : i32
    %dma_start3A_48 = arith.constant 0 : i32
    %dma_start3A_49 = tpu.memref_slice %arg12[%dma_start3A_46, %dma_start3A_47, %dma_start3A_48] : memref<2x8x128xi32, #tpu.memory_space<vmem>> -> memref<1x8x128xi32, #tpu.memory_space<vmem>>
    %dma_start3A_50 = tpu.memref_squeeze %dma_start3A_49 : memref<1x8x128xi32, #tpu.memory_space<vmem>> -> memref<8x128xi32, #tpu.memory_space<vmem>>
    %dma_start3A_51 = arith.constant 0 : i32
    %dma_start3A_52 = tpu.memref_slice %arg3[%multiple_of3A, %dma_start3A_51] : memref<50000x128xi32, #tpu.memory_space<hbm>> -> memref<8x128xi32, #tpu.memory_space<hbm>>
    %dma_start3A_53 = arith.constant 0 : i32
    %dma_start3A_54 = arith.constant 0 : i32
    %dma_start3A_55 = tpu.memref_slice %arg12[%dma_start3A_46, %dma_start3A_53, %dma_start3A_54] : memref<2x8x128xi32, #tpu.memory_space<vmem>> -> memref<1x8x128xi32, #tpu.memory_space<vmem>>
    %dma_start3A_56 = tpu.memref_squeeze %dma_start3A_55 : memref<1x8x128xi32, #tpu.memory_space<vmem>> -> memref<8x128xi32, #tpu.memory_space<vmem>>
    %dma_start3A_57 = arith.constant 0 : i32
    %dma_start3A_58 = tpu.memref_slice %arg3[%multiple_of3A, %dma_start3A_57] : memref<50000x128xi32, #tpu.memory_space<hbm>> -> memref<8x128xi32, #tpu.memory_space<hbm>>
    tpu.enqueue_dma source(%dma_start3A_58 : memref<8x128xi32, #tpu.memory_space<hbm>>) target(%dma_start3A_56 : memref<8x128xi32, #tpu.memory_space<vmem>>) target_semaphore(%arg14 : memref<!tpu.dma_semaphore, #tpu.memory_space<semaphore_mem>>)
    %dma_wait3A = arith.constant 0 : i32
    %dma_wait3A_59 = arith.constant 0 : i32
    %dma_wait3A_60 = tpu.memref_slice %arg11[%dma_wait3A, %dma_wait3A_59] : memref<2x1024xi32, #tpu.memory_space<vmem>> -> memref<1x1024xi32, #tpu.memory_space<vmem>>
    %dma_wait3A_61 = tpu.memref_squeeze %dma_wait3A_60 : memref<1x1024xi32, #tpu.memory_space<vmem>> -> memref<1024xi32, #tpu.memory_space<vmem>>
    %dma_wait3A_62 = arith.constant 0 : i32
    %dma_wait3A_63 = tpu.memref_slice %arg2[%dma_wait3A_62] : memref<6400000xi32, #tpu.memory_space<hbm>> -> memref<1024xi32, #tpu.memory_space<hbm>>
    %dma_wait3A_64 = arith.constant 0 : i32
    %dma_wait3A_65 = tpu.memref_slice %arg11[%dma_wait3A, %dma_wait3A_64] : memref<2x1024xi32, #tpu.memory_space<vmem>> -> memref<1x1024xi32, #tpu.memory_space<vmem>>
    %dma_wait3A_66 = tpu.memref_squeeze %dma_wait3A_65 : memref<1x1024xi32, #tpu.memory_space<vmem>> -> memref<1024xi32, #tpu.memory_space<vmem>>
    %dma_wait3A_67 = arith.constant 0 : i32
    %dma_wait3A_68 = tpu.memref_slice %arg2[%dma_wait3A_67] : memref<6400000xi32, #tpu.memory_space<hbm>> -> memref<1024xi32, #tpu.memory_space<hbm>>
    tpu.wait_dma2 semaphore(%arg14 : memref<!tpu.dma_semaphore, #tpu.memory_space<semaphore_mem>>) src(%dma_wait3A_68 : memref<1024xi32, #tpu.memory_space<hbm>>) dst(%dma_wait3A_66 : memref<1024xi32, #tpu.memory_space<vmem>>)
    %dma_wait3A_69 = arith.constant 0 : i32
    %dma_wait3A_70 = arith.constant 0 : i32
    %dma_wait3A_71 = arith.constant 0 : i32
    %dma_wait3A_72 = tpu.memref_slice %arg12[%dma_wait3A_69, %dma_wait3A_70, %dma_wait3A_71] : memref<2x8x128xi32, #tpu.memory_space<vmem>> -> memref<1x8x128xi32, #tpu.memory_space<vmem>>
    %dma_wait3A_73 = tpu.memref_squeeze %dma_wait3A_72 : memref<1x8x128xi32, #tpu.memory_space<vmem>> -> memref<8x128xi32, #tpu.memory_space<vmem>>
    %dma_wait3A_74 = arith.constant 0 : i32
    %dma_wait3A_75 = arith.constant 0 : i32
    %dma_wait3A_76 = tpu.memref_slice %arg3[%dma_wait3A_74, %dma_wait3A_75] : memref<50000x128xi32, #tpu.memory_space<hbm>> -> memref<8x128xi32, #tpu.memory_space<hbm>>
    %dma_wait3A_77 = arith.constant 0 : i32
    %dma_wait3A_78 = arith.constant 0 : i32
    %dma_wait3A_79 = tpu.memref_slice %arg12[%dma_wait3A_69, %dma_wait3A_77, %dma_wait3A_78] : memref<2x8x128xi32, #tpu.memory_space<vmem>> -> memref<1x8x128xi32, #tpu.memory_space<vmem>>
    %dma_wait3A_80 = tpu.memref_squeeze %dma_wait3A_79 : memref<1x8x128xi32, #tpu.memory_space<vmem>> -> memref<8x128xi32, #tpu.memory_space<vmem>>
    %dma_wait3A_81 = arith.constant 0 : i32
    %dma_wait3A_82 = arith.constant 0 : i32
    %dma_wait3A_83 = tpu.memref_slice %arg3[%dma_wait3A_81, %dma_wait3A_82] : memref<50000x128xi32, #tpu.memory_space<hbm>> -> memref<8x128xi32, #tpu.memory_space<hbm>>
    tpu.wait_dma2 semaphore(%arg14 : memref<!tpu.dma_semaphore, #tpu.memory_space<semaphore_mem>>) src(%dma_wait3A_83 : memref<8x128xi32, #tpu.memory_space<hbm>>) dst(%dma_wait3A_80 : memref<8x128xi32, #tpu.memory_space<vmem>>)
    %dma_start3A_84 = arith.constant 0 : i32
    %dma_start3A_85 = arith.constant 0 : i32
    %dma_start3A_86 = arith.constant 0 : i32
    %dma_start3A_87 = tpu.memref_slice %arg13[%dma_start3A_85, %dma_start3A_86] : memref<2x1024xf32, #tpu.memory_space<vmem>> -> memref<1x1024xf32, #tpu.memory_space<vmem>>
    %dma_start3A_88 = tpu.memref_squeeze %dma_start3A_87 : memref<1x1024xf32, #tpu.memory_space<vmem>> -> memref<1024xf32, #tpu.memory_space<vmem>>
    %dma_start3A_89 = arith.constant 0 : i32
    %dma_start3A_90 = tpu.memref_slice %arg11[%dma_start3A_84, %dma_start3A_89] : memref<2x1024xi32, #tpu.memory_space<vmem>> -> memref<1x1024xi32, #tpu.memory_space<vmem>>
    %dma_start3A_91 = tpu.memref_squeeze %dma_start3A_90 : memref<1x1024xi32, #tpu.memory_space<vmem>> -> memref<1024xi32, #tpu.memory_space<vmem>>
    %dma_start3A_92 = arith.constant 0 : i32
    %dma_start3A_93 = tpu.memref_slice %arg8[%dma_start3A_92] : memref<100096xf32, #tpu.memory_space<vmem_shared>> -> memref<100096xf32, #tpu.memory_space<vmem_shared>>
    tpu.enqueue_indirect_dma source(%dma_start3A_93 : memref<100096xf32, #tpu.memory_space<vmem_shared>>) target(%dma_start3A_88 : memref<1024xf32, #tpu.memory_space<vmem>>) offsets(%dma_start3A_91 : memref<1024xi32, #tpu.memory_space<vmem>>) semaphore(%arg15 : memref<!tpu.dma_semaphore, #tpu.memory_space<semaphore_mem>>)
    %add3A_94 = arith.constant 1024 : i32
    %add3A_95 = arith.addi %mul3A_15, %add3A_94 : i32
    %dma_start3A_96 = arith.constant 1 : i32
    %dma_start3A_97 = arith.constant 0 : i32
    %dma_start3A_98 = tpu.memref_slice %arg11[%dma_start3A_96, %dma_start3A_97] : memref<2x1024xi32, #tpu.memory_space<vmem>> -> memref<1x1024xi32, #tpu.memory_space<vmem>>
    %dma_start3A_99 = tpu.memref_squeeze %dma_start3A_98 : memref<1x1024xi32, #tpu.memory_space<vmem>> -> memref<1024xi32, #tpu.memory_space<vmem>>
    %dma_start3A_100 = tpu.memref_slice %arg2[%add3A_95] : memref<6400000xi32, #tpu.memory_space<hbm>> -> memref<1024xi32, #tpu.memory_space<hbm>>
    %dma_start3A_101 = arith.constant 0 : i32
    %dma_start3A_102 = tpu.memref_slice %arg11[%dma_start3A_96, %dma_start3A_101] : memref<2x1024xi32, #tpu.memory_space<vmem>> -> memref<1x1024xi32, #tpu.memory_space<vmem>>
    %dma_start3A_103 = tpu.memref_squeeze %dma_start3A_102 : memref<1x1024xi32, #tpu.memory_space<vmem>> -> memref<1024xi32, #tpu.memory_space<vmem>>
    %dma_start3A_104 = tpu.memref_slice %arg2[%add3A_95] : memref<6400000xi32, #tpu.memory_space<hbm>> -> memref<1024xi32, #tpu.memory_space<hbm>>
    tpu.enqueue_dma source(%dma_start3A_104 : memref<1024xi32, #tpu.memory_space<hbm>>) target(%dma_start3A_103 : memref<1024xi32, #tpu.memory_space<vmem>>) target_semaphore(%arg14 : memref<!tpu.dma_semaphore, #tpu.memory_space<semaphore_mem>>)
    %jit3A_105 = arith.constant 128 : i32
    %div3A_106 = arith.divsi %add3A_95, %jit3A_105 : i32
    %sign3A_107 = arith.constant 0 : i32
    %sign3A_108 = arith.cmpi sgt, %add3A_95, %sign3A_107 : i32
    %sign3A_109 = arith.extui %sign3A_108 : i1 to i32
    %sign3A_110 = arith.constant 0 : i32
    %sign3A_111 = arith.cmpi slt, %add3A_95, %sign3A_110 : i32
    %sign3A_112 = arith.extui %sign3A_111 : i1 to i32
    %sign3A_113 = arith.subi %sign3A_109, %sign3A_112 : i32
    %sign3A_114 = arith.constant 0 : i32
    %sign3A_115 = arith.cmpi sgt, %jit3A_105, %sign3A_114 : i32
    %sign3A_116 = arith.extui %sign3A_115 : i1 to i32
    %sign3A_117 = arith.constant 0 : i32
    %sign3A_118 = arith.cmpi slt, %jit3A_105, %sign3A_117 : i32
    %sign3A_119 = arith.extui %sign3A_118 : i1 to i32
    %sign3A_120 = arith.subi %sign3A_116, %sign3A_119 : i32
    %ne3A_121 = arith.cmpi ne, %sign3A_113, %sign3A_120 : i32
    %rem3A_122 = arith.remsi %add3A_95, %jit3A_105 : i32
    %ne3A_123 = arith.constant 0 : i32
    %ne3A_124 = arith.cmpi ne, %rem3A_122, %ne3A_123 : i32
    %and3A_125 = arith.andi %ne3A_121, %ne3A_124 : i1
    %sub3A_126 = arith.constant 1 : i32
    %sub3A_127 = arith.subi %div3A_106, %sub3A_126 : i32
    %select_n3A_128 = arith.select %and3A_125, %sub3A_127, %div3A_106 : i32
    %multiple_of3A_129 = tpu.assume_multiple %select_n3A_128, 8 : i32
    %dma_start3A_130 = arith.constant 1 : i32
    %dma_start3A_131 = arith.constant 0 : i32
    %dma_start3A_132 = arith.constant 0 : i32
    %dma_start3A_133 = tpu.memref_slice %arg12[%dma_start3A_130, %dma_start3A_131, %dma_start3A_132] : memref<2x8x128xi32, #tpu.memory_space<vmem>> -> memref<1x8x128xi32, #tpu.memory_space<vmem>>
    %dma_start3A_134 = tpu.memref_squeeze %dma_start3A_133 : memref<1x8x128xi32, #tpu.memory_space<vmem>> -> memref<8x128xi32, #tpu.memory_space<vmem>>
    %dma_start3A_135 = arith.constant 0 : i32
    %dma_start3A_136 = tpu.memref_slice %arg3[%multiple_of3A_129, %dma_start3A_135] : memref<50000x128xi32, #tpu.memory_space<hbm>> -> memref<8x128xi32, #tpu.memory_space<hbm>>
    %dma_start3A_137 = arith.constant 0 : i32
    %dma_start3A_138 = arith.constant 0 : i32
    %dma_start3A_139 = tpu.memref_slice %arg12[%dma_start3A_130, %dma_start3A_137, %dma_start3A_138] : memref<2x8x128xi32, #tpu.memory_space<vmem>> -> memref<1x8x128xi32, #tpu.memory_space<vmem>>
    %dma_start3A_140 = tpu.memref_squeeze %dma_start3A_139 : memref<1x8x128xi32, #tpu.memory_space<vmem>> -> memref<8x128xi32, #tpu.memory_space<vmem>>
    %dma_start3A_141 = arith.constant 0 : i32
    %dma_start3A_142 = tpu.memref_slice %arg3[%multiple_of3A_129, %dma_start3A_141] : memref<50000x128xi32, #tpu.memory_space<hbm>> -> memref<8x128xi32, #tpu.memory_space<hbm>>
    tpu.enqueue_dma source(%dma_start3A_142 : memref<8x128xi32, #tpu.memory_space<hbm>>) target(%dma_start3A_140 : memref<8x128xi32, #tpu.memory_space<vmem>>) target_semaphore(%arg14 : memref<!tpu.dma_semaphore, #tpu.memory_space<semaphore_mem>>)
    %jit3A_143 = arith.constant 2 : i32
    %div3A_144 = arith.divsi %select_n3A, %jit3A_143 : i32
    %sign3A_145 = arith.constant 0 : i32
    %sign3A_146 = arith.cmpi sgt, %select_n3A, %sign3A_145 : i32
    %sign3A_147 = arith.extui %sign3A_146 : i1 to i32
    %sign3A_148 = arith.constant 0 : i32
    %sign3A_149 = arith.cmpi slt, %select_n3A, %sign3A_148 : i32
    %sign3A_150 = arith.extui %sign3A_149 : i1 to i32
    %sign3A_151 = arith.subi %sign3A_147, %sign3A_150 : i32
    %sign3A_152 = arith.constant 0 : i32
    %sign3A_153 = arith.cmpi sgt, %jit3A_143, %sign3A_152 : i32
    %sign3A_154 = arith.extui %sign3A_153 : i1 to i32
    %sign3A_155 = arith.constant 0 : i32
    %sign3A_156 = arith.cmpi slt, %jit3A_143, %sign3A_155 : i32
    %sign3A_157 = arith.extui %sign3A_156 : i1 to i32
    %sign3A_158 = arith.subi %sign3A_154, %sign3A_157 : i32
    %ne3A_159 = arith.cmpi ne, %sign3A_151, %sign3A_158 : i32
    %rem3A_160 = arith.remsi %select_n3A, %jit3A_143 : i32
    %ne3A_161 = arith.constant 0 : i32
    %ne3A_162 = arith.cmpi ne, %rem3A_160, %ne3A_161 : i32
    %and3A_163 = arith.andi %ne3A_159, %ne3A_162 : i1
    %sub3A_164 = arith.constant 1 : i32
    %sub3A_165 = arith.subi %div3A_144, %sub3A_164 : i32
    %select_n3A_166 = arith.select %and3A_163, %sub3A_165, %div3A_144 : i32
    %sub3A_167 = arith.constant 0 : i32
    %sub3A_168 = arith.subi %select_n3A_166, %sub3A_167 : i32
    %sub3A_169 = arith.constant 1 : i32
    %sub3A_170 = arith.constant 1 : i32
    %sub3A_171 = arith.subi %sub3A_169, %sub3A_170 : i32
    %add3A_172 = arith.addi %sub3A_168, %sub3A_171 : i32
    %div3A_173 = arith.constant 1 : i32
    %div3A_174 = arith.divsi %add3A_172, %div3A_173 : i32
    %while3A = arith.constant 1 : i32
    %while3A_175 = arith.constant 0 : i32
    %while3A_176 = arith.constant 0 : i32
    %while3A_177 = arith.subi %div3A_174, %while3A_176 : i32
    %while3A_178 = arith.addi %while3A_176, %while3A_177 : i32
    %while3A_179 = arith.constant 1 : i32
    %while3A_180 = arith.divsi %while3A_177, %while3A_179 : i32
    %while3A_181 = arith.muli %while3A_180, %while3A_179 : i32
    %while3A_182 = arith.addi %while3A_176, %while3A_181 : i32
    %while3A_183 = arith.constant 1 : i32
    scf.for %while3A_186 = %while3A_176 to %while3A_182 step %while3A_183  : i32 {
      %mul3A_187 = arith.muli %while3A_186, %while3A : i32
      %add3A_188 = arith.addi %while3A_175, %mul3A_187 : i32
      %mul3A_189 = arith.constant 2 : i32
      %mul3A_190 = arith.muli %mul3A_189, %add3A_188 : i32
      %add3A_191 = arith.constant 0 : i32
      %add3A_192 = arith.addi %mul3A_190, %add3A_191 : i32
      %dma_wait3A_193 = arith.constant 0 : i32
      %dma_wait3A_194 = arith.constant 0 : i32
      %dma_wait3A_195 = arith.constant 0 : i32
      %dma_wait3A_196 = tpu.memref_slice %arg13[%dma_wait3A_194, %dma_wait3A_195] : memref<2x1024xf32, #tpu.memory_space<vmem>> -> memref<1x1024xf32, #tpu.memory_space<vmem>>
      %dma_wait3A_197 = tpu.memref_squeeze %dma_wait3A_196 : memref<1x1024xf32, #tpu.memory_space<vmem>> -> memref<1024xf32, #tpu.memory_space<vmem>>
      %dma_wait3A_198 = arith.constant 0 : i32
      %dma_wait3A_199 = tpu.memref_slice %arg11[%dma_wait3A_193, %dma_wait3A_198] : memref<2x1024xi32, #tpu.memory_space<vmem>> -> memref<1x1024xi32, #tpu.memory_space<vmem>>
      %dma_wait3A_200 = tpu.memref_squeeze %dma_wait3A_199 : memref<1x1024xi32, #tpu.memory_space<vmem>> -> memref<1024xi32, #tpu.memory_space<vmem>>
      %dma_wait3A_201 = arith.constant 0 : i32
      %dma_wait3A_202 = tpu.memref_slice %arg8[%dma_wait3A_201] : memref<100096xf32, #tpu.memory_space<vmem_shared>> -> memref<100096xf32, #tpu.memory_space<vmem_shared>>
      tpu.wait_indirect_dma semaphore(%arg15 : memref<!tpu.dma_semaphore, #tpu.memory_space<semaphore_mem>>) src(%dma_wait3A_202 : memref<100096xf32, #tpu.memory_space<vmem_shared>>) dst(%dma_wait3A_197 : memref<1024xf32, #tpu.memory_space<vmem>>)
      %add3A_203 = arith.constant 1 : i32
      %add3A_204 = arith.addi %add3A_192, %add3A_203 : i32
      %lt3A = arith.cmpi slt, %add3A_204, %select_n3A : i32
      %convert_element_type3A = arith.extui %lt3A : i1 to i32
      %cond3A = arith.constant 0 : i32
      %cond3A_205 = arith.cmpi ne, %convert_element_type3A, %cond3A : i32
      scf.if %cond3A_205 {
        %dma_wait3A_590 = arith.constant 1 : i32
        %dma_wait3A_591 = arith.constant 0 : i32
        %dma_wait3A_592 = tpu.memref_slice %arg11[%dma_wait3A_590, %dma_wait3A_591] : memref<2x1024xi32, #tpu.memory_space<vmem>> -> memref<1x1024xi32, #tpu.memory_space<vmem>>
        %dma_wait3A_593 = tpu.memref_squeeze %dma_wait3A_592 : memref<1x1024xi32, #tpu.memory_space<vmem>> -> memref<1024xi32, #tpu.memory_space<vmem>>
        %dma_wait3A_594 = arith.constant 0 : i32
        %dma_wait3A_595 = tpu.memref_slice %arg2[%dma_wait3A_594] : memref<6400000xi32, #tpu.memory_space<hbm>> -> memref<1024xi32, #tpu.memory_space<hbm>>
        %dma_wait3A_596 = arith.constant 0 : i32
        %dma_wait3A_597 = tpu.memref_slice %arg11[%dma_wait3A_590, %dma_wait3A_596] : memref<2x1024xi32, #tpu.memory_space<vmem>> -> memref<1x1024xi32, #tpu.memory_space<vmem>>
        %dma_wait3A_598 = tpu.memref_squeeze %dma_wait3A_597 : memref<1x1024xi32, #tpu.memory_space<vmem>> -> memref<1024xi32, #tpu.memory_space<vmem>>
        %dma_wait3A_599 = arith.constant 0 : i32
        %dma_wait3A_600 = tpu.memref_slice %arg2[%dma_wait3A_599] : memref<6400000xi32, #tpu.memory_space<hbm>> -> memref<1024xi32, #tpu.memory_space<hbm>>
        tpu.wait_dma2 semaphore(%arg14 : memref<!tpu.dma_semaphore, #tpu.memory_space<semaphore_mem>>) src(%dma_wait3A_600 : memref<1024xi32, #tpu.memory_space<hbm>>) dst(%dma_wait3A_598 : memref<1024xi32, #tpu.memory_space<vmem>>)
        %dma_wait3A_601 = arith.constant 1 : i32
        %dma_wait3A_602 = arith.constant 0 : i32
        %dma_wait3A_603 = arith.constant 0 : i32
        %dma_wait3A_604 = tpu.memref_slice %arg12[%dma_wait3A_601, %dma_wait3A_602, %dma_wait3A_603] : memref<2x8x128xi32, #tpu.memory_space<vmem>> -> memref<1x8x128xi32, #tpu.memory_space<vmem>>
        %dma_wait3A_605 = tpu.memref_squeeze %dma_wait3A_604 : memref<1x8x128xi32, #tpu.memory_space<vmem>> -> memref<8x128xi32, #tpu.memory_space<vmem>>
        %dma_wait3A_606 = arith.constant 0 : i32
        %dma_wait3A_607 = arith.constant 0 : i32
        %dma_wait3A_608 = tpu.memref_slice %arg3[%dma_wait3A_606, %dma_wait3A_607] : memref<50000x128xi32, #tpu.memory_space<hbm>> -> memref<8x128xi32, #tpu.memory_space<hbm>>
        %dma_wait3A_609 = arith.constant 0 : i32
        %dma_wait3A_610 = arith.constant 0 : i32
        %dma_wait3A_611 = tpu.memref_slice %arg12[%dma_wait3A_601, %dma_wait3A_609, %dma_wait3A_610] : memref<2x8x128xi32, #tpu.memory_space<vmem>> -> memref<1x8x128xi32, #tpu.memory_space<vmem>>
        %dma_wait3A_612 = tpu.memref_squeeze %dma_wait3A_611 : memref<1x8x128xi32, #tpu.memory_space<vmem>> -> memref<8x128xi32, #tpu.memory_space<vmem>>
        %dma_wait3A_613 = arith.constant 0 : i32
        %dma_wait3A_614 = arith.constant 0 : i32
        %dma_wait3A_615 = tpu.memref_slice %arg3[%dma_wait3A_613, %dma_wait3A_614] : memref<50000x128xi32, #tpu.memory_space<hbm>> -> memref<8x128xi32, #tpu.memory_space<hbm>>
        tpu.wait_dma2 semaphore(%arg14 : memref<!tpu.dma_semaphore, #tpu.memory_space<semaphore_mem>>) src(%dma_wait3A_615 : memref<8x128xi32, #tpu.memory_space<hbm>>) dst(%dma_wait3A_612 : memref<8x128xi32, #tpu.memory_space<vmem>>)
        %dma_start3A_616 = arith.constant 1 : i32
        %dma_start3A_617 = arith.constant 1 : i32
        %dma_start3A_618 = arith.constant 0 : i32
        %dma_start3A_619 = tpu.memref_slice %arg13[%dma_start3A_617, %dma_start3A_618] : memref<2x1024xf32, #tpu.memory_space<vmem>> -> memref<1x1024xf32, #tpu.memory_space<vmem>>
        %dma_start3A_620 = tpu.memref_squeeze %dma_start3A_619 : memref<1x1024xf32, #tpu.memory_space<vmem>> -> memref<1024xf32, #tpu.memory_space<vmem>>
        %dma_start3A_621 = arith.constant 0 : i32
        %dma_start3A_622 = tpu.memref_slice %arg11[%dma_start3A_616, %dma_start3A_621] : memref<2x1024xi32, #tpu.memory_space<vmem>> -> memref<1x1024xi32, #tpu.memory_space<vmem>>
        %dma_start3A_623 = tpu.memref_squeeze %dma_start3A_622 : memref<1x1024xi32, #tpu.memory_space<vmem>> -> memref<1024xi32, #tpu.memory_space<vmem>>
        %dma_start3A_624 = arith.constant 0 : i32
        %dma_start3A_625 = tpu.memref_slice %arg8[%dma_start3A_624] : memref<100096xf32, #tpu.memory_space<vmem_shared>> -> memref<100096xf32, #tpu.memory_space<vmem_shared>>
        tpu.enqueue_indirect_dma source(%dma_start3A_625 : memref<100096xf32, #tpu.memory_space<vmem_shared>>) target(%dma_start3A_620 : memref<1024xf32, #tpu.memory_space<vmem>>) offsets(%dma_start3A_623 : memref<1024xi32, #tpu.memory_space<vmem>>) semaphore(%arg15 : memref<!tpu.dma_semaphore, #tpu.memory_space<semaphore_mem>>)
      } else {
      }
      %dma_start3A_206 = arith.constant 0 : i32
      %dma_start3A_207 = arith.constant 0 : i32
      %dma_start3A_208 = arith.constant 0 : i32
      %dma_start3A_209 = arith.constant 0 : i32
      %dma_start3A_210 = tpu.memref_slice %arg13[%dma_start3A_206, %dma_start3A_209] : memref<2x1024xf32, #tpu.memory_space<vmem>> -> memref<1x128xf32, #tpu.memory_space<vmem>>
      %dma_start3A_211 = tpu.memref_squeeze %dma_start3A_210 : memref<1x128xf32, #tpu.memory_space<vmem>> -> memref<128xf32, #tpu.memory_space<vmem>>
      %dma_start3A_212 = arith.constant 0 : i32
      %dma_start3A_213 = tpu.memref_slice %arg12[%dma_start3A_207, %dma_start3A_208, %dma_start3A_212] : memref<2x8x128xi32, #tpu.memory_space<vmem>> -> memref<1x1x128xi32, #tpu.memory_space<vmem>>
      %dma_start3A_214 = tpu.memref_squeeze %dma_start3A_213 : memref<1x1x128xi32, #tpu.memory_space<vmem>> -> memref<128xi32, #tpu.memory_space<vmem>>
      %dma_start3A_215 = arith.constant 0 : i32
      %dma_start3A_216 = tpu.memref_slice %arg7[%dma_start3A_215] : memref<100096xf32, #tpu.memory_space<vmem_shared>> -> memref<100096xf32, #tpu.memory_space<vmem_shared>>
      tpu.enqueue_indirect_dma source(%dma_start3A_211 : memref<128xf32, #tpu.memory_space<vmem>>) target(%dma_start3A_216 : memref<100096xf32, #tpu.memory_space<vmem_shared>>) offsets(%dma_start3A_214 : memref<128xi32, #tpu.memory_space<vmem>>) semaphore(%arg16 : memref<!tpu.dma_semaphore, #tpu.memory_space<semaphore_mem>>) {add = true}
      %dma_start3A_217 = arith.constant 0 : i32
      %dma_start3A_218 = arith.constant 0 : i32
      %dma_start3A_219 = arith.constant 1 : i32
      %dma_start3A_220 = arith.constant 128 : i32
      %dma_start3A_221 = tpu.memref_slice %arg13[%dma_start3A_217, %dma_start3A_220] : memref<2x1024xf32, #tpu.memory_space<vmem>> -> memref<1x128xf32, #tpu.memory_space<vmem>>
      %dma_start3A_222 = tpu.memref_squeeze %dma_start3A_221 : memref<1x128xf32, #tpu.memory_space<vmem>> -> memref<128xf32, #tpu.memory_space<vmem>>
      %dma_start3A_223 = arith.constant 0 : i32
      %dma_start3A_224 = tpu.memref_slice %arg12[%dma_start3A_218, %dma_start3A_219, %dma_start3A_223] : memref<2x8x128xi32, #tpu.memory_space<vmem>> -> memref<1x1x128xi32, #tpu.memory_space<vmem>>
      %dma_start3A_225 = tpu.memref_squeeze %dma_start3A_224 : memref<1x1x128xi32, #tpu.memory_space<vmem>> -> memref<128xi32, #tpu.memory_space<vmem>>
      %dma_start3A_226 = arith.constant 0 : i32
      %dma_start3A_227 = tpu.memref_slice %arg7[%dma_start3A_226] : memref<100096xf32, #tpu.memory_space<vmem_shared>> -> memref<100096xf32, #tpu.memory_space<vmem_shared>>
      tpu.enqueue_indirect_dma source(%dma_start3A_222 : memref<128xf32, #tpu.memory_space<vmem>>) target(%dma_start3A_227 : memref<100096xf32, #tpu.memory_space<vmem_shared>>) offsets(%dma_start3A_225 : memref<128xi32, #tpu.memory_space<vmem>>) semaphore(%arg16 : memref<!tpu.dma_semaphore, #tpu.memory_space<semaphore_mem>>) {add = true}
      %dma_start3A_228 = arith.constant 0 : i32
      %dma_start3A_229 = arith.constant 0 : i32
      %dma_start3A_230 = arith.constant 2 : i32
      %dma_start3A_231 = arith.constant 256 : i32
      %dma_start3A_232 = tpu.memref_slice %arg13[%dma_start3A_228, %dma_start3A_231] : memref<2x1024xf32, #tpu.memory_space<vmem>> -> memref<1x128xf32, #tpu.memory_space<vmem>>
      %dma_start3A_233 = tpu.memref_squeeze %dma_start3A_232 : memref<1x128xf32, #tpu.memory_space<vmem>> -> memref<128xf32, #tpu.memory_space<vmem>>
      %dma_start3A_234 = arith.constant 0 : i32
      %dma_start3A_235 = tpu.memref_slice %arg12[%dma_start3A_229, %dma_start3A_230, %dma_start3A_234] : memref<2x8x128xi32, #tpu.memory_space<vmem>> -> memref<1x1x128xi32, #tpu.memory_space<vmem>>
      %dma_start3A_236 = tpu.memref_squeeze %dma_start3A_235 : memref<1x1x128xi32, #tpu.memory_space<vmem>> -> memref<128xi32, #tpu.memory_space<vmem>>
      %dma_start3A_237 = arith.constant 0 : i32
      %dma_start3A_238 = tpu.memref_slice %arg7[%dma_start3A_237] : memref<100096xf32, #tpu.memory_space<vmem_shared>> -> memref<100096xf32, #tpu.memory_space<vmem_shared>>
      tpu.enqueue_indirect_dma source(%dma_start3A_233 : memref<128xf32, #tpu.memory_space<vmem>>) target(%dma_start3A_238 : memref<100096xf32, #tpu.memory_space<vmem_shared>>) offsets(%dma_start3A_236 : memref<128xi32, #tpu.memory_space<vmem>>) semaphore(%arg16 : memref<!tpu.dma_semaphore, #tpu.memory_space<semaphore_mem>>) {add = true}
      %dma_start3A_239 = arith.constant 0 : i32
      %dma_start3A_240 = arith.constant 0 : i32
      %dma_start3A_241 = arith.constant 3 : i32
      %dma_start3A_242 = arith.constant 384 : i32
      %dma_start3A_243 = tpu.memref_slice %arg13[%dma_start3A_239, %dma_start3A_242] : memref<2x1024xf32, #tpu.memory_space<vmem>> -> memref<1x128xf32, #tpu.memory_space<vmem>>
      %dma_start3A_244 = tpu.memref_squeeze %dma_start3A_243 : memref<1x128xf32, #tpu.memory_space<vmem>> -> memref<128xf32, #tpu.memory_space<vmem>>
      %dma_start3A_245 = arith.constant 0 : i32
      %dma_start3A_246 = tpu.memref_slice %arg12[%dma_start3A_240, %dma_start3A_241, %dma_start3A_245] : memref<2x8x128xi32, #tpu.memory_space<vmem>> -> memref<1x1x128xi32, #tpu.memory_space<vmem>>
      %dma_start3A_247 = tpu.memref_squeeze %dma_start3A_246 : memref<1x1x128xi32, #tpu.memory_space<vmem>> -> memref<128xi32, #tpu.memory_space<vmem>>
      %dma_start3A_248 = arith.constant 0 : i32
      %dma_start3A_249 = tpu.memref_slice %arg7[%dma_start3A_248] : memref<100096xf32, #tpu.memory_space<vmem_shared>> -> memref<100096xf32, #tpu.memory_space<vmem_shared>>
      tpu.enqueue_indirect_dma source(%dma_start3A_244 : memref<128xf32, #tpu.memory_space<vmem>>) target(%dma_start3A_249 : memref<100096xf32, #tpu.memory_space<vmem_shared>>) offsets(%dma_start3A_247 : memref<128xi32, #tpu.memory_space<vmem>>) semaphore(%arg16 : memref<!tpu.dma_semaphore, #tpu.memory_space<semaphore_mem>>) {add = true}
      %dma_start3A_250 = arith.constant 0 : i32
      %dma_start3A_251 = arith.constant 0 : i32
      %dma_start3A_252 = arith.constant 4 : i32
      %dma_start3A_253 = arith.constant 512 : i32
      %dma_start3A_254 = tpu.memref_slice %arg13[%dma_start3A_250, %dma_start3A_253] : memref<2x1024xf32, #tpu.memory_space<vmem>> -> memref<1x128xf32, #tpu.memory_space<vmem>>
      %dma_start3A_255 = tpu.memref_squeeze %dma_start3A_254 : memref<1x128xf32, #tpu.memory_space<vmem>> -> memref<128xf32, #tpu.memory_space<vmem>>
      %dma_start3A_256 = arith.constant 0 : i32
      %dma_start3A_257 = tpu.memref_slice %arg12[%dma_start3A_251, %dma_start3A_252, %dma_start3A_256] : memref<2x8x128xi32, #tpu.memory_space<vmem>> -> memref<1x1x128xi32, #tpu.memory_space<vmem>>
      %dma_start3A_258 = tpu.memref_squeeze %dma_start3A_257 : memref<1x1x128xi32, #tpu.memory_space<vmem>> -> memref<128xi32, #tpu.memory_space<vmem>>
      %dma_start3A_259 = arith.constant 0 : i32
      %dma_start3A_260 = tpu.memref_slice %arg7[%dma_start3A_259] : memref<100096xf32, #tpu.memory_space<vmem_shared>> -> memref<100096xf32, #tpu.memory_space<vmem_shared>>
      tpu.enqueue_indirect_dma source(%dma_start3A_255 : memref<128xf32, #tpu.memory_space<vmem>>) target(%dma_start3A_260 : memref<100096xf32, #tpu.memory_space<vmem_shared>>) offsets(%dma_start3A_258 : memref<128xi32, #tpu.memory_space<vmem>>) semaphore(%arg16 : memref<!tpu.dma_semaphore, #tpu.memory_space<semaphore_mem>>) {add = true}
      %dma_start3A_261 = arith.constant 0 : i32
      %dma_start3A_262 = arith.constant 0 : i32
      %dma_start3A_263 = arith.constant 5 : i32
      %dma_start3A_264 = arith.constant 640 : i32
      %dma_start3A_265 = tpu.memref_slice %arg13[%dma_start3A_261, %dma_start3A_264] : memref<2x1024xf32, #tpu.memory_space<vmem>> -> memref<1x128xf32, #tpu.memory_space<vmem>>
      %dma_start3A_266 = tpu.memref_squeeze %dma_start3A_265 : memref<1x128xf32, #tpu.memory_space<vmem>> -> memref<128xf32, #tpu.memory_space<vmem>>
      %dma_start3A_267 = arith.constant 0 : i32
      %dma_start3A_268 = tpu.memref_slice %arg12[%dma_start3A_262, %dma_start3A_263, %dma_start3A_267] : memref<2x8x128xi32, #tpu.memory_space<vmem>> -> memref<1x1x128xi32, #tpu.memory_space<vmem>>
      %dma_start3A_269 = tpu.memref_squeeze %dma_start3A_268 : memref<1x1x128xi32, #tpu.memory_space<vmem>> -> memref<128xi32, #tpu.memory_space<vmem>>
      %dma_start3A_270 = arith.constant 0 : i32
      %dma_start3A_271 = tpu.memref_slice %arg7[%dma_start3A_270] : memref<100096xf32, #tpu.memory_space<vmem_shared>> -> memref<100096xf32, #tpu.memory_space<vmem_shared>>
      tpu.enqueue_indirect_dma source(%dma_start3A_266 : memref<128xf32, #tpu.memory_space<vmem>>) target(%dma_start3A_271 : memref<100096xf32, #tpu.memory_space<vmem_shared>>) offsets(%dma_start3A_269 : memref<128xi32, #tpu.memory_space<vmem>>) semaphore(%arg16 : memref<!tpu.dma_semaphore, #tpu.memory_space<semaphore_mem>>) {add = true}
      %dma_start3A_272 = arith.constant 0 : i32
      %dma_start3A_273 = arith.constant 0 : i32
      %dma_start3A_274 = arith.constant 6 : i32
      %dma_start3A_275 = arith.constant 768 : i32
      %dma_start3A_276 = tpu.memref_slice %arg13[%dma_start3A_272, %dma_start3A_275] : memref<2x1024xf32, #tpu.memory_space<vmem>> -> memref<1x128xf32, #tpu.memory_space<vmem>>
      %dma_start3A_277 = tpu.memref_squeeze %dma_start3A_276 : memref<1x128xf32, #tpu.memory_space<vmem>> -> memref<128xf32, #tpu.memory_space<vmem>>
      %dma_start3A_278 = arith.constant 0 : i32
      %dma_start3A_279 = tpu.memref_slice %arg12[%dma_start3A_273, %dma_start3A_274, %dma_start3A_278] : memref<2x8x128xi32, #tpu.memory_space<vmem>> -> memref<1x1x128xi32, #tpu.memory_space<vmem>>
      %dma_start3A_280 = tpu.memref_squeeze %dma_start3A_279 : memref<1x1x128xi32, #tpu.memory_space<vmem>> -> memref<128xi32, #tpu.memory_space<vmem>>
      %dma_start3A_281 = arith.constant 0 : i32
      %dma_start3A_282 = tpu.memref_slice %arg7[%dma_start3A_281] : memref<100096xf32, #tpu.memory_space<vmem_shared>> -> memref<100096xf32, #tpu.memory_space<vmem_shared>>
      tpu.enqueue_indirect_dma source(%dma_start3A_277 : memref<128xf32, #tpu.memory_space<vmem>>) target(%dma_start3A_282 : memref<100096xf32, #tpu.memory_space<vmem_shared>>) offsets(%dma_start3A_280 : memref<128xi32, #tpu.memory_space<vmem>>) semaphore(%arg16 : memref<!tpu.dma_semaphore, #tpu.memory_space<semaphore_mem>>) {add = true}
      %dma_start3A_283 = arith.constant 0 : i32
      %dma_start3A_284 = arith.constant 0 : i32
      %dma_start3A_285 = arith.constant 7 : i32
      %dma_start3A_286 = arith.constant 896 : i32
      %dma_start3A_287 = tpu.memref_slice %arg13[%dma_start3A_283, %dma_start3A_286] : memref<2x1024xf32, #tpu.memory_space<vmem>> -> memref<1x128xf32, #tpu.memory_space<vmem>>
      %dma_start3A_288 = tpu.memref_squeeze %dma_start3A_287 : memref<1x128xf32, #tpu.memory_space<vmem>> -> memref<128xf32, #tpu.memory_space<vmem>>
      %dma_start3A_289 = arith.constant 0 : i32
      %dma_start3A_290 = tpu.memref_slice %arg12[%dma_start3A_284, %dma_start3A_285, %dma_start3A_289] : memref<2x8x128xi32, #tpu.memory_space<vmem>> -> memref<1x1x128xi32, #tpu.memory_space<vmem>>
      %dma_start3A_291 = tpu.memref_squeeze %dma_start3A_290 : memref<1x1x128xi32, #tpu.memory_space<vmem>> -> memref<128xi32, #tpu.memory_space<vmem>>
      %dma_start3A_292 = arith.constant 0 : i32
      %dma_start3A_293 = tpu.memref_slice %arg7[%dma_start3A_292] : memref<100096xf32, #tpu.memory_space<vmem_shared>> -> memref<100096xf32, #tpu.memory_space<vmem_shared>>
      tpu.enqueue_indirect_dma source(%dma_start3A_288 : memref<128xf32, #tpu.memory_space<vmem>>) target(%dma_start3A_293 : memref<100096xf32, #tpu.memory_space<vmem_shared>>) offsets(%dma_start3A_291 : memref<128xi32, #tpu.memory_space<vmem>>) semaphore(%arg16 : memref<!tpu.dma_semaphore, #tpu.memory_space<semaphore_mem>>) {add = true}
      %dma_wait3A_294 = arith.constant 0 : i32
      %dma_wait3A_295 = arith.constant 0 : i32
      %dma_wait3A_296 = arith.constant 0 : i32
      %dma_wait3A_297 = arith.constant 0 : i32
      %dma_wait3A_298 = tpu.memref_slice %arg13[%dma_wait3A_294, %dma_wait3A_297] : memref<2x1024xf32, #tpu.memory_space<vmem>> -> memref<1x128xf32, #tpu.memory_space<vmem>>
      %dma_wait3A_299 = tpu.memref_squeeze %dma_wait3A_298 : memref<1x128xf32, #tpu.memory_space<vmem>> -> memref<128xf32, #tpu.memory_space<vmem>>
      %dma_wait3A_300 = arith.constant 0 : i32
      %dma_wait3A_301 = tpu.memref_slice %arg12[%dma_wait3A_295, %dma_wait3A_296, %dma_wait3A_300] : memref<2x8x128xi32, #tpu.memory_space<vmem>> -> memref<1x1x128xi32, #tpu.memory_space<vmem>>
      %dma_wait3A_302 = tpu.memref_squeeze %dma_wait3A_301 : memref<1x1x128xi32, #tpu.memory_space<vmem>> -> memref<128xi32, #tpu.memory_space<vmem>>
      %dma_wait3A_303 = arith.constant 0 : i32
      %dma_wait3A_304 = tpu.memref_slice %arg7[%dma_wait3A_303] : memref<100096xf32, #tpu.memory_space<vmem_shared>> -> memref<100096xf32, #tpu.memory_space<vmem_shared>>
      tpu.wait_indirect_dma semaphore(%arg16 : memref<!tpu.dma_semaphore, #tpu.memory_space<semaphore_mem>>) src(%dma_wait3A_299 : memref<128xf32, #tpu.memory_space<vmem>>) dst(%dma_wait3A_304 : memref<100096xf32, #tpu.memory_space<vmem_shared>>)
      %dma_wait3A_305 = arith.constant 0 : i32
      %dma_wait3A_306 = arith.constant 0 : i32
      %dma_wait3A_307 = arith.constant 1 : i32
      %dma_wait3A_308 = arith.constant 128 : i32
      %dma_wait3A_309 = tpu.memref_slice %arg13[%dma_wait3A_305, %dma_wait3A_308] : memref<2x1024xf32, #tpu.memory_space<vmem>> -> memref<1x128xf32, #tpu.memory_space<vmem>>
      %dma_wait3A_310 = tpu.memref_squeeze %dma_wait3A_309 : memref<1x128xf32, #tpu.memory_space<vmem>> -> memref<128xf32, #tpu.memory_space<vmem>>
      %dma_wait3A_311 = arith.constant 0 : i32
      %dma_wait3A_312 = tpu.memref_slice %arg12[%dma_wait3A_306, %dma_wait3A_307, %dma_wait3A_311] : memref<2x8x128xi32, #tpu.memory_space<vmem>> -> memref<1x1x128xi32, #tpu.memory_space<vmem>>
      %dma_wait3A_313 = tpu.memref_squeeze %dma_wait3A_312 : memref<1x1x128xi32, #tpu.memory_space<vmem>> -> memref<128xi32, #tpu.memory_space<vmem>>
      %dma_wait3A_314 = arith.constant 0 : i32
      %dma_wait3A_315 = tpu.memref_slice %arg7[%dma_wait3A_314] : memref<100096xf32, #tpu.memory_space<vmem_shared>> -> memref<100096xf32, #tpu.memory_space<vmem_shared>>
      tpu.wait_indirect_dma semaphore(%arg16 : memref<!tpu.dma_semaphore, #tpu.memory_space<semaphore_mem>>) src(%dma_wait3A_310 : memref<128xf32, #tpu.memory_space<vmem>>) dst(%dma_wait3A_315 : memref<100096xf32, #tpu.memory_space<vmem_shared>>)
      %dma_wait3A_316 = arith.constant 0 : i32
      %dma_wait3A_317 = arith.constant 0 : i32
      %dma_wait3A_318 = arith.constant 2 : i32
      %dma_wait3A_319 = arith.constant 256 : i32
      %dma_wait3A_320 = tpu.memref_slice %arg13[%dma_wait3A_316, %dma_wait3A_319] : memref<2x1024xf32, #tpu.memory_space<vmem>> -> memref<1x128xf32, #tpu.memory_space<vmem>>
      %dma_wait3A_321 = tpu.memref_squeeze %dma_wait3A_320 : memref<1x128xf32, #tpu.memory_space<vmem>> -> memref<128xf32, #tpu.memory_space<vmem>>
      %dma_wait3A_322 = arith.constant 0 : i32
      %dma_wait3A_323 = tpu.memref_slice %arg12[%dma_wait3A_317, %dma_wait3A_318, %dma_wait3A_322] : memref<2x8x128xi32, #tpu.memory_space<vmem>> -> memref<1x1x128xi32, #tpu.memory_space<vmem>>
      %dma_wait3A_324 = tpu.memref_squeeze %dma_wait3A_323 : memref<1x1x128xi32, #tpu.memory_space<vmem>> -> memref<128xi32, #tpu.memory_space<vmem>>
      %dma_wait3A_325 = arith.constant 0 : i32
      %dma_wait3A_326 = tpu.memref_slice %arg7[%dma_wait3A_325] : memref<100096xf32, #tpu.memory_space<vmem_shared>> -> memref<100096xf32, #tpu.memory_space<vmem_shared>>
      tpu.wait_indirect_dma semaphore(%arg16 : memref<!tpu.dma_semaphore, #tpu.memory_space<semaphore_mem>>) src(%dma_wait3A_321 : memref<128xf32, #tpu.memory_space<vmem>>) dst(%dma_wait3A_326 : memref<100096xf32, #tpu.memory_space<vmem_shared>>)
      %dma_wait3A_327 = arith.constant 0 : i32
      %dma_wait3A_328 = arith.constant 0 : i32
      %dma_wait3A_329 = arith.constant 3 : i32
      %dma_wait3A_330 = arith.constant 384 : i32
      %dma_wait3A_331 = tpu.memref_slice %arg13[%dma_wait3A_327, %dma_wait3A_330] : memref<2x1024xf32, #tpu.memory_space<vmem>> -> memref<1x128xf32, #tpu.memory_space<vmem>>
      %dma_wait3A_332 = tpu.memref_squeeze %dma_wait3A_331 : memref<1x128xf32, #tpu.memory_space<vmem>> -> memref<128xf32, #tpu.memory_space<vmem>>
      %dma_wait3A_333 = arith.constant 0 : i32
      %dma_wait3A_334 = tpu.memref_slice %arg12[%dma_wait3A_328, %dma_wait3A_329, %dma_wait3A_333] : memref<2x8x128xi32, #tpu.memory_space<vmem>> -> memref<1x1x128xi32, #tpu.memory_space<vmem>>
      %dma_wait3A_335 = tpu.memref_squeeze %dma_wait3A_334 : memref<1x1x128xi32, #tpu.memory_space<vmem>> -> memref<128xi32, #tpu.memory_space<vmem>>
      %dma_wait3A_336 = arith.constant 0 : i32
      %dma_wait3A_337 = tpu.memref_slice %arg7[%dma_wait3A_336] : memref<100096xf32, #tpu.memory_space<vmem_shared>> -> memref<100096xf32, #tpu.memory_space<vmem_shared>>
      tpu.wait_indirect_dma semaphore(%arg16 : memref<!tpu.dma_semaphore, #tpu.memory_space<semaphore_mem>>) src(%dma_wait3A_332 : memref<128xf32, #tpu.memory_space<vmem>>) dst(%dma_wait3A_337 : memref<100096xf32, #tpu.memory_space<vmem_shared>>)
      %dma_wait3A_338 = arith.constant 0 : i32
      %dma_wait3A_339 = arith.constant 0 : i32
      %dma_wait3A_340 = arith.constant 4 : i32
      %dma_wait3A_341 = arith.constant 512 : i32
      %dma_wait3A_342 = tpu.memref_slice %arg13[%dma_wait3A_338, %dma_wait3A_341] : memref<2x1024xf32, #tpu.memory_space<vmem>> -> memref<1x128xf32, #tpu.memory_space<vmem>>
      %dma_wait3A_343 = tpu.memref_squeeze %dma_wait3A_342 : memref<1x128xf32, #tpu.memory_space<vmem>> -> memref<128xf32, #tpu.memory_space<vmem>>
      %dma_wait3A_344 = arith.constant 0 : i32
      %dma_wait3A_345 = tpu.memref_slice %arg12[%dma_wait3A_339, %dma_wait3A_340, %dma_wait3A_344] : memref<2x8x128xi32, #tpu.memory_space<vmem>> -> memref<1x1x128xi32, #tpu.memory_space<vmem>>
      %dma_wait3A_346 = tpu.memref_squeeze %dma_wait3A_345 : memref<1x1x128xi32, #tpu.memory_space<vmem>> -> memref<128xi32, #tpu.memory_space<vmem>>
      %dma_wait3A_347 = arith.constant 0 : i32
      %dma_wait3A_348 = tpu.memref_slice %arg7[%dma_wait3A_347] : memref<100096xf32, #tpu.memory_space<vmem_shared>> -> memref<100096xf32, #tpu.memory_space<vmem_shared>>
      tpu.wait_indirect_dma semaphore(%arg16 : memref<!tpu.dma_semaphore, #tpu.memory_space<semaphore_mem>>) src(%dma_wait3A_343 : memref<128xf32, #tpu.memory_space<vmem>>) dst(%dma_wait3A_348 : memref<100096xf32, #tpu.memory_space<vmem_shared>>)
      %dma_wait3A_349 = arith.constant 0 : i32
      %dma_wait3A_350 = arith.constant 0 : i32
      %dma_wait3A_351 = arith.constant 5 : i32
      %dma_wait3A_352 = arith.constant 640 : i32
      %dma_wait3A_353 = tpu.memref_slice %arg13[%dma_wait3A_349, %dma_wait3A_352] : memref<2x1024xf32, #tpu.memory_space<vmem>> -> memref<1x128xf32, #tpu.memory_space<vmem>>
      %dma_wait3A_354 = tpu.memref_squeeze %dma_wait3A_353 : memref<1x128xf32, #tpu.memory_space<vmem>> -> memref<128xf32, #tpu.memory_space<vmem>>
      %dma_wait3A_355 = arith.constant 0 : i32
      %dma_wait3A_356 = tpu.memref_slice %arg12[%dma_wait3A_350, %dma_wait3A_351, %dma_wait3A_355] : memref<2x8x128xi32, #tpu.memory_space<vmem>> -> memref<1x1x128xi32, #tpu.memory_space<vmem>>
      %dma_wait3A_357 = tpu.memref_squeeze %dma_wait3A_356 : memref<1x1x128xi32, #tpu.memory_space<vmem>> -> memref<128xi32, #tpu.memory_space<vmem>>
      %dma_wait3A_358 = arith.constant 0 : i32
      %dma_wait3A_359 = tpu.memref_slice %arg7[%dma_wait3A_358] : memref<100096xf32, #tpu.memory_space<vmem_shared>> -> memref<100096xf32, #tpu.memory_space<vmem_shared>>
      tpu.wait_indirect_dma semaphore(%arg16 : memref<!tpu.dma_semaphore, #tpu.memory_space<semaphore_mem>>) src(%dma_wait3A_354 : memref<128xf32, #tpu.memory_space<vmem>>) dst(%dma_wait3A_359 : memref<100096xf32, #tpu.memory_space<vmem_shared>>)
      %dma_wait3A_360 = arith.constant 0 : i32
      %dma_wait3A_361 = arith.constant 0 : i32
      %dma_wait3A_362 = arith.constant 6 : i32
      %dma_wait3A_363 = arith.constant 768 : i32
      %dma_wait3A_364 = tpu.memref_slice %arg13[%dma_wait3A_360, %dma_wait3A_363] : memref<2x1024xf32, #tpu.memory_space<vmem>> -> memref<1x128xf32, #tpu.memory_space<vmem>>
      %dma_wait3A_365 = tpu.memref_squeeze %dma_wait3A_364 : memref<1x128xf32, #tpu.memory_space<vmem>> -> memref<128xf32, #tpu.memory_space<vmem>>
      %dma_wait3A_366 = arith.constant 0 : i32
      %dma_wait3A_367 = tpu.memref_slice %arg12[%dma_wait3A_361, %dma_wait3A_362, %dma_wait3A_366] : memref<2x8x128xi32, #tpu.memory_space<vmem>> -> memref<1x1x128xi32, #tpu.memory_space<vmem>>
      %dma_wait3A_368 = tpu.memref_squeeze %dma_wait3A_367 : memref<1x1x128xi32, #tpu.memory_space<vmem>> -> memref<128xi32, #tpu.memory_space<vmem>>
      %dma_wait3A_369 = arith.constant 0 : i32
      %dma_wait3A_370 = tpu.memref_slice %arg7[%dma_wait3A_369] : memref<100096xf32, #tpu.memory_space<vmem_shared>> -> memref<100096xf32, #tpu.memory_space<vmem_shared>>
      tpu.wait_indirect_dma semaphore(%arg16 : memref<!tpu.dma_semaphore, #tpu.memory_space<semaphore_mem>>) src(%dma_wait3A_365 : memref<128xf32, #tpu.memory_space<vmem>>) dst(%dma_wait3A_370 : memref<100096xf32, #tpu.memory_space<vmem_shared>>)
      %dma_wait3A_371 = arith.constant 0 : i32
      %dma_wait3A_372 = arith.constant 0 : i32
      %dma_wait3A_373 = arith.constant 7 : i32
      %dma_wait3A_374 = arith.constant 896 : i32
      %dma_wait3A_375 = tpu.memref_slice %arg13[%dma_wait3A_371, %dma_wait3A_374] : memref<2x1024xf32, #tpu.memory_space<vmem>> -> memref<1x128xf32, #tpu.memory_space<vmem>>
      %dma_wait3A_376 = tpu.memref_squeeze %dma_wait3A_375 : memref<1x128xf32, #tpu.memory_space<vmem>> -> memref<128xf32, #tpu.memory_space<vmem>>
      %dma_wait3A_377 = arith.constant 0 : i32
      %dma_wait3A_378 = tpu.memref_slice %arg12[%dma_wait3A_372, %dma_wait3A_373, %dma_wait3A_377] : memref<2x8x128xi32, #tpu.memory_space<vmem>> -> memref<1x1x128xi32, #tpu.memory_space<vmem>>
      %dma_wait3A_379 = tpu.memref_squeeze %dma_wait3A_378 : memref<1x1x128xi32, #tpu.memory_space<vmem>> -> memref<128xi32, #tpu.memory_space<vmem>>
      %dma_wait3A_380 = arith.constant 0 : i32
      %dma_wait3A_381 = tpu.memref_slice %arg7[%dma_wait3A_380] : memref<100096xf32, #tpu.memory_space<vmem_shared>> -> memref<100096xf32, #tpu.memory_space<vmem_shared>>
      tpu.wait_indirect_dma semaphore(%arg16 : memref<!tpu.dma_semaphore, #tpu.memory_space<semaphore_mem>>) src(%dma_wait3A_376 : memref<128xf32, #tpu.memory_space<vmem>>) dst(%dma_wait3A_381 : memref<100096xf32, #tpu.memory_space<vmem_shared>>)
      %add3A_382 = arith.constant 2 : i32
      %add3A_383 = arith.addi %add3A_192, %add3A_382 : i32
      %lt3A_384 = arith.cmpi slt, %add3A_383, %select_n3A : i32
      %convert_element_type3A_385 = arith.extui %lt3A_384 : i1 to i32
      %cond3A_386 = arith.constant 0 : i32
      %cond3A_387 = arith.cmpi ne, %convert_element_type3A_385, %cond3A_386 : i32
      scf.if %cond3A_387 {
        %add3A_590 = arith.constant 2 : i32
        %add3A_591 = arith.addi %add3A_192, %add3A_590 : i32
        %mul3A_592 = arith.constant 1024 : i32
        %mul3A_593 = arith.muli %add3A_591, %mul3A_592 : i32
        %add3A_594 = arith.addi %mul3A_15, %mul3A_593 : i32
        %dma_start3A_595 = arith.constant 0 : i32
        %dma_start3A_596 = arith.constant 0 : i32
        %dma_start3A_597 = tpu.memref_slice %arg11[%dma_start3A_595, %dma_start3A_596] : memref<2x1024xi32, #tpu.memory_space<vmem>> -> memref<1x1024xi32, #tpu.memory_space<vmem>>
        %dma_start3A_598 = tpu.memref_squeeze %dma_start3A_597 : memref<1x1024xi32, #tpu.memory_space<vmem>> -> memref<1024xi32, #tpu.memory_space<vmem>>
        %dma_start3A_599 = tpu.memref_slice %arg2[%add3A_594] : memref<6400000xi32, #tpu.memory_space<hbm>> -> memref<1024xi32, #tpu.memory_space<hbm>>
        %dma_start3A_600 = arith.constant 0 : i32
        %dma_start3A_601 = tpu.memref_slice %arg11[%dma_start3A_595, %dma_start3A_600] : memref<2x1024xi32, #tpu.memory_space<vmem>> -> memref<1x1024xi32, #tpu.memory_space<vmem>>
        %dma_start3A_602 = tpu.memref_squeeze %dma_start3A_601 : memref<1x1024xi32, #tpu.memory_space<vmem>> -> memref<1024xi32, #tpu.memory_space<vmem>>
        %dma_start3A_603 = tpu.memref_slice %arg2[%add3A_594] : memref<6400000xi32, #tpu.memory_space<hbm>> -> memref<1024xi32, #tpu.memory_space<hbm>>
        tpu.enqueue_dma source(%dma_start3A_603 : memref<1024xi32, #tpu.memory_space<hbm>>) target(%dma_start3A_602 : memref<1024xi32, #tpu.memory_space<vmem>>) target_semaphore(%arg14 : memref<!tpu.dma_semaphore, #tpu.memory_space<semaphore_mem>>)
        %jit3A_604 = arith.constant 128 : i32
        %div3A_605 = arith.divsi %add3A_594, %jit3A_604 : i32
        %sign3A_606 = arith.constant 0 : i32
        %sign3A_607 = arith.cmpi sgt, %add3A_594, %sign3A_606 : i32
        %sign3A_608 = arith.extui %sign3A_607 : i1 to i32
        %sign3A_609 = arith.constant 0 : i32
        %sign3A_610 = arith.cmpi slt, %add3A_594, %sign3A_609 : i32
        %sign3A_611 = arith.extui %sign3A_610 : i1 to i32
        %sign3A_612 = arith.subi %sign3A_608, %sign3A_611 : i32
        %sign3A_613 = arith.constant 0 : i32
        %sign3A_614 = arith.cmpi sgt, %jit3A_604, %sign3A_613 : i32
        %sign3A_615 = arith.extui %sign3A_614 : i1 to i32
        %sign3A_616 = arith.constant 0 : i32
        %sign3A_617 = arith.cmpi slt, %jit3A_604, %sign3A_616 : i32
        %sign3A_618 = arith.extui %sign3A_617 : i1 to i32
        %sign3A_619 = arith.subi %sign3A_615, %sign3A_618 : i32
        %ne3A_620 = arith.cmpi ne, %sign3A_612, %sign3A_619 : i32
        %rem3A_621 = arith.remsi %add3A_594, %jit3A_604 : i32
        %ne3A_622 = arith.constant 0 : i32
        %ne3A_623 = arith.cmpi ne, %rem3A_621, %ne3A_622 : i32
        %and3A_624 = arith.andi %ne3A_620, %ne3A_623 : i1
        %sub3A_625 = arith.constant 1 : i32
        %sub3A_626 = arith.subi %div3A_605, %sub3A_625 : i32
        %select_n3A_627 = arith.select %and3A_624, %sub3A_626, %div3A_605 : i32
        %multiple_of3A_628 = tpu.assume_multiple %select_n3A_627, 8 : i32
        %dma_start3A_629 = arith.constant 0 : i32
        %dma_start3A_630 = arith.constant 0 : i32
        %dma_start3A_631 = arith.constant 0 : i32
        %dma_start3A_632 = tpu.memref_slice %arg12[%dma_start3A_629, %dma_start3A_630, %dma_start3A_631] : memref<2x8x128xi32, #tpu.memory_space<vmem>> -> memref<1x8x128xi32, #tpu.memory_space<vmem>>
        %dma_start3A_633 = tpu.memref_squeeze %dma_start3A_632 : memref<1x8x128xi32, #tpu.memory_space<vmem>> -> memref<8x128xi32, #tpu.memory_space<vmem>>
        %dma_start3A_634 = arith.constant 0 : i32
        %dma_start3A_635 = tpu.memref_slice %arg3[%multiple_of3A_628, %dma_start3A_634] : memref<50000x128xi32, #tpu.memory_space<hbm>> -> memref<8x128xi32, #tpu.memory_space<hbm>>
        %dma_start3A_636 = arith.constant 0 : i32
        %dma_start3A_637 = arith.constant 0 : i32
        %dma_start3A_638 = tpu.memref_slice %arg12[%dma_start3A_629, %dma_start3A_636, %dma_start3A_637] : memref<2x8x128xi32, #tpu.memory_space<vmem>> -> memref<1x8x128xi32, #tpu.memory_space<vmem>>
        %dma_start3A_639 = tpu.memref_squeeze %dma_start3A_638 : memref<1x8x128xi32, #tpu.memory_space<vmem>> -> memref<8x128xi32, #tpu.memory_space<vmem>>
        %dma_start3A_640 = arith.constant 0 : i32
        %dma_start3A_641 = tpu.memref_slice %arg3[%multiple_of3A_628, %dma_start3A_640] : memref<50000x128xi32, #tpu.memory_space<hbm>> -> memref<8x128xi32, #tpu.memory_space<hbm>>
        tpu.enqueue_dma source(%dma_start3A_641 : memref<8x128xi32, #tpu.memory_space<hbm>>) target(%dma_start3A_639 : memref<8x128xi32, #tpu.memory_space<vmem>>) target_semaphore(%arg14 : memref<!tpu.dma_semaphore, #tpu.memory_space<semaphore_mem>>)
      } else {
      }
      %mul3A_388 = arith.constant 2 : i32
      %mul3A_389 = arith.muli %mul3A_388, %add3A_188 : i32
      %add3A_390 = arith.constant 1 : i32
      %add3A_391 = arith.addi %mul3A_389, %add3A_390 : i32
      %dma_wait3A_392 = arith.constant 1 : i32
      %dma_wait3A_393 = arith.constant 1 : i32
      %dma_wait3A_394 = arith.constant 0 : i32
      %dma_wait3A_395 = tpu.memref_slice %arg13[%dma_wait3A_393, %dma_wait3A_394] : memref<2x1024xf32, #tpu.memory_space<vmem>> -> memref<1x1024xf32, #tpu.memory_space<vmem>>
      %dma_wait3A_396 = tpu.memref_squeeze %dma_wait3A_395 : memref<1x1024xf32, #tpu.memory_space<vmem>> -> memref<1024xf32, #tpu.memory_space<vmem>>
      %dma_wait3A_397 = arith.constant 0 : i32
      %dma_wait3A_398 = tpu.memref_slice %arg11[%dma_wait3A_392, %dma_wait3A_397] : memref<2x1024xi32, #tpu.memory_space<vmem>> -> memref<1x1024xi32, #tpu.memory_space<vmem>>
      %dma_wait3A_399 = tpu.memref_squeeze %dma_wait3A_398 : memref<1x1024xi32, #tpu.memory_space<vmem>> -> memref<1024xi32, #tpu.memory_space<vmem>>
      %dma_wait3A_400 = arith.constant 0 : i32
      %dma_wait3A_401 = tpu.memref_slice %arg8[%dma_wait3A_400] : memref<100096xf32, #tpu.memory_space<vmem_shared>> -> memref<100096xf32, #tpu.memory_space<vmem_shared>>
      tpu.wait_indirect_dma semaphore(%arg15 : memref<!tpu.dma_semaphore, #tpu.memory_space<semaphore_mem>>) src(%dma_wait3A_401 : memref<100096xf32, #tpu.memory_space<vmem_shared>>) dst(%dma_wait3A_396 : memref<1024xf32, #tpu.memory_space<vmem>>)
      %add3A_402 = arith.constant 1 : i32
      %add3A_403 = arith.addi %add3A_391, %add3A_402 : i32
      %lt3A_404 = arith.cmpi slt, %add3A_403, %select_n3A : i32
      %convert_element_type3A_405 = arith.extui %lt3A_404 : i1 to i32
      %cond3A_406 = arith.constant 0 : i32
      %cond3A_407 = arith.cmpi ne, %convert_element_type3A_405, %cond3A_406 : i32
      scf.if %cond3A_407 {
        %dma_wait3A_590 = arith.constant 0 : i32
        %dma_wait3A_591 = arith.constant 0 : i32
        %dma_wait3A_592 = tpu.memref_slice %arg11[%dma_wait3A_590, %dma_wait3A_591] : memref<2x1024xi32, #tpu.memory_space<vmem>> -> memref<1x1024xi32, #tpu.memory_space<vmem>>
        %dma_wait3A_593 = tpu.memref_squeeze %dma_wait3A_592 : memref<1x1024xi32, #tpu.memory_space<vmem>> -> memref<1024xi32, #tpu.memory_space<vmem>>
        %dma_wait3A_594 = arith.constant 0 : i32
        %dma_wait3A_595 = tpu.memref_slice %arg2[%dma_wait3A_594] : memref<6400000xi32, #tpu.memory_space<hbm>> -> memref<1024xi32, #tpu.memory_space<hbm>>
        %dma_wait3A_596 = arith.constant 0 : i32
        %dma_wait3A_597 = tpu.memref_slice %arg11[%dma_wait3A_590, %dma_wait3A_596] : memref<2x1024xi32, #tpu.memory_space<vmem>> -> memref<1x1024xi32, #tpu.memory_space<vmem>>
        %dma_wait3A_598 = tpu.memref_squeeze %dma_wait3A_597 : memref<1x1024xi32, #tpu.memory_space<vmem>> -> memref<1024xi32, #tpu.memory_space<vmem>>
        %dma_wait3A_599 = arith.constant 0 : i32
        %dma_wait3A_600 = tpu.memref_slice %arg2[%dma_wait3A_599] : memref<6400000xi32, #tpu.memory_space<hbm>> -> memref<1024xi32, #tpu.memory_space<hbm>>
        tpu.wait_dma2 semaphore(%arg14 : memref<!tpu.dma_semaphore, #tpu.memory_space<semaphore_mem>>) src(%dma_wait3A_600 : memref<1024xi32, #tpu.memory_space<hbm>>) dst(%dma_wait3A_598 : memref<1024xi32, #tpu.memory_space<vmem>>)
        %dma_wait3A_601 = arith.constant 0 : i32
        %dma_wait3A_602 = arith.constant 0 : i32
        %dma_wait3A_603 = arith.constant 0 : i32
        %dma_wait3A_604 = tpu.memref_slice %arg12[%dma_wait3A_601, %dma_wait3A_602, %dma_wait3A_603] : memref<2x8x128xi32, #tpu.memory_space<vmem>> -> memref<1x8x128xi32, #tpu.memory_space<vmem>>
        %dma_wait3A_605 = tpu.memref_squeeze %dma_wait3A_604 : memref<1x8x128xi32, #tpu.memory_space<vmem>> -> memref<8x128xi32, #tpu.memory_space<vmem>>
        %dma_wait3A_606 = arith.constant 0 : i32
        %dma_wait3A_607 = arith.constant 0 : i32
        %dma_wait3A_608 = tpu.memref_slice %arg3[%dma_wait3A_606, %dma_wait3A_607] : memref<50000x128xi32, #tpu.memory_space<hbm>> -> memref<8x128xi32, #tpu.memory_space<hbm>>
        %dma_wait3A_609 = arith.constant 0 : i32
        %dma_wait3A_610 = arith.constant 0 : i32
        %dma_wait3A_611 = tpu.memref_slice %arg12[%dma_wait3A_601, %dma_wait3A_609, %dma_wait3A_610] : memref<2x8x128xi32, #tpu.memory_space<vmem>> -> memref<1x8x128xi32, #tpu.memory_space<vmem>>
        %dma_wait3A_612 = tpu.memref_squeeze %dma_wait3A_611 : memref<1x8x128xi32, #tpu.memory_space<vmem>> -> memref<8x128xi32, #tpu.memory_space<vmem>>
        %dma_wait3A_613 = arith.constant 0 : i32
        %dma_wait3A_614 = arith.constant 0 : i32
        %dma_wait3A_615 = tpu.memref_slice %arg3[%dma_wait3A_613, %dma_wait3A_614] : memref<50000x128xi32, #tpu.memory_space<hbm>> -> memref<8x128xi32, #tpu.memory_space<hbm>>
        tpu.wait_dma2 semaphore(%arg14 : memref<!tpu.dma_semaphore, #tpu.memory_space<semaphore_mem>>) src(%dma_wait3A_615 : memref<8x128xi32, #tpu.memory_space<hbm>>) dst(%dma_wait3A_612 : memref<8x128xi32, #tpu.memory_space<vmem>>)
        %dma_start3A_616 = arith.constant 0 : i32
        %dma_start3A_617 = arith.constant 0 : i32
        %dma_start3A_618 = arith.constant 0 : i32
        %dma_start3A_619 = tpu.memref_slice %arg13[%dma_start3A_617, %dma_start3A_618] : memref<2x1024xf32, #tpu.memory_space<vmem>> -> memref<1x1024xf32, #tpu.memory_space<vmem>>
        %dma_start3A_620 = tpu.memref_squeeze %dma_start3A_619 : memref<1x1024xf32, #tpu.memory_space<vmem>> -> memref<1024xf32, #tpu.memory_space<vmem>>
        %dma_start3A_621 = arith.constant 0 : i32
        %dma_start3A_622 = tpu.memref_slice %arg11[%dma_start3A_616, %dma_start3A_621] : memref<2x1024xi32, #tpu.memory_space<vmem>> -> memref<1x1024xi32, #tpu.memory_space<vmem>>
        %dma_start3A_623 = tpu.memref_squeeze %dma_start3A_622 : memref<1x1024xi32, #tpu.memory_space<vmem>> -> memref<1024xi32, #tpu.memory_space<vmem>>
        %dma_start3A_624 = arith.constant 0 : i32
        %dma_start3A_625 = tpu.memref_slice %arg8[%dma_start3A_624] : memref<100096xf32, #tpu.memory_space<vmem_shared>> -> memref<100096xf32, #tpu.memory_space<vmem_shared>>
        tpu.enqueue_indirect_dma source(%dma_start3A_625 : memref<100096xf32, #tpu.memory_space<vmem_shared>>) target(%dma_start3A_620 : memref<1024xf32, #tpu.memory_space<vmem>>) offsets(%dma_start3A_623 : memref<1024xi32, #tpu.memory_space<vmem>>) semaphore(%arg15 : memref<!tpu.dma_semaphore, #tpu.memory_space<semaphore_mem>>)
      } else {
      }
      %dma_start3A_408 = arith.constant 1 : i32
      %dma_start3A_409 = arith.constant 1 : i32
      %dma_start3A_410 = arith.constant 0 : i32
      %dma_start3A_411 = arith.constant 0 : i32
      %dma_start3A_412 = tpu.memref_slice %arg13[%dma_start3A_408, %dma_start3A_411] : memref<2x1024xf32, #tpu.memory_space<vmem>> -> memref<1x128xf32, #tpu.memory_space<vmem>>
      %dma_start3A_413 = tpu.memref_squeeze %dma_start3A_412 : memref<1x128xf32, #tpu.memory_space<vmem>> -> memref<128xf32, #tpu.memory_space<vmem>>
      %dma_start3A_414 = arith.constant 0 : i32
      %dma_start3A_415 = tpu.memref_slice %arg12[%dma_start3A_409, %dma_start3A_410, %dma_start3A_414] : memref<2x8x128xi32, #tpu.memory_space<vmem>> -> memref<1x1x128xi32, #tpu.memory_space<vmem>>
      %dma_start3A_416 = tpu.memref_squeeze %dma_start3A_415 : memref<1x1x128xi32, #tpu.memory_space<vmem>> -> memref<128xi32, #tpu.memory_space<vmem>>
      %dma_start3A_417 = arith.constant 0 : i32
      %dma_start3A_418 = tpu.memref_slice %arg7[%dma_start3A_417] : memref<100096xf32, #tpu.memory_space<vmem_shared>> -> memref<100096xf32, #tpu.memory_space<vmem_shared>>
      tpu.enqueue_indirect_dma source(%dma_start3A_413 : memref<128xf32, #tpu.memory_space<vmem>>) target(%dma_start3A_418 : memref<100096xf32, #tpu.memory_space<vmem_shared>>) offsets(%dma_start3A_416 : memref<128xi32, #tpu.memory_space<vmem>>) semaphore(%arg16 : memref<!tpu.dma_semaphore, #tpu.memory_space<semaphore_mem>>) {add = true}
      %dma_start3A_419 = arith.constant 1 : i32
      %dma_start3A_420 = arith.constant 1 : i32
      %dma_start3A_421 = arith.constant 1 : i32
      %dma_start3A_422 = arith.constant 128 : i32
      %dma_start3A_423 = tpu.memref_slice %arg13[%dma_start3A_419, %dma_start3A_422] : memref<2x1024xf32, #tpu.memory_space<vmem>> -> memref<1x128xf32, #tpu.memory_space<vmem>>
      %dma_start3A_424 = tpu.memref_squeeze %dma_start3A_423 : memref<1x128xf32, #tpu.memory_space<vmem>> -> memref<128xf32, #tpu.memory_space<vmem>>
      %dma_start3A_425 = arith.constant 0 : i32
      %dma_start3A_426 = tpu.memref_slice %arg12[%dma_start3A_420, %dma_start3A_421, %dma_start3A_425] : memref<2x8x128xi32, #tpu.memory_space<vmem>> -> memref<1x1x128xi32, #tpu.memory_space<vmem>>
      %dma_start3A_427 = tpu.memref_squeeze %dma_start3A_426 : memref<1x1x128xi32, #tpu.memory_space<vmem>> -> memref<128xi32, #tpu.memory_space<vmem>>
      %dma_start3A_428 = arith.constant 0 : i32
      %dma_start3A_429 = tpu.memref_slice %arg7[%dma_start3A_428] : memref<100096xf32, #tpu.memory_space<vmem_shared>> -> memref<100096xf32, #tpu.memory_space<vmem_shared>>
      tpu.enqueue_indirect_dma source(%dma_start3A_424 : memref<128xf32, #tpu.memory_space<vmem>>) target(%dma_start3A_429 : memref<100096xf32, #tpu.memory_space<vmem_shared>>) offsets(%dma_start3A_427 : memref<128xi32, #tpu.memory_space<vmem>>) semaphore(%arg16 : memref<!tpu.dma_semaphore, #tpu.memory_space<semaphore_mem>>) {add = true}
      %dma_start3A_430 = arith.constant 1 : i32
      %dma_start3A_431 = arith.constant 1 : i32
      %dma_start3A_432 = arith.constant 2 : i32
      %dma_start3A_433 = arith.constant 256 : i32
      %dma_start3A_434 = tpu.memref_slice %arg13[%dma_start3A_430, %dma_start3A_433] : memref<2x1024xf32, #tpu.memory_space<vmem>> -> memref<1x128xf32, #tpu.memory_space<vmem>>
      %dma_start3A_435 = tpu.memref_squeeze %dma_start3A_434 : memref<1x128xf32, #tpu.memory_space<vmem>> -> memref<128xf32, #tpu.memory_space<vmem>>
      %dma_start3A_436 = arith.constant 0 : i32
      %dma_start3A_437 = tpu.memref_slice %arg12[%dma_start3A_431, %dma_start3A_432, %dma_start3A_436] : memref<2x8x128xi32, #tpu.memory_space<vmem>> -> memref<1x1x128xi32, #tpu.memory_space<vmem>>
      %dma_start3A_438 = tpu.memref_squeeze %dma_start3A_437 : memref<1x1x128xi32, #tpu.memory_space<vmem>> -> memref<128xi32, #tpu.memory_space<vmem>>
      %dma_start3A_439 = arith.constant 0 : i32
      %dma_start3A_440 = tpu.memref_slice %arg7[%dma_start3A_439] : memref<100096xf32, #tpu.memory_space<vmem_shared>> -> memref<100096xf32, #tpu.memory_space<vmem_shared>>
      tpu.enqueue_indirect_dma source(%dma_start3A_435 : memref<128xf32, #tpu.memory_space<vmem>>) target(%dma_start3A_440 : memref<100096xf32, #tpu.memory_space<vmem_shared>>) offsets(%dma_start3A_438 : memref<128xi32, #tpu.memory_space<vmem>>) semaphore(%arg16 : memref<!tpu.dma_semaphore, #tpu.memory_space<semaphore_mem>>) {add = true}
      %dma_start3A_441 = arith.constant 1 : i32
      %dma_start3A_442 = arith.constant 1 : i32
      %dma_start3A_443 = arith.constant 3 : i32
      %dma_start3A_444 = arith.constant 384 : i32
      %dma_start3A_445 = tpu.memref_slice %arg13[%dma_start3A_441, %dma_start3A_444] : memref<2x1024xf32, #tpu.memory_space<vmem>> -> memref<1x128xf32, #tpu.memory_space<vmem>>
      %dma_start3A_446 = tpu.memref_squeeze %dma_start3A_445 : memref<1x128xf32, #tpu.memory_space<vmem>> -> memref<128xf32, #tpu.memory_space<vmem>>
      %dma_start3A_447 = arith.constant 0 : i32
      %dma_start3A_448 = tpu.memref_slice %arg12[%dma_start3A_442, %dma_start3A_443, %dma_start3A_447] : memref<2x8x128xi32, #tpu.memory_space<vmem>> -> memref<1x1x128xi32, #tpu.memory_space<vmem>>
      %dma_start3A_449 = tpu.memref_squeeze %dma_start3A_448 : memref<1x1x128xi32, #tpu.memory_space<vmem>> -> memref<128xi32, #tpu.memory_space<vmem>>
      %dma_start3A_450 = arith.constant 0 : i32
      %dma_start3A_451 = tpu.memref_slice %arg7[%dma_start3A_450] : memref<100096xf32, #tpu.memory_space<vmem_shared>> -> memref<100096xf32, #tpu.memory_space<vmem_shared>>
      tpu.enqueue_indirect_dma source(%dma_start3A_446 : memref<128xf32, #tpu.memory_space<vmem>>) target(%dma_start3A_451 : memref<100096xf32, #tpu.memory_space<vmem_shared>>) offsets(%dma_start3A_449 : memref<128xi32, #tpu.memory_space<vmem>>) semaphore(%arg16 : memref<!tpu.dma_semaphore, #tpu.memory_space<semaphore_mem>>) {add = true}
      %dma_start3A_452 = arith.constant 1 : i32
      %dma_start3A_453 = arith.constant 1 : i32
      %dma_start3A_454 = arith.constant 4 : i32
      %dma_start3A_455 = arith.constant 512 : i32
      %dma_start3A_456 = tpu.memref_slice %arg13[%dma_start3A_452, %dma_start3A_455] : memref<2x1024xf32, #tpu.memory_space<vmem>> -> memref<1x128xf32, #tpu.memory_space<vmem>>
      %dma_start3A_457 = tpu.memref_squeeze %dma_start3A_456 : memref<1x128xf32, #tpu.memory_space<vmem>> -> memref<128xf32, #tpu.memory_space<vmem>>
      %dma_start3A_458 = arith.constant 0 : i32
      %dma_start3A_459 = tpu.memref_slice %arg12[%dma_start3A_453, %dma_start3A_454, %dma_start3A_458] : memref<2x8x128xi32, #tpu.memory_space<vmem>> -> memref<1x1x128xi32, #tpu.memory_space<vmem>>
      %dma_start3A_460 = tpu.memref_squeeze %dma_start3A_459 : memref<1x1x128xi32, #tpu.memory_space<vmem>> -> memref<128xi32, #tpu.memory_space<vmem>>
      %dma_start3A_461 = arith.constant 0 : i32
      %dma_start3A_462 = tpu.memref_slice %arg7[%dma_start3A_461] : memref<100096xf32, #tpu.memory_space<vmem_shared>> -> memref<100096xf32, #tpu.memory_space<vmem_shared>>
      tpu.enqueue_indirect_dma source(%dma_start3A_457 : memref<128xf32, #tpu.memory_space<vmem>>) target(%dma_start3A_462 : memref<100096xf32, #tpu.memory_space<vmem_shared>>) offsets(%dma_start3A_460 : memref<128xi32, #tpu.memory_space<vmem>>) semaphore(%arg16 : memref<!tpu.dma_semaphore, #tpu.memory_space<semaphore_mem>>) {add = true}
      %dma_start3A_463 = arith.constant 1 : i32
      %dma_start3A_464 = arith.constant 1 : i32
      %dma_start3A_465 = arith.constant 5 : i32
      %dma_start3A_466 = arith.constant 640 : i32
      %dma_start3A_467 = tpu.memref_slice %arg13[%dma_start3A_463, %dma_start3A_466] : memref<2x1024xf32, #tpu.memory_space<vmem>> -> memref<1x128xf32, #tpu.memory_space<vmem>>
      %dma_start3A_468 = tpu.memref_squeeze %dma_start3A_467 : memref<1x128xf32, #tpu.memory_space<vmem>> -> memref<128xf32, #tpu.memory_space<vmem>>
      %dma_start3A_469 = arith.constant 0 : i32
      %dma_start3A_470 = tpu.memref_slice %arg12[%dma_start3A_464, %dma_start3A_465, %dma_start3A_469] : memref<2x8x128xi32, #tpu.memory_space<vmem>> -> memref<1x1x128xi32, #tpu.memory_space<vmem>>
      %dma_start3A_471 = tpu.memref_squeeze %dma_start3A_470 : memref<1x1x128xi32, #tpu.memory_space<vmem>> -> memref<128xi32, #tpu.memory_space<vmem>>
      %dma_start3A_472 = arith.constant 0 : i32
      %dma_start3A_473 = tpu.memref_slice %arg7[%dma_start3A_472] : memref<100096xf32, #tpu.memory_space<vmem_shared>> -> memref<100096xf32, #tpu.memory_space<vmem_shared>>
      tpu.enqueue_indirect_dma source(%dma_start3A_468 : memref<128xf32, #tpu.memory_space<vmem>>) target(%dma_start3A_473 : memref<100096xf32, #tpu.memory_space<vmem_shared>>) offsets(%dma_start3A_471 : memref<128xi32, #tpu.memory_space<vmem>>) semaphore(%arg16 : memref<!tpu.dma_semaphore, #tpu.memory_space<semaphore_mem>>) {add = true}
      %dma_start3A_474 = arith.constant 1 : i32
      %dma_start3A_475 = arith.constant 1 : i32
      %dma_start3A_476 = arith.constant 6 : i32
      %dma_start3A_477 = arith.constant 768 : i32
      %dma_start3A_478 = tpu.memref_slice %arg13[%dma_start3A_474, %dma_start3A_477] : memref<2x1024xf32, #tpu.memory_space<vmem>> -> memref<1x128xf32, #tpu.memory_space<vmem>>
      %dma_start3A_479 = tpu.memref_squeeze %dma_start3A_478 : memref<1x128xf32, #tpu.memory_space<vmem>> -> memref<128xf32, #tpu.memory_space<vmem>>
      %dma_start3A_480 = arith.constant 0 : i32
      %dma_start3A_481 = tpu.memref_slice %arg12[%dma_start3A_475, %dma_start3A_476, %dma_start3A_480] : memref<2x8x128xi32, #tpu.memory_space<vmem>> -> memref<1x1x128xi32, #tpu.memory_space<vmem>>
      %dma_start3A_482 = tpu.memref_squeeze %dma_start3A_481 : memref<1x1x128xi32, #tpu.memory_space<vmem>> -> memref<128xi32, #tpu.memory_space<vmem>>
      %dma_start3A_483 = arith.constant 0 : i32
      %dma_start3A_484 = tpu.memref_slice %arg7[%dma_start3A_483] : memref<100096xf32, #tpu.memory_space<vmem_shared>> -> memref<100096xf32, #tpu.memory_space<vmem_shared>>
      tpu.enqueue_indirect_dma source(%dma_start3A_479 : memref<128xf32, #tpu.memory_space<vmem>>) target(%dma_start3A_484 : memref<100096xf32, #tpu.memory_space<vmem_shared>>) offsets(%dma_start3A_482 : memref<128xi32, #tpu.memory_space<vmem>>) semaphore(%arg16 : memref<!tpu.dma_semaphore, #tpu.memory_space<semaphore_mem>>) {add = true}
      %dma_start3A_485 = arith.constant 1 : i32
      %dma_start3A_486 = arith.constant 1 : i32
      %dma_start3A_487 = arith.constant 7 : i32
      %dma_start3A_488 = arith.constant 896 : i32
      %dma_start3A_489 = tpu.memref_slice %arg13[%dma_start3A_485, %dma_start3A_488] : memref<2x1024xf32, #tpu.memory_space<vmem>> -> memref<1x128xf32, #tpu.memory_space<vmem>>
      %dma_start3A_490 = tpu.memref_squeeze %dma_start3A_489 : memref<1x128xf32, #tpu.memory_space<vmem>> -> memref<128xf32, #tpu.memory_space<vmem>>
      %dma_start3A_491 = arith.constant 0 : i32
      %dma_start3A_492 = tpu.memref_slice %arg12[%dma_start3A_486, %dma_start3A_487, %dma_start3A_491] : memref<2x8x128xi32, #tpu.memory_space<vmem>> -> memref<1x1x128xi32, #tpu.memory_space<vmem>>
      %dma_start3A_493 = tpu.memref_squeeze %dma_start3A_492 : memref<1x1x128xi32, #tpu.memory_space<vmem>> -> memref<128xi32, #tpu.memory_space<vmem>>
      %dma_start3A_494 = arith.constant 0 : i32
      %dma_start3A_495 = tpu.memref_slice %arg7[%dma_start3A_494] : memref<100096xf32, #tpu.memory_space<vmem_shared>> -> memref<100096xf32, #tpu.memory_space<vmem_shared>>
      tpu.enqueue_indirect_dma source(%dma_start3A_490 : memref<128xf32, #tpu.memory_space<vmem>>) target(%dma_start3A_495 : memref<100096xf32, #tpu.memory_space<vmem_shared>>) offsets(%dma_start3A_493 : memref<128xi32, #tpu.memory_space<vmem>>) semaphore(%arg16 : memref<!tpu.dma_semaphore, #tpu.memory_space<semaphore_mem>>) {add = true}
      %dma_wait3A_496 = arith.constant 1 : i32
      %dma_wait3A_497 = arith.constant 1 : i32
      %dma_wait3A_498 = arith.constant 0 : i32
      %dma_wait3A_499 = arith.constant 0 : i32
      %dma_wait3A_500 = tpu.memref_slice %arg13[%dma_wait3A_496, %dma_wait3A_499] : memref<2x1024xf32, #tpu.memory_space<vmem>> -> memref<1x128xf32, #tpu.memory_space<vmem>>
      %dma_wait3A_501 = tpu.memref_squeeze %dma_wait3A_500 : memref<1x128xf32, #tpu.memory_space<vmem>> -> memref<128xf32, #tpu.memory_space<vmem>>
      %dma_wait3A_502 = arith.constant 0 : i32
      %dma_wait3A_503 = tpu.memref_slice %arg12[%dma_wait3A_497, %dma_wait3A_498, %dma_wait3A_502] : memref<2x8x128xi32, #tpu.memory_space<vmem>> -> memref<1x1x128xi32, #tpu.memory_space<vmem>>
      %dma_wait3A_504 = tpu.memref_squeeze %dma_wait3A_503 : memref<1x1x128xi32, #tpu.memory_space<vmem>> -> memref<128xi32, #tpu.memory_space<vmem>>
      %dma_wait3A_505 = arith.constant 0 : i32
      %dma_wait3A_506 = tpu.memref_slice %arg7[%dma_wait3A_505] : memref<100096xf32, #tpu.memory_space<vmem_shared>> -> memref<100096xf32, #tpu.memory_space<vmem_shared>>
      tpu.wait_indirect_dma semaphore(%arg16 : memref<!tpu.dma_semaphore, #tpu.memory_space<semaphore_mem>>) src(%dma_wait3A_501 : memref<128xf32, #tpu.memory_space<vmem>>) dst(%dma_wait3A_506 : memref<100096xf32, #tpu.memory_space<vmem_shared>>)
      %dma_wait3A_507 = arith.constant 1 : i32
      %dma_wait3A_508 = arith.constant 1 : i32
      %dma_wait3A_509 = arith.constant 1 : i32
      %dma_wait3A_510 = arith.constant 128 : i32
      %dma_wait3A_511 = tpu.memref_slice %arg13[%dma_wait3A_507, %dma_wait3A_510] : memref<2x1024xf32, #tpu.memory_space<vmem>> -> memref<1x128xf32, #tpu.memory_space<vmem>>
      %dma_wait3A_512 = tpu.memref_squeeze %dma_wait3A_511 : memref<1x128xf32, #tpu.memory_space<vmem>> -> memref<128xf32, #tpu.memory_space<vmem>>
      %dma_wait3A_513 = arith.constant 0 : i32
      %dma_wait3A_514 = tpu.memref_slice %arg12[%dma_wait3A_508, %dma_wait3A_509, %dma_wait3A_513] : memref<2x8x128xi32, #tpu.memory_space<vmem>> -> memref<1x1x128xi32, #tpu.memory_space<vmem>>
      %dma_wait3A_515 = tpu.memref_squeeze %dma_wait3A_514 : memref<1x1x128xi32, #tpu.memory_space<vmem>> -> memref<128xi32, #tpu.memory_space<vmem>>
      %dma_wait3A_516 = arith.constant 0 : i32
      %dma_wait3A_517 = tpu.memref_slice %arg7[%dma_wait3A_516] : memref<100096xf32, #tpu.memory_space<vmem_shared>> -> memref<100096xf32, #tpu.memory_space<vmem_shared>>
      tpu.wait_indirect_dma semaphore(%arg16 : memref<!tpu.dma_semaphore, #tpu.memory_space<semaphore_mem>>) src(%dma_wait3A_512 : memref<128xf32, #tpu.memory_space<vmem>>) dst(%dma_wait3A_517 : memref<100096xf32, #tpu.memory_space<vmem_shared>>)
      %dma_wait3A_518 = arith.constant 1 : i32
      %dma_wait3A_519 = arith.constant 1 : i32
      %dma_wait3A_520 = arith.constant 2 : i32
      %dma_wait3A_521 = arith.constant 256 : i32
      %dma_wait3A_522 = tpu.memref_slice %arg13[%dma_wait3A_518, %dma_wait3A_521] : memref<2x1024xf32, #tpu.memory_space<vmem>> -> memref<1x128xf32, #tpu.memory_space<vmem>>
      %dma_wait3A_523 = tpu.memref_squeeze %dma_wait3A_522 : memref<1x128xf32, #tpu.memory_space<vmem>> -> memref<128xf32, #tpu.memory_space<vmem>>
      %dma_wait3A_524 = arith.constant 0 : i32
      %dma_wait3A_525 = tpu.memref_slice %arg12[%dma_wait3A_519, %dma_wait3A_520, %dma_wait3A_524] : memref<2x8x128xi32, #tpu.memory_space<vmem>> -> memref<1x1x128xi32, #tpu.memory_space<vmem>>
      %dma_wait3A_526 = tpu.memref_squeeze %dma_wait3A_525 : memref<1x1x128xi32, #tpu.memory_space<vmem>> -> memref<128xi32, #tpu.memory_space<vmem>>
      %dma_wait3A_527 = arith.constant 0 : i32
      %dma_wait3A_528 = tpu.memref_slice %arg7[%dma_wait3A_527] : memref<100096xf32, #tpu.memory_space<vmem_shared>> -> memref<100096xf32, #tpu.memory_space<vmem_shared>>
      tpu.wait_indirect_dma semaphore(%arg16 : memref<!tpu.dma_semaphore, #tpu.memory_space<semaphore_mem>>) src(%dma_wait3A_523 : memref<128xf32, #tpu.memory_space<vmem>>) dst(%dma_wait3A_528 : memref<100096xf32, #tpu.memory_space<vmem_shared>>)
      %dma_wait3A_529 = arith.constant 1 : i32
      %dma_wait3A_530 = arith.constant 1 : i32
      %dma_wait3A_531 = arith.constant 3 : i32
      %dma_wait3A_532 = arith.constant 384 : i32
      %dma_wait3A_533 = tpu.memref_slice %arg13[%dma_wait3A_529, %dma_wait3A_532] : memref<2x1024xf32, #tpu.memory_space<vmem>> -> memref<1x128xf32, #tpu.memory_space<vmem>>
      %dma_wait3A_534 = tpu.memref_squeeze %dma_wait3A_533 : memref<1x128xf32, #tpu.memory_space<vmem>> -> memref<128xf32, #tpu.memory_space<vmem>>
      %dma_wait3A_535 = arith.constant 0 : i32
      %dma_wait3A_536 = tpu.memref_slice %arg12[%dma_wait3A_530, %dma_wait3A_531, %dma_wait3A_535] : memref<2x8x128xi32, #tpu.memory_space<vmem>> -> memref<1x1x128xi32, #tpu.memory_space<vmem>>
      %dma_wait3A_537 = tpu.memref_squeeze %dma_wait3A_536 : memref<1x1x128xi32, #tpu.memory_space<vmem>> -> memref<128xi32, #tpu.memory_space<vmem>>
      %dma_wait3A_538 = arith.constant 0 : i32
      %dma_wait3A_539 = tpu.memref_slice %arg7[%dma_wait3A_538] : memref<100096xf32, #tpu.memory_space<vmem_shared>> -> memref<100096xf32, #tpu.memory_space<vmem_shared>>
      tpu.wait_indirect_dma semaphore(%arg16 : memref<!tpu.dma_semaphore, #tpu.memory_space<semaphore_mem>>) src(%dma_wait3A_534 : memref<128xf32, #tpu.memory_space<vmem>>) dst(%dma_wait3A_539 : memref<100096xf32, #tpu.memory_space<vmem_shared>>)
      %dma_wait3A_540 = arith.constant 1 : i32
      %dma_wait3A_541 = arith.constant 1 : i32
      %dma_wait3A_542 = arith.constant 4 : i32
      %dma_wait3A_543 = arith.constant 512 : i32
      %dma_wait3A_544 = tpu.memref_slice %arg13[%dma_wait3A_540, %dma_wait3A_543] : memref<2x1024xf32, #tpu.memory_space<vmem>> -> memref<1x128xf32, #tpu.memory_space<vmem>>
      %dma_wait3A_545 = tpu.memref_squeeze %dma_wait3A_544 : memref<1x128xf32, #tpu.memory_space<vmem>> -> memref<128xf32, #tpu.memory_space<vmem>>
      %dma_wait3A_546 = arith.constant 0 : i32
      %dma_wait3A_547 = tpu.memref_slice %arg12[%dma_wait3A_541, %dma_wait3A_542, %dma_wait3A_546] : memref<2x8x128xi32, #tpu.memory_space<vmem>> -> memref<1x1x128xi32, #tpu.memory_space<vmem>>
      %dma_wait3A_548 = tpu.memref_squeeze %dma_wait3A_547 : memref<1x1x128xi32, #tpu.memory_space<vmem>> -> memref<128xi32, #tpu.memory_space<vmem>>
      %dma_wait3A_549 = arith.constant 0 : i32
      %dma_wait3A_550 = tpu.memref_slice %arg7[%dma_wait3A_549] : memref<100096xf32, #tpu.memory_space<vmem_shared>> -> memref<100096xf32, #tpu.memory_space<vmem_shared>>
      tpu.wait_indirect_dma semaphore(%arg16 : memref<!tpu.dma_semaphore, #tpu.memory_space<semaphore_mem>>) src(%dma_wait3A_545 : memref<128xf32, #tpu.memory_space<vmem>>) dst(%dma_wait3A_550 : memref<100096xf32, #tpu.memory_space<vmem_shared>>)
      %dma_wait3A_551 = arith.constant 1 : i32
      %dma_wait3A_552 = arith.constant 1 : i32
      %dma_wait3A_553 = arith.constant 5 : i32
      %dma_wait3A_554 = arith.constant 640 : i32
      %dma_wait3A_555 = tpu.memref_slice %arg13[%dma_wait3A_551, %dma_wait3A_554] : memref<2x1024xf32, #tpu.memory_space<vmem>> -> memref<1x128xf32, #tpu.memory_space<vmem>>
      %dma_wait3A_556 = tpu.memref_squeeze %dma_wait3A_555 : memref<1x128xf32, #tpu.memory_space<vmem>> -> memref<128xf32, #tpu.memory_space<vmem>>
      %dma_wait3A_557 = arith.constant 0 : i32
      %dma_wait3A_558 = tpu.memref_slice %arg12[%dma_wait3A_552, %dma_wait3A_553, %dma_wait3A_557] : memref<2x8x128xi32, #tpu.memory_space<vmem>> -> memref<1x1x128xi32, #tpu.memory_space<vmem>>
      %dma_wait3A_559 = tpu.memref_squeeze %dma_wait3A_558 : memref<1x1x128xi32, #tpu.memory_space<vmem>> -> memref<128xi32, #tpu.memory_space<vmem>>
      %dma_wait3A_560 = arith.constant 0 : i32
      %dma_wait3A_561 = tpu.memref_slice %arg7[%dma_wait3A_560] : memref<100096xf32, #tpu.memory_space<vmem_shared>> -> memref<100096xf32, #tpu.memory_space<vmem_shared>>
      tpu.wait_indirect_dma semaphore(%arg16 : memref<!tpu.dma_semaphore, #tpu.memory_space<semaphore_mem>>) src(%dma_wait3A_556 : memref<128xf32, #tpu.memory_space<vmem>>) dst(%dma_wait3A_561 : memref<100096xf32, #tpu.memory_space<vmem_shared>>)
      %dma_wait3A_562 = arith.constant 1 : i32
      %dma_wait3A_563 = arith.constant 1 : i32
      %dma_wait3A_564 = arith.constant 6 : i32
      %dma_wait3A_565 = arith.constant 768 : i32
      %dma_wait3A_566 = tpu.memref_slice %arg13[%dma_wait3A_562, %dma_wait3A_565] : memref<2x1024xf32, #tpu.memory_space<vmem>> -> memref<1x128xf32, #tpu.memory_space<vmem>>
      %dma_wait3A_567 = tpu.memref_squeeze %dma_wait3A_566 : memref<1x128xf32, #tpu.memory_space<vmem>> -> memref<128xf32, #tpu.memory_space<vmem>>
      %dma_wait3A_568 = arith.constant 0 : i32
      %dma_wait3A_569 = tpu.memref_slice %arg12[%dma_wait3A_563, %dma_wait3A_564, %dma_wait3A_568] : memref<2x8x128xi32, #tpu.memory_space<vmem>> -> memref<1x1x128xi32, #tpu.memory_space<vmem>>
      %dma_wait3A_570 = tpu.memref_squeeze %dma_wait3A_569 : memref<1x1x128xi32, #tpu.memory_space<vmem>> -> memref<128xi32, #tpu.memory_space<vmem>>
      %dma_wait3A_571 = arith.constant 0 : i32
      %dma_wait3A_572 = tpu.memref_slice %arg7[%dma_wait3A_571] : memref<100096xf32, #tpu.memory_space<vmem_shared>> -> memref<100096xf32, #tpu.memory_space<vmem_shared>>
      tpu.wait_indirect_dma semaphore(%arg16 : memref<!tpu.dma_semaphore, #tpu.memory_space<semaphore_mem>>) src(%dma_wait3A_567 : memref<128xf32, #tpu.memory_space<vmem>>) dst(%dma_wait3A_572 : memref<100096xf32, #tpu.memory_space<vmem_shared>>)
      %dma_wait3A_573 = arith.constant 1 : i32
      %dma_wait3A_574 = arith.constant 1 : i32
      %dma_wait3A_575 = arith.constant 7 : i32
      %dma_wait3A_576 = arith.constant 896 : i32
      %dma_wait3A_577 = tpu.memref_slice %arg13[%dma_wait3A_573, %dma_wait3A_576] : memref<2x1024xf32, #tpu.memory_space<vmem>> -> memref<1x128xf32, #tpu.memory_space<vmem>>
      %dma_wait3A_578 = tpu.memref_squeeze %dma_wait3A_577 : memref<1x128xf32, #tpu.memory_space<vmem>> -> memref<128xf32, #tpu.memory_space<vmem>>
      %dma_wait3A_579 = arith.constant 0 : i32
      %dma_wait3A_580 = tpu.memref_slice %arg12[%dma_wait3A_574, %dma_wait3A_575, %dma_wait3A_579] : memref<2x8x128xi32, #tpu.memory_space<vmem>> -> memref<1x1x128xi32, #tpu.memory_space<vmem>>
      %dma_wait3A_581 = tpu.memref_squeeze %dma_wait3A_580 : memref<1x1x128xi32, #tpu.memory_space<vmem>> -> memref<128xi32, #tpu.memory_space<vmem>>
      %dma_wait3A_582 = arith.constant 0 : i32
      %dma_wait3A_583 = tpu.memref_slice %arg7[%dma_wait3A_582] : memref<100096xf32, #tpu.memory_space<vmem_shared>> -> memref<100096xf32, #tpu.memory_space<vmem_shared>>
      tpu.wait_indirect_dma semaphore(%arg16 : memref<!tpu.dma_semaphore, #tpu.memory_space<semaphore_mem>>) src(%dma_wait3A_578 : memref<128xf32, #tpu.memory_space<vmem>>) dst(%dma_wait3A_583 : memref<100096xf32, #tpu.memory_space<vmem_shared>>)
      %add3A_584 = arith.constant 2 : i32
      %add3A_585 = arith.addi %add3A_391, %add3A_584 : i32
      %lt3A_586 = arith.cmpi slt, %add3A_585, %select_n3A : i32
      %convert_element_type3A_587 = arith.extui %lt3A_586 : i1 to i32
      %cond3A_588 = arith.constant 0 : i32
      %cond3A_589 = arith.cmpi ne, %convert_element_type3A_587, %cond3A_588 : i32
      scf.if %cond3A_589 {
        %add3A_590 = arith.constant 2 : i32
        %add3A_591 = arith.addi %add3A_391, %add3A_590 : i32
        %mul3A_592 = arith.constant 1024 : i32
        %mul3A_593 = arith.muli %add3A_591, %mul3A_592 : i32
        %add3A_594 = arith.addi %mul3A_15, %mul3A_593 : i32
        %dma_start3A_595 = arith.constant 1 : i32
        %dma_start3A_596 = arith.constant 0 : i32
        %dma_start3A_597 = tpu.memref_slice %arg11[%dma_start3A_595, %dma_start3A_596] : memref<2x1024xi32, #tpu.memory_space<vmem>> -> memref<1x1024xi32, #tpu.memory_space<vmem>>
        %dma_start3A_598 = tpu.memref_squeeze %dma_start3A_597 : memref<1x1024xi32, #tpu.memory_space<vmem>> -> memref<1024xi32, #tpu.memory_space<vmem>>
        %dma_start3A_599 = tpu.memref_slice %arg2[%add3A_594] : memref<6400000xi32, #tpu.memory_space<hbm>> -> memref<1024xi32, #tpu.memory_space<hbm>>
        %dma_start3A_600 = arith.constant 0 : i32
        %dma_start3A_601 = tpu.memref_slice %arg11[%dma_start3A_595, %dma_start3A_600] : memref<2x1024xi32, #tpu.memory_space<vmem>> -> memref<1x1024xi32, #tpu.memory_space<vmem>>
        %dma_start3A_602 = tpu.memref_squeeze %dma_start3A_601 : memref<1x1024xi32, #tpu.memory_space<vmem>> -> memref<1024xi32, #tpu.memory_space<vmem>>
        %dma_start3A_603 = tpu.memref_slice %arg2[%add3A_594] : memref<6400000xi32, #tpu.memory_space<hbm>> -> memref<1024xi32, #tpu.memory_space<hbm>>
        tpu.enqueue_dma source(%dma_start3A_603 : memref<1024xi32, #tpu.memory_space<hbm>>) target(%dma_start3A_602 : memref<1024xi32, #tpu.memory_space<vmem>>) target_semaphore(%arg14 : memref<!tpu.dma_semaphore, #tpu.memory_space<semaphore_mem>>)
        %jit3A_604 = arith.constant 128 : i32
        %div3A_605 = arith.divsi %add3A_594, %jit3A_604 : i32
        %sign3A_606 = arith.constant 0 : i32
        %sign3A_607 = arith.cmpi sgt, %add3A_594, %sign3A_606 : i32
        %sign3A_608 = arith.extui %sign3A_607 : i1 to i32
        %sign3A_609 = arith.constant 0 : i32
        %sign3A_610 = arith.cmpi slt, %add3A_594, %sign3A_609 : i32
        %sign3A_611 = arith.extui %sign3A_610 : i1 to i32
        %sign3A_612 = arith.subi %sign3A_608, %sign3A_611 : i32
        %sign3A_613 = arith.constant 0 : i32
        %sign3A_614 = arith.cmpi sgt, %jit3A_604, %sign3A_613 : i32
        %sign3A_615 = arith.extui %sign3A_614 : i1 to i32
        %sign3A_616 = arith.constant 0 : i32
        %sign3A_617 = arith.cmpi slt, %jit3A_604, %sign3A_616 : i32
        %sign3A_618 = arith.extui %sign3A_617 : i1 to i32
        %sign3A_619 = arith.subi %sign3A_615, %sign3A_618 : i32
        %ne3A_620 = arith.cmpi ne, %sign3A_612, %sign3A_619 : i32
        %rem3A_621 = arith.remsi %add3A_594, %jit3A_604 : i32
        %ne3A_622 = arith.constant 0 : i32
        %ne3A_623 = arith.cmpi ne, %rem3A_621, %ne3A_622 : i32
        %and3A_624 = arith.andi %ne3A_620, %ne3A_623 : i1
        %sub3A_625 = arith.constant 1 : i32
        %sub3A_626 = arith.subi %div3A_605, %sub3A_625 : i32
        %select_n3A_627 = arith.select %and3A_624, %sub3A_626, %div3A_605 : i32
        %multiple_of3A_628 = tpu.assume_multiple %select_n3A_627, 8 : i32
        %dma_start3A_629 = arith.constant 1 : i32
        %dma_start3A_630 = arith.constant 0 : i32
        %dma_start3A_631 = arith.constant 0 : i32
        %dma_start3A_632 = tpu.memref_slice %arg12[%dma_start3A_629, %dma_start3A_630, %dma_start3A_631] : memref<2x8x128xi32, #tpu.memory_space<vmem>> -> memref<1x8x128xi32, #tpu.memory_space<vmem>>
        %dma_start3A_633 = tpu.memref_squeeze %dma_start3A_632 : memref<1x8x128xi32, #tpu.memory_space<vmem>> -> memref<8x128xi32, #tpu.memory_space<vmem>>
        %dma_start3A_634 = arith.constant 0 : i32
        %dma_start3A_635 = tpu.memref_slice %arg3[%multiple_of3A_628, %dma_start3A_634] : memref<50000x128xi32, #tpu.memory_space<hbm>> -> memref<8x128xi32, #tpu.memory_space<hbm>>
        %dma_start3A_636 = arith.constant 0 : i32
        %dma_start3A_637 = arith.constant 0 : i32
        %dma_start3A_638 = tpu.memref_slice %arg12[%dma_start3A_629, %dma_start3A_636, %dma_start3A_637] : memref<2x8x128xi32, #tpu.memory_space<vmem>> -> memref<1x8x128xi32, #tpu.memory_space<vmem>>
        %dma_start3A_639 = tpu.memref_squeeze %dma_start3A_638 : memref<1x8x128xi32, #tpu.memory_space<vmem>> -> memref<8x128xi32, #tpu.memory_space<vmem>>
        %dma_start3A_640 = arith.constant 0 : i32
        %dma_start3A_641 = tpu.memref_slice %arg3[%multiple_of3A_628, %dma_start3A_640] : memref<50000x128xi32, #tpu.memory_space<hbm>> -> memref<8x128xi32, #tpu.memory_space<hbm>>
        tpu.enqueue_dma source(%dma_start3A_641 : memref<8x128xi32, #tpu.memory_space<hbm>>) target(%dma_start3A_639 : memref<8x128xi32, #tpu.memory_space<vmem>>) target_semaphore(%arg14 : memref<!tpu.dma_semaphore, #tpu.memory_space<semaphore_mem>>)
      } else {
      }
    }
    %while3A_184 = arith.constant 1 : i32
    scf.for %while3A_186 = %while3A_182 to %while3A_178 step %while3A_184  : i32 {
      %mul3A_187 = arith.muli %while3A_186, %while3A : i32
      %add3A_188 = arith.addi %while3A_175, %mul3A_187 : i32
      %mul3A_189 = arith.constant 2 : i32
      %mul3A_190 = arith.muli %mul3A_189, %add3A_188 : i32
      %add3A_191 = arith.constant 0 : i32
      %add3A_192 = arith.addi %mul3A_190, %add3A_191 : i32
      %dma_wait3A_193 = arith.constant 0 : i32
      %dma_wait3A_194 = arith.constant 0 : i32
      %dma_wait3A_195 = arith.constant 0 : i32
      %dma_wait3A_196 = tpu.memref_slice %arg13[%dma_wait3A_194, %dma_wait3A_195] : memref<2x1024xf32, #tpu.memory_space<vmem>> -> memref<1x1024xf32, #tpu.memory_space<vmem>>
      %dma_wait3A_197 = tpu.memref_squeeze %dma_wait3A_196 : memref<1x1024xf32, #tpu.memory_space<vmem>> -> memref<1024xf32, #tpu.memory_space<vmem>>
      %dma_wait3A_198 = arith.constant 0 : i32
      %dma_wait3A_199 = tpu.memref_slice %arg11[%dma_wait3A_193, %dma_wait3A_198] : memref<2x1024xi32, #tpu.memory_space<vmem>> -> memref<1x1024xi32, #tpu.memory_space<vmem>>
      %dma_wait3A_200 = tpu.memref_squeeze %dma_wait3A_199 : memref<1x1024xi32, #tpu.memory_space<vmem>> -> memref<1024xi32, #tpu.memory_space<vmem>>
      %dma_wait3A_201 = arith.constant 0 : i32
      %dma_wait3A_202 = tpu.memref_slice %arg8[%dma_wait3A_201] : memref<100096xf32, #tpu.memory_space<vmem_shared>> -> memref<100096xf32, #tpu.memory_space<vmem_shared>>
      tpu.wait_indirect_dma semaphore(%arg15 : memref<!tpu.dma_semaphore, #tpu.memory_space<semaphore_mem>>) src(%dma_wait3A_202 : memref<100096xf32, #tpu.memory_space<vmem_shared>>) dst(%dma_wait3A_197 : memref<1024xf32, #tpu.memory_space<vmem>>)
      %add3A_203 = arith.constant 1 : i32
      %add3A_204 = arith.addi %add3A_192, %add3A_203 : i32
      %lt3A = arith.cmpi slt, %add3A_204, %select_n3A : i32
      %convert_element_type3A = arith.extui %lt3A : i1 to i32
      %cond3A = arith.constant 0 : i32
      %cond3A_205 = arith.cmpi ne, %convert_element_type3A, %cond3A : i32
      scf.if %cond3A_205 {
        %dma_wait3A_590 = arith.constant 1 : i32
        %dma_wait3A_591 = arith.constant 0 : i32
        %dma_wait3A_592 = tpu.memref_slice %arg11[%dma_wait3A_590, %dma_wait3A_591] : memref<2x1024xi32, #tpu.memory_space<vmem>> -> memref<1x1024xi32, #tpu.memory_space<vmem>>
        %dma_wait3A_593 = tpu.memref_squeeze %dma_wait3A_592 : memref<1x1024xi32, #tpu.memory_space<vmem>> -> memref<1024xi32, #tpu.memory_space<vmem>>
        %dma_wait3A_594 = arith.constant 0 : i32
        %dma_wait3A_595 = tpu.memref_slice %arg2[%dma_wait3A_594] : memref<6400000xi32, #tpu.memory_space<hbm>> -> memref<1024xi32, #tpu.memory_space<hbm>>
        %dma_wait3A_596 = arith.constant 0 : i32
        %dma_wait3A_597 = tpu.memref_slice %arg11[%dma_wait3A_590, %dma_wait3A_596] : memref<2x1024xi32, #tpu.memory_space<vmem>> -> memref<1x1024xi32, #tpu.memory_space<vmem>>
        %dma_wait3A_598 = tpu.memref_squeeze %dma_wait3A_597 : memref<1x1024xi32, #tpu.memory_space<vmem>> -> memref<1024xi32, #tpu.memory_space<vmem>>
        %dma_wait3A_599 = arith.constant 0 : i32
        %dma_wait3A_600 = tpu.memref_slice %arg2[%dma_wait3A_599] : memref<6400000xi32, #tpu.memory_space<hbm>> -> memref<1024xi32, #tpu.memory_space<hbm>>
        tpu.wait_dma2 semaphore(%arg14 : memref<!tpu.dma_semaphore, #tpu.memory_space<semaphore_mem>>) src(%dma_wait3A_600 : memref<1024xi32, #tpu.memory_space<hbm>>) dst(%dma_wait3A_598 : memref<1024xi32, #tpu.memory_space<vmem>>)
        %dma_wait3A_601 = arith.constant 1 : i32
        %dma_wait3A_602 = arith.constant 0 : i32
        %dma_wait3A_603 = arith.constant 0 : i32
        %dma_wait3A_604 = tpu.memref_slice %arg12[%dma_wait3A_601, %dma_wait3A_602, %dma_wait3A_603] : memref<2x8x128xi32, #tpu.memory_space<vmem>> -> memref<1x8x128xi32, #tpu.memory_space<vmem>>
        %dma_wait3A_605 = tpu.memref_squeeze %dma_wait3A_604 : memref<1x8x128xi32, #tpu.memory_space<vmem>> -> memref<8x128xi32, #tpu.memory_space<vmem>>
        %dma_wait3A_606 = arith.constant 0 : i32
        %dma_wait3A_607 = arith.constant 0 : i32
        %dma_wait3A_608 = tpu.memref_slice %arg3[%dma_wait3A_606, %dma_wait3A_607] : memref<50000x128xi32, #tpu.memory_space<hbm>> -> memref<8x128xi32, #tpu.memory_space<hbm>>
        %dma_wait3A_609 = arith.constant 0 : i32
        %dma_wait3A_610 = arith.constant 0 : i32
        %dma_wait3A_611 = tpu.memref_slice %arg12[%dma_wait3A_601, %dma_wait3A_609, %dma_wait3A_610] : memref<2x8x128xi32, #tpu.memory_space<vmem>> -> memref<1x8x128xi32, #tpu.memory_space<vmem>>
        %dma_wait3A_612 = tpu.memref_squeeze %dma_wait3A_611 : memref<1x8x128xi32, #tpu.memory_space<vmem>> -> memref<8x128xi32, #tpu.memory_space<vmem>>
        %dma_wait3A_613 = arith.constant 0 : i32
        %dma_wait3A_614 = arith.constant 0 : i32
        %dma_wait3A_615 = tpu.memref_slice %arg3[%dma_wait3A_613, %dma_wait3A_614] : memref<50000x128xi32, #tpu.memory_space<hbm>> -> memref<8x128xi32, #tpu.memory_space<hbm>>
        tpu.wait_dma2 semaphore(%arg14 : memref<!tpu.dma_semaphore, #tpu.memory_space<semaphore_mem>>) src(%dma_wait3A_615 : memref<8x128xi32, #tpu.memory_space<hbm>>) dst(%dma_wait3A_612 : memref<8x128xi32, #tpu.memory_space<vmem>>)
        %dma_start3A_616 = arith.constant 1 : i32
        %dma_start3A_617 = arith.constant 1 : i32
        %dma_start3A_618 = arith.constant 0 : i32
        %dma_start3A_619 = tpu.memref_slice %arg13[%dma_start3A_617, %dma_start3A_618] : memref<2x1024xf32, #tpu.memory_space<vmem>> -> memref<1x1024xf32, #tpu.memory_space<vmem>>
        %dma_start3A_620 = tpu.memref_squeeze %dma_start3A_619 : memref<1x1024xf32, #tpu.memory_space<vmem>> -> memref<1024xf32, #tpu.memory_space<vmem>>
        %dma_start3A_621 = arith.constant 0 : i32
        %dma_start3A_622 = tpu.memref_slice %arg11[%dma_start3A_616, %dma_start3A_621] : memref<2x1024xi32, #tpu.memory_space<vmem>> -> memref<1x1024xi32, #tpu.memory_space<vmem>>
        %dma_start3A_623 = tpu.memref_squeeze %dma_start3A_622 : memref<1x1024xi32, #tpu.memory_space<vmem>> -> memref<1024xi32, #tpu.memory_space<vmem>>
        %dma_start3A_624 = arith.constant 0 : i32
        %dma_start3A_625 = tpu.memref_slice %arg8[%dma_start3A_624] : memref<100096xf32, #tpu.memory_space<vmem_shared>> -> memref<100096xf32, #tpu.memory_space<vmem_shared>>
        tpu.enqueue_indirect_dma source(%dma_start3A_625 : memref<100096xf32, #tpu.memory_space<vmem_shared>>) target(%dma_start3A_620 : memref<1024xf32, #tpu.memory_space<vmem>>) offsets(%dma_start3A_623 : memref<1024xi32, #tpu.memory_space<vmem>>) semaphore(%arg15 : memref<!tpu.dma_semaphore, #tpu.memory_space<semaphore_mem>>)
      } else {
      }
      %dma_start3A_206 = arith.constant 0 : i32
      %dma_start3A_207 = arith.constant 0 : i32
      %dma_start3A_208 = arith.constant 0 : i32
      %dma_start3A_209 = arith.constant 0 : i32
      %dma_start3A_210 = tpu.memref_slice %arg13[%dma_start3A_206, %dma_start3A_209] : memref<2x1024xf32, #tpu.memory_space<vmem>> -> memref<1x128xf32, #tpu.memory_space<vmem>>
      %dma_start3A_211 = tpu.memref_squeeze %dma_start3A_210 : memref<1x128xf32, #tpu.memory_space<vmem>> -> memref<128xf32, #tpu.memory_space<vmem>>
      %dma_start3A_212 = arith.constant 0 : i32
      %dma_start3A_213 = tpu.memref_slice %arg12[%dma_start3A_207, %dma_start3A_208, %dma_start3A_212] : memref<2x8x128xi32, #tpu.memory_space<vmem>> -> memref<1x1x128xi32, #tpu.memory_space<vmem>>
      %dma_start3A_214 = tpu.memref_squeeze %dma_start3A_213 : memref<1x1x128xi32, #tpu.memory_space<vmem>> -> memref<128xi32, #tpu.memory_space<vmem>>
      %dma_start3A_215 = arith.constant 0 : i32
      %dma_start3A_216 = tpu.memref_slice %arg7[%dma_start3A_215] : memref<100096xf32, #tpu.memory_space<vmem_shared>> -> memref<100096xf32, #tpu.memory_space<vmem_shared>>
      tpu.enqueue_indirect_dma source(%dma_start3A_211 : memref<128xf32, #tpu.memory_space<vmem>>) target(%dma_start3A_216 : memref<100096xf32, #tpu.memory_space<vmem_shared>>) offsets(%dma_start3A_214 : memref<128xi32, #tpu.memory_space<vmem>>) semaphore(%arg16 : memref<!tpu.dma_semaphore, #tpu.memory_space<semaphore_mem>>) {add = true}
      %dma_start3A_217 = arith.constant 0 : i32
      %dma_start3A_218 = arith.constant 0 : i32
      %dma_start3A_219 = arith.constant 1 : i32
      %dma_start3A_220 = arith.constant 128 : i32
      %dma_start3A_221 = tpu.memref_slice %arg13[%dma_start3A_217, %dma_start3A_220] : memref<2x1024xf32, #tpu.memory_space<vmem>> -> memref<1x128xf32, #tpu.memory_space<vmem>>
      %dma_start3A_222 = tpu.memref_squeeze %dma_start3A_221 : memref<1x128xf32, #tpu.memory_space<vmem>> -> memref<128xf32, #tpu.memory_space<vmem>>
      %dma_start3A_223 = arith.constant 0 : i32
      %dma_start3A_224 = tpu.memref_slice %arg12[%dma_start3A_218, %dma_start3A_219, %dma_start3A_223] : memref<2x8x128xi32, #tpu.memory_space<vmem>> -> memref<1x1x128xi32, #tpu.memory_space<vmem>>
      %dma_start3A_225 = tpu.memref_squeeze %dma_start3A_224 : memref<1x1x128xi32, #tpu.memory_space<vmem>> -> memref<128xi32, #tpu.memory_space<vmem>>
      %dma_start3A_226 = arith.constant 0 : i32
      %dma_start3A_227 = tpu.memref_slice %arg7[%dma_start3A_226] : memref<100096xf32, #tpu.memory_space<vmem_shared>> -> memref<100096xf32, #tpu.memory_space<vmem_shared>>
      tpu.enqueue_indirect_dma source(%dma_start3A_222 : memref<128xf32, #tpu.memory_space<vmem>>) target(%dma_start3A_227 : memref<100096xf32, #tpu.memory_space<vmem_shared>>) offsets(%dma_start3A_225 : memref<128xi32, #tpu.memory_space<vmem>>) semaphore(%arg16 : memref<!tpu.dma_semaphore, #tpu.memory_space<semaphore_mem>>) {add = true}
      %dma_start3A_228 = arith.constant 0 : i32
      %dma_start3A_229 = arith.constant 0 : i32
      %dma_start3A_230 = arith.constant 2 : i32
      %dma_start3A_231 = arith.constant 256 : i32
      %dma_start3A_232 = tpu.memref_slice %arg13[%dma_start3A_228, %dma_start3A_231] : memref<2x1024xf32, #tpu.memory_space<vmem>> -> memref<1x128xf32, #tpu.memory_space<vmem>>
      %dma_start3A_233 = tpu.memref_squeeze %dma_start3A_232 : memref<1x128xf32, #tpu.memory_space<vmem>> -> memref<128xf32, #tpu.memory_space<vmem>>
      %dma_start3A_234 = arith.constant 0 : i32
      %dma_start3A_235 = tpu.memref_slice %arg12[%dma_start3A_229, %dma_start3A_230, %dma_start3A_234] : memref<2x8x128xi32, #tpu.memory_space<vmem>> -> memref<1x1x128xi32, #tpu.memory_space<vmem>>
      %dma_start3A_236 = tpu.memref_squeeze %dma_start3A_235 : memref<1x1x128xi32, #tpu.memory_space<vmem>> -> memref<128xi32, #tpu.memory_space<vmem>>
      %dma_start3A_237 = arith.constant 0 : i32
      %dma_start3A_238 = tpu.memref_slice %arg7[%dma_start3A_237] : memref<100096xf32, #tpu.memory_space<vmem_shared>> -> memref<100096xf32, #tpu.memory_space<vmem_shared>>
      tpu.enqueue_indirect_dma source(%dma_start3A_233 : memref<128xf32, #tpu.memory_space<vmem>>) target(%dma_start3A_238 : memref<100096xf32, #tpu.memory_space<vmem_shared>>) offsets(%dma_start3A_236 : memref<128xi32, #tpu.memory_space<vmem>>) semaphore(%arg16 : memref<!tpu.dma_semaphore, #tpu.memory_space<semaphore_mem>>) {add = true}
      %dma_start3A_239 = arith.constant 0 : i32
      %dma_start3A_240 = arith.constant 0 : i32
      %dma_start3A_241 = arith.constant 3 : i32
      %dma_start3A_242 = arith.constant 384 : i32
      %dma_start3A_243 = tpu.memref_slice %arg13[%dma_start3A_239, %dma_start3A_242] : memref<2x1024xf32, #tpu.memory_space<vmem>> -> memref<1x128xf32, #tpu.memory_space<vmem>>
      %dma_start3A_244 = tpu.memref_squeeze %dma_start3A_243 : memref<1x128xf32, #tpu.memory_space<vmem>> -> memref<128xf32, #tpu.memory_space<vmem>>
      %dma_start3A_245 = arith.constant 0 : i32
      %dma_start3A_246 = tpu.memref_slice %arg12[%dma_start3A_240, %dma_start3A_241, %dma_start3A_245] : memref<2x8x128xi32, #tpu.memory_space<vmem>> -> memref<1x1x128xi32, #tpu.memory_space<vmem>>
      %dma_start3A_247 = tpu.memref_squeeze %dma_start3A_246 : memref<1x1x128xi32, #tpu.memory_space<vmem>> -> memref<128xi32, #tpu.memory_space<vmem>>
      %dma_start3A_248 = arith.constant 0 : i32
      %dma_start3A_249 = tpu.memref_slice %arg7[%dma_start3A_248] : memref<100096xf32, #tpu.memory_space<vmem_shared>> -> memref<100096xf32, #tpu.memory_space<vmem_shared>>
      tpu.enqueue_indirect_dma source(%dma_start3A_244 : memref<128xf32, #tpu.memory_space<vmem>>) target(%dma_start3A_249 : memref<100096xf32, #tpu.memory_space<vmem_shared>>) offsets(%dma_start3A_247 : memref<128xi32, #tpu.memory_space<vmem>>) semaphore(%arg16 : memref<!tpu.dma_semaphore, #tpu.memory_space<semaphore_mem>>) {add = true}
      %dma_start3A_250 = arith.constant 0 : i32
      %dma_start3A_251 = arith.constant 0 : i32
      %dma_start3A_252 = arith.constant 4 : i32
      %dma_start3A_253 = arith.constant 512 : i32
      %dma_start3A_254 = tpu.memref_slice %arg13[%dma_start3A_250, %dma_start3A_253] : memref<2x1024xf32, #tpu.memory_space<vmem>> -> memref<1x128xf32, #tpu.memory_space<vmem>>
      %dma_start3A_255 = tpu.memref_squeeze %dma_start3A_254 : memref<1x128xf32, #tpu.memory_space<vmem>> -> memref<128xf32, #tpu.memory_space<vmem>>
      %dma_start3A_256 = arith.constant 0 : i32
      %dma_start3A_257 = tpu.memref_slice %arg12[%dma_start3A_251, %dma_start3A_252, %dma_start3A_256] : memref<2x8x128xi32, #tpu.memory_space<vmem>> -> memref<1x1x128xi32, #tpu.memory_space<vmem>>
      %dma_start3A_258 = tpu.memref_squeeze %dma_start3A_257 : memref<1x1x128xi32, #tpu.memory_space<vmem>> -> memref<128xi32, #tpu.memory_space<vmem>>
      %dma_start3A_259 = arith.constant 0 : i32
      %dma_start3A_260 = tpu.memref_slice %arg7[%dma_start3A_259] : memref<100096xf32, #tpu.memory_space<vmem_shared>> -> memref<100096xf32, #tpu.memory_space<vmem_shared>>
      tpu.enqueue_indirect_dma source(%dma_start3A_255 : memref<128xf32, #tpu.memory_space<vmem>>) target(%dma_start3A_260 : memref<100096xf32, #tpu.memory_space<vmem_shared>>) offsets(%dma_start3A_258 : memref<128xi32, #tpu.memory_space<vmem>>) semaphore(%arg16 : memref<!tpu.dma_semaphore, #tpu.memory_space<semaphore_mem>>) {add = true}
      %dma_start3A_261 = arith.constant 0 : i32
      %dma_start3A_262 = arith.constant 0 : i32
      %dma_start3A_263 = arith.constant 5 : i32
      %dma_start3A_264 = arith.constant 640 : i32
      %dma_start3A_265 = tpu.memref_slice %arg13[%dma_start3A_261, %dma_start3A_264] : memref<2x1024xf32, #tpu.memory_space<vmem>> -> memref<1x128xf32, #tpu.memory_space<vmem>>
      %dma_start3A_266 = tpu.memref_squeeze %dma_start3A_265 : memref<1x128xf32, #tpu.memory_space<vmem>> -> memref<128xf32, #tpu.memory_space<vmem>>
      %dma_start3A_267 = arith.constant 0 : i32
      %dma_start3A_268 = tpu.memref_slice %arg12[%dma_start3A_262, %dma_start3A_263, %dma_start3A_267] : memref<2x8x128xi32, #tpu.memory_space<vmem>> -> memref<1x1x128xi32, #tpu.memory_space<vmem>>
      %dma_start3A_269 = tpu.memref_squeeze %dma_start3A_268 : memref<1x1x128xi32, #tpu.memory_space<vmem>> -> memref<128xi32, #tpu.memory_space<vmem>>
      %dma_start3A_270 = arith.constant 0 : i32
      %dma_start3A_271 = tpu.memref_slice %arg7[%dma_start3A_270] : memref<100096xf32, #tpu.memory_space<vmem_shared>> -> memref<100096xf32, #tpu.memory_space<vmem_shared>>
      tpu.enqueue_indirect_dma source(%dma_start3A_266 : memref<128xf32, #tpu.memory_space<vmem>>) target(%dma_start3A_271 : memref<100096xf32, #tpu.memory_space<vmem_shared>>) offsets(%dma_start3A_269 : memref<128xi32, #tpu.memory_space<vmem>>) semaphore(%arg16 : memref<!tpu.dma_semaphore, #tpu.memory_space<semaphore_mem>>) {add = true}
      %dma_start3A_272 = arith.constant 0 : i32
      %dma_start3A_273 = arith.constant 0 : i32
      %dma_start3A_274 = arith.constant 6 : i32
      %dma_start3A_275 = arith.constant 768 : i32
      %dma_start3A_276 = tpu.memref_slice %arg13[%dma_start3A_272, %dma_start3A_275] : memref<2x1024xf32, #tpu.memory_space<vmem>> -> memref<1x128xf32, #tpu.memory_space<vmem>>
      %dma_start3A_277 = tpu.memref_squeeze %dma_start3A_276 : memref<1x128xf32, #tpu.memory_space<vmem>> -> memref<128xf32, #tpu.memory_space<vmem>>
      %dma_start3A_278 = arith.constant 0 : i32
      %dma_start3A_279 = tpu.memref_slice %arg12[%dma_start3A_273, %dma_start3A_274, %dma_start3A_278] : memref<2x8x128xi32, #tpu.memory_space<vmem>> -> memref<1x1x128xi32, #tpu.memory_space<vmem>>
      %dma_start3A_280 = tpu.memref_squeeze %dma_start3A_279 : memref<1x1x128xi32, #tpu.memory_space<vmem>> -> memref<128xi32, #tpu.memory_space<vmem>>
      %dma_start3A_281 = arith.constant 0 : i32
      %dma_start3A_282 = tpu.memref_slice %arg7[%dma_start3A_281] : memref<100096xf32, #tpu.memory_space<vmem_shared>> -> memref<100096xf32, #tpu.memory_space<vmem_shared>>
      tpu.enqueue_indirect_dma source(%dma_start3A_277 : memref<128xf32, #tpu.memory_space<vmem>>) target(%dma_start3A_282 : memref<100096xf32, #tpu.memory_space<vmem_shared>>) offsets(%dma_start3A_280 : memref<128xi32, #tpu.memory_space<vmem>>) semaphore(%arg16 : memref<!tpu.dma_semaphore, #tpu.memory_space<semaphore_mem>>) {add = true}
      %dma_start3A_283 = arith.constant 0 : i32
      %dma_start3A_284 = arith.constant 0 : i32
      %dma_start3A_285 = arith.constant 7 : i32
      %dma_start3A_286 = arith.constant 896 : i32
      %dma_start3A_287 = tpu.memref_slice %arg13[%dma_start3A_283, %dma_start3A_286] : memref<2x1024xf32, #tpu.memory_space<vmem>> -> memref<1x128xf32, #tpu.memory_space<vmem>>
      %dma_start3A_288 = tpu.memref_squeeze %dma_start3A_287 : memref<1x128xf32, #tpu.memory_space<vmem>> -> memref<128xf32, #tpu.memory_space<vmem>>
      %dma_start3A_289 = arith.constant 0 : i32
      %dma_start3A_290 = tpu.memref_slice %arg12[%dma_start3A_284, %dma_start3A_285, %dma_start3A_289] : memref<2x8x128xi32, #tpu.memory_space<vmem>> -> memref<1x1x128xi32, #tpu.memory_space<vmem>>
      %dma_start3A_291 = tpu.memref_squeeze %dma_start3A_290 : memref<1x1x128xi32, #tpu.memory_space<vmem>> -> memref<128xi32, #tpu.memory_space<vmem>>
      %dma_start3A_292 = arith.constant 0 : i32
      %dma_start3A_293 = tpu.memref_slice %arg7[%dma_start3A_292] : memref<100096xf32, #tpu.memory_space<vmem_shared>> -> memref<100096xf32, #tpu.memory_space<vmem_shared>>
      tpu.enqueue_indirect_dma source(%dma_start3A_288 : memref<128xf32, #tpu.memory_space<vmem>>) target(%dma_start3A_293 : memref<100096xf32, #tpu.memory_space<vmem_shared>>) offsets(%dma_start3A_291 : memref<128xi32, #tpu.memory_space<vmem>>) semaphore(%arg16 : memref<!tpu.dma_semaphore, #tpu.memory_space<semaphore_mem>>) {add = true}
      %dma_wait3A_294 = arith.constant 0 : i32
      %dma_wait3A_295 = arith.constant 0 : i32
      %dma_wait3A_296 = arith.constant 0 : i32
      %dma_wait3A_297 = arith.constant 0 : i32
      %dma_wait3A_298 = tpu.memref_slice %arg13[%dma_wait3A_294, %dma_wait3A_297] : memref<2x1024xf32, #tpu.memory_space<vmem>> -> memref<1x128xf32, #tpu.memory_space<vmem>>
      %dma_wait3A_299 = tpu.memref_squeeze %dma_wait3A_298 : memref<1x128xf32, #tpu.memory_space<vmem>> -> memref<128xf32, #tpu.memory_space<vmem>>
      %dma_wait3A_300 = arith.constant 0 : i32
      %dma_wait3A_301 = tpu.memref_slice %arg12[%dma_wait3A_295, %dma_wait3A_296, %dma_wait3A_300] : memref<2x8x128xi32, #tpu.memory_space<vmem>> -> memref<1x1x128xi32, #tpu.memory_space<vmem>>
      %dma_wait3A_302 = tpu.memref_squeeze %dma_wait3A_301 : memref<1x1x128xi32, #tpu.memory_space<vmem>> -> memref<128xi32, #tpu.memory_space<vmem>>
      %dma_wait3A_303 = arith.constant 0 : i32
      %dma_wait3A_304 = tpu.memref_slice %arg7[%dma_wait3A_303] : memref<100096xf32, #tpu.memory_space<vmem_shared>> -> memref<100096xf32, #tpu.memory_space<vmem_shared>>
      tpu.wait_indirect_dma semaphore(%arg16 : memref<!tpu.dma_semaphore, #tpu.memory_space<semaphore_mem>>) src(%dma_wait3A_299 : memref<128xf32, #tpu.memory_space<vmem>>) dst(%dma_wait3A_304 : memref<100096xf32, #tpu.memory_space<vmem_shared>>)
      %dma_wait3A_305 = arith.constant 0 : i32
      %dma_wait3A_306 = arith.constant 0 : i32
      %dma_wait3A_307 = arith.constant 1 : i32
      %dma_wait3A_308 = arith.constant 128 : i32
      %dma_wait3A_309 = tpu.memref_slice %arg13[%dma_wait3A_305, %dma_wait3A_308] : memref<2x1024xf32, #tpu.memory_space<vmem>> -> memref<1x128xf32, #tpu.memory_space<vmem>>
      %dma_wait3A_310 = tpu.memref_squeeze %dma_wait3A_309 : memref<1x128xf32, #tpu.memory_space<vmem>> -> memref<128xf32, #tpu.memory_space<vmem>>
      %dma_wait3A_311 = arith.constant 0 : i32
      %dma_wait3A_312 = tpu.memref_slice %arg12[%dma_wait3A_306, %dma_wait3A_307, %dma_wait3A_311] : memref<2x8x128xi32, #tpu.memory_space<vmem>> -> memref<1x1x128xi32, #tpu.memory_space<vmem>>
      %dma_wait3A_313 = tpu.memref_squeeze %dma_wait3A_312 : memref<1x1x128xi32, #tpu.memory_space<vmem>> -> memref<128xi32, #tpu.memory_space<vmem>>
      %dma_wait3A_314 = arith.constant 0 : i32
      %dma_wait3A_315 = tpu.memref_slice %arg7[%dma_wait3A_314] : memref<100096xf32, #tpu.memory_space<vmem_shared>> -> memref<100096xf32, #tpu.memory_space<vmem_shared>>
      tpu.wait_indirect_dma semaphore(%arg16 : memref<!tpu.dma_semaphore, #tpu.memory_space<semaphore_mem>>) src(%dma_wait3A_310 : memref<128xf32, #tpu.memory_space<vmem>>) dst(%dma_wait3A_315 : memref<100096xf32, #tpu.memory_space<vmem_shared>>)
      %dma_wait3A_316 = arith.constant 0 : i32
      %dma_wait3A_317 = arith.constant 0 : i32
      %dma_wait3A_318 = arith.constant 2 : i32
      %dma_wait3A_319 = arith.constant 256 : i32
      %dma_wait3A_320 = tpu.memref_slice %arg13[%dma_wait3A_316, %dma_wait3A_319] : memref<2x1024xf32, #tpu.memory_space<vmem>> -> memref<1x128xf32, #tpu.memory_space<vmem>>
      %dma_wait3A_321 = tpu.memref_squeeze %dma_wait3A_320 : memref<1x128xf32, #tpu.memory_space<vmem>> -> memref<128xf32, #tpu.memory_space<vmem>>
      %dma_wait3A_322 = arith.constant 0 : i32
      %dma_wait3A_323 = tpu.memref_slice %arg12[%dma_wait3A_317, %dma_wait3A_318, %dma_wait3A_322] : memref<2x8x128xi32, #tpu.memory_space<vmem>> -> memref<1x1x128xi32, #tpu.memory_space<vmem>>
      %dma_wait3A_324 = tpu.memref_squeeze %dma_wait3A_323 : memref<1x1x128xi32, #tpu.memory_space<vmem>> -> memref<128xi32, #tpu.memory_space<vmem>>
      %dma_wait3A_325 = arith.constant 0 : i32
      %dma_wait3A_326 = tpu.memref_slice %arg7[%dma_wait3A_325] : memref<100096xf32, #tpu.memory_space<vmem_shared>> -> memref<100096xf32, #tpu.memory_space<vmem_shared>>
      tpu.wait_indirect_dma semaphore(%arg16 : memref<!tpu.dma_semaphore, #tpu.memory_space<semaphore_mem>>) src(%dma_wait3A_321 : memref<128xf32, #tpu.memory_space<vmem>>) dst(%dma_wait3A_326 : memref<100096xf32, #tpu.memory_space<vmem_shared>>)
      %dma_wait3A_327 = arith.constant 0 : i32
      %dma_wait3A_328 = arith.constant 0 : i32
      %dma_wait3A_329 = arith.constant 3 : i32
      %dma_wait3A_330 = arith.constant 384 : i32
      %dma_wait3A_331 = tpu.memref_slice %arg13[%dma_wait3A_327, %dma_wait3A_330] : memref<2x1024xf32, #tpu.memory_space<vmem>> -> memref<1x128xf32, #tpu.memory_space<vmem>>
      %dma_wait3A_332 = tpu.memref_squeeze %dma_wait3A_331 : memref<1x128xf32, #tpu.memory_space<vmem>> -> memref<128xf32, #tpu.memory_space<vmem>>
      %dma_wait3A_333 = arith.constant 0 : i32
      %dma_wait3A_334 = tpu.memref_slice %arg12[%dma_wait3A_328, %dma_wait3A_329, %dma_wait3A_333] : memref<2x8x128xi32, #tpu.memory_space<vmem>> -> memref<1x1x128xi32, #tpu.memory_space<vmem>>
      %dma_wait3A_335 = tpu.memref_squeeze %dma_wait3A_334 : memref<1x1x128xi32, #tpu.memory_space<vmem>> -> memref<128xi32, #tpu.memory_space<vmem>>
      %dma_wait3A_336 = arith.constant 0 : i32
      %dma_wait3A_337 = tpu.memref_slice %arg7[%dma_wait3A_336] : memref<100096xf32, #tpu.memory_space<vmem_shared>> -> memref<100096xf32, #tpu.memory_space<vmem_shared>>
      tpu.wait_indirect_dma semaphore(%arg16 : memref<!tpu.dma_semaphore, #tpu.memory_space<semaphore_mem>>) src(%dma_wait3A_332 : memref<128xf32, #tpu.memory_space<vmem>>) dst(%dma_wait3A_337 : memref<100096xf32, #tpu.memory_space<vmem_shared>>)
      %dma_wait3A_338 = arith.constant 0 : i32
      %dma_wait3A_339 = arith.constant 0 : i32
      %dma_wait3A_340 = arith.constant 4 : i32
      %dma_wait3A_341 = arith.constant 512 : i32
      %dma_wait3A_342 = tpu.memref_slice %arg13[%dma_wait3A_338, %dma_wait3A_341] : memref<2x1024xf32, #tpu.memory_space<vmem>> -> memref<1x128xf32, #tpu.memory_space<vmem>>
      %dma_wait3A_343 = tpu.memref_squeeze %dma_wait3A_342 : memref<1x128xf32, #tpu.memory_space<vmem>> -> memref<128xf32, #tpu.memory_space<vmem>>
      %dma_wait3A_344 = arith.constant 0 : i32
      %dma_wait3A_345 = tpu.memref_slice %arg12[%dma_wait3A_339, %dma_wait3A_340, %dma_wait3A_344] : memref<2x8x128xi32, #tpu.memory_space<vmem>> -> memref<1x1x128xi32, #tpu.memory_space<vmem>>
      %dma_wait3A_346 = tpu.memref_squeeze %dma_wait3A_345 : memref<1x1x128xi32, #tpu.memory_space<vmem>> -> memref<128xi32, #tpu.memory_space<vmem>>
      %dma_wait3A_347 = arith.constant 0 : i32
      %dma_wait3A_348 = tpu.memref_slice %arg7[%dma_wait3A_347] : memref<100096xf32, #tpu.memory_space<vmem_shared>> -> memref<100096xf32, #tpu.memory_space<vmem_shared>>
      tpu.wait_indirect_dma semaphore(%arg16 : memref<!tpu.dma_semaphore, #tpu.memory_space<semaphore_mem>>) src(%dma_wait3A_343 : memref<128xf32, #tpu.memory_space<vmem>>) dst(%dma_wait3A_348 : memref<100096xf32, #tpu.memory_space<vmem_shared>>)
      %dma_wait3A_349 = arith.constant 0 : i32
      %dma_wait3A_350 = arith.constant 0 : i32
      %dma_wait3A_351 = arith.constant 5 : i32
      %dma_wait3A_352 = arith.constant 640 : i32
      %dma_wait3A_353 = tpu.memref_slice %arg13[%dma_wait3A_349, %dma_wait3A_352] : memref<2x1024xf32, #tpu.memory_space<vmem>> -> memref<1x128xf32, #tpu.memory_space<vmem>>
      %dma_wait3A_354 = tpu.memref_squeeze %dma_wait3A_353 : memref<1x128xf32, #tpu.memory_space<vmem>> -> memref<128xf32, #tpu.memory_space<vmem>>
      %dma_wait3A_355 = arith.constant 0 : i32
      %dma_wait3A_356 = tpu.memref_slice %arg12[%dma_wait3A_350, %dma_wait3A_351, %dma_wait3A_355] : memref<2x8x128xi32, #tpu.memory_space<vmem>> -> memref<1x1x128xi32, #tpu.memory_space<vmem>>
      %dma_wait3A_357 = tpu.memref_squeeze %dma_wait3A_356 : memref<1x1x128xi32, #tpu.memory_space<vmem>> -> memref<128xi32, #tpu.memory_space<vmem>>
      %dma_wait3A_358 = arith.constant 0 : i32
      %dma_wait3A_359 = tpu.memref_slice %arg7[%dma_wait3A_358] : memref<100096xf32, #tpu.memory_space<vmem_shared>> -> memref<100096xf32, #tpu.memory_space<vmem_shared>>
      tpu.wait_indirect_dma semaphore(%arg16 : memref<!tpu.dma_semaphore, #tpu.memory_space<semaphore_mem>>) src(%dma_wait3A_354 : memref<128xf32, #tpu.memory_space<vmem>>) dst(%dma_wait3A_359 : memref<100096xf32, #tpu.memory_space<vmem_shared>>)
      %dma_wait3A_360 = arith.constant 0 : i32
      %dma_wait3A_361 = arith.constant 0 : i32
      %dma_wait3A_362 = arith.constant 6 : i32
      %dma_wait3A_363 = arith.constant 768 : i32
      %dma_wait3A_364 = tpu.memref_slice %arg13[%dma_wait3A_360, %dma_wait3A_363] : memref<2x1024xf32, #tpu.memory_space<vmem>> -> memref<1x128xf32, #tpu.memory_space<vmem>>
      %dma_wait3A_365 = tpu.memref_squeeze %dma_wait3A_364 : memref<1x128xf32, #tpu.memory_space<vmem>> -> memref<128xf32, #tpu.memory_space<vmem>>
      %dma_wait3A_366 = arith.constant 0 : i32
      %dma_wait3A_367 = tpu.memref_slice %arg12[%dma_wait3A_361, %dma_wait3A_362, %dma_wait3A_366] : memref<2x8x128xi32, #tpu.memory_space<vmem>> -> memref<1x1x128xi32, #tpu.memory_space<vmem>>
      %dma_wait3A_368 = tpu.memref_squeeze %dma_wait3A_367 : memref<1x1x128xi32, #tpu.memory_space<vmem>> -> memref<128xi32, #tpu.memory_space<vmem>>
      %dma_wait3A_369 = arith.constant 0 : i32
      %dma_wait3A_370 = tpu.memref_slice %arg7[%dma_wait3A_369] : memref<100096xf32, #tpu.memory_space<vmem_shared>> -> memref<100096xf32, #tpu.memory_space<vmem_shared>>
      tpu.wait_indirect_dma semaphore(%arg16 : memref<!tpu.dma_semaphore, #tpu.memory_space<semaphore_mem>>) src(%dma_wait3A_365 : memref<128xf32, #tpu.memory_space<vmem>>) dst(%dma_wait3A_370 : memref<100096xf32, #tpu.memory_space<vmem_shared>>)
      %dma_wait3A_371 = arith.constant 0 : i32
      %dma_wait3A_372 = arith.constant 0 : i32
      %dma_wait3A_373 = arith.constant 7 : i32
      %dma_wait3A_374 = arith.constant 896 : i32
      %dma_wait3A_375 = tpu.memref_slice %arg13[%dma_wait3A_371, %dma_wait3A_374] : memref<2x1024xf32, #tpu.memory_space<vmem>> -> memref<1x128xf32, #tpu.memory_space<vmem>>
      %dma_wait3A_376 = tpu.memref_squeeze %dma_wait3A_375 : memref<1x128xf32, #tpu.memory_space<vmem>> -> memref<128xf32, #tpu.memory_space<vmem>>
      %dma_wait3A_377 = arith.constant 0 : i32
      %dma_wait3A_378 = tpu.memref_slice %arg12[%dma_wait3A_372, %dma_wait3A_373, %dma_wait3A_377] : memref<2x8x128xi32, #tpu.memory_space<vmem>> -> memref<1x1x128xi32, #tpu.memory_space<vmem>>
      %dma_wait3A_379 = tpu.memref_squeeze %dma_wait3A_378 : memref<1x1x128xi32, #tpu.memory_space<vmem>> -> memref<128xi32, #tpu.memory_space<vmem>>
      %dma_wait3A_380 = arith.constant 0 : i32
      %dma_wait3A_381 = tpu.memref_slice %arg7[%dma_wait3A_380] : memref<100096xf32, #tpu.memory_space<vmem_shared>> -> memref<100096xf32, #tpu.memory_space<vmem_shared>>
      tpu.wait_indirect_dma semaphore(%arg16 : memref<!tpu.dma_semaphore, #tpu.memory_space<semaphore_mem>>) src(%dma_wait3A_376 : memref<128xf32, #tpu.memory_space<vmem>>) dst(%dma_wait3A_381 : memref<100096xf32, #tpu.memory_space<vmem_shared>>)
      %add3A_382 = arith.constant 2 : i32
      %add3A_383 = arith.addi %add3A_192, %add3A_382 : i32
      %lt3A_384 = arith.cmpi slt, %add3A_383, %select_n3A : i32
      %convert_element_type3A_385 = arith.extui %lt3A_384 : i1 to i32
      %cond3A_386 = arith.constant 0 : i32
      %cond3A_387 = arith.cmpi ne, %convert_element_type3A_385, %cond3A_386 : i32
      scf.if %cond3A_387 {
        %add3A_590 = arith.constant 2 : i32
        %add3A_591 = arith.addi %add3A_192, %add3A_590 : i32
        %mul3A_592 = arith.constant 1024 : i32
        %mul3A_593 = arith.muli %add3A_591, %mul3A_592 : i32
        %add3A_594 = arith.addi %mul3A_15, %mul3A_593 : i32
        %dma_start3A_595 = arith.constant 0 : i32
        %dma_start3A_596 = arith.constant 0 : i32
        %dma_start3A_597 = tpu.memref_slice %arg11[%dma_start3A_595, %dma_start3A_596] : memref<2x1024xi32, #tpu.memory_space<vmem>> -> memref<1x1024xi32, #tpu.memory_space<vmem>>
        %dma_start3A_598 = tpu.memref_squeeze %dma_start3A_597 : memref<1x1024xi32, #tpu.memory_space<vmem>> -> memref<1024xi32, #tpu.memory_space<vmem>>
        %dma_start3A_599 = tpu.memref_slice %arg2[%add3A_594] : memref<6400000xi32, #tpu.memory_space<hbm>> -> memref<1024xi32, #tpu.memory_space<hbm>>
        %dma_start3A_600 = arith.constant 0 : i32
        %dma_start3A_601 = tpu.memref_slice %arg11[%dma_start3A_595, %dma_start3A_600] : memref<2x1024xi32, #tpu.memory_space<vmem>> -> memref<1x1024xi32, #tpu.memory_space<vmem>>
        %dma_start3A_602 = tpu.memref_squeeze %dma_start3A_601 : memref<1x1024xi32, #tpu.memory_space<vmem>> -> memref<1024xi32, #tpu.memory_space<vmem>>
        %dma_start3A_603 = tpu.memref_slice %arg2[%add3A_594] : memref<6400000xi32, #tpu.memory_space<hbm>> -> memref<1024xi32, #tpu.memory_space<hbm>>
        tpu.enqueue_dma source(%dma_start3A_603 : memref<1024xi32, #tpu.memory_space<hbm>>) target(%dma_start3A_602 : memref<1024xi32, #tpu.memory_space<vmem>>) target_semaphore(%arg14 : memref<!tpu.dma_semaphore, #tpu.memory_space<semaphore_mem>>)
        %jit3A_604 = arith.constant 128 : i32
        %div3A_605 = arith.divsi %add3A_594, %jit3A_604 : i32
        %sign3A_606 = arith.constant 0 : i32
        %sign3A_607 = arith.cmpi sgt, %add3A_594, %sign3A_606 : i32
        %sign3A_608 = arith.extui %sign3A_607 : i1 to i32
        %sign3A_609 = arith.constant 0 : i32
        %sign3A_610 = arith.cmpi slt, %add3A_594, %sign3A_609 : i32
        %sign3A_611 = arith.extui %sign3A_610 : i1 to i32
        %sign3A_612 = arith.subi %sign3A_608, %sign3A_611 : i32
        %sign3A_613 = arith.constant 0 : i32
        %sign3A_614 = arith.cmpi sgt, %jit3A_604, %sign3A_613 : i32
        %sign3A_615 = arith.extui %sign3A_614 : i1 to i32
        %sign3A_616 = arith.constant 0 : i32
        %sign3A_617 = arith.cmpi slt, %jit3A_604, %sign3A_616 : i32
        %sign3A_618 = arith.extui %sign3A_617 : i1 to i32
        %sign3A_619 = arith.subi %sign3A_615, %sign3A_618 : i32
        %ne3A_620 = arith.cmpi ne, %sign3A_612, %sign3A_619 : i32
        %rem3A_621 = arith.remsi %add3A_594, %jit3A_604 : i32
        %ne3A_622 = arith.constant 0 : i32
        %ne3A_623 = arith.cmpi ne, %rem3A_621, %ne3A_622 : i32
        %and3A_624 = arith.andi %ne3A_620, %ne3A_623 : i1
        %sub3A_625 = arith.constant 1 : i32
        %sub3A_626 = arith.subi %div3A_605, %sub3A_625 : i32
        %select_n3A_627 = arith.select %and3A_624, %sub3A_626, %div3A_605 : i32
        %multiple_of3A_628 = tpu.assume_multiple %select_n3A_627, 8 : i32
        %dma_start3A_629 = arith.constant 0 : i32
        %dma_start3A_630 = arith.constant 0 : i32
        %dma_start3A_631 = arith.constant 0 : i32
        %dma_start3A_632 = tpu.memref_slice %arg12[%dma_start3A_629, %dma_start3A_630, %dma_start3A_631] : memref<2x8x128xi32, #tpu.memory_space<vmem>> -> memref<1x8x128xi32, #tpu.memory_space<vmem>>
        %dma_start3A_633 = tpu.memref_squeeze %dma_start3A_632 : memref<1x8x128xi32, #tpu.memory_space<vmem>> -> memref<8x128xi32, #tpu.memory_space<vmem>>
        %dma_start3A_634 = arith.constant 0 : i32
        %dma_start3A_635 = tpu.memref_slice %arg3[%multiple_of3A_628, %dma_start3A_634] : memref<50000x128xi32, #tpu.memory_space<hbm>> -> memref<8x128xi32, #tpu.memory_space<hbm>>
        %dma_start3A_636 = arith.constant 0 : i32
        %dma_start3A_637 = arith.constant 0 : i32
        %dma_start3A_638 = tpu.memref_slice %arg12[%dma_start3A_629, %dma_start3A_636, %dma_start3A_637] : memref<2x8x128xi32, #tpu.memory_space<vmem>> -> memref<1x8x128xi32, #tpu.memory_space<vmem>>
        %dma_start3A_639 = tpu.memref_squeeze %dma_start3A_638 : memref<1x8x128xi32, #tpu.memory_space<vmem>> -> memref<8x128xi32, #tpu.memory_space<vmem>>
        %dma_start3A_640 = arith.constant 0 : i32
        %dma_start3A_641 = tpu.memref_slice %arg3[%multiple_of3A_628, %dma_start3A_640] : memref<50000x128xi32, #tpu.memory_space<hbm>> -> memref<8x128xi32, #tpu.memory_space<hbm>>
        tpu.enqueue_dma source(%dma_start3A_641 : memref<8x128xi32, #tpu.memory_space<hbm>>) target(%dma_start3A_639 : memref<8x128xi32, #tpu.memory_space<vmem>>) target_semaphore(%arg14 : memref<!tpu.dma_semaphore, #tpu.memory_space<semaphore_mem>>)
      } else {
      }
      %mul3A_388 = arith.constant 2 : i32
      %mul3A_389 = arith.muli %mul3A_388, %add3A_188 : i32
      %add3A_390 = arith.constant 1 : i32
      %add3A_391 = arith.addi %mul3A_389, %add3A_390 : i32
      %dma_wait3A_392 = arith.constant 1 : i32
      %dma_wait3A_393 = arith.constant 1 : i32
      %dma_wait3A_394 = arith.constant 0 : i32
      %dma_wait3A_395 = tpu.memref_slice %arg13[%dma_wait3A_393, %dma_wait3A_394] : memref<2x1024xf32, #tpu.memory_space<vmem>> -> memref<1x1024xf32, #tpu.memory_space<vmem>>
      %dma_wait3A_396 = tpu.memref_squeeze %dma_wait3A_395 : memref<1x1024xf32, #tpu.memory_space<vmem>> -> memref<1024xf32, #tpu.memory_space<vmem>>
      %dma_wait3A_397 = arith.constant 0 : i32
      %dma_wait3A_398 = tpu.memref_slice %arg11[%dma_wait3A_392, %dma_wait3A_397] : memref<2x1024xi32, #tpu.memory_space<vmem>> -> memref<1x1024xi32, #tpu.memory_space<vmem>>
      %dma_wait3A_399 = tpu.memref_squeeze %dma_wait3A_398 : memref<1x1024xi32, #tpu.memory_space<vmem>> -> memref<1024xi32, #tpu.memory_space<vmem>>
      %dma_wait3A_400 = arith.constant 0 : i32
      %dma_wait3A_401 = tpu.memref_slice %arg8[%dma_wait3A_400] : memref<100096xf32, #tpu.memory_space<vmem_shared>> -> memref<100096xf32, #tpu.memory_space<vmem_shared>>
      tpu.wait_indirect_dma semaphore(%arg15 : memref<!tpu.dma_semaphore, #tpu.memory_space<semaphore_mem>>) src(%dma_wait3A_401 : memref<100096xf32, #tpu.memory_space<vmem_shared>>) dst(%dma_wait3A_396 : memref<1024xf32, #tpu.memory_space<vmem>>)
      %add3A_402 = arith.constant 1 : i32
      %add3A_403 = arith.addi %add3A_391, %add3A_402 : i32
      %lt3A_404 = arith.cmpi slt, %add3A_403, %select_n3A : i32
      %convert_element_type3A_405 = arith.extui %lt3A_404 : i1 to i32
      %cond3A_406 = arith.constant 0 : i32
      %cond3A_407 = arith.cmpi ne, %convert_element_type3A_405, %cond3A_406 : i32
      scf.if %cond3A_407 {
        %dma_wait3A_590 = arith.constant 0 : i32
        %dma_wait3A_591 = arith.constant 0 : i32
        %dma_wait3A_592 = tpu.memref_slice %arg11[%dma_wait3A_590, %dma_wait3A_591] : memref<2x1024xi32, #tpu.memory_space<vmem>> -> memref<1x1024xi32, #tpu.memory_space<vmem>>
        %dma_wait3A_593 = tpu.memref_squeeze %dma_wait3A_592 : memref<1x1024xi32, #tpu.memory_space<vmem>> -> memref<1024xi32, #tpu.memory_space<vmem>>
        %dma_wait3A_594 = arith.constant 0 : i32
        %dma_wait3A_595 = tpu.memref_slice %arg2[%dma_wait3A_594] : memref<6400000xi32, #tpu.memory_space<hbm>> -> memref<1024xi32, #tpu.memory_space<hbm>>
        %dma_wait3A_596 = arith.constant 0 : i32
        %dma_wait3A_597 = tpu.memref_slice %arg11[%dma_wait3A_590, %dma_wait3A_596] : memref<2x1024xi32, #tpu.memory_space<vmem>> -> memref<1x1024xi32, #tpu.memory_space<vmem>>
        %dma_wait3A_598 = tpu.memref_squeeze %dma_wait3A_597 : memref<1x1024xi32, #tpu.memory_space<vmem>> -> memref<1024xi32, #tpu.memory_space<vmem>>
        %dma_wait3A_599 = arith.constant 0 : i32
        %dma_wait3A_600 = tpu.memref_slice %arg2[%dma_wait3A_599] : memref<6400000xi32, #tpu.memory_space<hbm>> -> memref<1024xi32, #tpu.memory_space<hbm>>
        tpu.wait_dma2 semaphore(%arg14 : memref<!tpu.dma_semaphore, #tpu.memory_space<semaphore_mem>>) src(%dma_wait3A_600 : memref<1024xi32, #tpu.memory_space<hbm>>) dst(%dma_wait3A_598 : memref<1024xi32, #tpu.memory_space<vmem>>)
        %dma_wait3A_601 = arith.constant 0 : i32
        %dma_wait3A_602 = arith.constant 0 : i32
        %dma_wait3A_603 = arith.constant 0 : i32
        %dma_wait3A_604 = tpu.memref_slice %arg12[%dma_wait3A_601, %dma_wait3A_602, %dma_wait3A_603] : memref<2x8x128xi32, #tpu.memory_space<vmem>> -> memref<1x8x128xi32, #tpu.memory_space<vmem>>
        %dma_wait3A_605 = tpu.memref_squeeze %dma_wait3A_604 : memref<1x8x128xi32, #tpu.memory_space<vmem>> -> memref<8x128xi32, #tpu.memory_space<vmem>>
        %dma_wait3A_606 = arith.constant 0 : i32
        %dma_wait3A_607 = arith.constant 0 : i32
        %dma_wait3A_608 = tpu.memref_slice %arg3[%dma_wait3A_606, %dma_wait3A_607] : memref<50000x128xi32, #tpu.memory_space<hbm>> -> memref<8x128xi32, #tpu.memory_space<hbm>>
        %dma_wait3A_609 = arith.constant 0 : i32
        %dma_wait3A_610 = arith.constant 0 : i32
        %dma_wait3A_611 = tpu.memref_slice %arg12[%dma_wait3A_601, %dma_wait3A_609, %dma_wait3A_610] : memref<2x8x128xi32, #tpu.memory_space<vmem>> -> memref<1x8x128xi32, #tpu.memory_space<vmem>>
        %dma_wait3A_612 = tpu.memref_squeeze %dma_wait3A_611 : memref<1x8x128xi32, #tpu.memory_space<vmem>> -> memref<8x128xi32, #tpu.memory_space<vmem>>
        %dma_wait3A_613 = arith.constant 0 : i32
        %dma_wait3A_614 = arith.constant 0 : i32
        %dma_wait3A_615 = tpu.memref_slice %arg3[%dma_wait3A_613, %dma_wait3A_614] : memref<50000x128xi32, #tpu.memory_space<hbm>> -> memref<8x128xi32, #tpu.memory_space<hbm>>
        tpu.wait_dma2 semaphore(%arg14 : memref<!tpu.dma_semaphore, #tpu.memory_space<semaphore_mem>>) src(%dma_wait3A_615 : memref<8x128xi32, #tpu.memory_space<hbm>>) dst(%dma_wait3A_612 : memref<8x128xi32, #tpu.memory_space<vmem>>)
        %dma_start3A_616 = arith.constant 0 : i32
        %dma_start3A_617 = arith.constant 0 : i32
        %dma_start3A_618 = arith.constant 0 : i32
        %dma_start3A_619 = tpu.memref_slice %arg13[%dma_start3A_617, %dma_start3A_618] : memref<2x1024xf32, #tpu.memory_space<vmem>> -> memref<1x1024xf32, #tpu.memory_space<vmem>>
        %dma_start3A_620 = tpu.memref_squeeze %dma_start3A_619 : memref<1x1024xf32, #tpu.memory_space<vmem>> -> memref<1024xf32, #tpu.memory_space<vmem>>
        %dma_start3A_621 = arith.constant 0 : i32
        %dma_start3A_622 = tpu.memref_slice %arg11[%dma_start3A_616, %dma_start3A_621] : memref<2x1024xi32, #tpu.memory_space<vmem>> -> memref<1x1024xi32, #tpu.memory_space<vmem>>
        %dma_start3A_623 = tpu.memref_squeeze %dma_start3A_622 : memref<1x1024xi32, #tpu.memory_space<vmem>> -> memref<1024xi32, #tpu.memory_space<vmem>>
        %dma_start3A_624 = arith.constant 0 : i32
        %dma_start3A_625 = tpu.memref_slice %arg8[%dma_start3A_624] : memref<100096xf32, #tpu.memory_space<vmem_shared>> -> memref<100096xf32, #tpu.memory_space<vmem_shared>>
        tpu.enqueue_indirect_dma source(%dma_start3A_625 : memref<100096xf32, #tpu.memory_space<vmem_shared>>) target(%dma_start3A_620 : memref<1024xf32, #tpu.memory_space<vmem>>) offsets(%dma_start3A_623 : memref<1024xi32, #tpu.memory_space<vmem>>) semaphore(%arg15 : memref<!tpu.dma_semaphore, #tpu.memory_space<semaphore_mem>>)
      } else {
      }
      %dma_start3A_408 = arith.constant 1 : i32
      %dma_start3A_409 = arith.constant 1 : i32
      %dma_start3A_410 = arith.constant 0 : i32
      %dma_start3A_411 = arith.constant 0 : i32
      %dma_start3A_412 = tpu.memref_slice %arg13[%dma_start3A_408, %dma_start3A_411] : memref<2x1024xf32, #tpu.memory_space<vmem>> -> memref<1x128xf32, #tpu.memory_space<vmem>>
      %dma_start3A_413 = tpu.memref_squeeze %dma_start3A_412 : memref<1x128xf32, #tpu.memory_space<vmem>> -> memref<128xf32, #tpu.memory_space<vmem>>
      %dma_start3A_414 = arith.constant 0 : i32
      %dma_start3A_415 = tpu.memref_slice %arg12[%dma_start3A_409, %dma_start3A_410, %dma_start3A_414] : memref<2x8x128xi32, #tpu.memory_space<vmem>> -> memref<1x1x128xi32, #tpu.memory_space<vmem>>
      %dma_start3A_416 = tpu.memref_squeeze %dma_start3A_415 : memref<1x1x128xi32, #tpu.memory_space<vmem>> -> memref<128xi32, #tpu.memory_space<vmem>>
      %dma_start3A_417 = arith.constant 0 : i32
      %dma_start3A_418 = tpu.memref_slice %arg7[%dma_start3A_417] : memref<100096xf32, #tpu.memory_space<vmem_shared>> -> memref<100096xf32, #tpu.memory_space<vmem_shared>>
      tpu.enqueue_indirect_dma source(%dma_start3A_413 : memref<128xf32, #tpu.memory_space<vmem>>) target(%dma_start3A_418 : memref<100096xf32, #tpu.memory_space<vmem_shared>>) offsets(%dma_start3A_416 : memref<128xi32, #tpu.memory_space<vmem>>) semaphore(%arg16 : memref<!tpu.dma_semaphore, #tpu.memory_space<semaphore_mem>>) {add = true}
      %dma_start3A_419 = arith.constant 1 : i32
      %dma_start3A_420 = arith.constant 1 : i32
      %dma_start3A_421 = arith.constant 1 : i32
      %dma_start3A_422 = arith.constant 128 : i32
      %dma_start3A_423 = tpu.memref_slice %arg13[%dma_start3A_419, %dma_start3A_422] : memref<2x1024xf32, #tpu.memory_space<vmem>> -> memref<1x128xf32, #tpu.memory_space<vmem>>
      %dma_start3A_424 = tpu.memref_squeeze %dma_start3A_423 : memref<1x128xf32, #tpu.memory_space<vmem>> -> memref<128xf32, #tpu.memory_space<vmem>>
      %dma_start3A_425 = arith.constant 0 : i32
      %dma_start3A_426 = tpu.memref_slice %arg12[%dma_start3A_420, %dma_start3A_421, %dma_start3A_425] : memref<2x8x128xi32, #tpu.memory_space<vmem>> -> memref<1x1x128xi32, #tpu.memory_space<vmem>>
      %dma_start3A_427 = tpu.memref_squeeze %dma_start3A_426 : memref<1x1x128xi32, #tpu.memory_space<vmem>> -> memref<128xi32, #tpu.memory_space<vmem>>
      %dma_start3A_428 = arith.constant 0 : i32
      %dma_start3A_429 = tpu.memref_slice %arg7[%dma_start3A_428] : memref<100096xf32, #tpu.memory_space<vmem_shared>> -> memref<100096xf32, #tpu.memory_space<vmem_shared>>
      tpu.enqueue_indirect_dma source(%dma_start3A_424 : memref<128xf32, #tpu.memory_space<vmem>>) target(%dma_start3A_429 : memref<100096xf32, #tpu.memory_space<vmem_shared>>) offsets(%dma_start3A_427 : memref<128xi32, #tpu.memory_space<vmem>>) semaphore(%arg16 : memref<!tpu.dma_semaphore, #tpu.memory_space<semaphore_mem>>) {add = true}
      %dma_start3A_430 = arith.constant 1 : i32
      %dma_start3A_431 = arith.constant 1 : i32
      %dma_start3A_432 = arith.constant 2 : i32
      %dma_start3A_433 = arith.constant 256 : i32
      %dma_start3A_434 = tpu.memref_slice %arg13[%dma_start3A_430, %dma_start3A_433] : memref<2x1024xf32, #tpu.memory_space<vmem>> -> memref<1x128xf32, #tpu.memory_space<vmem>>
      %dma_start3A_435 = tpu.memref_squeeze %dma_start3A_434 : memref<1x128xf32, #tpu.memory_space<vmem>> -> memref<128xf32, #tpu.memory_space<vmem>>
      %dma_start3A_436 = arith.constant 0 : i32
      %dma_start3A_437 = tpu.memref_slice %arg12[%dma_start3A_431, %dma_start3A_432, %dma_start3A_436] : memref<2x8x128xi32, #tpu.memory_space<vmem>> -> memref<1x1x128xi32, #tpu.memory_space<vmem>>
      %dma_start3A_438 = tpu.memref_squeeze %dma_start3A_437 : memref<1x1x128xi32, #tpu.memory_space<vmem>> -> memref<128xi32, #tpu.memory_space<vmem>>
      %dma_start3A_439 = arith.constant 0 : i32
      %dma_start3A_440 = tpu.memref_slice %arg7[%dma_start3A_439] : memref<100096xf32, #tpu.memory_space<vmem_shared>> -> memref<100096xf32, #tpu.memory_space<vmem_shared>>
      tpu.enqueue_indirect_dma source(%dma_start3A_435 : memref<128xf32, #tpu.memory_space<vmem>>) target(%dma_start3A_440 : memref<100096xf32, #tpu.memory_space<vmem_shared>>) offsets(%dma_start3A_438 : memref<128xi32, #tpu.memory_space<vmem>>) semaphore(%arg16 : memref<!tpu.dma_semaphore, #tpu.memory_space<semaphore_mem>>) {add = true}
      %dma_start3A_441 = arith.constant 1 : i32
      %dma_start3A_442 = arith.constant 1 : i32
      %dma_start3A_443 = arith.constant 3 : i32
      %dma_start3A_444 = arith.constant 384 : i32
      %dma_start3A_445 = tpu.memref_slice %arg13[%dma_start3A_441, %dma_start3A_444] : memref<2x1024xf32, #tpu.memory_space<vmem>> -> memref<1x128xf32, #tpu.memory_space<vmem>>
      %dma_start3A_446 = tpu.memref_squeeze %dma_start3A_445 : memref<1x128xf32, #tpu.memory_space<vmem>> -> memref<128xf32, #tpu.memory_space<vmem>>
      %dma_start3A_447 = arith.constant 0 : i32
      %dma_start3A_448 = tpu.memref_slice %arg12[%dma_start3A_442, %dma_start3A_443, %dma_start3A_447] : memref<2x8x128xi32, #tpu.memory_space<vmem>> -> memref<1x1x128xi32, #tpu.memory_space<vmem>>
      %dma_start3A_449 = tpu.memref_squeeze %dma_start3A_448 : memref<1x1x128xi32, #tpu.memory_space<vmem>> -> memref<128xi32, #tpu.memory_space<vmem>>
      %dma_start3A_450 = arith.constant 0 : i32
      %dma_start3A_451 = tpu.memref_slice %arg7[%dma_start3A_450] : memref<100096xf32, #tpu.memory_space<vmem_shared>> -> memref<100096xf32, #tpu.memory_space<vmem_shared>>
      tpu.enqueue_indirect_dma source(%dma_start3A_446 : memref<128xf32, #tpu.memory_space<vmem>>) target(%dma_start3A_451 : memref<100096xf32, #tpu.memory_space<vmem_shared>>) offsets(%dma_start3A_449 : memref<128xi32, #tpu.memory_space<vmem>>) semaphore(%arg16 : memref<!tpu.dma_semaphore, #tpu.memory_space<semaphore_mem>>) {add = true}
      %dma_start3A_452 = arith.constant 1 : i32
      %dma_start3A_453 = arith.constant 1 : i32
      %dma_start3A_454 = arith.constant 4 : i32
      %dma_start3A_455 = arith.constant 512 : i32
      %dma_start3A_456 = tpu.memref_slice %arg13[%dma_start3A_452, %dma_start3A_455] : memref<2x1024xf32, #tpu.memory_space<vmem>> -> memref<1x128xf32, #tpu.memory_space<vmem>>
      %dma_start3A_457 = tpu.memref_squeeze %dma_start3A_456 : memref<1x128xf32, #tpu.memory_space<vmem>> -> memref<128xf32, #tpu.memory_space<vmem>>
      %dma_start3A_458 = arith.constant 0 : i32
      %dma_start3A_459 = tpu.memref_slice %arg12[%dma_start3A_453, %dma_start3A_454, %dma_start3A_458] : memref<2x8x128xi32, #tpu.memory_space<vmem>> -> memref<1x1x128xi32, #tpu.memory_space<vmem>>
      %dma_start3A_460 = tpu.memref_squeeze %dma_start3A_459 : memref<1x1x128xi32, #tpu.memory_space<vmem>> -> memref<128xi32, #tpu.memory_space<vmem>>
      %dma_start3A_461 = arith.constant 0 : i32
      %dma_start3A_462 = tpu.memref_slice %arg7[%dma_start3A_461] : memref<100096xf32, #tpu.memory_space<vmem_shared>> -> memref<100096xf32, #tpu.memory_space<vmem_shared>>
      tpu.enqueue_indirect_dma source(%dma_start3A_457 : memref<128xf32, #tpu.memory_space<vmem>>) target(%dma_start3A_462 : memref<100096xf32, #tpu.memory_space<vmem_shared>>) offsets(%dma_start3A_460 : memref<128xi32, #tpu.memory_space<vmem>>) semaphore(%arg16 : memref<!tpu.dma_semaphore, #tpu.memory_space<semaphore_mem>>) {add = true}
      %dma_start3A_463 = arith.constant 1 : i32
      %dma_start3A_464 = arith.constant 1 : i32
      %dma_start3A_465 = arith.constant 5 : i32
      %dma_start3A_466 = arith.constant 640 : i32
      %dma_start3A_467 = tpu.memref_slice %arg13[%dma_start3A_463, %dma_start3A_466] : memref<2x1024xf32, #tpu.memory_space<vmem>> -> memref<1x128xf32, #tpu.memory_space<vmem>>
      %dma_start3A_468 = tpu.memref_squeeze %dma_start3A_467 : memref<1x128xf32, #tpu.memory_space<vmem>> -> memref<128xf32, #tpu.memory_space<vmem>>
      %dma_start3A_469 = arith.constant 0 : i32
      %dma_start3A_470 = tpu.memref_slice %arg12[%dma_start3A_464, %dma_start3A_465, %dma_start3A_469] : memref<2x8x128xi32, #tpu.memory_space<vmem>> -> memref<1x1x128xi32, #tpu.memory_space<vmem>>
      %dma_start3A_471 = tpu.memref_squeeze %dma_start3A_470 : memref<1x1x128xi32, #tpu.memory_space<vmem>> -> memref<128xi32, #tpu.memory_space<vmem>>
      %dma_start3A_472 = arith.constant 0 : i32
      %dma_start3A_473 = tpu.memref_slice %arg7[%dma_start3A_472] : memref<100096xf32, #tpu.memory_space<vmem_shared>> -> memref<100096xf32, #tpu.memory_space<vmem_shared>>
      tpu.enqueue_indirect_dma source(%dma_start3A_468 : memref<128xf32, #tpu.memory_space<vmem>>) target(%dma_start3A_473 : memref<100096xf32, #tpu.memory_space<vmem_shared>>) offsets(%dma_start3A_471 : memref<128xi32, #tpu.memory_space<vmem>>) semaphore(%arg16 : memref<!tpu.dma_semaphore, #tpu.memory_space<semaphore_mem>>) {add = true}
      %dma_start3A_474 = arith.constant 1 : i32
      %dma_start3A_475 = arith.constant 1 : i32
      %dma_start3A_476 = arith.constant 6 : i32
      %dma_start3A_477 = arith.constant 768 : i32
      %dma_start3A_478 = tpu.memref_slice %arg13[%dma_start3A_474, %dma_start3A_477] : memref<2x1024xf32, #tpu.memory_space<vmem>> -> memref<1x128xf32, #tpu.memory_space<vmem>>
      %dma_start3A_479 = tpu.memref_squeeze %dma_start3A_478 : memref<1x128xf32, #tpu.memory_space<vmem>> -> memref<128xf32, #tpu.memory_space<vmem>>
      %dma_start3A_480 = arith.constant 0 : i32
      %dma_start3A_481 = tpu.memref_slice %arg12[%dma_start3A_475, %dma_start3A_476, %dma_start3A_480] : memref<2x8x128xi32, #tpu.memory_space<vmem>> -> memref<1x1x128xi32, #tpu.memory_space<vmem>>
      %dma_start3A_482 = tpu.memref_squeeze %dma_start3A_481 : memref<1x1x128xi32, #tpu.memory_space<vmem>> -> memref<128xi32, #tpu.memory_space<vmem>>
      %dma_start3A_483 = arith.constant 0 : i32
      %dma_start3A_484 = tpu.memref_slice %arg7[%dma_start3A_483] : memref<100096xf32, #tpu.memory_space<vmem_shared>> -> memref<100096xf32, #tpu.memory_space<vmem_shared>>
      tpu.enqueue_indirect_dma source(%dma_start3A_479 : memref<128xf32, #tpu.memory_space<vmem>>) target(%dma_start3A_484 : memref<100096xf32, #tpu.memory_space<vmem_shared>>) offsets(%dma_start3A_482 : memref<128xi32, #tpu.memory_space<vmem>>) semaphore(%arg16 : memref<!tpu.dma_semaphore, #tpu.memory_space<semaphore_mem>>) {add = true}
      %dma_start3A_485 = arith.constant 1 : i32
      %dma_start3A_486 = arith.constant 1 : i32
      %dma_start3A_487 = arith.constant 7 : i32
      %dma_start3A_488 = arith.constant 896 : i32
      %dma_start3A_489 = tpu.memref_slice %arg13[%dma_start3A_485, %dma_start3A_488] : memref<2x1024xf32, #tpu.memory_space<vmem>> -> memref<1x128xf32, #tpu.memory_space<vmem>>
      %dma_start3A_490 = tpu.memref_squeeze %dma_start3A_489 : memref<1x128xf32, #tpu.memory_space<vmem>> -> memref<128xf32, #tpu.memory_space<vmem>>
      %dma_start3A_491 = arith.constant 0 : i32
      %dma_start3A_492 = tpu.memref_slice %arg12[%dma_start3A_486, %dma_start3A_487, %dma_start3A_491] : memref<2x8x128xi32, #tpu.memory_space<vmem>> -> memref<1x1x128xi32, #tpu.memory_space<vmem>>
      %dma_start3A_493 = tpu.memref_squeeze %dma_start3A_492 : memref<1x1x128xi32, #tpu.memory_space<vmem>> -> memref<128xi32, #tpu.memory_space<vmem>>
      %dma_start3A_494 = arith.constant 0 : i32
      %dma_start3A_495 = tpu.memref_slice %arg7[%dma_start3A_494] : memref<100096xf32, #tpu.memory_space<vmem_shared>> -> memref<100096xf32, #tpu.memory_space<vmem_shared>>
      tpu.enqueue_indirect_dma source(%dma_start3A_490 : memref<128xf32, #tpu.memory_space<vmem>>) target(%dma_start3A_495 : memref<100096xf32, #tpu.memory_space<vmem_shared>>) offsets(%dma_start3A_493 : memref<128xi32, #tpu.memory_space<vmem>>) semaphore(%arg16 : memref<!tpu.dma_semaphore, #tpu.memory_space<semaphore_mem>>) {add = true}
      %dma_wait3A_496 = arith.constant 1 : i32
      %dma_wait3A_497 = arith.constant 1 : i32
      %dma_wait3A_498 = arith.constant 0 : i32
      %dma_wait3A_499 = arith.constant 0 : i32
      %dma_wait3A_500 = tpu.memref_slice %arg13[%dma_wait3A_496, %dma_wait3A_499] : memref<2x1024xf32, #tpu.memory_space<vmem>> -> memref<1x128xf32, #tpu.memory_space<vmem>>
      %dma_wait3A_501 = tpu.memref_squeeze %dma_wait3A_500 : memref<1x128xf32, #tpu.memory_space<vmem>> -> memref<128xf32, #tpu.memory_space<vmem>>
      %dma_wait3A_502 = arith.constant 0 : i32
      %dma_wait3A_503 = tpu.memref_slice %arg12[%dma_wait3A_497, %dma_wait3A_498, %dma_wait3A_502] : memref<2x8x128xi32, #tpu.memory_space<vmem>> -> memref<1x1x128xi32, #tpu.memory_space<vmem>>
      %dma_wait3A_504 = tpu.memref_squeeze %dma_wait3A_503 : memref<1x1x128xi32, #tpu.memory_space<vmem>> -> memref<128xi32, #tpu.memory_space<vmem>>
      %dma_wait3A_505 = arith.constant 0 : i32
      %dma_wait3A_506 = tpu.memref_slice %arg7[%dma_wait3A_505] : memref<100096xf32, #tpu.memory_space<vmem_shared>> -> memref<100096xf32, #tpu.memory_space<vmem_shared>>
      tpu.wait_indirect_dma semaphore(%arg16 : memref<!tpu.dma_semaphore, #tpu.memory_space<semaphore_mem>>) src(%dma_wait3A_501 : memref<128xf32, #tpu.memory_space<vmem>>) dst(%dma_wait3A_506 : memref<100096xf32, #tpu.memory_space<vmem_shared>>)
      %dma_wait3A_507 = arith.constant 1 : i32
      %dma_wait3A_508 = arith.constant 1 : i32
      %dma_wait3A_509 = arith.constant 1 : i32
      %dma_wait3A_510 = arith.constant 128 : i32
      %dma_wait3A_511 = tpu.memref_slice %arg13[%dma_wait3A_507, %dma_wait3A_510] : memref<2x1024xf32, #tpu.memory_space<vmem>> -> memref<1x128xf32, #tpu.memory_space<vmem>>
      %dma_wait3A_512 = tpu.memref_squeeze %dma_wait3A_511 : memref<1x128xf32, #tpu.memory_space<vmem>> -> memref<128xf32, #tpu.memory_space<vmem>>
      %dma_wait3A_513 = arith.constant 0 : i32
      %dma_wait3A_514 = tpu.memref_slice %arg12[%dma_wait3A_508, %dma_wait3A_509, %dma_wait3A_513] : memref<2x8x128xi32, #tpu.memory_space<vmem>> -> memref<1x1x128xi32, #tpu.memory_space<vmem>>
      %dma_wait3A_515 = tpu.memref_squeeze %dma_wait3A_514 : memref<1x1x128xi32, #tpu.memory_space<vmem>> -> memref<128xi32, #tpu.memory_space<vmem>>
      %dma_wait3A_516 = arith.constant 0 : i32
      %dma_wait3A_517 = tpu.memref_slice %arg7[%dma_wait3A_516] : memref<100096xf32, #tpu.memory_space<vmem_shared>> -> memref<100096xf32, #tpu.memory_space<vmem_shared>>
      tpu.wait_indirect_dma semaphore(%arg16 : memref<!tpu.dma_semaphore, #tpu.memory_space<semaphore_mem>>) src(%dma_wait3A_512 : memref<128xf32, #tpu.memory_space<vmem>>) dst(%dma_wait3A_517 : memref<100096xf32, #tpu.memory_space<vmem_shared>>)
      %dma_wait3A_518 = arith.constant 1 : i32
      %dma_wait3A_519 = arith.constant 1 : i32
      %dma_wait3A_520 = arith.constant 2 : i32
      %dma_wait3A_521 = arith.constant 256 : i32
      %dma_wait3A_522 = tpu.memref_slice %arg13[%dma_wait3A_518, %dma_wait3A_521] : memref<2x1024xf32, #tpu.memory_space<vmem>> -> memref<1x128xf32, #tpu.memory_space<vmem>>
      %dma_wait3A_523 = tpu.memref_squeeze %dma_wait3A_522 : memref<1x128xf32, #tpu.memory_space<vmem>> -> memref<128xf32, #tpu.memory_space<vmem>>
      %dma_wait3A_524 = arith.constant 0 : i32
      %dma_wait3A_525 = tpu.memref_slice %arg12[%dma_wait3A_519, %dma_wait3A_520, %dma_wait3A_524] : memref<2x8x128xi32, #tpu.memory_space<vmem>> -> memref<1x1x128xi32, #tpu.memory_space<vmem>>
      %dma_wait3A_526 = tpu.memref_squeeze %dma_wait3A_525 : memref<1x1x128xi32, #tpu.memory_space<vmem>> -> memref<128xi32, #tpu.memory_space<vmem>>
      %dma_wait3A_527 = arith.constant 0 : i32
      %dma_wait3A_528 = tpu.memref_slice %arg7[%dma_wait3A_527] : memref<100096xf32, #tpu.memory_space<vmem_shared>> -> memref<100096xf32, #tpu.memory_space<vmem_shared>>
      tpu.wait_indirect_dma semaphore(%arg16 : memref<!tpu.dma_semaphore, #tpu.memory_space<semaphore_mem>>) src(%dma_wait3A_523 : memref<128xf32, #tpu.memory_space<vmem>>) dst(%dma_wait3A_528 : memref<100096xf32, #tpu.memory_space<vmem_shared>>)
      %dma_wait3A_529 = arith.constant 1 : i32
      %dma_wait3A_530 = arith.constant 1 : i32
      %dma_wait3A_531 = arith.constant 3 : i32
      %dma_wait3A_532 = arith.constant 384 : i32
      %dma_wait3A_533 = tpu.memref_slice %arg13[%dma_wait3A_529, %dma_wait3A_532] : memref<2x1024xf32, #tpu.memory_space<vmem>> -> memref<1x128xf32, #tpu.memory_space<vmem>>
      %dma_wait3A_534 = tpu.memref_squeeze %dma_wait3A_533 : memref<1x128xf32, #tpu.memory_space<vmem>> -> memref<128xf32, #tpu.memory_space<vmem>>
      %dma_wait3A_535 = arith.constant 0 : i32
      %dma_wait3A_536 = tpu.memref_slice %arg12[%dma_wait3A_530, %dma_wait3A_531, %dma_wait3A_535] : memref<2x8x128xi32, #tpu.memory_space<vmem>> -> memref<1x1x128xi32, #tpu.memory_space<vmem>>
      %dma_wait3A_537 = tpu.memref_squeeze %dma_wait3A_536 : memref<1x1x128xi32, #tpu.memory_space<vmem>> -> memref<128xi32, #tpu.memory_space<vmem>>
      %dma_wait3A_538 = arith.constant 0 : i32
      %dma_wait3A_539 = tpu.memref_slice %arg7[%dma_wait3A_538] : memref<100096xf32, #tpu.memory_space<vmem_shared>> -> memref<100096xf32, #tpu.memory_space<vmem_shared>>
      tpu.wait_indirect_dma semaphore(%arg16 : memref<!tpu.dma_semaphore, #tpu.memory_space<semaphore_mem>>) src(%dma_wait3A_534 : memref<128xf32, #tpu.memory_space<vmem>>) dst(%dma_wait3A_539 : memref<100096xf32, #tpu.memory_space<vmem_shared>>)
      %dma_wait3A_540 = arith.constant 1 : i32
      %dma_wait3A_541 = arith.constant 1 : i32
      %dma_wait3A_542 = arith.constant 4 : i32
      %dma_wait3A_543 = arith.constant 512 : i32
      %dma_wait3A_544 = tpu.memref_slice %arg13[%dma_wait3A_540, %dma_wait3A_543] : memref<2x1024xf32, #tpu.memory_space<vmem>> -> memref<1x128xf32, #tpu.memory_space<vmem>>
      %dma_wait3A_545 = tpu.memref_squeeze %dma_wait3A_544 : memref<1x128xf32, #tpu.memory_space<vmem>> -> memref<128xf32, #tpu.memory_space<vmem>>
      %dma_wait3A_546 = arith.constant 0 : i32
      %dma_wait3A_547 = tpu.memref_slice %arg12[%dma_wait3A_541, %dma_wait3A_542, %dma_wait3A_546] : memref<2x8x128xi32, #tpu.memory_space<vmem>> -> memref<1x1x128xi32, #tpu.memory_space<vmem>>
      %dma_wait3A_548 = tpu.memref_squeeze %dma_wait3A_547 : memref<1x1x128xi32, #tpu.memory_space<vmem>> -> memref<128xi32, #tpu.memory_space<vmem>>
      %dma_wait3A_549 = arith.constant 0 : i32
      %dma_wait3A_550 = tpu.memref_slice %arg7[%dma_wait3A_549] : memref<100096xf32, #tpu.memory_space<vmem_shared>> -> memref<100096xf32, #tpu.memory_space<vmem_shared>>
      tpu.wait_indirect_dma semaphore(%arg16 : memref<!tpu.dma_semaphore, #tpu.memory_space<semaphore_mem>>) src(%dma_wait3A_545 : memref<128xf32, #tpu.memory_space<vmem>>) dst(%dma_wait3A_550 : memref<100096xf32, #tpu.memory_space<vmem_shared>>)
      %dma_wait3A_551 = arith.constant 1 : i32
      %dma_wait3A_552 = arith.constant 1 : i32
      %dma_wait3A_553 = arith.constant 5 : i32
      %dma_wait3A_554 = arith.constant 640 : i32
      %dma_wait3A_555 = tpu.memref_slice %arg13[%dma_wait3A_551, %dma_wait3A_554] : memref<2x1024xf32, #tpu.memory_space<vmem>> -> memref<1x128xf32, #tpu.memory_space<vmem>>
      %dma_wait3A_556 = tpu.memref_squeeze %dma_wait3A_555 : memref<1x128xf32, #tpu.memory_space<vmem>> -> memref<128xf32, #tpu.memory_space<vmem>>
      %dma_wait3A_557 = arith.constant 0 : i32
      %dma_wait3A_558 = tpu.memref_slice %arg12[%dma_wait3A_552, %dma_wait3A_553, %dma_wait3A_557] : memref<2x8x128xi32, #tpu.memory_space<vmem>> -> memref<1x1x128xi32, #tpu.memory_space<vmem>>
      %dma_wait3A_559 = tpu.memref_squeeze %dma_wait3A_558 : memref<1x1x128xi32, #tpu.memory_space<vmem>> -> memref<128xi32, #tpu.memory_space<vmem>>
      %dma_wait3A_560 = arith.constant 0 : i32
      %dma_wait3A_561 = tpu.memref_slice %arg7[%dma_wait3A_560] : memref<100096xf32, #tpu.memory_space<vmem_shared>> -> memref<100096xf32, #tpu.memory_space<vmem_shared>>
      tpu.wait_indirect_dma semaphore(%arg16 : memref<!tpu.dma_semaphore, #tpu.memory_space<semaphore_mem>>) src(%dma_wait3A_556 : memref<128xf32, #tpu.memory_space<vmem>>) dst(%dma_wait3A_561 : memref<100096xf32, #tpu.memory_space<vmem_shared>>)
      %dma_wait3A_562 = arith.constant 1 : i32
      %dma_wait3A_563 = arith.constant 1 : i32
      %dma_wait3A_564 = arith.constant 6 : i32
      %dma_wait3A_565 = arith.constant 768 : i32
      %dma_wait3A_566 = tpu.memref_slice %arg13[%dma_wait3A_562, %dma_wait3A_565] : memref<2x1024xf32, #tpu.memory_space<vmem>> -> memref<1x128xf32, #tpu.memory_space<vmem>>
      %dma_wait3A_567 = tpu.memref_squeeze %dma_wait3A_566 : memref<1x128xf32, #tpu.memory_space<vmem>> -> memref<128xf32, #tpu.memory_space<vmem>>
      %dma_wait3A_568 = arith.constant 0 : i32
      %dma_wait3A_569 = tpu.memref_slice %arg12[%dma_wait3A_563, %dma_wait3A_564, %dma_wait3A_568] : memref<2x8x128xi32, #tpu.memory_space<vmem>> -> memref<1x1x128xi32, #tpu.memory_space<vmem>>
      %dma_wait3A_570 = tpu.memref_squeeze %dma_wait3A_569 : memref<1x1x128xi32, #tpu.memory_space<vmem>> -> memref<128xi32, #tpu.memory_space<vmem>>
      %dma_wait3A_571 = arith.constant 0 : i32
      %dma_wait3A_572 = tpu.memref_slice %arg7[%dma_wait3A_571] : memref<100096xf32, #tpu.memory_space<vmem_shared>> -> memref<100096xf32, #tpu.memory_space<vmem_shared>>
      tpu.wait_indirect_dma semaphore(%arg16 : memref<!tpu.dma_semaphore, #tpu.memory_space<semaphore_mem>>) src(%dma_wait3A_567 : memref<128xf32, #tpu.memory_space<vmem>>) dst(%dma_wait3A_572 : memref<100096xf32, #tpu.memory_space<vmem_shared>>)
      %dma_wait3A_573 = arith.constant 1 : i32
      %dma_wait3A_574 = arith.constant 1 : i32
      %dma_wait3A_575 = arith.constant 7 : i32
      %dma_wait3A_576 = arith.constant 896 : i32
      %dma_wait3A_577 = tpu.memref_slice %arg13[%dma_wait3A_573, %dma_wait3A_576] : memref<2x1024xf32, #tpu.memory_space<vmem>> -> memref<1x128xf32, #tpu.memory_space<vmem>>
      %dma_wait3A_578 = tpu.memref_squeeze %dma_wait3A_577 : memref<1x128xf32, #tpu.memory_space<vmem>> -> memref<128xf32, #tpu.memory_space<vmem>>
      %dma_wait3A_579 = arith.constant 0 : i32
      %dma_wait3A_580 = tpu.memref_slice %arg12[%dma_wait3A_574, %dma_wait3A_575, %dma_wait3A_579] : memref<2x8x128xi32, #tpu.memory_space<vmem>> -> memref<1x1x128xi32, #tpu.memory_space<vmem>>
      %dma_wait3A_581 = tpu.memref_squeeze %dma_wait3A_580 : memref<1x1x128xi32, #tpu.memory_space<vmem>> -> memref<128xi32, #tpu.memory_space<vmem>>
      %dma_wait3A_582 = arith.constant 0 : i32
      %dma_wait3A_583 = tpu.memref_slice %arg7[%dma_wait3A_582] : memref<100096xf32, #tpu.memory_space<vmem_shared>> -> memref<100096xf32, #tpu.memory_space<vmem_shared>>
      tpu.wait_indirect_dma semaphore(%arg16 : memref<!tpu.dma_semaphore, #tpu.memory_space<semaphore_mem>>) src(%dma_wait3A_578 : memref<128xf32, #tpu.memory_space<vmem>>) dst(%dma_wait3A_583 : memref<100096xf32, #tpu.memory_space<vmem_shared>>)
      %add3A_584 = arith.constant 2 : i32
      %add3A_585 = arith.addi %add3A_391, %add3A_584 : i32
      %lt3A_586 = arith.cmpi slt, %add3A_585, %select_n3A : i32
      %convert_element_type3A_587 = arith.extui %lt3A_586 : i1 to i32
      %cond3A_588 = arith.constant 0 : i32
      %cond3A_589 = arith.cmpi ne, %convert_element_type3A_587, %cond3A_588 : i32
      scf.if %cond3A_589 {
        %add3A_590 = arith.constant 2 : i32
        %add3A_591 = arith.addi %add3A_391, %add3A_590 : i32
        %mul3A_592 = arith.constant 1024 : i32
        %mul3A_593 = arith.muli %add3A_591, %mul3A_592 : i32
        %add3A_594 = arith.addi %mul3A_15, %mul3A_593 : i32
        %dma_start3A_595 = arith.constant 1 : i32
        %dma_start3A_596 = arith.constant 0 : i32
        %dma_start3A_597 = tpu.memref_slice %arg11[%dma_start3A_595, %dma_start3A_596] : memref<2x1024xi32, #tpu.memory_space<vmem>> -> memref<1x1024xi32, #tpu.memory_space<vmem>>
        %dma_start3A_598 = tpu.memref_squeeze %dma_start3A_597 : memref<1x1024xi32, #tpu.memory_space<vmem>> -> memref<1024xi32, #tpu.memory_space<vmem>>
        %dma_start3A_599 = tpu.memref_slice %arg2[%add3A_594] : memref<6400000xi32, #tpu.memory_space<hbm>> -> memref<1024xi32, #tpu.memory_space<hbm>>
        %dma_start3A_600 = arith.constant 0 : i32
        %dma_start3A_601 = tpu.memref_slice %arg11[%dma_start3A_595, %dma_start3A_600] : memref<2x1024xi32, #tpu.memory_space<vmem>> -> memref<1x1024xi32, #tpu.memory_space<vmem>>
        %dma_start3A_602 = tpu.memref_squeeze %dma_start3A_601 : memref<1x1024xi32, #tpu.memory_space<vmem>> -> memref<1024xi32, #tpu.memory_space<vmem>>
        %dma_start3A_603 = tpu.memref_slice %arg2[%add3A_594] : memref<6400000xi32, #tpu.memory_space<hbm>> -> memref<1024xi32, #tpu.memory_space<hbm>>
        tpu.enqueue_dma source(%dma_start3A_603 : memref<1024xi32, #tpu.memory_space<hbm>>) target(%dma_start3A_602 : memref<1024xi32, #tpu.memory_space<vmem>>) target_semaphore(%arg14 : memref<!tpu.dma_semaphore, #tpu.memory_space<semaphore_mem>>)
        %jit3A_604 = arith.constant 128 : i32
        %div3A_605 = arith.divsi %add3A_594, %jit3A_604 : i32
        %sign3A_606 = arith.constant 0 : i32
        %sign3A_607 = arith.cmpi sgt, %add3A_594, %sign3A_606 : i32
        %sign3A_608 = arith.extui %sign3A_607 : i1 to i32
        %sign3A_609 = arith.constant 0 : i32
        %sign3A_610 = arith.cmpi slt, %add3A_594, %sign3A_609 : i32
        %sign3A_611 = arith.extui %sign3A_610 : i1 to i32
        %sign3A_612 = arith.subi %sign3A_608, %sign3A_611 : i32
        %sign3A_613 = arith.constant 0 : i32
        %sign3A_614 = arith.cmpi sgt, %jit3A_604, %sign3A_613 : i32
        %sign3A_615 = arith.extui %sign3A_614 : i1 to i32
        %sign3A_616 = arith.constant 0 : i32
        %sign3A_617 = arith.cmpi slt, %jit3A_604, %sign3A_616 : i32
        %sign3A_618 = arith.extui %sign3A_617 : i1 to i32
        %sign3A_619 = arith.subi %sign3A_615, %sign3A_618 : i32
        %ne3A_620 = arith.cmpi ne, %sign3A_612, %sign3A_619 : i32
        %rem3A_621 = arith.remsi %add3A_594, %jit3A_604 : i32
        %ne3A_622 = arith.constant 0 : i32
        %ne3A_623 = arith.cmpi ne, %rem3A_621, %ne3A_622 : i32
        %and3A_624 = arith.andi %ne3A_620, %ne3A_623 : i1
        %sub3A_625 = arith.constant 1 : i32
        %sub3A_626 = arith.subi %div3A_605, %sub3A_625 : i32
        %select_n3A_627 = arith.select %and3A_624, %sub3A_626, %div3A_605 : i32
        %multiple_of3A_628 = tpu.assume_multiple %select_n3A_627, 8 : i32
        %dma_start3A_629 = arith.constant 1 : i32
        %dma_start3A_630 = arith.constant 0 : i32
        %dma_start3A_631 = arith.constant 0 : i32
        %dma_start3A_632 = tpu.memref_slice %arg12[%dma_start3A_629, %dma_start3A_630, %dma_start3A_631] : memref<2x8x128xi32, #tpu.memory_space<vmem>> -> memref<1x8x128xi32, #tpu.memory_space<vmem>>
        %dma_start3A_633 = tpu.memref_squeeze %dma_start3A_632 : memref<1x8x128xi32, #tpu.memory_space<vmem>> -> memref<8x128xi32, #tpu.memory_space<vmem>>
        %dma_start3A_634 = arith.constant 0 : i32
        %dma_start3A_635 = tpu.memref_slice %arg3[%multiple_of3A_628, %dma_start3A_634] : memref<50000x128xi32, #tpu.memory_space<hbm>> -> memref<8x128xi32, #tpu.memory_space<hbm>>
        %dma_start3A_636 = arith.constant 0 : i32
        %dma_start3A_637 = arith.constant 0 : i32
        %dma_start3A_638 = tpu.memref_slice %arg12[%dma_start3A_629, %dma_start3A_636, %dma_start3A_637] : memref<2x8x128xi32, #tpu.memory_space<vmem>> -> memref<1x8x128xi32, #tpu.memory_space<vmem>>
        %dma_start3A_639 = tpu.memref_squeeze %dma_start3A_638 : memref<1x8x128xi32, #tpu.memory_space<vmem>> -> memref<8x128xi32, #tpu.memory_space<vmem>>
        %dma_start3A_640 = arith.constant 0 : i32
        %dma_start3A_641 = tpu.memref_slice %arg3[%multiple_of3A_628, %dma_start3A_640] : memref<50000x128xi32, #tpu.memory_space<hbm>> -> memref<8x128xi32, #tpu.memory_space<hbm>>
        tpu.enqueue_dma source(%dma_start3A_641 : memref<8x128xi32, #tpu.memory_space<hbm>>) target(%dma_start3A_639 : memref<8x128xi32, #tpu.memory_space<vmem>>) target_semaphore(%arg14 : memref<!tpu.dma_semaphore, #tpu.memory_space<semaphore_mem>>)
      } else {
      }
    }
    %barrier3A_185 = arith.constant 0 : index
    tpu.barrier barrier_id(%barrier3A_185)
    "tpu.region"() ({
      %run_scoped3A_186 = tpu.sem_alloc : memref<!tpu.dma_semaphore, #tpu.memory_space<semaphore_mem>>
      %dma_start3A_187 = tpu.memref_slice %arg6[%arg0, %mul3A_0] : memref<2x100096xf32, #tpu.memory_space<hbm>> -> memref<1x6256xf32, #tpu.memory_space<hbm>>
      %dma_start3A_188 = tpu.memref_squeeze %dma_start3A_187 : memref<1x6256xf32, #tpu.memory_space<hbm>> -> memref<6256xf32, #tpu.memory_space<hbm>>
      %dma_start3A_189 = tpu.memref_slice %arg7[%mul3A_0] : memref<100096xf32, #tpu.memory_space<vmem_shared>> -> memref<6256xf32, #tpu.memory_space<vmem_shared>>
      tpu.enqueue_dma source(%dma_start3A_189 : memref<6256xf32, #tpu.memory_space<vmem_shared>>) target(%dma_start3A_188 : memref<6256xf32, #tpu.memory_space<hbm>>) target_semaphore(%run_scoped3A_186 : memref<!tpu.dma_semaphore, #tpu.memory_space<semaphore_mem>>)
      %dma_wait3A_190 = tpu.memref_slice %arg6[%arg0, %mul3A_0] : memref<2x100096xf32, #tpu.memory_space<hbm>> -> memref<1x6256xf32, #tpu.memory_space<hbm>>
      %dma_wait3A_191 = tpu.memref_squeeze %dma_wait3A_190 : memref<1x6256xf32, #tpu.memory_space<hbm>> -> memref<6256xf32, #tpu.memory_space<hbm>>
      %dma_wait3A_192 = tpu.memref_slice %arg7[%mul3A_0] : memref<100096xf32, #tpu.memory_space<vmem_shared>> -> memref<6256xf32, #tpu.memory_space<vmem_shared>>
      tpu.wait_dma2 semaphore(%run_scoped3A_186 : memref<!tpu.dma_semaphore, #tpu.memory_space<semaphore_mem>>) src(%dma_wait3A_192 : memref<6256xf32, #tpu.memory_space<vmem_shared>>) dst(%dma_wait3A_191 : memref<6256xf32, #tpu.memory_space<hbm>>)
      tpu.yield
    }) : () -> ()
    return
  }
}

module attributes {stable_mosaic.version = 14 : i64} {
  func.func @_final_body(%arg0: i32, %arg1: memref<2x800x8xf32, #tpu.memory_space<vmem>>, %arg2: memref<2x800x1xf32, #tpu.memory_space<vmem>>, %arg3: memref<8x32xf32, #tpu.memory_space<vmem>>, %arg4: memref<1x32xf32, #tpu.memory_space<vmem>>, %arg5: memref<32x32xf32, #tpu.memory_space<vmem>>, %arg6: memref<1x32xf32, #tpu.memory_space<vmem>>, %arg7: memref<1x32xf32, #tpu.memory_space<vmem>>, %arg8: memref<1x32xf32, #tpu.memory_space<vmem>>) attributes {dimension_semantics = [#tpu.dimension_semantics<arbitrary>], iteration_bounds = array<i64: 125>, scalar_prefetch = 0 : i64, scratch_operands = 1 : i64, tpu.core_type = #tpu.core_type<tc>, window_params = [{transform_indices = @transform_0, window_bounds = array<i64: 2, 800, 8>}, {transform_indices = @transform_1, window_bounds = array<i64: 2, 800, 1>}, {pipeline_mode = #tpu.pipeline_mode<synchronous>, transform_indices = @transform_2, window_bounds = array<i64: 8, 32>}, {pipeline_mode = #tpu.pipeline_mode<synchronous>, transform_indices = @transform_3, window_bounds = array<i64: 1, 32>}, {pipeline_mode = #tpu.pipeline_mode<synchronous>, transform_indices = @transform_4, window_bounds = array<i64: 32, 32>}, {pipeline_mode = #tpu.pipeline_mode<synchronous>, transform_indices = @transform_5, window_bounds = array<i64: 1, 32>}, {pipeline_mode = #tpu.pipeline_mode<synchronous>, transform_indices = @transform_6, window_bounds = array<i64: 1, 32>}]} {
    %get3A = arith.constant 0 : index
    %get3A_0 = arith.constant 0 : index
    %get3A_1 = arith.constant 0 : index
    %get3A_2 = vector.load %arg1[%get3A, %get3A_0, %get3A_1] : memref<2x800x8xf32, #tpu.memory_space<vmem>>, vector<1x800x8xf32>
    %get3A_3 = vector.shape_cast %get3A_2 : vector<1x800x8xf32> to vector<800x8xf32>
    %get3A_4 = arith.constant 1 : index
    %get3A_5 = arith.constant 0 : index
    %get3A_6 = arith.constant 0 : index
    %get3A_7 = vector.load %arg1[%get3A_4, %get3A_5, %get3A_6] : memref<2x800x8xf32, #tpu.memory_space<vmem>>, vector<1x800x8xf32>
    %get3A_8 = vector.shape_cast %get3A_7 : vector<1x800x8xf32> to vector<800x8xf32>
    %add3A = arith.addf %get3A_3, %get3A_8 : vector<800x8xf32>
    %slice3A = vector.extract_strided_slice %add3A {offsets = [0, 6], sizes = [800, 1], strides = [1, 1]} : vector<800x8xf32> to vector<800x1xf32>
    %div3A = arith.constant 1.000000e+00 : f32
    %div3A_9 = vector.broadcast %div3A : f32 to vector<800x1xf32>
    %div3A_10 = arith.divf %div3A_9, %slice3A : vector<800x1xf32>
    %get3A_11 = arith.constant 0 : index
    %get3A_12 = arith.constant 0 : index
    %get3A_13 = arith.constant 0 : index
    %get3A_14 = vector.load %arg2[%get3A_11, %get3A_12, %get3A_13] : memref<2x800x1xf32, #tpu.memory_space<vmem>>, vector<1x800x1xf32>
    %get3A_15 = vector.shape_cast %get3A_14 : vector<1x800x1xf32> to vector<800xf32>
    %get3A_16 = arith.constant 1 : index
    %get3A_17 = arith.constant 0 : index
    %get3A_18 = arith.constant 0 : index
    %get3A_19 = vector.load %arg2[%get3A_16, %get3A_17, %get3A_18] : memref<2x800x1xf32, #tpu.memory_space<vmem>>, vector<1x800x1xf32>
    %get3A_20 = vector.shape_cast %get3A_19 : vector<1x800x1xf32> to vector<800xf32>
    %add3A_21 = arith.addf %get3A_15, %get3A_20 : vector<800xf32>
    %squeeze3A = vector.shape_cast %div3A_10 : vector<800x1xf32> to vector<800xf32>
    %add3A_22 = arith.addf %add3A_21, %squeeze3A : vector<800xf32>
    %mul3A = arith.constant 9.99999974E-6 : f32
    %mul3A_23 = vector.broadcast %mul3A : f32 to vector<800xf32>
    %mul3A_24 = arith.mulf %add3A_22, %mul3A_23 : vector<800xf32>
    %mul3A_25 = vector.broadcast %div3A_10 : vector<800x1xf32> to vector<800x8xf32>
    %mul3A_26 = arith.mulf %add3A, %mul3A_25 : vector<800x8xf32>
    %get3A_27 = arith.constant 0 : index
    %get3A_28 = arith.constant 0 : index
    %get3A_29 = vector.load %arg3[%get3A_27, %get3A_28] : memref<8x32xf32, #tpu.memory_space<vmem>>, vector<8x32xf32>
    %dot_general3A = arith.constant dense<0.000000e+00> : vector<800x32xf32>
    %dot_general3A_30 = tpu.matmul %mul3A_26, %get3A_29, %dot_general3A {dimension_numbers = #tpu.dot_dimension_numbers<[1], [0], [0], [1], [0, 0, 1, 1], [], []>, transpose_lhs_hint = false} : vector<800x8xf32>, vector<8x32xf32>, vector<800x32xf32> -> vector<800x32xf32>
    %get3A_31 = arith.constant 0 : index
    %get3A_32 = arith.constant 0 : index
    %get3A_33 = vector.load %arg4[%get3A_31, %get3A_32] : memref<1x32xf32, #tpu.memory_space<vmem>>, vector<1x32xf32>
    %add3A_34 = vector.broadcast %get3A_33 : vector<1x32xf32> to vector<800x32xf32>
    %add3A_35 = arith.addf %dot_general3A_30, %add3A_34 : vector<800x32xf32>
    %max3A = arith.constant 0.000000e+00 : f32
    %max3A_36 = vector.broadcast %max3A : f32 to vector<800x32xf32>
    %max3A_37 = arith.maximumf %add3A_35, %max3A_36 : vector<800x32xf32>
    %broadcast_in_dim3A = vector.shape_cast %mul3A_24 : vector<800xf32> to vector<800x1xf32>
    %mul3A_38 = vector.broadcast %broadcast_in_dim3A : vector<800x1xf32> to vector<800x32xf32>
    %mul3A_39 = arith.mulf %max3A_37, %mul3A_38 : vector<800x32xf32>
    %reduce_sum3A = arith.constant dense<0.000000e+00> : vector<32xf32>
    %reduce_sum3A_40 = vector.multi_reduction <add>, %mul3A_39, %reduce_sum3A [0] : vector<800x32xf32> to vector<32xf32>
    %broadcast_in_dim3A_41 = vector.shape_cast %reduce_sum3A_40 : vector<32xf32> to vector<1x32xf32>
    %eq3A = arith.constant 0 : i32
    %eq3A_42 = arith.cmpi eq, %arg0, %eq3A : i32
    %convert_element_type3A = arith.extui %eq3A_42 : i1 to i32
    %cond3A = arith.constant 0 : i32
    %cond3A_43 = arith.cmpi ne, %convert_element_type3A, %cond3A : i32
    scf.if %cond3A_43 {
      %broadcast_in_dim3A_55 = arith.constant 0.000000e+00 : f32
      %broadcast_in_dim3A_56 = vector.broadcast %broadcast_in_dim3A_55 : f32 to vector<1x32xf32>
      %swap3A_57 = arith.constant 0 : index
      %swap3A_58 = arith.constant 0 : index
      %swap3A_59 = vector.load %arg8[%swap3A_57, %swap3A_58] : memref<1x32xf32, #tpu.memory_space<vmem>>, vector<1x32xf32>
      tpu.vector_store %arg8[%swap3A_57, %swap3A_58], %broadcast_in_dim3A_56 {strides = array<i32>} : memref<1x32xf32, #tpu.memory_space<vmem>>, vector<1x32xf32>,
    } else {
    }
    %get3A_44 = arith.constant 0 : index
    %get3A_45 = arith.constant 0 : index
    %get3A_46 = vector.load %arg8[%get3A_44, %get3A_45] : memref<1x32xf32, #tpu.memory_space<vmem>>, vector<1x32xf32>
    %add3A_47 = arith.addf %get3A_46, %broadcast_in_dim3A_41 : vector<1x32xf32>
    %swap3A = arith.constant 0 : index
    %swap3A_48 = arith.constant 0 : index
    %swap3A_49 = vector.load %arg8[%swap3A, %swap3A_48] : memref<1x32xf32, #tpu.memory_space<vmem>>, vector<1x32xf32>
    tpu.vector_store %arg8[%swap3A, %swap3A_48], %add3A_47 {strides = array<i32>} : memref<1x32xf32, #tpu.memory_space<vmem>>, vector<1x32xf32>,
    %eq3A_50 = arith.constant 124 : i32
    %eq3A_51 = arith.cmpi eq, %arg0, %eq3A_50 : i32
    %convert_element_type3A_52 = arith.extui %eq3A_51 : i1 to i32
    %cond3A_53 = arith.constant 0 : i32
    %cond3A_54 = arith.cmpi ne, %convert_element_type3A_52, %cond3A_53 : i32
    scf.if %cond3A_54 {
      %get3A_55 = arith.constant 0 : index
      %get3A_56 = arith.constant 0 : index
      %get3A_57 = vector.load %arg8[%get3A_55, %get3A_56] : memref<1x32xf32, #tpu.memory_space<vmem>>, vector<1x32xf32>
      %get3A_58 = arith.constant 0 : index
      %get3A_59 = arith.constant 0 : index
      %get3A_60 = vector.load %arg5[%get3A_58, %get3A_59] : memref<32x32xf32, #tpu.memory_space<vmem>>, vector<32x32xf32>
      %dot_general3A_61 = arith.constant dense<0.000000e+00> : vector<1x32xf32>
      %dot_general3A_62 = tpu.matmul %get3A_57, %get3A_60, %dot_general3A_61 {dimension_numbers = #tpu.dot_dimension_numbers<[1], [0], [0], [1], [0, 0, 1, 1], [], []>, transpose_lhs_hint = false} : vector<1x32xf32>, vector<32x32xf32>, vector<1x32xf32> -> vector<1x32xf32>
      %get3A_63 = arith.constant 0 : index
      %get3A_64 = arith.constant 0 : index
      %get3A_65 = vector.load %arg6[%get3A_63, %get3A_64] : memref<1x32xf32, #tpu.memory_space<vmem>>, vector<1x32xf32>
      %add3A_66 = arith.addf %dot_general3A_62, %get3A_65 : vector<1x32xf32>
      %swap3A_67 = arith.constant 0 : index
      %swap3A_68 = arith.constant 0 : index
      %swap3A_69 = vector.load %arg7[%swap3A_67, %swap3A_68] : memref<1x32xf32, #tpu.memory_space<vmem>>, vector<1x32xf32>
      tpu.vector_store %arg7[%swap3A_67, %swap3A_68], %add3A_66 {strides = array<i32>} : memref<1x32xf32, #tpu.memory_space<vmem>>, vector<1x32xf32>,
    } else {
    }
    return
  }
  func.func @transform_0(%arg0: i32) -> (i32, i32, i32) {
    %c0_i32 = arith.constant 0 : i32
    %c0_i32_0 = arith.constant 0 : i32
    %c0_i32_1 = arith.constant 0 : i32
    return %c0_i32, %arg0, %c0_i32_0 : i32, i32, i32
  }
  func.func @transform_1(%arg0: i32) -> (i32, i32, i32) {
    %c0_i32 = arith.constant 0 : i32
    %c0_i32_0 = arith.constant 0 : i32
    %c0_i32_1 = arith.constant 0 : i32
    return %c0_i32, %arg0, %c0_i32_0 : i32, i32, i32
  }
  func.func @transform_2(%arg0: i32) -> (i32, i32) {
    %c0_i32 = arith.constant 0 : i32
    %c0_i32_0 = arith.constant 0 : i32
    %c0_i32_1 = arith.constant 0 : i32
    return %c0_i32, %c0_i32_0 : i32, i32
  }
  func.func @transform_3(%arg0: i32) -> (i32, i32) {
    %c0_i32 = arith.constant 0 : i32
    %c0_i32_0 = arith.constant 0 : i32
    %c0_i32_1 = arith.constant 0 : i32
    return %c0_i32, %c0_i32_0 : i32, i32
  }
  func.func @transform_4(%arg0: i32) -> (i32, i32) {
    %c0_i32 = arith.constant 0 : i32
    %c0_i32_0 = arith.constant 0 : i32
    %c0_i32_1 = arith.constant 0 : i32
    return %c0_i32, %c0_i32_0 : i32, i32
  }
  func.func @transform_5(%arg0: i32) -> (i32, i32) {
    %c0_i32 = arith.constant 0 : i32
    %c0_i32_0 = arith.constant 0 : i32
    %c0_i32_1 = arith.constant 0 : i32
    return %c0_i32, %c0_i32_0 : i32, i32
  }
  func.func @transform_6(%arg0: i32) -> (i32, i32) {
    %c0_i32 = arith.constant 0 : i32
    %c0_i32_0 = arith.constant 0 : i32
    %c0_i32_1 = arith.constant 0 : i32
    return %c0_i32, %c0_i32_0 : i32, i32
  }
}

</mosaic_0001>

<sc_bundles>
// kernel: kernel.5.cloned.1.call-start
scs
__scs_entry_jumppad:
0x0: {  	(pc) =	sbr.rel $0x88, $3  }
0x1: {  	(tag) =	ssettag $0x0;
	lr =	simm.s32 $0x1  }
0x2: {  	[smem:$0x3F9B] =	sst lr;
	_ =	strace $0xD0000000  }
0x3: {  	_ = 	snop  }
0x4: {  	_ = 	snop  }
0x5: {  	_ = 	snop  }
0x6: {  	_ = 	snop  }
0x7: {  	_ = 	snop  }
__scs_overlays_trampoline_lowered:
0x8: {  	[smem:$0x3FAA] =	sst s0  }
0x9: {  	[smem:$0x3FAB] =	sst s1  }
0xa: {  	[smem:$0x3FAC] =	sst s2  }
0xb: {  	[smem:$0x3FAD] =	sst s3  }
0xc: {  	[smem:$0x3FAE] =	sst s4  }
0xd: {  	[smem:$0x3FAF] =	sst s5  }
0xe: {  	[smem:$0x3FB0] =	sst s6  }
0xf: {  	[smem:$0x3FB1] =	sst s7  }
0x10: {  	[smem:$0x3FB2] =	sst s8  }
0x11: {  	[smem:$0x3FB3] =	sst s9;
	s0 =	simm.s32 @!p0 $0x0  }
0x12: {  	s1 =	sld [smem:$0x3F99];
	s0 =	simm.s32 @p0 $0x1  }
0x13: {  	[smem:$0x3FB4] =	sst s0;
	s0 =	simm.s32 @!p1 $0x0  }
0x14: {  	s2 =	sld [smem:$0x3F98];
	s0 =	simm.s32 @p1 $0x1  }
0x15: {  	[smem:$0x3FB5] =	sst s0;
	s0 =	simm.s32 @!p2 $0x0  }
0x16: {  	s3 =	sld [smem:$0x3FDB];
	s0 =	simm.s32 @p2 $0x1  }
0x17: {  	s4 =	simm.s32 $0x1BF5;
	[smem:$0x3FB7] =	sst s0  }
0x18: {  	s0 =	sld [smem:$0x3F9A];
	_ =	swait.ge [sflag:s4], $0x0  }
0x19: {  	s7 =	sld [smem:$0x3F9B]  }
0x1a: {  	s8 =	sadd.s32 $0xFFFFE003, lr  }
0x1b: {  	s9 =	sadd.s32 $0xFFFFFEF7, lr;
	s5 =	simm.s32 $0xFFFFFFFF;
	p2 =	slt.u32 s8, $0xFFFFF086  }
0x1c: {  	p1 =	slt.u32 s9, $0xF7A;
	s5 =	simm.s32 @!p2 $0x0  }
0x1d: {  	s5 =	simm.s32 @p1 $0x1;
	p0 =	seq.s32 s7, s2  }
0x1e: {  	s7 =	smul.u32 @!p0 $0xF7A, s2;
	p2 =	seq.s32 @!p0 s5, $0x0  }
0x1f: {  	s9 =	smul.u32 $0xF7A, s1;
	s8 =	simm.s32 @!p0 $0x1BF5;
	p2 =	por !p2, p0  }
0x20: {  	[sflag:s8] =	ssyncset.s32 @!p0 $0xFFFFF086;
	s6 =	sadd.s32 @!p0 s3, s7;
	s7 =	simm.s32 @!p0 $0x108  }
0x21: {  	s3 =	sadd.s32 s3, s9;
	s6 =	sadd.s32 @!p0 $0x88, s6;
	s7 =	simm.s32 @p2 $0x1082  }
0x22: {  	[simem:s7], [sflag:s8] =	dma.local @!p0 [hbm:s6], $0xF7A  }
0x23: {  	s9 =	sor.u32 $0xD0000000, s2;
	s6 =	simm.s32 $0x108;
	_ =	swait.ge @!p0 [sflag:s8], $0x0  }
0x24: {  	s3 =	sadd.s32 $0x88, s3;
	s6 =	simm.s32 @!p1 $0x1082;
	[sflag:s4] =	ssyncset.s32 $0xFFFFF086  }
0x25: {  	[simem:s6], [sflag:s4] =	dma.local [hbm:s3], $0xF7A  }
0x26: {  	[smem:$0x3F9B] =	sst s1;
	(tag) =	ssettag s2;
	_ =	strace s9  }
0x27: {  	s1 =	sld [smem:$0x3FAB]  }
0x28: {  	s2 =	sld [smem:$0x3FAC]  }
0x29: {  	s4 =	sld [smem:$0x3FAE]  }
0x2a: {  	p0 =	seq.s32 s5, $0x0;
	s5 =	sld [smem:$0x3FAF]  }
0x2b: {  	s6 =	sld [smem:$0x3FB0]  }
0x2c: {  	s7 =	sld [smem:$0x3FB1]  }
0x2d: {  	s3 =	simm.s32 $0x108;
	s8 =	sld [smem:$0x3FB2]  }
0x2e: {  	s3 =	simm.s32 @!p0 $0x1082;
	s9 =	sld [smem:$0x3FB3]  }
0x2f: {  	lr =	sadd.s32 s0, s3;
	s0 =	sld [smem:$0x3FAA]  }
0x30: {  	s3 =	sld [smem:$0x3FAD]  }
0x31: {  	[smem:$0x3FB6] =	sst s10  }
0x32: {  	s10 =	sld [smem:$0x3FB4];
	_ =	sdelay $0x3  }
0x33: {  	p0 =	seq.s32 s10, $0x1;
	s10 =	sld [smem:$0x3FB6];
	_ =	sdelay $0x3  }
0x34: {  	[smem:$0x3FB6] =	sst s10  }
0x35: {  	s10 =	sld [smem:$0x3FB5];
	_ =	sdelay $0x3  }
0x36: {  	p1 =	seq.s32 s10, $0x1;
	s10 =	sld [smem:$0x3FB6];
	_ =	sdelay $0x3  }
0x37: {  	[smem:$0x3FB6] =	sst s10  }
0x38: {  	s10 =	sld [smem:$0x3FB7]  }
0x39: {  	_ = 	snop;
	(pc) =	sbr.ind lr, $3  }
0x3a: {  	_ = 	snop  }
0x3b: {  	_ = 	snop  }
0x3c: {  	p2 =	seq.s32 s10, $0x1;
	s10 =	sld [smem:$0x3FB6]  }
0x3d: {  	_ =	shalt  }
0x3e: {  	_ =	shalt  }
0x3f: {  	_ =	shalt  }
0x40: {  	_ =	shalt  }
0x41: {  	_ =	shalt  }
0x42: {  	_ =	shalt  }
0x43: {  	_ =	shalt  }
0x44: {  	_ =	shalt  }
0x45: {  	_ =	shalt  }
0x46: {  	_ =	shalt  }
0x47: {  	_ =	shalt  }
0x48: {  	_ =	shalt  }
0x49: {  	_ =	shalt  }
0x4a: {  	_ =	shalt  }
0x4b: {  	_ =	shalt  }
0x4c: {  	_ =	shalt  }
0x4d: {  	_ =	shalt  }
0x4e: {  	_ =	shalt  }
0x4f: {  	_ =	shalt  }
0x50: {  	_ =	shalt  }
0x51: {  	_ =	shalt  }
0x52: {  	_ =	shalt  }
0x53: {  	_ =	shalt  }
0x54: {  	_ =	shalt  }
0x55: {  	_ =	shalt  }
0x56: {  	_ =	shalt  }
0x57: {  	_ =	shalt  }
0x58: {  	_ =	shalt  }
0x59: {  	_ =	shalt  }
0x5a: {  	_ =	shalt  }
0x5b: {  	_ =	shalt  }
0x5c: {  	_ =	shalt  }
0x5d: {  	_ =	shalt  }
0x5e: {  	_ =	shalt  }
0x5f: {  	_ =	shalt  }
0x60: {  	_ =	shalt  }
0x61: {  	_ =	shalt  }
0x62: {  	_ =	shalt  }
0x63: {  	_ =	shalt  }
0x64: {  	_ =	shalt  }
0x65: {  	_ =	shalt  }
0x66: {  	_ =	shalt  }
0x67: {  	_ =	shalt  }
0x68: {  	_ =	shalt  }
0x69: {  	_ =	shalt  }
0x6a: {  	_ =	shalt  }
0x6b: {  	_ =	shalt  }
0x6c: {  	_ =	shalt  }
0x6d: {  	_ =	shalt  }
0x6e: {  	_ =	shalt  }
0x6f: {  	_ =	shalt  }
0x70: {  	_ =	shalt  }
0x71: {  	_ =	shalt  }
0x72: {  	_ =	shalt  }
0x73: {  	_ =	shalt  }
0x74: {  	_ =	shalt  }
0x75: {  	_ =	shalt  }
0x76: {  	_ =	shalt  }
0x77: {  	_ =	shalt  }
0x78: {  	_ =	shalt  }
0x79: {  	_ =	shalt  }
0x7a: {  	_ =	shalt  }
0x7b: {  	_ =	shalt  }
0x7c: {  	_ =	shalt  }
0x7d: {  	_ =	shalt  }
0x7e: {  	_ =	shalt  }
0x7f: {  	_ =	shalt  }
0x80: {  	_ =	shalt  }
0x81: {  	_ =	shalt  }
0x82: {  	_ =	shalt  }
0x83: {  	_ =	shalt  }
0x84: {  	_ =	shalt  }
0x85: {  	_ =	shalt  }
0x86: {  	_ =	shalt  }
0x87: {  	_ =	shalt  }
.Lfunc_end0:
.L_simem_size_0:
called_computation_lowered:
.L_overlay_start_0:
0x88: {  	s2 =	sld [smem:$0x3FD9]  }
0x89: {  	s3 =	sld [smem:$0x3FFE];
	_ =	sdelay $0x1  }
0x8a: {  	s1 =	srdreg.scid  }
0x8b: {  	s0 =	sand.u32 $0x1, s1  }
0x8c: {  	s16 =	sshll.u32 s0, $0xA;
	s2 =	sadd.s32 s3, s2  }
0x8d: {  	s2 =	sadd.s32 s2, s16  }
0x8e: {  	[smem:$0x3FC2] =	sst s2  }
0x8f: {  	_ = 	snop  }
0x90: {  	(tm) =	ssettm $0x1  }
0x91: {  	s17 =	sld [smem:$0x3FFB];
	_ =	sdelay $0x3  }
0x92: {  	_ =	strace s17  }
0x93: {  	s2 =	sld [smem:$0x3FFC];
	_ =	sdelay $0x3  }
0x94: {  	_ =	strace s2  }
0x95: {  	s2 =	sld [smem:$0x3FFD];
	_ =	sdelay $0x3  }
0x96: {  	_ =	strace s2  }
0x97: {  	_ =	strace $0x8FFFFFFF  }
0x98: {  	s18 =	sld [smem:$0x3FDB];
	_ =	sdelay $0x1  }
0x99: {  	s19 =	simm.s32 $_scs_section_size  }
0x9a: {  	s4 =	simm.s32 $_size__tile_overlayer_lowered;
	s5 =	simm.s32 $_tile_overlayer_lowered  }
0x9b: {  	s22 =	simm.s32 $0x1BFF;
	s21 =	sshll.u32 s5, $0x1;
	s2 =	sadd.s32 s19, s18  }
0x9c: {  	s6 =	simm.s32 $0x0;
	s20 =	sshll.u32 s4, $0x1;
	s4 =	sadd.s32 s21, s2  }
0x9d: {  	[timem:s6], [sflag:s22] =	dma.local [hbm:s4], s20  }
0x9e: {  	_ =	swait.ge [sflag:s22], s20  }
0x9f: {  	s3 =	ssub.s32 $0x0, s20;
	[sflag:s22] =	ssyncset.done $0x0  }
0xa0: {  	[sflag:s22] =	ssyncadd.s32 s3;
	_ =	sdelay $0x1  }
0xa1: {  	s23 =	simm.s32 $0x1B8B  }
0xa2: {  	_ =	swait.ge [sflag:s23], $0x1  }
0xa3: {  	[sflag:s23] =	ssyncset.done $0x0  }
0xa4: {  	s25 =	simm.s32 $0x1B8E;
	s24 =	sld [smem:$0x3FFE];
	[sflag:s23] =	ssyncadd.s32 $0xFFFFFFFF  }
0xa5: {  	s26 =	simm.s32 $execute0_lowered;
	[smem:$0x3FD2] =	sst s25  }
0xa6: {  	s4 =	sshll.u32 s26, $0x1;
	_ =	strace $0x80000046;
	[dreg:$0x1] =	wrdreg $0xFFFFFFFF  }
0xa7: {  	s28 =	simm.s32 $_size_execute0_lowered;
	s2 =	sadd.s32 s2, s4;
	[dreg:$0x0] =	wrdreg $0x0  }
0xa8: {  	s4 =	sshll.u32 s28, $0x1;
	[dreg:$0x2] =	wrdreg s2  }
0xa9: {  	[dreg:$0x3] =	wrdreg s4  }
0xaa: {  	[dreg:$0x4] =	wrdreg $0xC0  }
0xab: {  	_ =	task [dreg:s6], $0x5FFFF  }
0xac: {  	[dreg:$0x1] =	wrdreg $0xFFFFFFFF  }
0xad: {  	[dreg:$0x0] =	wrdreg $0x60  }
0xae: {  	[dreg:$0x2] =	wrdreg s24  }
0xaf: {  	[dreg:$0x3] =	wrdreg $0x0  }
0xb0: {  	[dreg:$0x4] =	wrdreg $0x9  }
0xb1: {  	_ =	task.clear_ibuf [dreg:s6], $0x5FFFF;
	_ =	strace $0x90000046  }
0xb2: {  	s29 =	simm.s32 $0x9;
	_ =	strace $0x80000048  }
0xb3: {  	_ =	swait.ge [sflag:s29], $0x1  }
0xb4: {  	[sflag:s29] =	ssyncadd.s32 $0xFFFFFFFF  }
0xb5: {  	_ =	strace $0x90000048  }
0xb6: {  	_ =	sfence  }
0xb7: {  	s30 =	sld [smem:$0x0];
	_ =	sdelay $0x2  }
0xb8: {  	s31 =	sshll.u32 s1, $0xD;
	s1 =	sshrl.u32 s1, $0x2  }
0xb9: {  	s3 =	sand.u32 $0x4000, s31;
	s1 =	sadd.s32 s1, s30  }
0xba: {  	s0 =	sor.u32 s3, s0;
	s1 =	sshll.u32 s1, $0x11  }
0xbb: {  	s0 =	sor.u32 s1, s0  }
0xbc: {  	s0 =	sadd.s32 $0x8F2B, s0  }
0xbd: {  	[sflag:s0] =	ssyncadd.remote.s32 $0x1  }
0xbe: {  	_ =	sfence.sel $0xFFFF  }
0xbf: {  	[dreg:$0x0] =	wrdreg $0xFFFFFFFF;
	(pc) =	sbr.abs _section_cstart, $3  }
0xc0: {  	[dreg:$0x1] =	wrdreg $0xFFFFFFFF  }
0xc1: {  	_ =	task.clear_ibuf [dreg:s6], $0x2FFFF;
	_ =	strace $0x9FFFFFFF  }
0xc2: {  	(tm) =	ssettm $0x7FFFFFFF  }
0xc3: {  	_ =	shalt  }
tec
execute0_lowered:
.L_overlay_start_1:
0x0: {  	(tag) =	ssettag $0x1  }
0x1: {  	s0 =	rddreg [dreg:$0x0]  }
0x2: {  	s2 =	rddreg [dreg:$0x1];
	s4 =	simm.s32 $0x0  }
0x3: {  	s21 =	simm.s32 $0xCC00;
	[smem:$0x7FF] =	sst s4  }
0x4: {  	s22 =	simm.s32 $0xD780;
	_ =	strace $0x80000047;
	[dreg:$0x4] =	wrdreg s21  }
0x5: {  	s1 =	srdreg.scid;
	s23 =	simm.s32 $0xCC80;
	[dreg:$0x5] =	wrdreg s22  }
0x6: {  	s3 =	stileid.u32;
	s24 =	simm.s32 $0xDB80;
	[dreg:$0x6] =	wrdreg s23  }
0x7: {  	s25 =	simm.s32 $0xCD00;
	s15 =	simm.s32 $0xDF80;
	[dreg:$0x7] =	wrdreg s24  }
0x8: {  	s17 =	simm.s32 $0xCD80;
	s18 =	simm.s32 $0xE380;
	[dreg:$0x8] =	wrdreg s25  }
0x9: {  	s1 =	sand.u32 $0x1, s1;
	s19 =	smul.u32 $0xC380, s3;
	[dreg:$0x9] =	wrdreg s15  }
0xa: {  	s10 =	sadd.s32 $0xC4C00, s0;
	s6 =	sadd.s32 $0x188200, s0;
	[dreg:$0xa] =	wrdreg s17  }
0xb: {  	s11 =	sadd.s32 $0x1600, s0;
	s8 =	sadd.s32 $0x1A0A00, s0;
	[smem:$0x7F3] =	sst s10  }
0xc: {  	s5 =	smul.u32 $0xC3800, s1;
	s7 =	sshll.u32 s1, $0x4;
	[dreg:$0xb] =	wrdreg s18  }
0xd: {  	s12 =	ssub.s32 $0x2, s1;
	[smem:$0x7F5] =	sst s11;
	s22 =	simm.s32 $0xCE80  }
0xe: {  	s23 =	simm.s32 $0xEB80;
	s25 =	simm.s32 $0xCF00;
	[dreg:$0xe] =	wrdreg s22  }
0xf: {  	s15 =	simm.s32 $0xFB80;
	s18 =	simm.s32 $0xFF80;
	[dreg:$0xf] =	wrdreg s23  }
0x10: {  	s9 =	sor.u32 s3, s7;
	s7 =	simm.s32 $0xAE;
	[dreg:$0x10] =	wrdreg s25  }
0x11: {  	s13 =	sshrl.u32 s12, $0x1;
	s4 =	sshrl.u32 s19, $0x3;
	[dreg:$0x16] =	wrdreg s15  }
0x12: {  	[dreg:$0x18] =	wrdreg s18;
	s22 =	simm.s32 $0x10780;
	s23 =	simm.s32 $0xD280  }
0x13: {  	s25 =	simm.s32 $0xD300;
	s5 =	sadd.s32 s19, s5;
	[dreg:$0x1c] =	wrdreg s22  }
0x14: {  	p0 =	seq.s32 s9, $0x1F;
	s14 =	ssub.s32 s12, s13;
	[dreg:$0x1d] =	wrdreg s23  }
0x15: {  	s9 =	smul.u32 $0x31000, s9;
	s12 =	simm.s32 $0xF780;
	[dreg:$0x1f] =	wrdreg s25  }
0x16: {  	s5 =	sshrl.u32 s5, $0x3;
	s24 =	smax.u32 s14, $0x1;
	[dreg:$0x14] =	wrdreg s12  }
0x17: {  	s7 =	simm.s32 @!p0 $0xC4;
	s14 =	simm.s32 $0xD080;
	[smem:$0x7F9] =	sst s24  }
0x18: {  	s5 =	sadd.s32 s5, s0;
	s20 =	sadd.s32 $0xFFFFFFFF, s7;
	[dreg:$0x15] =	wrdreg s14  }
0x19: {  	s0 =	sadd.s32 s19, s2;
	s19 =	simm.s32 $0xCE00;
	[dreg:$0x3] =	wrdreg s20  }
0x1a: {  	s28 =	simm.s32 $0xCF80;
	s21 =	sshrl.u32 s7, $0x1;
	[dreg:$0xc] =	wrdreg s19  }
0x1b: {  	s9 =	sshrl.u32 s9, $0x3;
	s24 =	simm.s32 $0x10B80;
	[smem:$0x7F7] =	sst s21  }
0x1c: {  	s29 =	simm.s32 $0x2;
	s26 =	sadd.s32 s10, s9;
	[dreg:$0x1e] =	wrdreg s24  }
0x1d: {  	s30 =	simm.s32 $0x80;
	s16 =	sadd.s32 s11, s9;
	[smem:$0x7F1] =	sst s26  }
0x1e: {  	p0 =	seq.s32 s1, $0x0;
	s20 =	simm.s32 $0xE780;
	[smem:$0x7F2] =	sst s16  }
0x1f: {  	s8 =	smov.u32 @p0 s6;
	s5 =	sadd.s32 $0x1B9200, s5;
	[dreg:$0xd] =	wrdreg s20  }
0x20: {  	s31 =	simm.s32 $0x3;
	s4 =	sadd.s32 s8, s4;
	[smem:$0x7F8] =	sst s5  }
0x21: {  	s13 =	smul.u32 $0x31000, s3;
	s19 =	simm.s32 $0xD180;
	[smem:$0x7FA] =	sst s4  }
0x22: {  	s9 =	sor.u32 $0x80, s9;
	s21 =	simm.s32 $0xD200;
	[dreg:$0x19] =	wrdreg s19  }
0x23: {  	s22 =	simm.s32 $0xCB80;
	s10 =	sadd.s32 s10, s9;
	[dreg:$0x1b] =	wrdreg s21  }
0x24: {  	s23 =	simm.s32 $0x1;
	s9 =	sadd.s32 s11, s9;
	[smem:$0x7F4] =	sst s10  }
0x25: {  	s1 =	smul.u32 $0x310000, s1;
	s26 =	simm.s32 $0xEF80;
	[smem:$0x7F6] =	sst s9  }
0x26: {  	s25 =	simm.s32 $0xD380;
	s11 =	simm.s32 $0xD000;
	[dreg:$0x11] =	wrdreg s26  }
0x27: {  	s1 =	sadd.s32 s13, s1;
	s16 =	simm.s32 $0xD100;
	[dreg:$0x13] =	wrdreg s11  }
0x28: {  	s17 =	sor.u32 $0x800, s1;
	s20 =	simm.s32 $0x10380;
	[dreg:$0x17] =	wrdreg s16  }
0x29: {  	s1 =	sor.u32 $0xC00, s1;
	s4 =	sshrl.u32 s0, $0x3;
	[dreg:$0x1a] =	wrdreg s20  }
0x2a: {  	s5 =	simm.s32 $0x4;
	s9 =	simm.s32 $0xF380;
	[smem:$0x7FD] =	sst s4  }
0x2b: {  	s10 =	sshll.u32 s3, $0x6;
	s26 =	simm.s32 $0x10F80;
	[dreg:$0x12] =	wrdreg s9  }
0x2c: {  	s0 =	simm.s32 $0x0;
	s3 =	sor.u32 $0x1C04, s10;
	[smem:$0x7FB] =	sst s26  }
0x2d: {  	s17 =	sshrl.u32 s17, $0x3;
	s18 =	sshrl.u32 s1, $0x3;
	[smem:$0x7FC] =	sst s3  }
.LBB2_1:
0x2e: {  	s1 =	sld [smem:$0x7FA];
	_ =	sdelay $0x2  }
0x2f: {  	[spmem:s4], [sflag:s3] =	dma.local [hbm:s1], $0x1870  }
0x30: {  	_ =	swait.ge [sflag:s5], $0x1870  }
0x31: {  	[sflag:s5] =	ssyncset.done $0x0  }
0x32: {  	[sflag:s5] =	ssyncadd.s32 $0xFFFFE790  }
0x33: {  	[bflag:$0x0] =	sbarrier.arrive $0xFFFF  }
0x34: {  	s11 =	sld [smem:$0x7F1];
	_ =	sdelay $0x1  }
0x35: {  	s10 =	simm.s32 $0x0;
	s12 =	simm.s32 $0xC380;
	s13 =	sld [smem:$0x7F2]  }
0x36: {  	[tilespmem:s12], [sflag:$0x1] =	stream.linear.gather [hbm4b:s11+s10], $0x400, $0x38;
	[tilespmem:$0x11380] =	vst v63  }
0x37: {  	_ = 	snop  }
0x38: {  	[tilespmem:s22], [sflag:$0x1] =	stream.linear.gather [hbm4b:s13+s10], $0x400, $0x38;
	[tilespmem:$0x11380] =	vst v63  }
0x39: {  	_ =	swait.ge [sflag:s23], $0x400  }
0x3a: {  	[sflag:s23] =	ssyncset.done $0x0  }
0x3b: {  	[sflag:s23] =	ssyncadd.s32 $0xFFFFFC00  }
0x3c: {  	_ =	swait.ge [sflag:s23], $0x400  }
0x3d: {  	[sflag:s23] =	ssyncset.done $0x0  }
0x3e: {  	s14 =	simm.s32 $0x400;
	s15 =	sld [smem:$0x7F4];
	[sflag:s23] =	ssyncadd.s32 $0xFFFFFC00  }
0x3f: {  	[tilespmem:s25], [sflag:$0x2] =	stream.indirect.gather [hbm4b:s6+s14], $0x8, s12, s14, $0xb8;
	[tilespmem:$0x11380] =	vst v63  }
0x40: {  	s16 =	simm.s32 $0xC780;
	s19 =	sld [smem:$0x7F6]  }
0x41: {  	[tilespmem:s16], [sflag:$0x1] =	stream.linear.gather [hbm4b:s15+s10], $0x400, $0x38;
	[tilespmem:$0x11380] =	vst v63  }
0x42: {  	_ = 	snop  }
0x43: {  	[tilespmem:s28], [sflag:$0x1] =	stream.linear.gather [hbm4b:s19+s10], $0x400, $0x38;
	[tilespmem:$0x11380] =	vst v63  }
0x44: {  	_ =	swait.ge [sflag:s29], $0x2000  }
0x45: {  	s20 =	rddreg [dreg:$0x3]  }
0x46: {  	[sflag:s29] =	ssyncset.done $0x0;
	p0 =	sle.u32 s20, $0x0  }
0x47: {  	[sflag:s29] =	ssyncadd.s32 $0xFFFFE000;
	s1 =	simm.s32 @!p0 $0x1  }
0x48: {  	_ =	swait.ge @!p0 [sflag:s1], $0x400  }
0x49: {  	[sflag:s1] =	ssyncset.done @!p0 $0x0  }
0x4a: {  	[sflag:s1] =	ssyncadd.s32 @!p0 $0xFFFFFC00  }
0x4b: {  	_ =	swait.ge @!p0 [sflag:s1], $0x400  }
0x4c: {  	s21 =	rddreg [dreg:$0xf]  }
0x4d: {  	s8 =	rddreg [dreg:$0xb]  }
0x4e: {  	s24 =	rddreg [dreg:$0x4]  }
0x4f: {  	s5 =	simm.s32 @!p0 $0xF380;
	s26 =	rddreg [dreg:$0x5]  }
0x50: {  	s9 =	simm.s32 @!p0 $0xC780;
	[sflag:s1] =	ssyncset.done @!p0 $0x0;
	s3 =	rddreg [dreg:$0x9]  }
0x51: {  	s10 =	rddreg [dreg:$0x7];
	[sflag:s1] =	ssyncadd.s32 @!p0 $0xFFFFFC00;
	s1 =	simm.s32 @!p0 $0x400  }
0x52: {  	[tilespmem:s5], [sflag:$0x2] =	stream.indirect.gather @!p0 [hbm4b:s6+s1], $0x8, s9, s1, $0xb8;
	[tilespmem:$0x11380] =	vst v63  }
0x53: {  	s11 =	rddreg [dreg:$0x6]  }
0x54: {  	[spmem:s2] =	stream.indirect.scatter.add.f32 [tilespmem:s25], [sflag:$0x3], $0x8, s22, s30, $0xb8;
	[tilespmem:$0x11380] =	vst v63  }
0x55: {  	s12 =	rddreg [dreg:$0x8]  }
0x56: {  	[spmem:s2] =	stream.indirect.scatter.add.f32 [tilespmem:s26], [sflag:$0x3], $0x8, s24, s30, $0xb8;
	[tilespmem:$0x11380] =	vst v63  }
0x57: {  	s13 =	rddreg [dreg:$0xa]  }
0x58: {  	[spmem:s2] =	stream.indirect.scatter.add.f32 [tilespmem:s10], [sflag:$0x3], $0x8, s11, s30, $0xb8;
	[tilespmem:$0x11380] =	vst v63  }
0x59: {  	s14 =	rddreg [dreg:$0xd]  }
0x5a: {  	[spmem:s2] =	stream.indirect.scatter.add.f32 [tilespmem:s3], [sflag:$0x3], $0x8, s12, s30, $0xb8;
	[tilespmem:$0x11380] =	vst v63  }
0x5b: {  	s15 =	rddreg [dreg:$0xc]  }
0x5c: {  	[spmem:s2] =	stream.indirect.scatter.add.f32 [tilespmem:s8], [sflag:$0x3], $0x8, s13, s30, $0xb8;
	[tilespmem:$0x11380] =	vst v63  }
0x5d: {  	s16 =	rddreg [dreg:$0xe]  }
0x5e: {  	[spmem:s2] =	stream.indirect.scatter.add.f32 [tilespmem:s14], [sflag:$0x3], $0x8, s15, s30, $0xb8;
	[tilespmem:$0x11380] =	vst v63  }
0x5f: {  	s19 =	rddreg [dreg:$0x11]  }
0x60: {  	[spmem:s2] =	stream.indirect.scatter.add.f32 [tilespmem:s21], [sflag:$0x3], $0x8, s16, s30, $0xb8;
	[tilespmem:$0x11380] =	vst v63  }
0x61: {  	s20 =	rddreg [dreg:$0x10]  }
0x62: {  	[spmem:s2] =	stream.indirect.scatter.add.f32 [tilespmem:s19], [sflag:$0x3], $0x8, s20, s30, $0xb8;
	[tilespmem:$0x11380] =	vst v63  }
0x63: {  	_ =	swait.ge [sflag:s31], $0x400  }
0x64: {  	[sflag:s31] =	ssyncset.done $0x0  }
0x65: {  	[sflag:s31] =	ssyncadd.s32 $0xFFFFFC00  }
0x66: {  	_ =	swait.ge [sflag:s31], $0x400  }
0x67: {  	[sflag:s31] =	ssyncset.done $0x0  }
0x68: {  	[sflag:s31] =	ssyncadd.s32 $0xFFFFFC00  }
0x69: {  	_ =	swait.ge [sflag:s31], $0x400  }
0x6a: {  	[sflag:s31] =	ssyncset.done $0x0  }
0x6b: {  	[sflag:s31] =	ssyncadd.s32 $0xFFFFFC00  }
0x6c: {  	_ =	swait.ge [sflag:s31], $0x400  }
0x6d: {  	[sflag:s31] =	ssyncset.done $0x0  }
0x6e: {  	[sflag:s31] =	ssyncadd.s32 $0xFFFFFC00  }
0x6f: {  	_ =	swait.ge [sflag:s31], $0x400  }
0x70: {  	[sflag:s31] =	ssyncset.done $0x0  }
0x71: {  	[sflag:s31] =	ssyncadd.s32 $0xFFFFFC00  }
0x72: {  	_ =	swait.ge [sflag:s31], $0x400  }
0x73: {  	[sflag:s31] =	ssyncset.done $0x0  }
0x74: {  	[sflag:s31] =	ssyncadd.s32 $0xFFFFFC00  }
0x75: {  	_ =	swait.ge [sflag:s31], $0x400  }
0x76: {  	[sflag:s31] =	ssyncset.done $0x0  }
0x77: {  	[sflag:s31] =	ssyncadd.s32 $0xFFFFFC00  }
0x78: {  	_ =	swait.ge [sflag:s31], $0x400  }
0x79: {  	p0 =	sle.u32 s7, $0x2;
	[sflag:s31] =	ssyncset.done $0x0  }
0x7a: {  	s1 =	simm.s32 @p0 $0x2;
	[sflag:s31] =	ssyncadd.s32 $0xFFFFFC00  }
0x7b: {  	_ =	swait.ge @p0 [sflag:s1], $0x2000  }
0x7c: {  	s3 =	sld [smem:$0x7F3];
	_ =	sdelay $0x1  }
0x7d: {  	s4 =	simm.s32 @!p0 $0xC380;
	[sflag:s1] =	ssyncset.done @p0 $0x0;
	s10 =	sld [smem:$0x7F5]  }
0x7e: {  	s5 =	simm.s32 @!p0 $0x0;
	[sflag:s1] =	ssyncadd.s32 @p0 $0xFFFFE000;
	s1 =	sadd.s32 @!p0 s3, s17  }
0x7f: {  	[tilespmem:s4], [sflag:$0x1] =	stream.linear.gather @!p0 [hbm4b:s1+s5], $0x400, $0x38;
	[tilespmem:$0x11380] =	vst v63  }
0x80: {  	s9 =	simm.s32 @!p0 $0x2;
	s8 =	simm.s32 @!p0 $0xCB80;
	s1 =	sadd.s32 @!p0 s10, s17  }
0x81: {  	[tilespmem:s8], [sflag:$0x1] =	stream.linear.gather @!p0 [hbm4b:s1+s5], $0x400, $0x38;
	[tilespmem:$0x11380] =	vst v63  }
0x82: {  	_ =	swait.ge @!p0 [sflag:s9], $0x2000  }
0x83: {  	[sflag:s9] =	ssyncset.done @!p0 $0x0  }
0x84: {  	s1 =	simm.s32 @!p0 $0x1;
	[sflag:s9] =	ssyncadd.s32 @!p0 $0xFFFFE000  }
0x85: {  	_ =	swait.ge @!p0 [sflag:s1], $0x400  }
0x86: {  	[sflag:s1] =	ssyncset.done @!p0 $0x0  }
0x87: {  	[sflag:s1] =	ssyncadd.s32 @!p0 $0xFFFFFC00  }
0x88: {  	_ =	swait.ge @!p0 [sflag:s1], $0x400  }
0x89: {  	s5 =	sld [smem:$0x7FB]  }
0x8a: {  	s8 =	rddreg [dreg:$0x1e]  }
0x8b: {  	s21 =	rddreg [dreg:$0x15]  }
0x8c: {  	s11 =	rddreg [dreg:$0x13]  }
0x8d: {  	s12 =	rddreg [dreg:$0x14]  }
0x8e: {  	s24 =	simm.s32 @!p0 $0x400;
	[sflag:s1] =	ssyncset.done @!p0 $0x0;
	s13 =	rddreg [dreg:$0x16]  }
0x8f: {  	s26 =	simm.s32 @!p0 $0xD380;
	s14 =	rddreg [dreg:$0x18];
	[sflag:s1] =	ssyncadd.s32 @!p0 $0xFFFFFC00  }
0x90: {  	[tilespmem:s26], [sflag:$0x2] =	stream.indirect.gather @!p0 [hbm4b:s6+s24], $0x8, s4, s24, $0xb8;
	[tilespmem:$0x11380] =	vst v63  }
0x91: {  	s26 =	rddreg [dreg:$0x12]  }
0x92: {  	[spmem:s2] =	stream.indirect.scatter.add.f32 [tilespmem:s26], [sflag:$0x3], $0x8, s28, s30, $0xb8;
	[tilespmem:$0x11380] =	vst v63  }
0x93: {  	s15 =	rddreg [dreg:$0x17]  }
0x94: {  	[spmem:s2] =	stream.indirect.scatter.add.f32 [tilespmem:s12], [sflag:$0x3], $0x8, s11, s30, $0xb8;
	[tilespmem:$0x11380] =	vst v63  }
0x95: {  	s16 =	rddreg [dreg:$0x1a]  }
0x96: {  	[spmem:s2] =	stream.indirect.scatter.add.f32 [tilespmem:s13], [sflag:$0x3], $0x8, s21, s30, $0xb8;
	[tilespmem:$0x11380] =	vst v63  }
0x97: {  	s19 =	rddreg [dreg:$0x19]  }
0x98: {  	[spmem:s2] =	stream.indirect.scatter.add.f32 [tilespmem:s14], [sflag:$0x3], $0x8, s15, s30, $0xb8;
	[tilespmem:$0x11380] =	vst v63  }
0x99: {  	s20 =	rddreg [dreg:$0x1b]  }
0x9a: {  	[spmem:s2] =	stream.indirect.scatter.add.f32 [tilespmem:s16], [sflag:$0x3], $0x8, s19, s30, $0xb8;
	[tilespmem:$0x11380] =	vst v63  }
0x9b: {  	s1 =	rddreg [dreg:$0x1c]  }
0x9c: {  	[spmem:s2] =	stream.indirect.scatter.add.f32 [tilespmem:s1], [sflag:$0x3], $0x8, s20, s30, $0xb8;
	[tilespmem:$0x11380] =	vst v63  }
0x9d: {  	s21 =	rddreg [dreg:$0x1d]  }
0x9e: {  	[spmem:s2] =	stream.indirect.scatter.add.f32 [tilespmem:s8], [sflag:$0x3], $0x8, s21, s30, $0xb8;
	[tilespmem:$0x11380] =	vst v63  }
0x9f: {  	s24 =	rddreg [dreg:$0x1f]  }
0xa0: {  	[spmem:s2] =	stream.indirect.scatter.add.f32 [tilespmem:s5], [sflag:$0x3], $0x8, s24, s30, $0xb8;
	[tilespmem:$0x11380] =	vst v63  }
0xa1: {  	_ =	swait.ge [sflag:s31], $0x400  }
0xa2: {  	[sflag:s31] =	ssyncset.done $0x0  }
0xa3: {  	[sflag:s31] =	ssyncadd.s32 $0xFFFFFC00  }
0xa4: {  	_ =	swait.ge [sflag:s31], $0x400  }
0xa5: {  	[sflag:s31] =	ssyncset.done $0x0  }
0xa6: {  	[sflag:s31] =	ssyncadd.s32 $0xFFFFFC00  }
0xa7: {  	_ =	swait.ge [sflag:s31], $0x400  }
0xa8: {  	[sflag:s31] =	ssyncset.done $0x0  }
0xa9: {  	[sflag:s31] =	ssyncadd.s32 $0xFFFFFC00  }
0xaa: {  	_ =	swait.ge [sflag:s31], $0x400  }
0xab: {  	s26 =	sld [smem:$0x7F7];
	_ =	sdelay $0x2  }
0xac: {  	s24 =	sadd.s32 $0xFFFFFFFF, s26  }
0xad: {  	p0 =	sne.s32 s24, $0x0  }
.Ltmp0:
0xae: {  	[sflag:s31] =	ssyncset.done $0x0;
	(pc) =	sbr.rel @!p0 .LBB2_3-.Ltmp0, $4  }
0xaf: {  	[sflag:s31] =	ssyncadd.s32 $0xFFFFFC00  }
0xb0: {  	s9 =	sadd.s32 $0x100, s3;
	s4 =	smov.u32 s3;
	_ =	swait.ge [sflag:s31], $0x400  }
0xb1: {  	s1 =	smov.u32 s10;
	s8 =	simm.s32 $0x2;
	[sflag:s31] =	ssyncset.done $0x0  }
0xb2: {  	s5 =	smov.u32 s10;
	s26 =	simm.s32 $0x0;
	[sflag:s31] =	ssyncadd.s32 $0xFFFFFC00  }
.LBB2_2:
0xb3: {  	_ =	swait.ge [sflag:s31], $0x400  }
0xb4: {  	[sflag:s31] =	ssyncset.done $0x0  }
0xb5: {  	[sflag:s31] =	ssyncadd.s32 $0xFFFFFC00  }
0xb6: {  	_ =	swait.ge [sflag:s31], $0x400  }
0xb7: {  	[sflag:s31] =	ssyncset.done $0x0  }
0xb8: {  	s12 =	sadd.s32 $0x3, s26;
	[sflag:s31] =	ssyncadd.s32 $0xFFFFFC00  }
0xb9: {  	p1 =	sge.u32 s12, s7;
	_ =	swait.ge [sflag:s31], $0x400  }
0xba: {  	s4 =	sadd.s32 @!p1 s4, s18;
	[sflag:s31] =	ssyncset.done $0x0  }
0xbb: {  	s13 =	simm.s32 @!p1 $0x0;
	s14 =	simm.s32 @!p1 $0xC780;
	[sflag:s31] =	ssyncadd.s32 $0xFFFFFC00  }
0xbc: {  	[tilespmem:s14], [sflag:$0x1] =	stream.linear.gather @!p1 [hbm4b:s4+s13], $0x400, $0x38;
	[tilespmem:$0x11380] =	vst v63  }
0xbd: {  	s12 =	simm.s32 @!p1 $0xCF80;
	s14 =	sadd.s32 @!p1 s5, s18  }
0xbe: {  	[tilespmem:s12], [sflag:$0x1] =	stream.linear.gather @!p1 [hbm4b:s14+s13], $0x400, $0x38;
	[tilespmem:$0x11380] =	vst v63  }
0xbf: {  	_ =	swait.ge [sflag:s29], $0x2000  }
0xc0: {  	s11 =	rddreg [dreg:$0x3]  }
0xc1: {  	[sflag:s29] =	ssyncset.done $0x0;
	p1 =	sge.u32 s8, s11  }
0xc2: {  	[sflag:s29] =	ssyncadd.s32 $0xFFFFE000;
	s12 =	simm.s32 @!p1 $0x1  }
0xc3: {  	_ =	swait.ge @!p1 [sflag:s12], $0x400  }
0xc4: {  	[sflag:s12] =	ssyncset.done @!p1 $0x0  }
0xc5: {  	[sflag:s12] =	ssyncadd.s32 @!p1 $0xFFFFFC00  }
0xc6: {  	_ =	swait.ge @!p1 [sflag:s12], $0x400  }
0xc7: {  	s15 =	rddreg [dreg:$0xf]  }
0xc8: {  	s21 =	rddreg [dreg:$0xb]  }
0xc9: {  	s3 =	rddreg [dreg:$0x4]  }
0xca: {  	s13 =	simm.s32 @!p1 $0xF380;
	s16 =	rddreg [dreg:$0x5]  }
0xcb: {  	s14 =	simm.s32 @!p1 $0xC780;
	[sflag:s12] =	ssyncset.done @!p1 $0x0;
	s19 =	rddreg [dreg:$0x9]  }
0xcc: {  	s11 =	rddreg [dreg:$0x7];
	[sflag:s12] =	ssyncadd.s32 @!p1 $0xFFFFFC00;
	s12 =	simm.s32 @!p1 $0x400  }
0xcd: {  	[tilespmem:s13], [sflag:$0x2] =	stream.indirect.gather @!p1 [hbm4b:s6+s12], $0x8, s14, s12, $0xb8;
	[tilespmem:$0x11380] =	vst v63  }
0xce: {  	s20 =	rddreg [dreg:$0xa]  }
0xcf: {  	[spmem:s2] =	stream.indirect.scatter.add.f32 [tilespmem:s25], [sflag:$0x3], $0x8, s22, s30, $0xb8;
	[tilespmem:$0x11380] =	vst v63  }
0xd0: {  	s10 =	rddreg [dreg:$0xd]  }
0xd1: {  	[spmem:s2] =	stream.indirect.scatter.add.f32 [tilespmem:s16], [sflag:$0x3], $0x8, s3, s30, $0xb8;
	[tilespmem:$0x11380] =	vst v63  }
0xd2: {  	s13 =	rddreg [dreg:$0x6]  }
0xd3: {  	[spmem:s2] =	stream.indirect.scatter.add.f32 [tilespmem:s11], [sflag:$0x3], $0x8, s13, s30, $0xb8;
	[tilespmem:$0x11380] =	vst v63  }
0xd4: {  	s14 =	rddreg [dreg:$0x8]  }
0xd5: {  	[spmem:s2] =	stream.indirect.scatter.add.f32 [tilespmem:s19], [sflag:$0x3], $0x8, s14, s30, $0xb8;
	[tilespmem:$0x11380] =	vst v63  }
0xd6: {  	s12 =	rddreg [dreg:$0xc]  }
0xd7: {  	[spmem:s2] =	stream.indirect.scatter.add.f32 [tilespmem:s21], [sflag:$0x3], $0x8, s20, s30, $0xb8;
	[tilespmem:$0x11380] =	vst v63  }
0xd8: {  	s16 =	rddreg [dreg:$0x10]  }
0xd9: {  	[spmem:s2] =	stream.indirect.scatter.add.f32 [tilespmem:s10], [sflag:$0x3], $0x8, s12, s30, $0xb8;
	[tilespmem:$0x11380] =	vst v63  }
0xda: {  	s13 =	rddreg [dreg:$0xe]  }
0xdb: {  	[spmem:s2] =	stream.indirect.scatter.add.f32 [tilespmem:s15], [sflag:$0x3], $0x8, s13, s30, $0xb8;
	[tilespmem:$0x11380] =	vst v63  }
0xdc: {  	s14 =	rddreg [dreg:$0x11]  }
0xdd: {  	[spmem:s2] =	stream.indirect.scatter.add.f32 [tilespmem:s14], [sflag:$0x3], $0x8, s16, s30, $0xb8;
	[tilespmem:$0x11380] =	vst v63  }
0xde: {  	_ =	swait.ge [sflag:s31], $0x400  }
0xdf: {  	[sflag:s31] =	ssyncset.done $0x0  }
0xe0: {  	[sflag:s31] =	ssyncadd.s32 $0xFFFFFC00  }
0xe1: {  	_ =	swait.ge [sflag:s31], $0x400  }
0xe2: {  	[sflag:s31] =	ssyncset.done $0x0  }
0xe3: {  	[sflag:s31] =	ssyncadd.s32 $0xFFFFFC00  }
0xe4: {  	_ =	swait.ge [sflag:s31], $0x400  }
0xe5: {  	[sflag:s31] =	ssyncset.done $0x0  }
0xe6: {  	[sflag:s31] =	ssyncadd.s32 $0xFFFFFC00  }
0xe7: {  	_ =	swait.ge [sflag:s31], $0x400  }
0xe8: {  	[sflag:s31] =	ssyncset.done $0x0  }
0xe9: {  	[sflag:s31] =	ssyncadd.s32 $0xFFFFFC00  }
0xea: {  	_ =	swait.ge [sflag:s31], $0x400  }
0xeb: {  	[sflag:s31] =	ssyncset.done $0x0  }
0xec: {  	[sflag:s31] =	ssyncadd.s32 $0xFFFFFC00  }
0xed: {  	_ =	swait.ge [sflag:s31], $0x400  }
0xee: {  	[sflag:s31] =	ssyncset.done $0x0  }
0xef: {  	[sflag:s31] =	ssyncadd.s32 $0xFFFFFC00  }
0xf0: {  	_ =	swait.ge [sflag:s31], $0x400  }
0xf1: {  	[sflag:s31] =	ssyncset.done $0x0  }
0xf2: {  	[sflag:s31] =	ssyncadd.s32 $0xFFFFFC00  }
0xf3: {  	s26 =	smov.u32 s8;
	s8 =	sadd.s32 $0x2, s8;
	_ =	swait.ge [sflag:s31], $0x400  }
0xf4: {  	p1 =	sge.u32 s8, s7;
	[sflag:s31] =	ssyncset.done $0x0  }
0xf5: {  	s3 =	simm.s32 @p1 $0x2;
	[sflag:s31] =	ssyncadd.s32 $0xFFFFFC00  }
0xf6: {  	_ =	swait.ge @p1 [sflag:s3], $0x2000  }
0xf7: {  	s1 =	sadd.s32 $0x100, s1;
	s11 =	simm.s32 @!p1 $0xC380;
	[sflag:s3] =	ssyncset.done @p1 $0x0  }
0xf8: {  	s12 =	simm.s32 @!p1 $0x0;
	[sflag:s3] =	ssyncadd.s32 @p1 $0xFFFFE000;
	s3 =	sadd.s32 @!p1 s9, s17  }
0xf9: {  	[tilespmem:s11], [sflag:$0x1] =	stream.linear.gather @!p1 [hbm4b:s3+s12], $0x400, $0x38;
	[tilespmem:$0x11380] =	vst v63  }
0xfa: {  	s13 =	simm.s32 @!p1 $0xCB80;
	s14 =	simm.s32 @!p1 $0x2;
	s3 =	sadd.s32 @!p1 s1, s17  }
0xfb: {  	[tilespmem:s13], [sflag:$0x1] =	stream.linear.gather @!p1 [hbm4b:s3+s12], $0x400, $0x38;
	[tilespmem:$0x11380] =	vst v63  }
0xfc: {  	_ =	swait.ge @!p1 [sflag:s14], $0x2000  }
0xfd: {  	[sflag:s14] =	ssyncset.done @!p1 $0x0  }
0xfe: {  	s3 =	simm.s32 @!p1 $0x1;
	[sflag:s14] =	ssyncadd.s32 @!p1 $0xFFFFE000  }
0xff: {  	_ =	swait.ge @!p1 [sflag:s3], $0x400  }
0x100: {  	[sflag:s3] =	ssyncset.done @!p1 $0x0  }
0x101: {  	[sflag:s3] =	ssyncadd.s32 @!p1 $0xFFFFFC00  }
0x102: {  	_ =	swait.ge @!p1 [sflag:s3], $0x400  }
0x103: {  	s12 =	sld [smem:$0x7FB]  }
0x104: {  	s13 =	rddreg [dreg:$0x1c]  }
0x105: {  	s14 =	rddreg [dreg:$0x18]  }
0x106: {  	s15 =	rddreg [dreg:$0x15]  }
0x107: {  	s16 =	rddreg [dreg:$0x12]  }
0x108: {  	s19 =	simm.s32 @!p1 $0x400;
	[sflag:s3] =	ssyncset.done @!p1 $0x0;
	s10 =	rddreg [dreg:$0x13]  }
0x109: {  	s21 =	simm.s32 @!p1 $0xD380;
	s20 =	rddreg [dreg:$0x14];
	[sflag:s3] =	ssyncadd.s32 @!p1 $0xFFFFFC00  }
0x10a: {  	[tilespmem:s21], [sflag:$0x2] =	stream.indirect.gather @!p1 [hbm4b:s6+s19], $0x8, s11, s19, $0xb8;
	[tilespmem:$0x11380] =	vst v63  }
0x10b: {  	s3 =	rddreg [dreg:$0x1e]  }
0x10c: {  	[spmem:s2] =	stream.indirect.scatter.add.f32 [tilespmem:s16], [sflag:$0x3], $0x8, s28, s30, $0xb8;
	[tilespmem:$0x11380] =	vst v63  }
0x10d: {  	s19 =	rddreg [dreg:$0x16]  }
0x10e: {  	[spmem:s2] =	stream.indirect.scatter.add.f32 [tilespmem:s20], [sflag:$0x3], $0x8, s10, s30, $0xb8;
	[tilespmem:$0x11380] =	vst v63  }
0x10f: {  	s21 =	rddreg [dreg:$0x17]  }
0x110: {  	[spmem:s2] =	stream.indirect.scatter.add.f32 [tilespmem:s19], [sflag:$0x3], $0x8, s15, s30, $0xb8;
	[tilespmem:$0x11380] =	vst v63  }
0x111: {  	s16 =	rddreg [dreg:$0x1a]  }
0x112: {  	[spmem:s2] =	stream.indirect.scatter.add.f32 [tilespmem:s14], [sflag:$0x3], $0x8, s21, s30, $0xb8;
	[tilespmem:$0x11380] =	vst v63  }
0x113: {  	s15 =	rddreg [dreg:$0x19]  }
0x114: {  	[spmem:s2] =	stream.indirect.scatter.add.f32 [tilespmem:s16], [sflag:$0x3], $0x8, s15, s30, $0xb8;
	[tilespmem:$0x11380] =	vst v63  }
0x115: {  	s19 =	rddreg [dreg:$0x1b]  }
0x116: {  	[spmem:s2] =	stream.indirect.scatter.add.f32 [tilespmem:s13], [sflag:$0x3], $0x8, s19, s30, $0xb8;
	[tilespmem:$0x11380] =	vst v63  }
0x117: {  	s20 =	rddreg [dreg:$0x1d]  }
0x118: {  	[spmem:s2] =	stream.indirect.scatter.add.f32 [tilespmem:s3], [sflag:$0x3], $0x8, s20, s30, $0xb8;
	[tilespmem:$0x11380] =	vst v63  }
0x119: {  	s21 =	rddreg [dreg:$0x1f]  }
0x11a: {  	[spmem:s2] =	stream.indirect.scatter.add.f32 [tilespmem:s12], [sflag:$0x3], $0x8, s21, s30, $0xb8;
	[tilespmem:$0x11380] =	vst v63  }
0x11b: {  	_ =	swait.ge [sflag:s31], $0x400  }
0x11c: {  	[sflag:s31] =	ssyncset.done $0x0  }
0x11d: {  	[sflag:s31] =	ssyncadd.s32 $0xFFFFFC00  }
0x11e: {  	_ =	swait.ge [sflag:s31], $0x400  }
0x11f: {  	[sflag:s31] =	ssyncset.done $0x0  }
0x120: {  	[sflag:s31] =	ssyncadd.s32 $0xFFFFFC00  }
0x121: {  	_ =	swait.ge [sflag:s31], $0x400  }
0x122: {  	[sflag:s31] =	ssyncset.done $0x0  }
0x123: {  	s24 =	sadd.s32 $0xFFFFFFFF, s24;
	[sflag:s31] =	ssyncadd.s32 $0xFFFFFC00  }
0x124: {  	p0 =	sne.s32 s24, $0x0;
	_ =	swait.ge [sflag:s31], $0x400  }
.Ltmp1:
0x125: {  	[sflag:s31] =	ssyncset.done $0x0;
	(pc) =	sbr.rel @p0 .LBB2_2-.Ltmp1, $4  }
0x126: {  	[sflag:s31] =	ssyncadd.s32 $0xFFFFFC00  }
0x127: {  	_ =	swait.ge [sflag:s31], $0x400  }
0x128: {  	s5 =	smov.u32 s1;
	[sflag:s31] =	ssyncset.done $0x0  }
0x129: {  	s4 =	smov.u32 s9;
	s9 =	sadd.s32 $0x100, s9;
	[sflag:s31] =	ssyncadd.s32 $0xFFFFFC00  }
.LBB2_3:
0x12a: {  	_ =	swait.ge [sflag:s31], $0x400  }
0x12b: {  	[sflag:s31] =	ssyncset.done $0x0  }
0x12c: {  	[sflag:s31] =	ssyncadd.s32 $0xFFFFFC00  }
0x12d: {  	_ =	swait.ge [sflag:s31], $0x400  }
0x12e: {  	[sflag:s31] =	ssyncset.done $0x0  }
0x12f: {  	s1 =	sadd.s32 $0x3, s26;
	[sflag:s31] =	ssyncadd.s32 $0xFFFFFC00  }
0x130: {  	p0 =	sge.u32 s1, s7;
	_ =	swait.ge [sflag:s31], $0x400  }
0x131: {  	s1 =	sadd.s32 @!p0 s4, s18;
	[sflag:s31] =	ssyncset.done $0x0  }
0x132: {  	s3 =	simm.s32 @!p0 $0x0;
	s4 =	simm.s32 @!p0 $0xC780;
	[sflag:s31] =	ssyncadd.s32 $0xFFFFFC00  }
0x133: {  	[tilespmem:s4], [sflag:$0x1] =	stream.linear.gather @!p0 [hbm4b:s1+s3], $0x400, $0x38;
	[tilespmem:$0x11380] =	vst v63  }
0x134: {  	s1 =	simm.s32 @!p0 $0xCF80;
	s4 =	sadd.s32 @!p0 s5, s18  }
0x135: {  	[tilespmem:s1], [sflag:$0x1] =	stream.linear.gather @!p0 [hbm4b:s4+s3], $0x400, $0x38;
	[tilespmem:$0x11380] =	vst v63  }
0x136: {  	[bflag:$0x0] =	sbarrier.arrive $0xFFFF  }
0x137: {  	s24 =	sld [smem:$0x7F8]  }
0x138: {  	s3 =	sld [smem:$0x7FC]  }
0x139: {  	s4 =	sld [smem:$0x7FD];
	_ =	sdelay $0x1  }
0x13a: {  	s5 =	simm.s32 $0x4  }
0x13b: {  	[hbm:s24], [sflag:s3] =	dma.local [spmem:s4], $0x1870  }
0x13c: {  	_ =	swait.ge [sflag:s5], $0x1870  }
0x13d: {  	s26 =	sld [smem:$0x7F9];
	_ =	sdelay $0x1  }
0x13e: {  	s0 =	sadd.s32 $0x1, s0  }
0x13f: {  	p0 =	sne.s32 s0, s26  }
.Ltmp2:
0x140: {  	_ = 	snop;
	(pc) =	sbr.rel @p0 .LBB2_1-.Ltmp2, $3  }
0x141: {  	_ =	sdelay $0x1  }
0x142: {  	[sflag:s5] =	ssyncset.done $0x0  }
0x143: {  	[sflag:s5] =	ssyncadd.s32 $0xFFFFE790  }
0x144: {  	_ =	sfence.sel $0x180000  }
0x145: {  	[bflag:$0x0] =	sbarrier.arrive $0xFFFF  }
0x146: {  	_ =	strace $0x90000047  }
0x147: {  	s0 =	stileid.u32;
	[bflag:$0x2] =	sbarrier.arrive $0xFFFF  }
0x148: {  	p0 =	sne.s32 s0, $0x0;
	s0 =	rddreg [dreg:$0x2]  }
0x149: {  	s0 =	sadd.s32 @!p0 $0x100000, s0  }
0x14a: {  	[sflag:s0] =	ssyncadd.tile.s32 @!p0 $0x1;
	_ =	shalt  }
.Lfunc_end2:
_tile_overlayer_lowered:
.L_overlay_start_2:
0x14b: {  	(tag) =	ssettag $0x2  }
0x14c: {  	s0 =	rddreg [dreg:$0x0];
	s2 =	stileid.u32  }
0x14d: {  	s1 =	rddreg [dreg:$0x1];
	p0 =	sne.s32 s2, $0x0  }
0x14e: {  	s3 =	rddreg [dreg:$0x2];
	[bflag:$0x3] =	sbarrier.arrive $0xFFFF;
	s2 =	simm.s32 @!p0 $0x1C04  }
0x14f: {  	[timem:s3], [sflag:s2] =	dma.local @!p0 [hbm:s0], s1  }
0x150: {  	s0 =	simm.s32 @!p0 $0x4  }
0x151: {  	_ =	swait.ge @!p0 [sflag:s0], s1  }
0x152: {  	s1 =	ssub.s32 @!p0 $0x0, s1;
	[sflag:s0] =	ssyncset.done @!p0 $0x0  }
0x153: {  	[sflag:s0] =	ssyncadd.s32 @!p0 s1  }
0x154: {  	[bflag:$0x3] =	sbarrier.arrive $0xFFFF  }
0x155: {  	_ =	shalt  }

// kernel: kernel.8.cloned.1.call-start
scs
__scs_entry_jumppad:
0x0: {  	(pc) =	sbr.rel $0x88, $3  }
0x1: {  	(tag) =	ssettag $0x0;
	lr =	simm.s32 $0x1  }
0x2: {  	[smem:$0x3F9B] =	sst lr;
	_ =	strace $0xD0000000  }
0x3: {  	_ = 	snop  }
0x4: {  	_ = 	snop  }
0x5: {  	_ = 	snop  }
0x6: {  	_ = 	snop  }
0x7: {  	_ = 	snop  }
__scs_overlays_trampoline_lowered:
0x8: {  	[smem:$0x3FAA] =	sst s0  }
0x9: {  	[smem:$0x3FAB] =	sst s1  }
0xa: {  	[smem:$0x3FAC] =	sst s2  }
0xb: {  	[smem:$0x3FAD] =	sst s3  }
0xc: {  	[smem:$0x3FAE] =	sst s4  }
0xd: {  	[smem:$0x3FAF] =	sst s5  }
0xe: {  	[smem:$0x3FB0] =	sst s6  }
0xf: {  	[smem:$0x3FB1] =	sst s7  }
0x10: {  	[smem:$0x3FB2] =	sst s8  }
0x11: {  	[smem:$0x3FB3] =	sst s9;
	s0 =	simm.s32 @!p0 $0x0  }
0x12: {  	s1 =	sld [smem:$0x3F99];
	s0 =	simm.s32 @p0 $0x1  }
0x13: {  	[smem:$0x3FB4] =	sst s0;
	s0 =	simm.s32 @!p1 $0x0  }
0x14: {  	s2 =	sld [smem:$0x3F98];
	s0 =	simm.s32 @p1 $0x1  }
0x15: {  	[smem:$0x3FB5] =	sst s0;
	s0 =	simm.s32 @!p2 $0x0  }
0x16: {  	s3 =	sld [smem:$0x3FDB];
	s0 =	simm.s32 @p2 $0x1  }
0x17: {  	s4 =	simm.s32 $0x1BF5;
	[smem:$0x3FB7] =	sst s0  }
0x18: {  	s0 =	sld [smem:$0x3F9A];
	_ =	swait.ge [sflag:s4], $0x0  }
0x19: {  	s7 =	sld [smem:$0x3F9B]  }
0x1a: {  	s8 =	sadd.s32 $0xFFFFE003, lr  }
0x1b: {  	s9 =	sadd.s32 $0xFFFFFEF7, lr;
	s5 =	simm.s32 $0xFFFFFFFF;
	p2 =	slt.u32 s8, $0xFFFFF086  }
0x1c: {  	p1 =	slt.u32 s9, $0xF7A;
	s5 =	simm.s32 @!p2 $0x0  }
0x1d: {  	s5 =	simm.s32 @p1 $0x1;
	p0 =	seq.s32 s7, s2  }
0x1e: {  	s7 =	smul.u32 @!p0 $0xF7A, s2;
	p2 =	seq.s32 @!p0 s5, $0x0  }
0x1f: {  	s9 =	smul.u32 $0xF7A, s1;
	s8 =	simm.s32 @!p0 $0x1BF5;
	p2 =	por !p2, p0  }
0x20: {  	[sflag:s8] =	ssyncset.s32 @!p0 $0xFFFFF086;
	s6 =	sadd.s32 @!p0 s3, s7;
	s7 =	simm.s32 @!p0 $0x108  }
0x21: {  	s3 =	sadd.s32 s3, s9;
	s6 =	sadd.s32 @!p0 $0x88, s6;
	s7 =	simm.s32 @p2 $0x1082  }
0x22: {  	[simem:s7], [sflag:s8] =	dma.local @!p0 [hbm:s6], $0xF7A  }
0x23: {  	s9 =	sor.u32 $0xD0000000, s2;
	s6 =	simm.s32 $0x108;
	_ =	swait.ge @!p0 [sflag:s8], $0x0  }
0x24: {  	s3 =	sadd.s32 $0x88, s3;
	s6 =	simm.s32 @!p1 $0x1082;
	[sflag:s4] =	ssyncset.s32 $0xFFFFF086  }
0x25: {  	[simem:s6], [sflag:s4] =	dma.local [hbm:s3], $0xF7A  }
0x26: {  	[smem:$0x3F9B] =	sst s1;
	(tag) =	ssettag s2;
	_ =	strace s9  }
0x27: {  	s1 =	sld [smem:$0x3FAB]  }
0x28: {  	s2 =	sld [smem:$0x3FAC]  }
0x29: {  	s4 =	sld [smem:$0x3FAE]  }
0x2a: {  	p0 =	seq.s32 s5, $0x0;
	s5 =	sld [smem:$0x3FAF]  }
0x2b: {  	s6 =	sld [smem:$0x3FB0]  }
0x2c: {  	s7 =	sld [smem:$0x3FB1]  }
0x2d: {  	s3 =	simm.s32 $0x108;
	s8 =	sld [smem:$0x3FB2]  }
0x2e: {  	s3 =	simm.s32 @!p0 $0x1082;
	s9 =	sld [smem:$0x3FB3]  }
0x2f: {  	lr =	sadd.s32 s0, s3;
	s0 =	sld [smem:$0x3FAA]  }
0x30: {  	s3 =	sld [smem:$0x3FAD]  }
0x31: {  	[smem:$0x3FB6] =	sst s10  }
0x32: {  	s10 =	sld [smem:$0x3FB4];
	_ =	sdelay $0x3  }
0x33: {  	p0 =	seq.s32 s10, $0x1;
	s10 =	sld [smem:$0x3FB6];
	_ =	sdelay $0x3  }
0x34: {  	[smem:$0x3FB6] =	sst s10  }
0x35: {  	s10 =	sld [smem:$0x3FB5];
	_ =	sdelay $0x3  }
0x36: {  	p1 =	seq.s32 s10, $0x1;
	s10 =	sld [smem:$0x3FB6];
	_ =	sdelay $0x3  }
0x37: {  	[smem:$0x3FB6] =	sst s10  }
0x38: {  	s10 =	sld [smem:$0x3FB7]  }
0x39: {  	_ = 	snop;
	(pc) =	sbr.ind lr, $3  }
0x3a: {  	_ = 	snop  }
0x3b: {  	_ = 	snop  }
0x3c: {  	p2 =	seq.s32 s10, $0x1;
	s10 =	sld [smem:$0x3FB6]  }
0x3d: {  	_ =	shalt  }
0x3e: {  	_ =	shalt  }
0x3f: {  	_ =	shalt  }
0x40: {  	_ =	shalt  }
0x41: {  	_ =	shalt  }
0x42: {  	_ =	shalt  }
0x43: {  	_ =	shalt  }
0x44: {  	_ =	shalt  }
0x45: {  	_ =	shalt  }
0x46: {  	_ =	shalt  }
0x47: {  	_ =	shalt  }
0x48: {  	_ =	shalt  }
0x49: {  	_ =	shalt  }
0x4a: {  	_ =	shalt  }
0x4b: {  	_ =	shalt  }
0x4c: {  	_ =	shalt  }
0x4d: {  	_ =	shalt  }
0x4e: {  	_ =	shalt  }
0x4f: {  	_ =	shalt  }
0x50: {  	_ =	shalt  }
0x51: {  	_ =	shalt  }
0x52: {  	_ =	shalt  }
0x53: {  	_ =	shalt  }
0x54: {  	_ =	shalt  }
0x55: {  	_ =	shalt  }
0x56: {  	_ =	shalt  }
0x57: {  	_ =	shalt  }
0x58: {  	_ =	shalt  }
0x59: {  	_ =	shalt  }
0x5a: {  	_ =	shalt  }
0x5b: {  	_ =	shalt  }
0x5c: {  	_ =	shalt  }
0x5d: {  	_ =	shalt  }
0x5e: {  	_ =	shalt  }
0x5f: {  	_ =	shalt  }
0x60: {  	_ =	shalt  }
0x61: {  	_ =	shalt  }
0x62: {  	_ =	shalt  }
0x63: {  	_ =	shalt  }
0x64: {  	_ =	shalt  }
0x65: {  	_ =	shalt  }
0x66: {  	_ =	shalt  }
0x67: {  	_ =	shalt  }
0x68: {  	_ =	shalt  }
0x69: {  	_ =	shalt  }
0x6a: {  	_ =	shalt  }
0x6b: {  	_ =	shalt  }
0x6c: {  	_ =	shalt  }
0x6d: {  	_ =	shalt  }
0x6e: {  	_ =	shalt  }
0x6f: {  	_ =	shalt  }
0x70: {  	_ =	shalt  }
0x71: {  	_ =	shalt  }
0x72: {  	_ =	shalt  }
0x73: {  	_ =	shalt  }
0x74: {  	_ =	shalt  }
0x75: {  	_ =	shalt  }
0x76: {  	_ =	shalt  }
0x77: {  	_ =	shalt  }
0x78: {  	_ =	shalt  }
0x79: {  	_ =	shalt  }
0x7a: {  	_ =	shalt  }
0x7b: {  	_ =	shalt  }
0x7c: {  	_ =	shalt  }
0x7d: {  	_ =	shalt  }
0x7e: {  	_ =	shalt  }
0x7f: {  	_ =	shalt  }
0x80: {  	_ =	shalt  }
0x81: {  	_ =	shalt  }
0x82: {  	_ =	shalt  }
0x83: {  	_ =	shalt  }
0x84: {  	_ =	shalt  }
0x85: {  	_ =	shalt  }
0x86: {  	_ =	shalt  }
0x87: {  	_ =	shalt  }
.Lfunc_end0:
.L_simem_size_0:
called_computation.1_lowered:
.L_overlay_start_0:
0x88: {  	s2 =	sld [smem:$0x3FD9]  }
0x89: {  	s3 =	sld [smem:$0x3FFE];
	_ =	sdelay $0x1  }
0x8a: {  	s1 =	srdreg.scid  }
0x8b: {  	s0 =	sand.u32 $0x1, s1  }
0x8c: {  	s16 =	sshll.u32 s0, $0xA;
	s2 =	sadd.s32 s3, s2  }
0x8d: {  	s2 =	sadd.s32 s2, s16  }
0x8e: {  	[smem:$0x3FC2] =	sst s2  }
0x8f: {  	_ = 	snop  }
0x90: {  	(tm) =	ssettm $0x1  }
0x91: {  	s17 =	sld [smem:$0x3FFB];
	_ =	sdelay $0x3  }
0x92: {  	_ =	strace s17  }
0x93: {  	s2 =	sld [smem:$0x3FFC];
	_ =	sdelay $0x3  }
0x94: {  	_ =	strace s2  }
0x95: {  	s2 =	sld [smem:$0x3FFD];
	_ =	sdelay $0x3  }
0x96: {  	_ =	strace s2  }
0x97: {  	_ =	strace $0x8FFFFFFF  }
0x98: {  	s18 =	sld [smem:$0x3FDB];
	_ =	sdelay $0x1  }
0x99: {  	s19 =	simm.s32 $_scs_section_size  }
0x9a: {  	s4 =	simm.s32 $_size__tile_overlayer_lowered;
	s5 =	simm.s32 $_tile_overlayer_lowered  }
0x9b: {  	s22 =	simm.s32 $0x1BFF;
	s21 =	sshll.u32 s5, $0x1;
	s2 =	sadd.s32 s19, s18  }
0x9c: {  	s6 =	simm.s32 $0x0;
	s20 =	sshll.u32 s4, $0x1;
	s4 =	sadd.s32 s21, s2  }
0x9d: {  	[timem:s6], [sflag:s22] =	dma.local [hbm:s4], s20  }
0x9e: {  	_ =	swait.ge [sflag:s22], s20  }
0x9f: {  	s3 =	ssub.s32 $0x0, s20;
	[sflag:s22] =	ssyncset.done $0x0  }
0xa0: {  	[sflag:s22] =	ssyncadd.s32 s3;
	_ =	sdelay $0x1  }
0xa1: {  	s23 =	simm.s32 $0x1B8B  }
0xa2: {  	_ =	swait.ge [sflag:s23], $0x1  }
0xa3: {  	[sflag:s23] =	ssyncset.done $0x0  }
0xa4: {  	s25 =	simm.s32 $0x1B8E;
	s24 =	sld [smem:$0x3FFE];
	[sflag:s23] =	ssyncadd.s32 $0xFFFFFFFF  }
0xa5: {  	s26 =	simm.s32 $execute0_lowered;
	[smem:$0x3FD2] =	sst s25  }
0xa6: {  	s4 =	sshll.u32 s26, $0x1;
	_ =	strace $0x80000049;
	[dreg:$0x1] =	wrdreg $0xFFFFFFFF  }
0xa7: {  	s28 =	simm.s32 $_size_execute0_lowered;
	s2 =	sadd.s32 s2, s4;
	[dreg:$0x0] =	wrdreg $0x0  }
0xa8: {  	s4 =	sshll.u32 s28, $0x1;
	[dreg:$0x2] =	wrdreg s2  }
0xa9: {  	[dreg:$0x3] =	wrdreg s4  }
0xaa: {  	[dreg:$0x4] =	wrdreg $0xC0  }
0xab: {  	_ =	task [dreg:s6], $0x5FFFF  }
0xac: {  	[dreg:$0x1] =	wrdreg $0xFFFFFFFF  }
0xad: {  	[dreg:$0x0] =	wrdreg $0x60  }
0xae: {  	[dreg:$0x2] =	wrdreg s24  }
0xaf: {  	[dreg:$0x3] =	wrdreg $0x0  }
0xb0: {  	[dreg:$0x4] =	wrdreg $0x18700  }
0xb1: {  	[dreg:$0x5] =	wrdreg $0x9  }
0xb2: {  	_ =	task.clear_ibuf [dreg:s6], $0x6FFFF;
	_ =	strace $0x90000049  }
0xb3: {  	s29 =	simm.s32 $0x9;
	_ =	strace $0x8000004B  }
0xb4: {  	_ =	swait.ge [sflag:s29], $0x1  }
0xb5: {  	[sflag:s29] =	ssyncadd.s32 $0xFFFFFFFF  }
0xb6: {  	_ =	strace $0x9000004B  }
0xb7: {  	_ =	sfence  }
0xb8: {  	s30 =	sld [smem:$0x0];
	_ =	sdelay $0x2  }
0xb9: {  	s31 =	sshll.u32 s1, $0xD;
	s1 =	sshrl.u32 s1, $0x2  }
0xba: {  	s3 =	sand.u32 $0x4000, s31;
	s1 =	sadd.s32 s1, s30  }
0xbb: {  	s0 =	sor.u32 s3, s0;
	s1 =	sshll.u32 s1, $0x11  }
0xbc: {  	s0 =	sor.u32 s1, s0  }
0xbd: {  	s0 =	sadd.s32 $0x8F2B, s0  }
0xbe: {  	[sflag:s0] =	ssyncadd.remote.s32 $0x1  }
0xbf: {  	_ =	sfence.sel $0xFFFF  }
0xc0: {  	[dreg:$0x0] =	wrdreg $0xFFFFFFFF;
	(pc) =	sbr.abs _section_cstart, $3  }
0xc1: {  	[dreg:$0x1] =	wrdreg $0xFFFFFFFF  }
0xc2: {  	_ =	task.clear_ibuf [dreg:s6], $0x2FFFF;
	_ =	strace $0x9FFFFFFF  }
0xc3: {  	(tm) =	ssettm $0x7FFFFFFF  }
tec
execute0_lowered:
.L_overlay_start_1:
0x0: {  	(tag) =	ssettag $0x1  }
0x1: {  	s2 =	rddreg [dreg:$0x0]  }
0x2: {  	s1 =	rddreg [dreg:$0x1]  }
0x3: {  	s3 =	rddreg [dreg:$0x2];
	s0 =	simm.s32 $0x0  }
0x4: {  	s21 =	simm.s32 $0x11550;
	[smem:$0x7FF] =	sst s0  }
0x5: {  	s22 =	simm.s32 $0x11D50;
	_ =	strace $0x8000004A;
	[dreg:$0x5] =	wrdreg s21  }
0x6: {  	s24 =	simm.s32 $0x115D0;
	[dreg:$0x6] =	wrdreg s22  }
0x7: {  	s25 =	simm.s32 $0x11DD0;
	[dreg:$0x7] =	wrdreg s24  }
0x8: {  	s26 =	simm.s32 $0x11650;
	[dreg:$0x8] =	wrdreg s25  }
0x9: {  	s15 =	simm.s32 $0x116D0;
	[dreg:$0x9] =	wrdreg s26  }
0xa: {  	s17 =	simm.s32 $0x11ED0;
	[dreg:$0xb] =	wrdreg s15  }
0xb: {  	s20 =	srdreg.scid;
	s18 =	simm.s32 $0x11750;
	[dreg:$0xc] =	wrdreg s17  }
0xc: {  	s0 =	sand.u32 $0x1, s20;
	s20 =	simm.s32 $0x11F50;
	[dreg:$0xd] =	wrdreg s18  }
0xd: {  	s13 =	sadd.s32 $0x1600, s2;
	[dreg:$0xe] =	wrdreg s20  }
0xe: {  	s12 =	stileid.u32;
	s14 =	sadd.s32 $0xC4C00, s2;
	[smem:$0x7F4] =	sst s13  }
0xf: {  	s7 =	simm.s32 $0xAE;
	s21 =	simm.s32 $0x117D0;
	[smem:$0x7F6] =	sst s14  }
0x10: {  	s28 =	simm.s32 $0x114D0;
	s22 =	simm.s32 $0x11FD0;
	[dreg:$0xf] =	wrdreg s21  }
0x11: {  	s31 =	simm.s32 $0x11CD0;
	s24 =	simm.s32 $0x12050;
	[dreg:$0x10] =	wrdreg s22  }
0x12: {  	s4 =	smul.u32 $0xC380, s12;
	s26 =	simm.s32 $0x120D0;
	[dreg:$0x12] =	wrdreg s24  }
0x13: {  	s6 =	smul.u32 $0x1870, s12;
	s17 =	simm.s32 $0x12250;
	[dreg:$0x13] =	wrdreg s26  }
0x14: {  	s8 =	smul.u32 $0x18700, s0;
	s18 =	simm.s32 $0x11AD0;
	[dreg:$0x19] =	wrdreg s17  }
0x15: {  	s23 =	ssub.s32 $0x2, s0;
	s20 =	simm.s32 $0x122D0;
	[dreg:$0x1a] =	wrdreg s18  }
0x16: {  	s4 =	sshrl.u32 s4, $0x3;
	s29 =	sadd.s32 s6, s1;
	[dreg:$0x1b] =	wrdreg s20  }
0x17: {  	s9 =	sshrl.u32 s6, $0x3;
	s22 =	simm.s32 $0x11B50;
	[smem:$0x7ED] =	sst s29  }
0x18: {  	s11 =	sshrl.u32 s23, $0x1;
	s24 =	simm.s32 $0x11BD0;
	[dreg:$0x1c] =	wrdreg s22  }
0x19: {  	s26 =	simm.s32 $0x11C50;
	s9 =	sadd.s32 s9, s2;
	[dreg:$0x1e] =	wrdreg s24  }
0x1a: {  	s8 =	sadd.s32 s6, s8;
	s6 =	sadd.s32 s6, s3;
	[smem:$0x7FB] =	sst s26  }
0x1b: {  	s11 =	ssub.s32 s23, s11;
	s23 =	simm.s32 $0x11850;
	[smem:$0x7F1] =	sst s6  }
0x1c: {  	s4 =	sadd.s32 s4, s2;
	s9 =	sadd.s32 $0x188200, s9;
	[dreg:$0x11] =	wrdreg s23  }
0x1d: {  	s16 =	sshll.u32 s12, $0x6;
	s19 =	sadd.s32 $0x1B9200, s4;
	[smem:$0x7EE] =	sst s9  }
0x1e: {  	s5 =	sshll.u32 s0, $0x4;
	s4 =	sadd.s32 $0x1D1900, s4;
	[smem:$0x7EF] =	sst s19  }
0x1f: {  	s5 =	sor.u32 s12, s5;
	s6 =	simm.s32 $0x11950;
	[smem:$0x7F0] =	sst s4  }
0x20: {  	p0 =	seq.s32 s5, $0x1F;
	s21 =	smax.u32 s11, $0x1;
	[dreg:$0x14] =	wrdreg s6  }
0x21: {  	s7 =	simm.s32 @!p0 $0xC4;
	s23 =	simm.s32 $0x12350;
	[smem:$0x7FA] =	sst s21  }
0x22: {  	s8 =	sshrl.u32 s8, $0x3;
	s10 =	sadd.s32 $0xFFFFFFFF, s7;
	[dreg:$0x1d] =	wrdreg s23  }
0x23: {  	s2 =	sadd.s32 s8, s2;
	s8 =	simm.s32 $0x12150;
	[dreg:$0x4] =	wrdreg s10  }
0x24: {  	s5 =	smul.u32 $0x31000, s5;
	s15 =	sshrl.u32 s7, $0x1;
	[dreg:$0x15] =	wrdreg s8  }
0x25: {  	s9 =	sor.u32 $0x1C04, s16;
	s16 =	simm.s32 $0x11A50;
	[smem:$0x7F8] =	sst s15  }
0x26: {  	s30 =	simm.s32 $0x2;
	s0 =	smul.u32 $0x310000, s0;
	[dreg:$0x18] =	wrdreg s16  }
0x27: {  	s5 =	sshrl.u32 s5, $0x3;
	s10 =	simm.s32 $0x11E50;
	[smem:$0x7FD] =	sst s9  }
0x28: {  	s24 =	simm.s32 $0x30E0;
	s25 =	sadd.s32 s13, s5;
	[dreg:$0xa] =	wrdreg s10  }
0x29: {  	s19 =	smul.u32 $0x31000, s12;
	s29 =	sadd.s32 s14, s5;
	[smem:$0x7F2] =	sst s25  }
0x2a: {  	s5 =	sor.u32 $0x80, s5;
	s2 =	sadd.s32 $0x18B400, s2;
	[smem:$0x7F3] =	sst s29  }
0x2b: {  	s23 =	simm.s32 $0x4;
	s10 =	sadd.s32 s13, s5;
	[smem:$0x7F9] =	sst s2  }
0x2c: {  	s6 =	simm.s32 $0x0;
	s5 =	sadd.s32 s14, s5;
	[smem:$0x7F5] =	sst s10  }
0x2d: {  	s8 =	simm.s32 $0xF460;
	s13 =	simm.s32 $0x119D0;
	[smem:$0x7F7] =	sst s5  }
0x2e: {  	s14 =	simm.s32 $0x121D0;
	s0 =	sadd.s32 s19, s0;
	[dreg:$0x16] =	wrdreg s13  }
0x2f: {  	s25 =	simm.s32 $0x123D0;
	s29 =	simm.s32 $0x12450;
	[dreg:$0x17] =	wrdreg s14  }
0x30: {  	s2 =	simm.s32 $0x118D0;
	s4 =	sor.u32 $0x800, s0;
	[dreg:$0x1f] =	wrdreg s25  }
0x31: {  	v0 =	vlaneseq.u32;
	s0 =	sor.u32 $0xC00, s0;
	[smem:$0x7FC] =	sst s29;
	s21 =	sshrl.u32 s4, $0x3  }
0x32: {  	v0 =	vmul.u32 $0x8, v0;
	s22 =	sshrl.u32 s0, $0x3;
	s0 =	simm.s32 $0x80;
	s4 =	simm.s32 $0x3  }
.LBB2_1:
0x33: {  	s5 =	sld [smem:$0x7ED];
	_ =	sdelay $0x1  }
0x34: {  	s19 =	sld [smem:$0x7EE]  }
0x35: {  	[smem:$0x7EB] =	sst s6;
	s18 =	sshrl.u32 s5, $0x3  }
0x36: {  	s20 =	simm.s32 $0x0;
	[smem:$0x7EC] =	sst s18  }
0x37: {  	[spmem:s18], [sflag:s9] =	dma.local [hbm:s19], $0x30E  }
0x38: {  	v1 =	vmov s20;
	_ =	swait.ge [sflag:s23], $0x30E  }
0x39: {  	v1 =	vshll.u32 v1, $0x3;
	s25 =	sld [smem:$0x7EF]  }
0x3a: {  	v1 =	vor.u32 v0, v1;
	[sflag:s23] =	ssyncset.done $0x0  }
0x3b: {  	v1 =	vor.u32 $0x6, v1;
	[sflag:s23] =	ssyncadd.s32 $0xFFFFFCF2  }
0x3c: {  	[tilespmem:s24], [sflag:$0x4] =	stream.linear.gather [hbm4b:s25+s20], $0xC380, $0x38;
	[tilespmem:$0x124D0] =	vst v63  }
0x3d: {  	_ =	swait.ge [sflag:s23], $0xC380  }
0x3e: {  	[sflag:s23] =	ssyncset.done $0x0  }
0x3f: {  	s26 =	simm.s32 $0x10;
	[sflag:s23] =	ssyncadd.s32 $0xFFFF3C80  }
0x40: {  	v3 =	vld.idx.msk [tilespmem:v1+s24+$0x0], $0xffff;
	v1 =	vmov s26  }
0x41: {  	v1 =	vshll.u32 v1, $0x3  }
0x42: {  	v1 =	vor.u32 v0, v1  }
0x43: {  	v1 =	vor.u32 $0x6, v1;
	_ =	sdelay $0x2  }
0x44: {  	s29 =	simm.s32 $0x20  }
0x45: {  	s6 =	simm.s32 $0x30;
	v2 =	vmov s29;
	s5 =	simm.s32 $0xF460;
	[tilespmem:s8+$0x0] =	vst v3  }
.LBB2_2:
0x46: {  	p0 =	sne.s32 s6, $0x1860;
	v2 =	vshll.u32 v2, $0x3;
	v3 =	vld.idx.msk [tilespmem:v1+s24+$0x0], $0xffff  }
0x47: {  	v1 =	vor.u32 v0, v2  }
.Ltmp0:
0x48: {  	v1 =	vor.u32 $0x6, v1;
	(pc) =	sbr.rel @p0 .LBB2_2-.Ltmp0, $3  }
0x49: {  	_ =	sdelay $0x1  }
0x4a: {  	s5 =	sadd.s32 $0x10, s5  }
0x4b: {  	v2 =	vmov s6;
	s6 =	sadd.s32 $0x10, s6;
	[tilespmem:s5+$0x0] =	vst v3  }
0x4c: {  	_ =	sdelay $0x2  }
0x4d: {  	v2 =	vshll.u32 v2, $0x3  }
0x4e: {  	v1 =	vld.idx.msk [tilespmem:v1+s24+$0x0], $0xffff;
	v2 =	vor.u32 v0, v2  }
0x4f: {  	v2 =	vor.u32 $0x6, v2;
	_ =	sdelay $0x2  }
0x50: {  	s5 =	sadd.s32 $0x10, s5  }
0x51: {  	[tilespmem:s5+$0x0] =	vst v1  }
0x52: {  	v1 =	vld.idx.msk [tilespmem:v2+s24+$0x0], $0xffff  }
0x53: {  	s6 =	simm.s32 $0x0  }
0x54: {  	v2 =	vmov s6  }
0x55: {  	s26 =	sld [smem:$0x7F0];
	v2 =	vshll.u32 v2, $0x3  }
0x56: {  	s5 =	sadd.s32 $0x10, s5;
	v2 =	vor.u32 v0, v2  }
0x57: {  	[tilespmem:s5+$0x0] =	vst v1;
	v1 =	vor.u32 $0x6, v2  }
0x58: {  	[tilespmem:s24], [sflag:$0x4] =	stream.linear.gather [hbm4b:s26+s6], $0xC380, $0x38;
	[tilespmem:$0x124D0] =	vst v63  }
0x59: {  	_ =	swait.ge [sflag:s23], $0xC380  }
0x5a: {  	[sflag:s23] =	ssyncset.done $0x0  }
0x5b: {  	[sflag:s23] =	ssyncadd.s32 $0xFFFF3C80  }
0x5c: {  	s5 =	simm.s32 $0xF460;
	v1 =	vld.idx.msk [tilespmem:v1+s24+$0x0], $0xffff  }
0x5d: {  	v2 =	vld [tilespmem:s5+$0x0];
	_ =	sdelay $0x4  }
0x5e: {  	v1 =	vadd.f32 v2, v1;
	_ =	sdelay $0x1  }
0x5f: {  	(erf) = vrcp.f32 v1;
	_ =	sdelay $0x1  }
0x60: {  	s29 =	simm.s32 $0x10  }
0x61: {  	s6 =	simm.s32 $0x20;
	v1 =	vmov s29  }
.LBB2_4:
0x62: {  	p0 =	sne.s32 s6, $0x1860;
	v1 =	vshll.u32 v1, $0x3  }
0x63: {  	v1 =	vor.u32 v0, v1  }
0x64: {  	v1 =	vor.u32 $0x6, v1;
	_ =	sdelay $0x2  }
0x65: {  	v2 =	vpop (erf)  }
0x66: {  	[tilespmem:s5+$0x0] =	vst v2  }
0x67: {  	s5 =	sadd.s32 $0x10, s5;
	v1 =	vld.idx.msk [tilespmem:v1+s24+$0x0], $0xffff  }
0x68: {  	v2 =	vld [tilespmem:s5+$0x0];
	_ =	sdelay $0x4  }
0x69: {  	v1 =	vadd.f32 v2, v1  }
.Ltmp1:
0x6a: {  	(pc) =	sbr.rel @p0 .LBB2_4-.Ltmp1, $2  }
0x6b: {  	(erf) = vrcp.f32 v1;
	_ =	sdelay $0x2  }
0x6c: {  	v1 =	vmov s6;
	s6 =	sadd.s32 $0x10, s6  }
0x6d: {  	v1 =	vshll.u32 v1, $0x3  }
0x6e: {  	v1 =	vor.u32 v0, v1  }
0x6f: {  	v1 =	vor.u32 $0x6, v1;
	_ =	sdelay $0x2  }
0x70: {  	v2 =	vpop (erf)  }
0x71: {  	[tilespmem:s5+$0x0] =	vst v2  }
0x72: {  	s10 =	sadd.s32 $0x10, s5;
	v1 =	vld.idx.msk [tilespmem:v1+s24+$0x0], $0xffff  }
0x73: {  	v2 =	vld [tilespmem:s10+$0x0];
	_ =	sdelay $0x4  }
0x74: {  	v1 =	vadd.f32 v2, v1;
	_ =	sdelay $0x1  }
0x75: {  	(erf) = vrcp.f32 v1;
	_ =	sdelay $0x7  }
0x76: {  	s11 =	sld [smem:$0x7F1]  }
0x77: {  	v1 =	vpop (erf)  }
0x78: {  	[tilespmem:s10+$0x0] =	vst v1  }
0x79: {  	[spmem:s11] =	stream.linear.scatter [tilespmem:s8], [sflag:$0x4], $0x1870, $0x38;
	[tilespmem:$0x124D0] =	vst v63  }
0x7a: {  	_ =	swait.ge [sflag:s23], $0x1870  }
0x7b: {  	[sflag:s23] =	ssyncset.done $0x0  }
0x7c: {  	[sflag:s23] =	ssyncadd.s32 $0xFFFFE790  }
0x7d: {  	[bflag:$0x0] =	sbarrier.arrive $0xFFFF  }
0x7e: {  	s12 =	sld [smem:$0x7F2];
	_ =	sdelay $0x1  }
0x7f: {  	s6 =	simm.s32 $0x10CD0;
	s11 =	simm.s32 $0x0;
	s13 =	sld [smem:$0x7F3]  }
0x80: {  	[tilespmem:s6], [sflag:$0x1] =	stream.linear.gather [hbm4b:s12+s11], $0x400, $0x38;
	[tilespmem:$0x124D0] =	vst v63  }
0x81: {  	s14 =	simm.s32 $0x1  }
0x82: {  	[tilespmem:s28], [sflag:$0x1] =	stream.linear.gather [hbm4b:s13+s11], $0x400, $0x38;
	[tilespmem:$0x124D0] =	vst v63  }
0x83: {  	_ =	swait.ge [sflag:s14], $0x400  }
0x84: {  	[sflag:s14] =	ssyncset.done $0x0  }
0x85: {  	[sflag:s14] =	ssyncadd.s32 $0xFFFFFC00  }
0x86: {  	_ =	swait.ge [sflag:s14], $0x400  }
0x87: {  	[sflag:s14] =	ssyncset.done $0x0  }
0x88: {  	s15 =	simm.s32 $0x400;
	s16 =	sld [smem:$0x7F5];
	[sflag:s14] =	ssyncadd.s32 $0xFFFFFC00  }
0x89: {  	[tilespmem:s31], [sflag:$0x2] =	stream.indirect.gather [spmem:s3], $0x1, s6, s15, $0xb8;
	[tilespmem:$0x124D0] =	vst v63  }
0x8a: {  	s17 =	simm.s32 $0x110D0;
	s18 =	sld [smem:$0x7F7]  }
0x8b: {  	[tilespmem:s17], [sflag:$0x1] =	stream.linear.gather [hbm4b:s16+s11], $0x400, $0x38;
	[tilespmem:$0x124D0] =	vst v63  }
0x8c: {  	_ = 	snop  }
0x8d: {  	[tilespmem:s2], [sflag:$0x1] =	stream.linear.gather [hbm4b:s18+s11], $0x400, $0x38;
	[tilespmem:$0x124D0] =	vst v63  }
0x8e: {  	_ =	swait.ge [sflag:s30], $0x400  }
0x8f: {  	s19 =	rddreg [dreg:$0x4]  }
0x90: {  	[sflag:s30] =	ssyncset.done $0x0;
	p0 =	sle.u32 s19, $0x0  }
0x91: {  	[sflag:s30] =	ssyncadd.s32 $0xFFFFFC00;
	s5 =	simm.s32 @!p0 $0x1  }
0x92: {  	_ =	swait.ge @!p0 [sflag:s5], $0x400  }
0x93: {  	[sflag:s5] =	ssyncset.done @!p0 $0x0  }
0x94: {  	[sflag:s5] =	ssyncadd.s32 @!p0 $0xFFFFFC00  }
0x95: {  	_ =	swait.ge @!p0 [sflag:s5], $0x400  }
0x96: {  	s12 =	rddreg [dreg:$0x10]  }
0x97: {  	s14 =	rddreg [dreg:$0xc]  }
0x98: {  	s15 =	rddreg [dreg:$0x5]  }
0x99: {  	s6 =	simm.s32 @!p0 $0x120D0;
	s20 =	rddreg [dreg:$0x6]  }
0x9a: {  	s13 =	simm.s32 @!p0 $0x110D0;
	[sflag:s5] =	ssyncset.done @!p0 $0x0;
	s25 =	rddreg [dreg:$0x8]  }
0x9b: {  	s26 =	rddreg [dreg:$0x7];
	[sflag:s5] =	ssyncadd.s32 @!p0 $0xFFFFFC00;
	s5 =	simm.s32 @!p0 $0x400  }
0x9c: {  	[tilespmem:s6], [sflag:$0x2] =	stream.indirect.gather @!p0 [spmem:s3], $0x1, s13, s5, $0xb8;
	[tilespmem:$0x124D0] =	vst v63  }
0x9d: {  	s29 =	rddreg [dreg:$0xa]  }
0x9e: {  	[spmem:s1] =	stream.indirect.scatter.add.f32 [tilespmem:s31], [sflag:$0x3], $0x1, s28, s0, $0xb8;
	[tilespmem:$0x124D0] =	vst v63  }
0x9f: {  	s8 =	rddreg [dreg:$0x9]  }
0xa0: {  	[spmem:s1] =	stream.indirect.scatter.add.f32 [tilespmem:s20], [sflag:$0x3], $0x1, s15, s0, $0xb8;
	[tilespmem:$0x124D0] =	vst v63  }
0xa1: {  	s9 =	rddreg [dreg:$0xb]  }
0xa2: {  	[spmem:s1] =	stream.indirect.scatter.add.f32 [tilespmem:s25], [sflag:$0x3], $0x1, s26, s0, $0xb8;
	[tilespmem:$0x124D0] =	vst v63  }
0xa3: {  	s10 =	rddreg [dreg:$0xe]  }
0xa4: {  	[spmem:s1] =	stream.indirect.scatter.add.f32 [tilespmem:s29], [sflag:$0x3], $0x1, s8, s0, $0xb8;
	[tilespmem:$0x124D0] =	vst v63  }
0xa5: {  	s16 =	rddreg [dreg:$0xd]  }
0xa6: {  	[spmem:s1] =	stream.indirect.scatter.add.f32 [tilespmem:s14], [sflag:$0x3], $0x1, s9, s0, $0xb8;
	[tilespmem:$0x124D0] =	vst v63  }
0xa7: {  	s17 =	rddreg [dreg:$0xf]  }
0xa8: {  	[spmem:s1] =	stream.indirect.scatter.add.f32 [tilespmem:s10], [sflag:$0x3], $0x1, s16, s0, $0xb8;
	[tilespmem:$0x124D0] =	vst v63  }
0xa9: {  	s18 =	rddreg [dreg:$0x12]  }
0xaa: {  	[spmem:s1] =	stream.indirect.scatter.add.f32 [tilespmem:s12], [sflag:$0x3], $0x1, s17, s0, $0xb8;
	[tilespmem:$0x124D0] =	vst v63  }
0xab: {  	s19 =	rddreg [dreg:$0x11]  }
0xac: {  	[spmem:s1] =	stream.indirect.scatter.add.f32 [tilespmem:s18], [sflag:$0x3], $0x1, s19, s0, $0xb8;
	[tilespmem:$0x124D0] =	vst v63  }
0xad: {  	_ =	swait.ge [sflag:s4], $0x80  }
0xae: {  	[sflag:s4] =	ssyncset.done $0x0  }
0xaf: {  	[sflag:s4] =	ssyncadd.s32 $0xFFFFFF80  }
0xb0: {  	_ =	swait.ge [sflag:s4], $0x80  }
0xb1: {  	[sflag:s4] =	ssyncset.done $0x0  }
0xb2: {  	[sflag:s4] =	ssyncadd.s32 $0xFFFFFF80  }
0xb3: {  	_ =	swait.ge [sflag:s4], $0x80  }
0xb4: {  	[sflag:s4] =	ssyncset.done $0x0  }
0xb5: {  	[sflag:s4] =	ssyncadd.s32 $0xFFFFFF80  }
0xb6: {  	_ =	swait.ge [sflag:s4], $0x80  }
0xb7: {  	[sflag:s4] =	ssyncset.done $0x0  }
0xb8: {  	[sflag:s4] =	ssyncadd.s32 $0xFFFFFF80  }
0xb9: {  	_ =	swait.ge [sflag:s4], $0x80  }
0xba: {  	[sflag:s4] =	ssyncset.done $0x0  }
0xbb: {  	[sflag:s4] =	ssyncadd.s32 $0xFFFFFF80  }
0xbc: {  	_ =	swait.ge [sflag:s4], $0x80  }
0xbd: {  	[sflag:s4] =	ssyncset.done $0x0  }
0xbe: {  	[sflag:s4] =	ssyncadd.s32 $0xFFFFFF80  }
0xbf: {  	_ =	swait.ge [sflag:s4], $0x80  }
0xc0: {  	[sflag:s4] =	ssyncset.done $0x0  }
0xc1: {  	[sflag:s4] =	ssyncadd.s32 $0xFFFFFF80  }
0xc2: {  	_ =	swait.ge [sflag:s4], $0x80  }
0xc3: {  	p0 =	sle.u32 s7, $0x2;
	[sflag:s4] =	ssyncset.done $0x0  }
0xc4: {  	s5 =	simm.s32 @p0 $0x2;
	[sflag:s4] =	ssyncadd.s32 $0xFFFFFF80  }
0xc5: {  	_ =	swait.ge @p0 [sflag:s5], $0x400  }
0xc6: {  	s8 =	sld [smem:$0x7F4];
	_ =	sdelay $0x1  }
0xc7: {  	s6 =	simm.s32 @!p0 $0x10CD0;
	[sflag:s5] =	ssyncset.done @p0 $0x0;
	s9 =	sld [smem:$0x7F6]  }
0xc8: {  	s12 =	simm.s32 @!p0 $0x0;
	[sflag:s5] =	ssyncadd.s32 @p0 $0xFFFFFC00;
	s5 =	sadd.s32 @!p0 s8, s21  }
0xc9: {  	[tilespmem:s6], [sflag:$0x1] =	stream.linear.gather @!p0 [hbm4b:s5+s12], $0x400, $0x38;
	[tilespmem:$0x124D0] =	vst v63  }
0xca: {  	s13 =	simm.s32 @!p0 $0x114D0;
	s14 =	simm.s32 @!p0 $0x2;
	s5 =	sadd.s32 @!p0 s9, s21  }
0xcb: {  	[tilespmem:s13], [sflag:$0x1] =	stream.linear.gather @!p0 [hbm4b:s5+s12], $0x400, $0x38;
	[tilespmem:$0x124D0] =	vst v63  }
0xcc: {  	_ =	swait.ge @!p0 [sflag:s14], $0x400  }
0xcd: {  	[sflag:s14] =	ssyncset.done @!p0 $0x0  }
0xce: {  	s5 =	simm.s32 @!p0 $0x1;
	[sflag:s14] =	ssyncadd.s32 @!p0 $0xFFFFFC00  }
0xcf: {  	_ =	swait.ge @!p0 [sflag:s5], $0x400  }
0xd0: {  	[sflag:s5] =	ssyncset.done @!p0 $0x0  }
0xd1: {  	[sflag:s5] =	ssyncadd.s32 @!p0 $0xFFFFFC00  }
0xd2: {  	_ =	swait.ge @!p0 [sflag:s5], $0x400  }
0xd3: {  	s12 =	sld [smem:$0x7FC]  }
0xd4: {  	s20 =	rddreg [dreg:$0x16]  }
0xd5: {  	s25 =	rddreg [dreg:$0x13]  }
0xd6: {  	s26 =	rddreg [dreg:$0x14]  }
0xd7: {  	s29 =	rddreg [dreg:$0x15]  }
0xd8: {  	s10 =	rddreg [dreg:$0x17]  }
0xd9: {  	s15 =	simm.s32 @!p0 $0x11CD0;
	[sflag:s5] =	ssyncset.done @!p0 $0x0;
	s16 =	rddreg [dreg:$0x18]  }
0xda: {  	s14 =	simm.s32 @!p0 $0x400;
	s17 =	rddreg [dreg:$0x1b];
	[sflag:s5] =	ssyncadd.s32 @!p0 $0xFFFFFC00  }
0xdb: {  	[tilespmem:s15], [sflag:$0x2] =	stream.indirect.gather @!p0 [spmem:s3], $0x1, s6, s14, $0xb8;
	[tilespmem:$0x124D0] =	vst v63  }
0xdc: {  	s18 =	rddreg [dreg:$0x1a]  }
0xdd: {  	[spmem:s1] =	stream.indirect.scatter.add.f32 [tilespmem:s25], [sflag:$0x3], $0x1, s2, s0, $0xb8;
	[tilespmem:$0x124D0] =	vst v63  }
0xde: {  	s19 =	rddreg [dreg:$0x1d]  }
0xdf: {  	[spmem:s1] =	stream.indirect.scatter.add.f32 [tilespmem:s29], [sflag:$0x3], $0x1, s26, s0, $0xb8;
	[tilespmem:$0x124D0] =	vst v63  }
0xe0: {  	s5 =	rddreg [dreg:$0x1f]  }
0xe1: {  	[spmem:s1] =	stream.indirect.scatter.add.f32 [tilespmem:s10], [sflag:$0x3], $0x1, s20, s0, $0xb8;
	[tilespmem:$0x124D0] =	vst v63  }
0xe2: {  	s15 =	rddreg [dreg:$0x19]  }
0xe3: {  	[spmem:s1] =	stream.indirect.scatter.add.f32 [tilespmem:s15], [sflag:$0x3], $0x1, s16, s0, $0xb8;
	[tilespmem:$0x124D0] =	vst v63  }
0xe4: {  	s25 =	rddreg [dreg:$0x1e]  }
0xe5: {  	[spmem:s1] =	stream.indirect.scatter.add.f32 [tilespmem:s17], [sflag:$0x3], $0x1, s18, s0, $0xb8;
	[tilespmem:$0x124D0] =	vst v63  }
0xe6: {  	s20 =	rddreg [dreg:$0x1c]  }
0xe7: {  	[spmem:s1] =	stream.indirect.scatter.add.f32 [tilespmem:s19], [sflag:$0x3], $0x1, s20, s0, $0xb8;
	[tilespmem:$0x124D0] =	vst v63  }
0xe8: {  	s26 =	sld [smem:$0x7FB]  }
0xe9: {  	[spmem:s1] =	stream.indirect.scatter.add.f32 [tilespmem:s5], [sflag:$0x3], $0x1, s25, s0, $0xb8;
	[tilespmem:$0x124D0] =	vst v63  }
0xea: {  	_ = 	snop  }
0xeb: {  	[spmem:s1] =	stream.indirect.scatter.add.f32 [tilespmem:s12], [sflag:$0x3], $0x1, s26, s0, $0xb8;
	[tilespmem:$0x124D0] =	vst v63  }
0xec: {  	_ =	swait.ge [sflag:s4], $0x80  }
0xed: {  	[sflag:s4] =	ssyncset.done $0x0  }
0xee: {  	[sflag:s4] =	ssyncadd.s32 $0xFFFFFF80  }
0xef: {  	_ =	swait.ge [sflag:s4], $0x80  }
0xf0: {  	[sflag:s4] =	ssyncset.done $0x0  }
0xf1: {  	[sflag:s4] =	ssyncadd.s32 $0xFFFFFF80  }
0xf2: {  	_ =	swait.ge [sflag:s4], $0x80  }
0xf3: {  	[sflag:s4] =	ssyncset.done $0x0  }
0xf4: {  	[sflag:s4] =	ssyncadd.s32 $0xFFFFFF80  }
0xf5: {  	_ =	swait.ge [sflag:s4], $0x80  }
0xf6: {  	s29 =	sld [smem:$0x7F8];
	_ =	sdelay $0x2  }
0xf7: {  	s13 =	sadd.s32 $0xFFFFFFFF, s29  }
0xf8: {  	p0 =	sne.s32 s13, $0x0  }
.Ltmp2:
0xf9: {  	[sflag:s4] =	ssyncset.done $0x0;
	(pc) =	sbr.rel @!p0 .LBB2_7-.Ltmp2, $4  }
0xfa: {  	[sflag:s4] =	ssyncadd.s32 $0xFFFFFF80  }
0xfb: {  	s14 =	simm.s32 $0x2;
	_ =	swait.ge [sflag:s4], $0x80  }
0xfc: {  	s6 =	smov.u32 s9;
	s15 =	sadd.s32 $0x100, s8;
	[sflag:s4] =	ssyncset.done $0x0  }
0xfd: {  	s5 =	smov.u32 s8;
	s12 =	smov.u32 s9;
	[sflag:s4] =	ssyncadd.s32 $0xFFFFFF80  }
.LBB2_6:
0xfe: {  	_ =	swait.ge [sflag:s4], $0x80  }
0xff: {  	[sflag:s4] =	ssyncset.done $0x0  }
0x100: {  	[sflag:s4] =	ssyncadd.s32 $0xFFFFFF80  }
0x101: {  	_ =	swait.ge [sflag:s4], $0x80  }
0x102: {  	[sflag:s4] =	ssyncset.done $0x0  }
0x103: {  	s18 =	sadd.s32 $0x3, s11;
	[sflag:s4] =	ssyncadd.s32 $0xFFFFFF80  }
0x104: {  	p1 =	sge.u32 s18, s7;
	_ =	swait.ge [sflag:s4], $0x80  }
0x105: {  	s5 =	sadd.s32 @!p1 s5, s22;
	[sflag:s4] =	ssyncset.done $0x0  }
0x106: {  	s19 =	simm.s32 @!p1 $0x0;
	s20 =	simm.s32 @!p1 $0x110D0;
	[sflag:s4] =	ssyncadd.s32 $0xFFFFFF80  }
0x107: {  	[tilespmem:s20], [sflag:$0x1] =	stream.linear.gather @!p1 [hbm4b:s5+s19], $0x400, $0x38;
	[tilespmem:$0x124D0] =	vst v63  }
0x108: {  	s18 =	simm.s32 @!p1 $0x118D0;
	s20 =	sadd.s32 @!p1 s6, s22  }
0x109: {  	[tilespmem:s18], [sflag:$0x1] =	stream.linear.gather @!p1 [hbm4b:s20+s19], $0x400, $0x38;
	[tilespmem:$0x124D0] =	vst v63  }
0x10a: {  	_ =	swait.ge [sflag:s30], $0x400  }
0x10b: {  	s8 =	rddreg [dreg:$0x4]  }
0x10c: {  	[sflag:s30] =	ssyncset.done $0x0;
	p1 =	sge.u32 s14, s8  }
0x10d: {  	[sflag:s30] =	ssyncadd.s32 $0xFFFFFC00;
	s18 =	simm.s32 @!p1 $0x1  }
0x10e: {  	_ =	swait.ge @!p1 [sflag:s18], $0x400  }
0x10f: {  	[sflag:s18] =	ssyncset.done @!p1 $0x0  }
0x110: {  	[sflag:s18] =	ssyncadd.s32 @!p1 $0xFFFFFC00  }
0x111: {  	_ =	swait.ge @!p1 [sflag:s18], $0x400  }
0x112: {  	s25 =	rddreg [dreg:$0x10]  }
0x113: {  	s26 =	rddreg [dreg:$0xc]  }
0x114: {  	s10 =	rddreg [dreg:$0x5]  }
0x115: {  	s19 =	simm.s32 @!p1 $0x120D0;
	s17 =	rddreg [dreg:$0x6]  }
0x116: {  	s20 =	simm.s32 @!p1 $0x110D0;
	[sflag:s18] =	ssyncset.done @!p1 $0x0;
	s16 =	rddreg [dreg:$0xa]  }
0x117: {  	s29 =	rddreg [dreg:$0x8];
	[sflag:s18] =	ssyncadd.s32 @!p1 $0xFFFFFC00;
	s18 =	simm.s32 @!p1 $0x400  }
0x118: {  	[tilespmem:s19], [sflag:$0x2] =	stream.indirect.gather @!p1 [spmem:s3], $0x1, s20, s18, $0xb8;
	[tilespmem:$0x124D0] =	vst v63  }
0x119: {  	s9 =	rddreg [dreg:$0x7]  }
0x11a: {  	[spmem:s1] =	stream.indirect.scatter.add.f32 [tilespmem:s31], [sflag:$0x3], $0x1, s28, s0, $0xb8;
	[tilespmem:$0x124D0] =	vst v63  }
0x11b: {  	s8 =	rddreg [dreg:$0xe]  }
0x11c: {  	[spmem:s1] =	stream.indirect.scatter.add.f32 [tilespmem:s17], [sflag:$0x3], $0x1, s10, s0, $0xb8;
	[tilespmem:$0x124D0] =	vst v63  }
0x11d: {  	s19 =	rddreg [dreg:$0x9]  }
0x11e: {  	[spmem:s1] =	stream.indirect.scatter.add.f32 [tilespmem:s29], [sflag:$0x3], $0x1, s9, s0, $0xb8;
	[tilespmem:$0x124D0] =	vst v63  }
0x11f: {  	s20 =	rddreg [dreg:$0xb]  }
0x120: {  	[spmem:s1] =	stream.indirect.scatter.add.f32 [tilespmem:s16], [sflag:$0x3], $0x1, s19, s0, $0xb8;
	[tilespmem:$0x124D0] =	vst v63  }
0x121: {  	s18 =	rddreg [dreg:$0xf]  }
0x122: {  	[spmem:s1] =	stream.indirect.scatter.add.f32 [tilespmem:s26], [sflag:$0x3], $0x1, s20, s0, $0xb8;
	[tilespmem:$0x124D0] =	vst v63  }
0x123: {  	s9 =	rddreg [dreg:$0xd]  }
0x124: {  	[spmem:s1] =	stream.indirect.scatter.add.f32 [tilespmem:s8], [sflag:$0x3], $0x1, s9, s0, $0xb8;
	[tilespmem:$0x124D0] =	vst v63  }
0x125: {  	s19 =	rddreg [dreg:$0x12]  }
0x126: {  	[spmem:s1] =	stream.indirect.scatter.add.f32 [tilespmem:s25], [sflag:$0x3], $0x1, s18, s0, $0xb8;
	[tilespmem:$0x124D0] =	vst v63  }
0x127: {  	s20 =	rddreg [dreg:$0x11]  }
0x128: {  	[spmem:s1] =	stream.indirect.scatter.add.f32 [tilespmem:s19], [sflag:$0x3], $0x1, s20, s0, $0xb8;
	[tilespmem:$0x124D0] =	vst v63  }
0x129: {  	_ =	swait.ge [sflag:s4], $0x80  }
0x12a: {  	[sflag:s4] =	ssyncset.done $0x0  }
0x12b: {  	[sflag:s4] =	ssyncadd.s32 $0xFFFFFF80  }
0x12c: {  	_ =	swait.ge [sflag:s4], $0x80  }
0x12d: {  	[sflag:s4] =	ssyncset.done $0x0  }
0x12e: {  	[sflag:s4] =	ssyncadd.s32 $0xFFFFFF80  }
0x12f: {  	_ =	swait.ge [sflag:s4], $0x80  }
0x130: {  	[sflag:s4] =	ssyncset.done $0x0  }
0x131: {  	[sflag:s4] =	ssyncadd.s32 $0xFFFFFF80  }
0x132: {  	_ =	swait.ge [sflag:s4], $0x80  }
0x133: {  	[sflag:s4] =	ssyncset.done $0x0  }
0x134: {  	[sflag:s4] =	ssyncadd.s32 $0xFFFFFF80  }
0x135: {  	_ =	swait.ge [sflag:s4], $0x80  }
0x136: {  	[sflag:s4] =	ssyncset.done $0x0  }
0x137: {  	[sflag:s4] =	ssyncadd.s32 $0xFFFFFF80  }
0x138: {  	_ =	swait.ge [sflag:s4], $0x80  }
0x139: {  	[sflag:s4] =	ssyncset.done $0x0  }
0x13a: {  	[sflag:s4] =	ssyncadd.s32 $0xFFFFFF80  }
0x13b: {  	_ =	swait.ge [sflag:s4], $0x80  }
0x13c: {  	[sflag:s4] =	ssyncset.done $0x0  }
0x13d: {  	[sflag:s4] =	ssyncadd.s32 $0xFFFFFF80  }
0x13e: {  	s11 =	smov.u32 s14;
	s14 =	sadd.s32 $0x2, s14;
	_ =	swait.ge [sflag:s4], $0x80  }
0x13f: {  	p1 =	sge.u32 s14, s7;
	[sflag:s4] =	ssyncset.done $0x0  }
0x140: {  	s10 =	simm.s32 @p1 $0x2;
	[sflag:s4] =	ssyncadd.s32 $0xFFFFFF80  }
0x141: {  	_ =	swait.ge @p1 [sflag:s10], $0x400  }
0x142: {  	s12 =	sadd.s32 $0x100, s12;
	s17 =	simm.s32 @!p1 $0x0;
	[sflag:s10] =	ssyncset.done @p1 $0x0  }
0x143: {  	s16 =	simm.s32 @!p1 $0x10CD0;
	[sflag:s10] =	ssyncadd.s32 @p1 $0xFFFFFC00;
	s10 =	sadd.s32 @!p1 s15, s21  }
0x144: {  	[tilespmem:s16], [sflag:$0x1] =	stream.linear.gather @!p1 [hbm4b:s10+s17], $0x400, $0x38;
	[tilespmem:$0x124D0] =	vst v63  }
0x145: {  	s18 =	simm.s32 @!p1 $0x114D0;
	s19 =	simm.s32 @!p1 $0x2;
	s10 =	sadd.s32 @!p1 s12, s21  }
0x146: {  	[tilespmem:s18], [sflag:$0x1] =	stream.linear.gather @!p1 [hbm4b:s10+s17], $0x400, $0x38;
	[tilespmem:$0x124D0] =	vst v63  }
0x147: {  	_ =	swait.ge @!p1 [sflag:s19], $0x400  }
0x148: {  	[sflag:s19] =	ssyncset.done @!p1 $0x0  }
0x149: {  	s10 =	simm.s32 @!p1 $0x1;
	[sflag:s19] =	ssyncadd.s32 @!p1 $0xFFFFFC00  }
0x14a: {  	_ =	swait.ge @!p1 [sflag:s10], $0x400  }
0x14b: {  	[sflag:s10] =	ssyncset.done @!p1 $0x0  }
0x14c: {  	[sflag:s10] =	ssyncadd.s32 @!p1 $0xFFFFFC00  }
0x14d: {  	_ =	swait.ge @!p1 [sflag:s10], $0x400  }
0x14e: {  	s17 =	sld [smem:$0x7FC]  }
0x14f: {  	s18 =	rddreg [dreg:$0x1d]  }
0x150: {  	s19 =	rddreg [dreg:$0x19]  }
0x151: {  	s20 =	rddreg [dreg:$0x16]  }
0x152: {  	s25 =	rddreg [dreg:$0x13]  }
0x153: {  	s9 =	rddreg [dreg:$0x14]  }
0x154: {  	s29 =	simm.s32 @!p1 $0x11CD0;
	[sflag:s10] =	ssyncset.done @!p1 $0x0;
	s8 =	rddreg [dreg:$0x15]  }
0x155: {  	s26 =	simm.s32 @!p1 $0x400;
	[sflag:s10] =	ssyncadd.s32 @!p1 $0xFFFFFC00;
	s10 =	rddreg [dreg:$0x1f]  }
0x156: {  	[tilespmem:s29], [sflag:$0x2] =	stream.indirect.gather @!p1 [spmem:s3], $0x1, s16, s26, $0xb8;
	[tilespmem:$0x124D0] =	vst v63  }
0x157: {  	s26 =	rddreg [dreg:$0x17]  }
0x158: {  	[spmem:s1] =	stream.indirect.scatter.add.f32 [tilespmem:s25], [sflag:$0x3], $0x1, s2, s0, $0xb8;
	[tilespmem:$0x124D0] =	vst v63  }
0x159: {  	s29 =	rddreg [dreg:$0x1b]  }
0x15a: {  	[spmem:s1] =	stream.indirect.scatter.add.f32 [tilespmem:s8], [sflag:$0x3], $0x1, s9, s0, $0xb8;
	[tilespmem:$0x124D0] =	vst v63  }
0x15b: {  	s16 =	rddreg [dreg:$0x1a]  }
0x15c: {  	[spmem:s1] =	stream.indirect.scatter.add.f32 [tilespmem:s26], [sflag:$0x3], $0x1, s20, s0, $0xb8;
	[tilespmem:$0x124D0] =	vst v63  }
0x15d: {  	s9 =	rddreg [dreg:$0x18]  }
0x15e: {  	[spmem:s1] =	stream.indirect.scatter.add.f32 [tilespmem:s19], [sflag:$0x3], $0x1, s9, s0, $0xb8;
	[tilespmem:$0x124D0] =	vst v63  }
0x15f: {  	s20 =	rddreg [dreg:$0x1c]  }
0x160: {  	[spmem:s1] =	stream.indirect.scatter.add.f32 [tilespmem:s29], [sflag:$0x3], $0x1, s16, s0, $0xb8;
	[tilespmem:$0x124D0] =	vst v63  }
0x161: {  	s26 =	rddreg [dreg:$0x1e]  }
0x162: {  	[spmem:s1] =	stream.indirect.scatter.add.f32 [tilespmem:s18], [sflag:$0x3], $0x1, s20, s0, $0xb8;
	[tilespmem:$0x124D0] =	vst v63  }
0x163: {  	s29 =	sld [smem:$0x7FB]  }
0x164: {  	[spmem:s1] =	stream.indirect.scatter.add.f32 [tilespmem:s10], [sflag:$0x3], $0x1, s26, s0, $0xb8;
	[tilespmem:$0x124D0] =	vst v63  }
0x165: {  	_ = 	snop  }
0x166: {  	[spmem:s1] =	stream.indirect.scatter.add.f32 [tilespmem:s17], [sflag:$0x3], $0x1, s29, s0, $0xb8;
	[tilespmem:$0x124D0] =	vst v63  }
0x167: {  	_ =	swait.ge [sflag:s4], $0x80  }
0x168: {  	[sflag:s4] =	ssyncset.done $0x0  }
0x169: {  	[sflag:s4] =	ssyncadd.s32 $0xFFFFFF80  }
0x16a: {  	_ =	swait.ge [sflag:s4], $0x80  }
0x16b: {  	[sflag:s4] =	ssyncset.done $0x0  }
0x16c: {  	[sflag:s4] =	ssyncadd.s32 $0xFFFFFF80  }
0x16d: {  	_ =	swait.ge [sflag:s4], $0x80  }
0x16e: {  	[sflag:s4] =	ssyncset.done $0x0  }
0x16f: {  	s13 =	sadd.s32 $0xFFFFFFFF, s13;
	[sflag:s4] =	ssyncadd.s32 $0xFFFFFF80  }
0x170: {  	p0 =	sne.s32 s13, $0x0;
	_ =	swait.ge [sflag:s4], $0x80  }
.Ltmp3:
0x171: {  	[sflag:s4] =	ssyncset.done $0x0;
	(pc) =	sbr.rel @p0 .LBB2_6-.Ltmp3, $4  }
0x172: {  	[sflag:s4] =	ssyncadd.s32 $0xFFFFFF80  }
0x173: {  	_ =	swait.ge [sflag:s4], $0x80  }
0x174: {  	s6 =	smov.u32 s12;
	[sflag:s4] =	ssyncset.done $0x0  }
0x175: {  	s5 =	smov.u32 s15;
	s15 =	sadd.s32 $0x100, s15;
	[sflag:s4] =	ssyncadd.s32 $0xFFFFFF80  }
.LBB2_7:
0x176: {  	_ =	swait.ge [sflag:s4], $0x80  }
0x177: {  	[sflag:s4] =	ssyncset.done $0x0  }
0x178: {  	[sflag:s4] =	ssyncadd.s32 $0xFFFFFF80  }
0x179: {  	_ =	swait.ge [sflag:s4], $0x80  }
0x17a: {  	[sflag:s4] =	ssyncset.done $0x0  }
0x17b: {  	s8 =	sadd.s32 $0x3, s11;
	[sflag:s4] =	ssyncadd.s32 $0xFFFFFF80  }
0x17c: {  	p0 =	sge.u32 s8, s7;
	_ =	swait.ge [sflag:s4], $0x80  }
0x17d: {  	s5 =	sadd.s32 @!p0 s5, s22;
	[sflag:s4] =	ssyncset.done $0x0  }
0x17e: {  	s8 =	simm.s32 @!p0 $0x0;
	s9 =	simm.s32 @!p0 $0x110D0;
	[sflag:s4] =	ssyncadd.s32 $0xFFFFFF80  }
0x17f: {  	[tilespmem:s9], [sflag:$0x1] =	stream.linear.gather @!p0 [hbm4b:s5+s8], $0x400, $0x38;
	[tilespmem:$0x124D0] =	vst v63  }
0x180: {  	s6 =	sadd.s32 @!p0 s6, s22;
	s5 =	simm.s32 @!p0 $0x118D0  }
0x181: {  	[tilespmem:s5], [sflag:$0x1] =	stream.linear.gather @!p0 [hbm4b:s6+s8], $0x400, $0x38;
	[tilespmem:$0x124D0] =	vst v63  }
0x182: {  	[bflag:$0x0] =	sbarrier.arrive $0xFFFF  }
0x183: {  	s9 =	sld [smem:$0x7FD]  }
0x184: {  	s20 =	sld [smem:$0x7F9]  }
0x185: {  	s25 =	sld [smem:$0x7EC];
	_ =	sdelay $0x2  }
0x186: {  	[hbm:s20], [sflag:s9] =	dma.local [spmem:s25], $0x30E  }
0x187: {  	_ =	swait.ge [sflag:s23], $0x30E  }
0x188: {  	s26 =	sld [smem:$0x7EB]  }
0x189: {  	s29 =	sld [smem:$0x7FA];
	_ =	sdelay $0x1  }
0x18a: {  	s6 =	sadd.s32 $0x1, s26  }
0x18b: {  	p0 =	sne.s32 s6, s29  }
.Ltmp4:
0x18c: {  	_ = 	snop;
	(pc) =	sbr.rel @p0 .LBB2_1-.Ltmp4, $3  }
0x18d: {  	_ =	sdelay $0x1  }
0x18e: {  	[sflag:s23] =	ssyncset.done $0x0  }
0x18f: {  	s8 =	simm.s32 $0xF460;
	[sflag:s23] =	ssyncadd.s32 $0xFFFFFCF2  }
0x190: {  	_ =	sfence.sel $0x180000  }
0x191: {  	[bflag:$0x0] =	sbarrier.arrive $0xFFFF  }
0x192: {  	_ =	strace $0x9000004A  }
0x193: {  	s0 =	stileid.u32;
	[bflag:$0x2] =	sbarrier.arrive $0xFFFF  }
0x194: {  	p0 =	sne.s32 s0, $0x0;
	s0 =	rddreg [dreg:$0x3]  }
0x195: {  	s0 =	sadd.s32 @!p0 $0x100000, s0  }
0x196: {  	[sflag:s0] =	ssyncadd.tile.s32 @!p0 $0x1;
	_ =	shalt  }
.Lfunc_end2:
_tile_overlayer_lowered:
.L_overlay_start_2:
0x197: {  	(tag) =	ssettag $0x2  }
0x198: {  	s0 =	rddreg [dreg:$0x0];
	s2 =	stileid.u32  }
0x199: {  	s1 =	rddreg [dreg:$0x1];
	p0 =	sne.s32 s2, $0x0  }
0x19a: {  	s3 =	rddreg [dreg:$0x2];
	[bflag:$0x3] =	sbarrier.arrive $0xFFFF;
	s2 =	simm.s32 @!p0 $0x1C04  }
0x19b: {  	[timem:s3], [sflag:s2] =	dma.local @!p0 [hbm:s0], s1  }
0x19c: {  	s0 =	simm.s32 @!p0 $0x4  }
0x19d: {  	_ =	swait.ge @!p0 [sflag:s0], s1  }
0x19e: {  	s1 =	ssub.s32 @!p0 $0x0, s1;
	[sflag:s0] =	ssyncset.done @!p0 $0x0  }
0x19f: {  	[sflag:s0] =	ssyncadd.s32 @!p0 s1  }
0x1a0: {  	[bflag:$0x3] =	sbarrier.arrive $0xFFFF  }
0x1a1: {  	_ =	shalt  }

</sc_bundles>
